<compile_context>
chip_gen: v7x
topology: tpu7x:2x2x1
jax: 0.10.2.dev20260603
libtpu: 0.0.44.dev20260713+nightly
codegen_flags: <defaults>
</compile_context>

<pallas_src>
import jax
import jax.numpy as jnp
from jax import lax
from jax.experimental import pallas as pl
from jax.experimental.pallas import tpu as pltpu
from jax.experimental.pallas import tpu_sc as plsc

_EMB = 128
_D0, _D1, _D2 = 5, 6, 2
_NT = _D0 * _D1 * _D2
_E = 320000
_NW = 32
_PER_W = _E // _NW
_CH = 80
_NCH = _PER_W // _CH
_NB = 5
_K = 3


def _sc_body(t_hbm, a_hbm, b_hbm, c_hbm, out_hbm,
             a_v, b_v, c_v, t_v, t_sh, idx_v, rows_v,
             asem, gsem, osem):
    sid = lax.axis_index("s")
    wid = sid * 2 + lax.axis_index("c")
    base = wid * _PER_W

    pltpu.make_async_copy(a_hbm.at[pl.ds(base, _PER_W)], a_v, asem).start()
    pltpu.make_async_copy(b_hbm.at[pl.ds(base, _PER_W)], b_v, asem).start()
    pltpu.make_async_copy(c_hbm.at[pl.ds(base, _PER_W)], c_v, asem).start()

    @pl.when(sid == 0)
    def _stage_table():
        pltpu.sync_copy(t_hbm, t_v)
        pltpu.sync_copy(t_v, t_sh)

    pltpu.make_async_copy(a_hbm.at[pl.ds(base, _PER_W)], a_v, asem).wait()
    pltpu.make_async_copy(b_hbm.at[pl.ds(base, _PER_W)], b_v, asem).wait()
    pltpu.make_async_copy(c_hbm.at[pl.ds(base, _PER_W)], c_v, asem).wait()

    def compute_idx(r, slot):
        for j in range(_CH // 16):
            o = r * _CH + j * 16
            av = a_v[pl.ds(o, 16)]
            bv = b_v[pl.ds(o, 16)]
            cv = c_v[pl.ds(o, 16)]
            idx_v[slot, pl.ds(j * 16, 16)] = (av * (_D1 * _D2) + bv * _D2) + cv

    def g_fire(r, slot):
        pltpu.make_async_copy(
            t_sh.at[idx_v.at[slot]], rows_v.at[slot], gsem.at[slot]).start()

    def g_wait(r, slot):
        pltpu.make_async_copy(
            t_sh.at[idx_v.at[slot]], rows_v.at[slot], gsem.at[slot]).wait()

    def c_fire(r, slot):
        pltpu.make_async_copy(
            rows_v.at[slot], out_hbm.at[pl.ds(base + r * _CH, _CH)],
            osem.at[slot]).start()

    def c_wait(r, slot):
        pltpu.make_async_copy(
            rows_v.at[slot], out_hbm.at[pl.ds(base + r * _CH, _CH)],
            osem.at[slot]).wait()

    for r0 in range(_K):
        compute_idx(r0, r0)

    plsc.subcore_barrier()

    for r0 in range(_K):
        g_fire(r0, r0)

    g_wait(0, 0); c_fire(0, 0); compute_idx(3, 3); g_fire(3, 3)
    g_wait(1, 1); c_fire(1, 1); compute_idx(4, 4); g_fire(4, 4)
    g_wait(2, 2); c_fire(2, 2); compute_idx(5, 0); c_wait(0, 0); g_fire(5, 0)
    g_wait(3, 3); c_fire(3, 3); compute_idx(6, 1); c_wait(1, 1); g_fire(6, 1)
    g_wait(4, 4); c_fire(4, 4); compute_idx(7, 2); c_wait(2, 2); g_fire(7, 2)

    def outer(g, carry):
        r0 = g * _NB
        for b in range(_NB):
            r = r0 + b
            s = (b + _K) % _NB
            g_wait(r, b)
            c_fire(r, b)
            compute_idx(r + _K, s)
            c_wait(r - (_NB - _K), s)
            g_fire(r + _K, s)
        return carry

    lax.fori_loop(1, _NCH // _NB - 1, outer, 0)

    r0 = _NCH - _NB
    g_wait(r0 + 0, 0); c_fire(r0 + 0, 0); compute_idx(r0 + 3, 3)
    c_wait(r0 - 2, 3); g_fire(r0 + 3, 3)
    g_wait(r0 + 1, 1); c_fire(r0 + 1, 1); compute_idx(r0 + 4, 4)
    c_wait(r0 - 1, 4); g_fire(r0 + 4, 4)
    g_wait(r0 + 2, 2); c_fire(r0 + 2, 2); c_wait(r0 + 0, 0)
    g_wait(r0 + 3, 3); c_fire(r0 + 3, 3); c_wait(r0 + 1, 1)
    g_wait(r0 + 4, 4); c_fire(r0 + 4, 4); c_wait(r0 + 2, 2)
    c_wait(r0 + 3, 3)
    c_wait(r0 + 4, 4)


def _table_body(w0, w1, w2, t):
    for a in range(_D0):
        for b in range(_D1):
            for c in range(_D2):
                k = (a * _D1 + b) * _D2 + c
                t[k:k + 1, :] = w0[a:a + 1, :] + w1[b:b + 1, :] + w2[c:c + 1, :]


def _build_table(W0, W1, W2):
    return pl.pallas_call(
        _table_body,
        out_shape=jax.ShapeDtypeStruct((_NT, _EMB), jnp.float32),
    )(W0, W1, W2)


def _sc_encode(T, a, b, c):
    mesh = plsc.VectorSubcoreMesh(core_axis_name="c", subcore_axis_name="s")
    return pl.kernel(
        _sc_body,
        out_type=jax.ShapeDtypeStruct((_E, _EMB), jnp.float32),
        mesh=mesh,
        scratch_types=[
            pltpu.VMEM((_PER_W,), jnp.int32),
            pltpu.VMEM((_PER_W,), jnp.int32),
            pltpu.VMEM((_PER_W,), jnp.int32),
            pltpu.VMEM((_NT, _EMB), jnp.float32),
            pltpu.VMEM_SHARED((_NT, _EMB), jnp.float32),
            pltpu.VMEM((_NB, _CH), jnp.int32),
            pltpu.VMEM((_NB, _CH, _EMB), jnp.float32),
            pltpu.SemaphoreType.DMA,
            pltpu.SemaphoreType.DMA((_NB,)),
            pltpu.SemaphoreType.DMA((_NB,)),
        ],
    )(T, a, b, c)


def kernel(edge_attr, W0, W1, W2):
    attr = edge_attr.astype(jnp.int32)
    T = _build_table(W0, W1, W2)
    return _sc_encode(T, attr[:, 0], attr[:, 1], attr[:, 2])

# --- scband reference (transcript-rebuilt; emitter-appended) ---
"""Pipeline reference for scband-edge-encoder-22076131901656 (READ-ONLY COPY).

The authoritative reference and input builder live on the scoring server;
editing this copy changes nothing except your own understanding.
"""

import jax, jax.numpy as jnp
import numpy as np

EMB_DIM = 128
EDGE_DIMS = [5, 6, 2]
E = 320000

def _xavier_uniform(key, fan_in, fan_out):
    bound = float(np.sqrt(6.0 / (fan_in + fan_out)))
    return jax.random.uniform(key, (fan_in, fan_out), dtype=jnp.float32, minval=-bound, maxval=bound)

def setup_inputs(seed: int = 0) -> dict:
    key = jax.random.key(seed)
    k_idx, k0, k1, k2 = jax.random.split(key, 4)
    edge_attr = jax.random.randint(k_idx, (E, 3), 0, 2, dtype=jnp.int64)
    W0 = _xavier_uniform(k0, EDGE_DIMS[0], EMB_DIM)
    W1 = _xavier_uniform(k1, EDGE_DIMS[1], EMB_DIM)
    W2 = _xavier_uniform(k2, EDGE_DIMS[2], EMB_DIM)
    return {"edge_attr": edge_attr, "W0": W0, "W1": W1, "W2": W2}

def reference(edge_attr, W0, W1, W2):
    # Faithful translation: sum of per-column embedding lookups
    tables = [W0, W1, W2]
    edge_embedding = jnp.zeros((edge_attr.shape[0], EMB_DIM), dtype=jnp.float32)
    for i in range(edge_attr.shape[1]):
        edge_embedding = edge_embedding + jnp.take(tables[i], edge_attr[:, i], axis=0)
    return edge_embedding

if __name__ == "__main__":
    import jax
    _d = setup_inputs()
    print(jax.jit(kernel)(*tuple(_d.values())))

</pallas_src>

<mosaic_0001>
#map = affine_map<(d0, d1) -> (0, 0)>
#map1 = affine_map<(d0, d1) -> (0)>
module attributes {stable_mosaic.version = 14 : i64} {
  func.func @_sc_body(%arg0: i32, %arg1: i32, %arg2: memref<60x128xf32, #tpu.memory_space<hbm>>, %arg3: memref<320000xi32, #tpu.memory_space<hbm>>, %arg4: memref<320000xi32, #tpu.memory_space<hbm>>, %arg5: memref<320000xi32, #tpu.memory_space<hbm>>, %arg6: memref<320000x128xf32, #tpu.memory_space<hbm>>, %arg7: memref<10000xi32, #tpu.memory_space<vmem>>, %arg8: memref<10000xi32, #tpu.memory_space<vmem>>, %arg9: memref<10000xi32, #tpu.memory_space<vmem>>, %arg10: memref<60x128xf32, #tpu.memory_space<vmem>>, %arg11: memref<60x128xf32, #tpu.memory_space<vmem_shared>>, %arg12: memref<5x80xi32, #tpu.memory_space<vmem>>, %arg13: memref<5x80x128xf32, #tpu.memory_space<vmem>>, %arg14: memref<!tpu.dma_semaphore, #tpu.memory_space<semaphore_mem>>, %arg15: memref<5x!tpu.dma_semaphore, #tpu.memory_space<semaphore_mem>>, %arg16: memref<5x!tpu.dma_semaphore, #tpu.memory_space<semaphore_mem>>) attributes {dimension_semantics = [#tpu.dimension_semantics<core_parallel>, #tpu.dimension_semantics<subcore_parallel>], iteration_bounds = array<i64: 2, 16>, scalar_prefetch = 0 : i64, scratch_operands = 10 : i64, tpu.core_type = #tpu.core_type<sc_vector_subcore>, window_params = [{transform_indices = #map}, {transform_indices = #map1}, {transform_indices = #map1}, {transform_indices = #map1}, {transform_indices = #map}]} {
    %mul3A = arith.constant 2 : i32
    %mul3A_0 = arith.muli %arg1, %mul3A : i32
    %add3A = arith.addi %mul3A_0, %arg0 : i32
    %mul3A_1 = arith.constant 10000 : i32
    %mul3A_2 = arith.muli %add3A, %mul3A_1 : i32
    %dma_start3A = tpu.memref_slice %arg3[%mul3A_2] : memref<320000xi32, #tpu.memory_space<hbm>> -> memref<10000xi32, #tpu.memory_space<hbm>>
    %dma_start3A_3 = tpu.memref_slice %arg3[%mul3A_2] : memref<320000xi32, #tpu.memory_space<hbm>> -> memref<10000xi32, #tpu.memory_space<hbm>>
    tpu.enqueue_dma source(%dma_start3A_3 : memref<10000xi32, #tpu.memory_space<hbm>>) target(%arg7 : memref<10000xi32, #tpu.memory_space<vmem>>) target_semaphore(%arg14 : memref<!tpu.dma_semaphore, #tpu.memory_space<semaphore_mem>>)
    %dma_start3A_4 = tpu.memref_slice %arg4[%mul3A_2] : memref<320000xi32, #tpu.memory_space<hbm>> -> memref<10000xi32, #tpu.memory_space<hbm>>
    %dma_start3A_5 = tpu.memref_slice %arg4[%mul3A_2] : memref<320000xi32, #tpu.memory_space<hbm>> -> memref<10000xi32, #tpu.memory_space<hbm>>
    tpu.enqueue_dma source(%dma_start3A_5 : memref<10000xi32, #tpu.memory_space<hbm>>) target(%arg8 : memref<10000xi32, #tpu.memory_space<vmem>>) target_semaphore(%arg14 : memref<!tpu.dma_semaphore, #tpu.memory_space<semaphore_mem>>)
    %dma_start3A_6 = tpu.memref_slice %arg5[%mul3A_2] : memref<320000xi32, #tpu.memory_space<hbm>> -> memref<10000xi32, #tpu.memory_space<hbm>>
    %dma_start3A_7 = tpu.memref_slice %arg5[%mul3A_2] : memref<320000xi32, #tpu.memory_space<hbm>> -> memref<10000xi32, #tpu.memory_space<hbm>>
    tpu.enqueue_dma source(%dma_start3A_7 : memref<10000xi32, #tpu.memory_space<hbm>>) target(%arg9 : memref<10000xi32, #tpu.memory_space<vmem>>) target_semaphore(%arg14 : memref<!tpu.dma_semaphore, #tpu.memory_space<semaphore_mem>>)
    %eq3A = arith.constant 0 : i32
    %eq3A_8 = arith.cmpi eq, %arg1, %eq3A : i32
    %convert_element_type3A = arith.extui %eq3A_8 : i1 to i32
    %cond3A = arith.constant 0 : i32
    %cond3A_9 = arith.cmpi ne, %convert_element_type3A, %cond3A : i32
    scf.if %cond3A_9 {
      "tpu.region"() ({
        %run_scoped3A = tpu.sem_alloc : memref<!tpu.dma_semaphore, #tpu.memory_space<semaphore_mem>>
        tpu.enqueue_dma source(%arg2 : memref<60x128xf32, #tpu.memory_space<hbm>>) target(%arg10 : memref<60x128xf32, #tpu.memory_space<vmem>>) target_semaphore(%run_scoped3A : memref<!tpu.dma_semaphore, #tpu.memory_space<semaphore_mem>>)
        tpu.wait_dma2 semaphore(%run_scoped3A : memref<!tpu.dma_semaphore, #tpu.memory_space<semaphore_mem>>) src(%arg2 : memref<60x128xf32, #tpu.memory_space<hbm>>) dst(%arg10 : memref<60x128xf32, #tpu.memory_space<vmem>>)
        tpu.yield
      }) : () -> ()
      "tpu.region"() ({
        %run_scoped3A = tpu.sem_alloc : memref<!tpu.dma_semaphore, #tpu.memory_space<semaphore_mem>>
        tpu.enqueue_dma source(%arg10 : memref<60x128xf32, #tpu.memory_space<vmem>>) target(%arg11 : memref<60x128xf32, #tpu.memory_space<vmem_shared>>) target_semaphore(%run_scoped3A : memref<!tpu.dma_semaphore, #tpu.memory_space<semaphore_mem>>)
        tpu.wait_dma2 semaphore(%run_scoped3A : memref<!tpu.dma_semaphore, #tpu.memory_space<semaphore_mem>>) src(%arg10 : memref<60x128xf32, #tpu.memory_space<vmem>>) dst(%arg11 : memref<60x128xf32, #tpu.memory_space<vmem_shared>>)
        tpu.yield
      }) : () -> ()
    } else {
    }
    %dma_wait3A = tpu.memref_slice %arg3[%mul3A_2] : memref<320000xi32, #tpu.memory_space<hbm>> -> memref<10000xi32, #tpu.memory_space<hbm>>
    %dma_wait3A_10 = tpu.memref_slice %arg3[%mul3A_2] : memref<320000xi32, #tpu.memory_space<hbm>> -> memref<10000xi32, #tpu.memory_space<hbm>>
    tpu.wait_dma2 semaphore(%arg14 : memref<!tpu.dma_semaphore, #tpu.memory_space<semaphore_mem>>) src(%dma_wait3A_10 : memref<10000xi32, #tpu.memory_space<hbm>>) dst(%arg7 : memref<10000xi32, #tpu.memory_space<vmem>>)
    %dma_wait3A_11 = tpu.memref_slice %arg4[%mul3A_2] : memref<320000xi32, #tpu.memory_space<hbm>> -> memref<10000xi32, #tpu.memory_space<hbm>>
    %dma_wait3A_12 = tpu.memref_slice %arg4[%mul3A_2] : memref<320000xi32, #tpu.memory_space<hbm>> -> memref<10000xi32, #tpu.memory_space<hbm>>
    tpu.wait_dma2 semaphore(%arg14 : memref<!tpu.dma_semaphore, #tpu.memory_space<semaphore_mem>>) src(%dma_wait3A_12 : memref<10000xi32, #tpu.memory_space<hbm>>) dst(%arg8 : memref<10000xi32, #tpu.memory_space<vmem>>)
    %dma_wait3A_13 = tpu.memref_slice %arg5[%mul3A_2] : memref<320000xi32, #tpu.memory_space<hbm>> -> memref<10000xi32, #tpu.memory_space<hbm>>
    %dma_wait3A_14 = tpu.memref_slice %arg5[%mul3A_2] : memref<320000xi32, #tpu.memory_space<hbm>> -> memref<10000xi32, #tpu.memory_space<hbm>>
    tpu.wait_dma2 semaphore(%arg14 : memref<!tpu.dma_semaphore, #tpu.memory_space<semaphore_mem>>) src(%dma_wait3A_14 : memref<10000xi32, #tpu.memory_space<hbm>>) dst(%arg9 : memref<10000xi32, #tpu.memory_space<vmem>>)
    %get3A = arith.constant 0 : index
    %get3A_15 = tpu.vector_load %arg7[%get3A] {strides = array<i32>} : memref<10000xi32, #tpu.memory_space<vmem>>, vector<16xi32>,
    %get3A_16 = vector.shape_cast %get3A_15 : vector<16xi32> to vector<16xi32>
    %get3A_17 = arith.constant 0 : index
    %get3A_18 = tpu.vector_load %arg8[%get3A_17] {strides = array<i32>} : memref<10000xi32, #tpu.memory_space<vmem>>, vector<16xi32>,
    %get3A_19 = vector.shape_cast %get3A_18 : vector<16xi32> to vector<16xi32>
    %get3A_20 = arith.constant 0 : index
    %get3A_21 = tpu.vector_load %arg9[%get3A_20] {strides = array<i32>} : memref<10000xi32, #tpu.memory_space<vmem>>, vector<16xi32>,
    %get3A_22 = vector.shape_cast %get3A_21 : vector<16xi32> to vector<16xi32>
    %mul3A_23 = arith.constant 12 : i32
    %mul3A_24 = vector.broadcast %mul3A_23 : i32 to vector<16xi32>
    %mul3A_25 = arith.muli %get3A_16, %mul3A_24 : vector<16xi32>
    %mul3A_26 = arith.constant 2 : i32
    %mul3A_27 = vector.broadcast %mul3A_26 : i32 to vector<16xi32>
    %mul3A_28 = arith.muli %get3A_19, %mul3A_27 : vector<16xi32>
    %add3A_29 = arith.addi %mul3A_25, %mul3A_28 : vector<16xi32>
    %add3A_30 = arith.addi %add3A_29, %get3A_22 : vector<16xi32>
    %swap3A = arith.constant 0 : i32
    %swap3A_31 = arith.index_cast %swap3A : i32 to index
    %swap3A_32 = arith.constant 0 : index
    %swap3A_33 = tpu.vector_load %arg12[%swap3A_31, %swap3A_32] {strides = array<i32>} : memref<5x80xi32, #tpu.memory_space<vmem>>, vector<1x16xi32>,
    %swap3A_34 = vector.shape_cast %swap3A_33 : vector<1x16xi32> to vector<16xi32>
    %swap3A_35 = vector.shape_cast %add3A_30 : vector<16xi32> to vector<1x16xi32>
    tpu.vector_store %arg12[%swap3A_31, %swap3A_32], %swap3A_35 {strides = array<i32>} : memref<5x80xi32, #tpu.memory_space<vmem>>, vector<1x16xi32>,
    %get3A_36 = arith.constant 16 : index
    %get3A_37 = tpu.vector_load %arg7[%get3A_36] {strides = array<i32>} : memref<10000xi32, #tpu.memory_space<vmem>>, vector<16xi32>,
    %get3A_38 = vector.shape_cast %get3A_37 : vector<16xi32> to vector<16xi32>
    %get3A_39 = arith.constant 16 : index
    %get3A_40 = tpu.vector_load %arg8[%get3A_39] {strides = array<i32>} : memref<10000xi32, #tpu.memory_space<vmem>>, vector<16xi32>,
    %get3A_41 = vector.shape_cast %get3A_40 : vector<16xi32> to vector<16xi32>
    %get3A_42 = arith.constant 16 : index
    %get3A_43 = tpu.vector_load %arg9[%get3A_42] {strides = array<i32>} : memref<10000xi32, #tpu.memory_space<vmem>>, vector<16xi32>,
    %get3A_44 = vector.shape_cast %get3A_43 : vector<16xi32> to vector<16xi32>
    %mul3A_45 = arith.constant 12 : i32
    %mul3A_46 = vector.broadcast %mul3A_45 : i32 to vector<16xi32>
    %mul3A_47 = arith.muli %get3A_38, %mul3A_46 : vector<16xi32>
    %mul3A_48 = arith.constant 2 : i32
    %mul3A_49 = vector.broadcast %mul3A_48 : i32 to vector<16xi32>
    %mul3A_50 = arith.muli %get3A_41, %mul3A_49 : vector<16xi32>
    %add3A_51 = arith.addi %mul3A_47, %mul3A_50 : vector<16xi32>
    %add3A_52 = arith.addi %add3A_51, %get3A_44 : vector<16xi32>
    %swap3A_53 = arith.constant 0 : i32
    %swap3A_54 = arith.index_cast %swap3A_53 : i32 to index
    %swap3A_55 = arith.constant 16 : index
    %swap3A_56 = tpu.vector_load %arg12[%swap3A_54, %swap3A_55] {strides = array<i32>} : memref<5x80xi32, #tpu.memory_space<vmem>>, vector<1x16xi32>,
    %swap3A_57 = vector.shape_cast %swap3A_56 : vector<1x16xi32> to vector<16xi32>
    %swap3A_58 = vector.shape_cast %add3A_52 : vector<16xi32> to vector<1x16xi32>
    tpu.vector_store %arg12[%swap3A_54, %swap3A_55], %swap3A_58 {strides = array<i32>} : memref<5x80xi32, #tpu.memory_space<vmem>>, vector<1x16xi32>,
    %get3A_59 = arith.constant 32 : index
    %get3A_60 = tpu.vector_load %arg7[%get3A_59] {strides = array<i32>} : memref<10000xi32, #tpu.memory_space<vmem>>, vector<16xi32>,
    %get3A_61 = vector.shape_cast %get3A_60 : vector<16xi32> to vector<16xi32>
    %get3A_62 = arith.constant 32 : index
    %get3A_63 = tpu.vector_load %arg8[%get3A_62] {strides = array<i32>} : memref<10000xi32, #tpu.memory_space<vmem>>, vector<16xi32>,
    %get3A_64 = vector.shape_cast %get3A_63 : vector<16xi32> to vector<16xi32>
    %get3A_65 = arith.constant 32 : index
    %get3A_66 = tpu.vector_load %arg9[%get3A_65] {strides = array<i32>} : memref<10000xi32, #tpu.memory_space<vmem>>, vector<16xi32>,
    %get3A_67 = vector.shape_cast %get3A_66 : vector<16xi32> to vector<16xi32>
    %mul3A_68 = arith.constant 12 : i32
    %mul3A_69 = vector.broadcast %mul3A_68 : i32 to vector<16xi32>
    %mul3A_70 = arith.muli %get3A_61, %mul3A_69 : vector<16xi32>
    %mul3A_71 = arith.constant 2 : i32
    %mul3A_72 = vector.broadcast %mul3A_71 : i32 to vector<16xi32>
    %mul3A_73 = arith.muli %get3A_64, %mul3A_72 : vector<16xi32>
    %add3A_74 = arith.addi %mul3A_70, %mul3A_73 : vector<16xi32>
    %add3A_75 = arith.addi %add3A_74, %get3A_67 : vector<16xi32>
    %swap3A_76 = arith.constant 0 : i32
    %swap3A_77 = arith.index_cast %swap3A_76 : i32 to index
    %swap3A_78 = arith.constant 32 : index
    %swap3A_79 = tpu.vector_load %arg12[%swap3A_77, %swap3A_78] {strides = array<i32>} : memref<5x80xi32, #tpu.memory_space<vmem>>, vector<1x16xi32>,
    %swap3A_80 = vector.shape_cast %swap3A_79 : vector<1x16xi32> to vector<16xi32>
    %swap3A_81 = vector.shape_cast %add3A_75 : vector<16xi32> to vector<1x16xi32>
    tpu.vector_store %arg12[%swap3A_77, %swap3A_78], %swap3A_81 {strides = array<i32>} : memref<5x80xi32, #tpu.memory_space<vmem>>, vector<1x16xi32>,
    %get3A_82 = arith.constant 48 : index
    %get3A_83 = tpu.vector_load %arg7[%get3A_82] {strides = array<i32>} : memref<10000xi32, #tpu.memory_space<vmem>>, vector<16xi32>,
    %get3A_84 = vector.shape_cast %get3A_83 : vector<16xi32> to vector<16xi32>
    %get3A_85 = arith.constant 48 : index
    %get3A_86 = tpu.vector_load %arg8[%get3A_85] {strides = array<i32>} : memref<10000xi32, #tpu.memory_space<vmem>>, vector<16xi32>,
    %get3A_87 = vector.shape_cast %get3A_86 : vector<16xi32> to vector<16xi32>
    %get3A_88 = arith.constant 48 : index
    %get3A_89 = tpu.vector_load %arg9[%get3A_88] {strides = array<i32>} : memref<10000xi32, #tpu.memory_space<vmem>>, vector<16xi32>,
    %get3A_90 = vector.shape_cast %get3A_89 : vector<16xi32> to vector<16xi32>
    %mul3A_91 = arith.constant 12 : i32
    %mul3A_92 = vector.broadcast %mul3A_91 : i32 to vector<16xi32>
    %mul3A_93 = arith.muli %get3A_84, %mul3A_92 : vector<16xi32>
    %mul3A_94 = arith.constant 2 : i32
    %mul3A_95 = vector.broadcast %mul3A_94 : i32 to vector<16xi32>
    %mul3A_96 = arith.muli %get3A_87, %mul3A_95 : vector<16xi32>
    %add3A_97 = arith.addi %mul3A_93, %mul3A_96 : vector<16xi32>
    %add3A_98 = arith.addi %add3A_97, %get3A_90 : vector<16xi32>
    %swap3A_99 = arith.constant 0 : i32
    %swap3A_100 = arith.index_cast %swap3A_99 : i32 to index
    %swap3A_101 = arith.constant 48 : index
    %swap3A_102 = tpu.vector_load %arg12[%swap3A_100, %swap3A_101] {strides = array<i32>} : memref<5x80xi32, #tpu.memory_space<vmem>>, vector<1x16xi32>,
    %swap3A_103 = vector.shape_cast %swap3A_102 : vector<1x16xi32> to vector<16xi32>
    %swap3A_104 = vector.shape_cast %add3A_98 : vector<16xi32> to vector<1x16xi32>
    tpu.vector_store %arg12[%swap3A_100, %swap3A_101], %swap3A_104 {strides = array<i32>} : memref<5x80xi32, #tpu.memory_space<vmem>>, vector<1x16xi32>,
    %get3A_105 = arith.constant 64 : index
    %get3A_106 = tpu.vector_load %arg7[%get3A_105] {strides = array<i32>} : memref<10000xi32, #tpu.memory_space<vmem>>, vector<16xi32>,
    %get3A_107 = vector.shape_cast %get3A_106 : vector<16xi32> to vector<16xi32>
    %get3A_108 = arith.constant 64 : index
    %get3A_109 = tpu.vector_load %arg8[%get3A_108] {strides = array<i32>} : memref<10000xi32, #tpu.memory_space<vmem>>, vector<16xi32>,
    %get3A_110 = vector.shape_cast %get3A_109 : vector<16xi32> to vector<16xi32>
    %get3A_111 = arith.constant 64 : index
    %get3A_112 = tpu.vector_load %arg9[%get3A_111] {strides = array<i32>} : memref<10000xi32, #tpu.memory_space<vmem>>, vector<16xi32>,
    %get3A_113 = vector.shape_cast %get3A_112 : vector<16xi32> to vector<16xi32>
    %mul3A_114 = arith.constant 12 : i32
    %mul3A_115 = vector.broadcast %mul3A_114 : i32 to vector<16xi32>
    %mul3A_116 = arith.muli %get3A_107, %mul3A_115 : vector<16xi32>
    %mul3A_117 = arith.constant 2 : i32
    %mul3A_118 = vector.broadcast %mul3A_117 : i32 to vector<16xi32>
    %mul3A_119 = arith.muli %get3A_110, %mul3A_118 : vector<16xi32>
    %add3A_120 = arith.addi %mul3A_116, %mul3A_119 : vector<16xi32>
    %add3A_121 = arith.addi %add3A_120, %get3A_113 : vector<16xi32>
    %swap3A_122 = arith.constant 0 : i32
    %swap3A_123 = arith.index_cast %swap3A_122 : i32 to index
    %swap3A_124 = arith.constant 64 : index
    %swap3A_125 = tpu.vector_load %arg12[%swap3A_123, %swap3A_124] {strides = array<i32>} : memref<5x80xi32, #tpu.memory_space<vmem>>, vector<1x16xi32>,
    %swap3A_126 = vector.shape_cast %swap3A_125 : vector<1x16xi32> to vector<16xi32>
    %swap3A_127 = vector.shape_cast %add3A_121 : vector<16xi32> to vector<1x16xi32>
    tpu.vector_store %arg12[%swap3A_123, %swap3A_124], %swap3A_127 {strides = array<i32>} : memref<5x80xi32, #tpu.memory_space<vmem>>, vector<1x16xi32>,
    %get3A_128 = arith.constant 80 : index
    %get3A_129 = tpu.vector_load %arg7[%get3A_128] {strides = array<i32>} : memref<10000xi32, #tpu.memory_space<vmem>>, vector<16xi32>,
    %get3A_130 = vector.shape_cast %get3A_129 : vector<16xi32> to vector<16xi32>
    %get3A_131 = arith.constant 80 : index
    %get3A_132 = tpu.vector_load %arg8[%get3A_131] {strides = array<i32>} : memref<10000xi32, #tpu.memory_space<vmem>>, vector<16xi32>,
    %get3A_133 = vector.shape_cast %get3A_132 : vector<16xi32> to vector<16xi32>
    %get3A_134 = arith.constant 80 : index
    %get3A_135 = tpu.vector_load %arg9[%get3A_134] {strides = array<i32>} : memref<10000xi32, #tpu.memory_space<vmem>>, vector<16xi32>,
    %get3A_136 = vector.shape_cast %get3A_135 : vector<16xi32> to vector<16xi32>
    %mul3A_137 = arith.constant 12 : i32
    %mul3A_138 = vector.broadcast %mul3A_137 : i32 to vector<16xi32>
    %mul3A_139 = arith.muli %get3A_130, %mul3A_138 : vector<16xi32>
    %mul3A_140 = arith.constant 2 : i32
    %mul3A_141 = vector.broadcast %mul3A_140 : i32 to vector<16xi32>
    %mul3A_142 = arith.muli %get3A_133, %mul3A_141 : vector<16xi32>
    %add3A_143 = arith.addi %mul3A_139, %mul3A_142 : vector<16xi32>
    %add3A_144 = arith.addi %add3A_143, %get3A_136 : vector<16xi32>
    %swap3A_145 = arith.constant 1 : i32
    %swap3A_146 = arith.index_cast %swap3A_145 : i32 to index
    %swap3A_147 = arith.constant 0 : index
    %swap3A_148 = tpu.vector_load %arg12[%swap3A_146, %swap3A_147] {strides = array<i32>} : memref<5x80xi32, #tpu.memory_space<vmem>>, vector<1x16xi32>,
    %swap3A_149 = vector.shape_cast %swap3A_148 : vector<1x16xi32> to vector<16xi32>
    %swap3A_150 = vector.shape_cast %add3A_144 : vector<16xi32> to vector<1x16xi32>
    tpu.vector_store %arg12[%swap3A_146, %swap3A_147], %swap3A_150 {strides = array<i32>} : memref<5x80xi32, #tpu.memory_space<vmem>>, vector<1x16xi32>,
    %get3A_151 = arith.constant 96 : index
    %get3A_152 = tpu.vector_load %arg7[%get3A_151] {strides = array<i32>} : memref<10000xi32, #tpu.memory_space<vmem>>, vector<16xi32>,
    %get3A_153 = vector.shape_cast %get3A_152 : vector<16xi32> to vector<16xi32>
    %get3A_154 = arith.constant 96 : index
    %get3A_155 = tpu.vector_load %arg8[%get3A_154] {strides = array<i32>} : memref<10000xi32, #tpu.memory_space<vmem>>, vector<16xi32>,
    %get3A_156 = vector.shape_cast %get3A_155 : vector<16xi32> to vector<16xi32>
    %get3A_157 = arith.constant 96 : index
    %get3A_158 = tpu.vector_load %arg9[%get3A_157] {strides = array<i32>} : memref<10000xi32, #tpu.memory_space<vmem>>, vector<16xi32>,
    %get3A_159 = vector.shape_cast %get3A_158 : vector<16xi32> to vector<16xi32>
    %mul3A_160 = arith.constant 12 : i32
    %mul3A_161 = vector.broadcast %mul3A_160 : i32 to vector<16xi32>
    %mul3A_162 = arith.muli %get3A_153, %mul3A_161 : vector<16xi32>
    %mul3A_163 = arith.constant 2 : i32
    %mul3A_164 = vector.broadcast %mul3A_163 : i32 to vector<16xi32>
    %mul3A_165 = arith.muli %get3A_156, %mul3A_164 : vector<16xi32>
    %add3A_166 = arith.addi %mul3A_162, %mul3A_165 : vector<16xi32>
    %add3A_167 = arith.addi %add3A_166, %get3A_159 : vector<16xi32>
    %swap3A_168 = arith.constant 1 : i32
    %swap3A_169 = arith.index_cast %swap3A_168 : i32 to index
    %swap3A_170 = arith.constant 16 : index
    %swap3A_171 = tpu.vector_load %arg12[%swap3A_169, %swap3A_170] {strides = array<i32>} : memref<5x80xi32, #tpu.memory_space<vmem>>, vector<1x16xi32>,
    %swap3A_172 = vector.shape_cast %swap3A_171 : vector<1x16xi32> to vector<16xi32>
    %swap3A_173 = vector.shape_cast %add3A_167 : vector<16xi32> to vector<1x16xi32>
    tpu.vector_store %arg12[%swap3A_169, %swap3A_170], %swap3A_173 {strides = array<i32>} : memref<5x80xi32, #tpu.memory_space<vmem>>, vector<1x16xi32>,
    %get3A_174 = arith.constant 112 : index
    %get3A_175 = tpu.vector_load %arg7[%get3A_174] {strides = array<i32>} : memref<10000xi32, #tpu.memory_space<vmem>>, vector<16xi32>,
    %get3A_176 = vector.shape_cast %get3A_175 : vector<16xi32> to vector<16xi32>
    %get3A_177 = arith.constant 112 : index
    %get3A_178 = tpu.vector_load %arg8[%get3A_177] {strides = array<i32>} : memref<10000xi32, #tpu.memory_space<vmem>>, vector<16xi32>,
    %get3A_179 = vector.shape_cast %get3A_178 : vector<16xi32> to vector<16xi32>
    %get3A_180 = arith.constant 112 : index
    %get3A_181 = tpu.vector_load %arg9[%get3A_180] {strides = array<i32>} : memref<10000xi32, #tpu.memory_space<vmem>>, vector<16xi32>,
    %get3A_182 = vector.shape_cast %get3A_181 : vector<16xi32> to vector<16xi32>
    %mul3A_183 = arith.constant 12 : i32
    %mul3A_184 = vector.broadcast %mul3A_183 : i32 to vector<16xi32>
    %mul3A_185 = arith.muli %get3A_176, %mul3A_184 : vector<16xi32>
    %mul3A_186 = arith.constant 2 : i32
    %mul3A_187 = vector.broadcast %mul3A_186 : i32 to vector<16xi32>
    %mul3A_188 = arith.muli %get3A_179, %mul3A_187 : vector<16xi32>
    %add3A_189 = arith.addi %mul3A_185, %mul3A_188 : vector<16xi32>
    %add3A_190 = arith.addi %add3A_189, %get3A_182 : vector<16xi32>
    %swap3A_191 = arith.constant 1 : i32
    %swap3A_192 = arith.index_cast %swap3A_191 : i32 to index
    %swap3A_193 = arith.constant 32 : index
    %swap3A_194 = tpu.vector_load %arg12[%swap3A_192, %swap3A_193] {strides = array<i32>} : memref<5x80xi32, #tpu.memory_space<vmem>>, vector<1x16xi32>,
    %swap3A_195 = vector.shape_cast %swap3A_194 : vector<1x16xi32> to vector<16xi32>
    %swap3A_196 = vector.shape_cast %add3A_190 : vector<16xi32> to vector<1x16xi32>
    tpu.vector_store %arg12[%swap3A_192, %swap3A_193], %swap3A_196 {strides = array<i32>} : memref<5x80xi32, #tpu.memory_space<vmem>>, vector<1x16xi32>,
    %get3A_197 = arith.constant 128 : index
    %get3A_198 = tpu.vector_load %arg7[%get3A_197] {strides = array<i32>} : memref<10000xi32, #tpu.memory_space<vmem>>, vector<16xi32>,
    %get3A_199 = vector.shape_cast %get3A_198 : vector<16xi32> to vector<16xi32>
    %get3A_200 = arith.constant 128 : index
    %get3A_201 = tpu.vector_load %arg8[%get3A_200] {strides = array<i32>} : memref<10000xi32, #tpu.memory_space<vmem>>, vector<16xi32>,
    %get3A_202 = vector.shape_cast %get3A_201 : vector<16xi32> to vector<16xi32>
    %get3A_203 = arith.constant 128 : index
    %get3A_204 = tpu.vector_load %arg9[%get3A_203] {strides = array<i32>} : memref<10000xi32, #tpu.memory_space<vmem>>, vector<16xi32>,
    %get3A_205 = vector.shape_cast %get3A_204 : vector<16xi32> to vector<16xi32>
    %mul3A_206 = arith.constant 12 : i32
    %mul3A_207 = vector.broadcast %mul3A_206 : i32 to vector<16xi32>
    %mul3A_208 = arith.muli %get3A_199, %mul3A_207 : vector<16xi32>
    %mul3A_209 = arith.constant 2 : i32
    %mul3A_210 = vector.broadcast %mul3A_209 : i32 to vector<16xi32>
    %mul3A_211 = arith.muli %get3A_202, %mul3A_210 : vector<16xi32>
    %add3A_212 = arith.addi %mul3A_208, %mul3A_211 : vector<16xi32>
    %add3A_213 = arith.addi %add3A_212, %get3A_205 : vector<16xi32>
    %swap3A_214 = arith.constant 1 : i32
    %swap3A_215 = arith.index_cast %swap3A_214 : i32 to index
    %swap3A_216 = arith.constant 48 : index
    %swap3A_217 = tpu.vector_load %arg12[%swap3A_215, %swap3A_216] {strides = array<i32>} : memref<5x80xi32, #tpu.memory_space<vmem>>, vector<1x16xi32>,
    %swap3A_218 = vector.shape_cast %swap3A_217 : vector<1x16xi32> to vector<16xi32>
    %swap3A_219 = vector.shape_cast %add3A_213 : vector<16xi32> to vector<1x16xi32>
    tpu.vector_store %arg12[%swap3A_215, %swap3A_216], %swap3A_219 {strides = array<i32>} : memref<5x80xi32, #tpu.memory_space<vmem>>, vector<1x16xi32>,
    %get3A_220 = arith.constant 144 : index
    %get3A_221 = tpu.vector_load %arg7[%get3A_220] {strides = array<i32>} : memref<10000xi32, #tpu.memory_space<vmem>>, vector<16xi32>,
    %get3A_222 = vector.shape_cast %get3A_221 : vector<16xi32> to vector<16xi32>
    %get3A_223 = arith.constant 144 : index
    %get3A_224 = tpu.vector_load %arg8[%get3A_223] {strides = array<i32>} : memref<10000xi32, #tpu.memory_space<vmem>>, vector<16xi32>,
    %get3A_225 = vector.shape_cast %get3A_224 : vector<16xi32> to vector<16xi32>
    %get3A_226 = arith.constant 144 : index
    %get3A_227 = tpu.vector_load %arg9[%get3A_226] {strides = array<i32>} : memref<10000xi32, #tpu.memory_space<vmem>>, vector<16xi32>,
    %get3A_228 = vector.shape_cast %get3A_227 : vector<16xi32> to vector<16xi32>
    %mul3A_229 = arith.constant 12 : i32
    %mul3A_230 = vector.broadcast %mul3A_229 : i32 to vector<16xi32>
    %mul3A_231 = arith.muli %get3A_222, %mul3A_230 : vector<16xi32>
    %mul3A_232 = arith.constant 2 : i32
    %mul3A_233 = vector.broadcast %mul3A_232 : i32 to vector<16xi32>
    %mul3A_234 = arith.muli %get3A_225, %mul3A_233 : vector<16xi32>
    %add3A_235 = arith.addi %mul3A_231, %mul3A_234 : vector<16xi32>
    %add3A_236 = arith.addi %add3A_235, %get3A_228 : vector<16xi32>
    %swap3A_237 = arith.constant 1 : i32
    %swap3A_238 = arith.index_cast %swap3A_237 : i32 to index
    %swap3A_239 = arith.constant 64 : index
    %swap3A_240 = tpu.vector_load %arg12[%swap3A_238, %swap3A_239] {strides = array<i32>} : memref<5x80xi32, #tpu.memory_space<vmem>>, vector<1x16xi32>,
    %swap3A_241 = vector.shape_cast %swap3A_240 : vector<1x16xi32> to vector<16xi32>
    %swap3A_242 = vector.shape_cast %add3A_236 : vector<16xi32> to vector<1x16xi32>
    tpu.vector_store %arg12[%swap3A_238, %swap3A_239], %swap3A_242 {strides = array<i32>} : memref<5x80xi32, #tpu.memory_space<vmem>>, vector<1x16xi32>,
    %get3A_243 = arith.constant 160 : index
    %get3A_244 = tpu.vector_load %arg7[%get3A_243] {strides = array<i32>} : memref<10000xi32, #tpu.memory_space<vmem>>, vector<16xi32>,
    %get3A_245 = vector.shape_cast %get3A_244 : vector<16xi32> to vector<16xi32>
    %get3A_246 = arith.constant 160 : index
    %get3A_247 = tpu.vector_load %arg8[%get3A_246] {strides = array<i32>} : memref<10000xi32, #tpu.memory_space<vmem>>, vector<16xi32>,
    %get3A_248 = vector.shape_cast %get3A_247 : vector<16xi32> to vector<16xi32>
    %get3A_249 = arith.constant 160 : index
    %get3A_250 = tpu.vector_load %arg9[%get3A_249] {strides = array<i32>} : memref<10000xi32, #tpu.memory_space<vmem>>, vector<16xi32>,
    %get3A_251 = vector.shape_cast %get3A_250 : vector<16xi32> to vector<16xi32>
    %mul3A_252 = arith.constant 12 : i32
    %mul3A_253 = vector.broadcast %mul3A_252 : i32 to vector<16xi32>
    %mul3A_254 = arith.muli %get3A_245, %mul3A_253 : vector<16xi32>
    %mul3A_255 = arith.constant 2 : i32
    %mul3A_256 = vector.broadcast %mul3A_255 : i32 to vector<16xi32>
    %mul3A_257 = arith.muli %get3A_248, %mul3A_256 : vector<16xi32>
    %add3A_258 = arith.addi %mul3A_254, %mul3A_257 : vector<16xi32>
    %add3A_259 = arith.addi %add3A_258, %get3A_251 : vector<16xi32>
    %swap3A_260 = arith.constant 2 : i32
    %swap3A_261 = arith.index_cast %swap3A_260 : i32 to index
    %swap3A_262 = arith.constant 0 : index
    %swap3A_263 = tpu.vector_load %arg12[%swap3A_261, %swap3A_262] {strides = array<i32>} : memref<5x80xi32, #tpu.memory_space<vmem>>, vector<1x16xi32>,
    %swap3A_264 = vector.shape_cast %swap3A_263 : vector<1x16xi32> to vector<16xi32>
    %swap3A_265 = vector.shape_cast %add3A_259 : vector<16xi32> to vector<1x16xi32>
    tpu.vector_store %arg12[%swap3A_261, %swap3A_262], %swap3A_265 {strides = array<i32>} : memref<5x80xi32, #tpu.memory_space<vmem>>, vector<1x16xi32>,
    %get3A_266 = arith.constant 176 : index
    %get3A_267 = tpu.vector_load %arg7[%get3A_266] {strides = array<i32>} : memref<10000xi32, #tpu.memory_space<vmem>>, vector<16xi32>,
    %get3A_268 = vector.shape_cast %get3A_267 : vector<16xi32> to vector<16xi32>
    %get3A_269 = arith.constant 176 : index
    %get3A_270 = tpu.vector_load %arg8[%get3A_269] {strides = array<i32>} : memref<10000xi32, #tpu.memory_space<vmem>>, vector<16xi32>,
    %get3A_271 = vector.shape_cast %get3A_270 : vector<16xi32> to vector<16xi32>
    %get3A_272 = arith.constant 176 : index
    %get3A_273 = tpu.vector_load %arg9[%get3A_272] {strides = array<i32>} : memref<10000xi32, #tpu.memory_space<vmem>>, vector<16xi32>,
    %get3A_274 = vector.shape_cast %get3A_273 : vector<16xi32> to vector<16xi32>
    %mul3A_275 = arith.constant 12 : i32
    %mul3A_276 = vector.broadcast %mul3A_275 : i32 to vector<16xi32>
    %mul3A_277 = arith.muli %get3A_268, %mul3A_276 : vector<16xi32>
    %mul3A_278 = arith.constant 2 : i32
    %mul3A_279 = vector.broadcast %mul3A_278 : i32 to vector<16xi32>
    %mul3A_280 = arith.muli %get3A_271, %mul3A_279 : vector<16xi32>
    %add3A_281 = arith.addi %mul3A_277, %mul3A_280 : vector<16xi32>
    %add3A_282 = arith.addi %add3A_281, %get3A_274 : vector<16xi32>
    %swap3A_283 = arith.constant 2 : i32
    %swap3A_284 = arith.index_cast %swap3A_283 : i32 to index
    %swap3A_285 = arith.constant 16 : index
    %swap3A_286 = tpu.vector_load %arg12[%swap3A_284, %swap3A_285] {strides = array<i32>} : memref<5x80xi32, #tpu.memory_space<vmem>>, vector<1x16xi32>,
    %swap3A_287 = vector.shape_cast %swap3A_286 : vector<1x16xi32> to vector<16xi32>
    %swap3A_288 = vector.shape_cast %add3A_282 : vector<16xi32> to vector<1x16xi32>
    tpu.vector_store %arg12[%swap3A_284, %swap3A_285], %swap3A_288 {strides = array<i32>} : memref<5x80xi32, #tpu.memory_space<vmem>>, vector<1x16xi32>,
    %get3A_289 = arith.constant 192 : index
    %get3A_290 = tpu.vector_load %arg7[%get3A_289] {strides = array<i32>} : memref<10000xi32, #tpu.memory_space<vmem>>, vector<16xi32>,
    %get3A_291 = vector.shape_cast %get3A_290 : vector<16xi32> to vector<16xi32>
    %get3A_292 = arith.constant 192 : index
    %get3A_293 = tpu.vector_load %arg8[%get3A_292] {strides = array<i32>} : memref<10000xi32, #tpu.memory_space<vmem>>, vector<16xi32>,
    %get3A_294 = vector.shape_cast %get3A_293 : vector<16xi32> to vector<16xi32>
    %get3A_295 = arith.constant 192 : index
    %get3A_296 = tpu.vector_load %arg9[%get3A_295] {strides = array<i32>} : memref<10000xi32, #tpu.memory_space<vmem>>, vector<16xi32>,
    %get3A_297 = vector.shape_cast %get3A_296 : vector<16xi32> to vector<16xi32>
    %mul3A_298 = arith.constant 12 : i32
    %mul3A_299 = vector.broadcast %mul3A_298 : i32 to vector<16xi32>
    %mul3A_300 = arith.muli %get3A_291, %mul3A_299 : vector<16xi32>
    %mul3A_301 = arith.constant 2 : i32
    %mul3A_302 = vector.broadcast %mul3A_301 : i32 to vector<16xi32>
    %mul3A_303 = arith.muli %get3A_294, %mul3A_302 : vector<16xi32>
    %add3A_304 = arith.addi %mul3A_300, %mul3A_303 : vector<16xi32>
    %add3A_305 = arith.addi %add3A_304, %get3A_297 : vector<16xi32>
    %swap3A_306 = arith.constant 2 : i32
    %swap3A_307 = arith.index_cast %swap3A_306 : i32 to index
    %swap3A_308 = arith.constant 32 : index
    %swap3A_309 = tpu.vector_load %arg12[%swap3A_307, %swap3A_308] {strides = array<i32>} : memref<5x80xi32, #tpu.memory_space<vmem>>, vector<1x16xi32>,
    %swap3A_310 = vector.shape_cast %swap3A_309 : vector<1x16xi32> to vector<16xi32>
    %swap3A_311 = vector.shape_cast %add3A_305 : vector<16xi32> to vector<1x16xi32>
    tpu.vector_store %arg12[%swap3A_307, %swap3A_308], %swap3A_311 {strides = array<i32>} : memref<5x80xi32, #tpu.memory_space<vmem>>, vector<1x16xi32>,
    %get3A_312 = arith.constant 208 : index
    %get3A_313 = tpu.vector_load %arg7[%get3A_312] {strides = array<i32>} : memref<10000xi32, #tpu.memory_space<vmem>>, vector<16xi32>,
    %get3A_314 = vector.shape_cast %get3A_313 : vector<16xi32> to vector<16xi32>
    %get3A_315 = arith.constant 208 : index
    %get3A_316 = tpu.vector_load %arg8[%get3A_315] {strides = array<i32>} : memref<10000xi32, #tpu.memory_space<vmem>>, vector<16xi32>,
    %get3A_317 = vector.shape_cast %get3A_316 : vector<16xi32> to vector<16xi32>
    %get3A_318 = arith.constant 208 : index
    %get3A_319 = tpu.vector_load %arg9[%get3A_318] {strides = array<i32>} : memref<10000xi32, #tpu.memory_space<vmem>>, vector<16xi32>,
    %get3A_320 = vector.shape_cast %get3A_319 : vector<16xi32> to vector<16xi32>
    %mul3A_321 = arith.constant 12 : i32
    %mul3A_322 = vector.broadcast %mul3A_321 : i32 to vector<16xi32>
    %mul3A_323 = arith.muli %get3A_314, %mul3A_322 : vector<16xi32>
    %mul3A_324 = arith.constant 2 : i32
    %mul3A_325 = vector.broadcast %mul3A_324 : i32 to vector<16xi32>
    %mul3A_326 = arith.muli %get3A_317, %mul3A_325 : vector<16xi32>
    %add3A_327 = arith.addi %mul3A_323, %mul3A_326 : vector<16xi32>
    %add3A_328 = arith.addi %add3A_327, %get3A_320 : vector<16xi32>
    %swap3A_329 = arith.constant 2 : i32
    %swap3A_330 = arith.index_cast %swap3A_329 : i32 to index
    %swap3A_331 = arith.constant 48 : index
    %swap3A_332 = tpu.vector_load %arg12[%swap3A_330, %swap3A_331] {strides = array<i32>} : memref<5x80xi32, #tpu.memory_space<vmem>>, vector<1x16xi32>,
    %swap3A_333 = vector.shape_cast %swap3A_332 : vector<1x16xi32> to vector<16xi32>
    %swap3A_334 = vector.shape_cast %add3A_328 : vector<16xi32> to vector<1x16xi32>
    tpu.vector_store %arg12[%swap3A_330, %swap3A_331], %swap3A_334 {strides = array<i32>} : memref<5x80xi32, #tpu.memory_space<vmem>>, vector<1x16xi32>,
    %get3A_335 = arith.constant 224 : index
    %get3A_336 = tpu.vector_load %arg7[%get3A_335] {strides = array<i32>} : memref<10000xi32, #tpu.memory_space<vmem>>, vector<16xi32>,
    %get3A_337 = vector.shape_cast %get3A_336 : vector<16xi32> to vector<16xi32>
    %get3A_338 = arith.constant 224 : index
    %get3A_339 = tpu.vector_load %arg8[%get3A_338] {strides = array<i32>} : memref<10000xi32, #tpu.memory_space<vmem>>, vector<16xi32>,
    %get3A_340 = vector.shape_cast %get3A_339 : vector<16xi32> to vector<16xi32>
    %get3A_341 = arith.constant 224 : index
    %get3A_342 = tpu.vector_load %arg9[%get3A_341] {strides = array<i32>} : memref<10000xi32, #tpu.memory_space<vmem>>, vector<16xi32>,
    %get3A_343 = vector.shape_cast %get3A_342 : vector<16xi32> to vector<16xi32>
    %mul3A_344 = arith.constant 12 : i32
    %mul3A_345 = vector.broadcast %mul3A_344 : i32 to vector<16xi32>
    %mul3A_346 = arith.muli %get3A_337, %mul3A_345 : vector<16xi32>
    %mul3A_347 = arith.constant 2 : i32
    %mul3A_348 = vector.broadcast %mul3A_347 : i32 to vector<16xi32>
    %mul3A_349 = arith.muli %get3A_340, %mul3A_348 : vector<16xi32>
    %add3A_350 = arith.addi %mul3A_346, %mul3A_349 : vector<16xi32>
    %add3A_351 = arith.addi %add3A_350, %get3A_343 : vector<16xi32>
    %swap3A_352 = arith.constant 2 : i32
    %swap3A_353 = arith.index_cast %swap3A_352 : i32 to index
    %swap3A_354 = arith.constant 64 : index
    %swap3A_355 = tpu.vector_load %arg12[%swap3A_353, %swap3A_354] {strides = array<i32>} : memref<5x80xi32, #tpu.memory_space<vmem>>, vector<1x16xi32>,
    %swap3A_356 = vector.shape_cast %swap3A_355 : vector<1x16xi32> to vector<16xi32>
    %swap3A_357 = vector.shape_cast %add3A_351 : vector<16xi32> to vector<1x16xi32>
    tpu.vector_store %arg12[%swap3A_353, %swap3A_354], %swap3A_357 {strides = array<i32>} : memref<5x80xi32, #tpu.memory_space<vmem>>, vector<1x16xi32>,
    %barrier3A = arith.constant 0 : index
    tpu.barrier barrier_id(%barrier3A)
    %dma_start3A_358 = arith.constant 0 : i32
    %dma_start3A_359 = arith.constant 0 : i32
    %dma_start3A_360 = arith.constant 0 : i32
    %dma_start3A_361 = arith.constant 0 : i32
    %dma_start3A_362 = arith.constant 0 : i32
    %dma_start3A_363 = tpu.memref_slice %arg13[%dma_start3A_359, %dma_start3A_361, %dma_start3A_362] : memref<5x80x128xf32, #tpu.memory_space<vmem>> -> memref<1x80x128xf32, #tpu.memory_space<vmem>>
    %dma_start3A_364 = tpu.memref_squeeze %dma_start3A_363 : memref<1x80x128xf32, #tpu.memory_space<vmem>> -> memref<80x128xf32, #tpu.memory_space<vmem>>
    %dma_start3A_365 = arith.constant 0 : i32
    %dma_start3A_366 = tpu.memref_slice %arg12[%dma_start3A_358, %dma_start3A_365] : memref<5x80xi32, #tpu.memory_space<vmem>> -> memref<1x80xi32, #tpu.memory_space<vmem>>
    %dma_start3A_367 = tpu.memref_squeeze %dma_start3A_366 : memref<1x80xi32, #tpu.memory_space<vmem>> -> memref<80xi32, #tpu.memory_space<vmem>>
    %dma_start3A_368 = arith.constant 0 : i32
    %dma_start3A_369 = arith.constant 0 : i32
    %dma_start3A_370 = tpu.memref_slice %arg11[%dma_start3A_368, %dma_start3A_369] : memref<60x128xf32, #tpu.memory_space<vmem_shared>> -> memref<60x128xf32, #tpu.memory_space<vmem_shared>>
    %dma_start3A_371 = tpu.memref_slice %arg15[%dma_start3A_360] : memref<5x!tpu.dma_semaphore, #tpu.memory_space<semaphore_mem>> -> memref<1x!tpu.dma_semaphore, #tpu.memory_space<semaphore_mem>>
    %dma_start3A_372 = tpu.memref_squeeze %dma_start3A_371 : memref<1x!tpu.dma_semaphore, #tpu.memory_space<semaphore_mem>> -> memref<!tpu.dma_semaphore, #tpu.memory_space<semaphore_mem>>
    tpu.enqueue_indirect_dma source(%dma_start3A_370 : memref<60x128xf32, #tpu.memory_space<vmem_shared>>) target(%dma_start3A_364 : memref<80x128xf32, #tpu.memory_space<vmem>>) offsets(%dma_start3A_367 : memref<80xi32, #tpu.memory_space<vmem>>) semaphore(%dma_start3A_372 : memref<!tpu.dma_semaphore, #tpu.memory_space<semaphore_mem>>)
    %dma_start3A_373 = arith.constant 1 : i32
    %dma_start3A_374 = arith.constant 1 : i32
    %dma_start3A_375 = arith.constant 1 : i32
    %dma_start3A_376 = arith.constant 0 : i32
    %dma_start3A_377 = arith.constant 0 : i32
    %dma_start3A_378 = tpu.memref_slice %arg13[%dma_start3A_374, %dma_start3A_376, %dma_start3A_377] : memref<5x80x128xf32, #tpu.memory_space<vmem>> -> memref<1x80x128xf32, #tpu.memory_space<vmem>>
    %dma_start3A_379 = tpu.memref_squeeze %dma_start3A_378 : memref<1x80x128xf32, #tpu.memory_space<vmem>> -> memref<80x128xf32, #tpu.memory_space<vmem>>
    %dma_start3A_380 = arith.constant 0 : i32
    %dma_start3A_381 = tpu.memref_slice %arg12[%dma_start3A_373, %dma_start3A_380] : memref<5x80xi32, #tpu.memory_space<vmem>> -> memref<1x80xi32, #tpu.memory_space<vmem>>
    %dma_start3A_382 = tpu.memref_squeeze %dma_start3A_381 : memref<1x80xi32, #tpu.memory_space<vmem>> -> memref<80xi32, #tpu.memory_space<vmem>>
    %dma_start3A_383 = arith.constant 0 : i32
    %dma_start3A_384 = arith.constant 0 : i32
    %dma_start3A_385 = tpu.memref_slice %arg11[%dma_start3A_383, %dma_start3A_384] : memref<60x128xf32, #tpu.memory_space<vmem_shared>> -> memref<60x128xf32, #tpu.memory_space<vmem_shared>>
    %dma_start3A_386 = tpu.memref_slice %arg15[%dma_start3A_375] : memref<5x!tpu.dma_semaphore, #tpu.memory_space<semaphore_mem>> -> memref<1x!tpu.dma_semaphore, #tpu.memory_space<semaphore_mem>>
    %dma_start3A_387 = tpu.memref_squeeze %dma_start3A_386 : memref<1x!tpu.dma_semaphore, #tpu.memory_space<semaphore_mem>> -> memref<!tpu.dma_semaphore, #tpu.memory_space<semaphore_mem>>
    tpu.enqueue_indirect_dma source(%dma_start3A_385 : memref<60x128xf32, #tpu.memory_space<vmem_shared>>) target(%dma_start3A_379 : memref<80x128xf32, #tpu.memory_space<vmem>>) offsets(%dma_start3A_382 : memref<80xi32, #tpu.memory_space<vmem>>) semaphore(%dma_start3A_387 : memref<!tpu.dma_semaphore, #tpu.memory_space<semaphore_mem>>)
    %dma_start3A_388 = arith.constant 2 : i32
    %dma_start3A_389 = arith.constant 2 : i32
    %dma_start3A_390 = arith.constant 2 : i32
    %dma_start3A_391 = arith.constant 0 : i32
    %dma_start3A_392 = arith.constant 0 : i32
    %dma_start3A_393 = tpu.memref_slice %arg13[%dma_start3A_389, %dma_start3A_391, %dma_start3A_392] : memref<5x80x128xf32, #tpu.memory_space<vmem>> -> memref<1x80x128xf32, #tpu.memory_space<vmem>>
    %dma_start3A_394 = tpu.memref_squeeze %dma_start3A_393 : memref<1x80x128xf32, #tpu.memory_space<vmem>> -> memref<80x128xf32, #tpu.memory_space<vmem>>
    %dma_start3A_395 = arith.constant 0 : i32
    %dma_start3A_396 = tpu.memref_slice %arg12[%dma_start3A_388, %dma_start3A_395] : memref<5x80xi32, #tpu.memory_space<vmem>> -> memref<1x80xi32, #tpu.memory_space<vmem>>
    %dma_start3A_397 = tpu.memref_squeeze %dma_start3A_396 : memref<1x80xi32, #tpu.memory_space<vmem>> -> memref<80xi32, #tpu.memory_space<vmem>>
    %dma_start3A_398 = arith.constant 0 : i32
    %dma_start3A_399 = arith.constant 0 : i32
    %dma_start3A_400 = tpu.memref_slice %arg11[%dma_start3A_398, %dma_start3A_399] : memref<60x128xf32, #tpu.memory_space<vmem_shared>> -> memref<60x128xf32, #tpu.memory_space<vmem_shared>>
    %dma_start3A_401 = tpu.memref_slice %arg15[%dma_start3A_390] : memref<5x!tpu.dma_semaphore, #tpu.memory_space<semaphore_mem>> -> memref<1x!tpu.dma_semaphore, #tpu.memory_space<semaphore_mem>>
    %dma_start3A_402 = tpu.memref_squeeze %dma_start3A_401 : memref<1x!tpu.dma_semaphore, #tpu.memory_space<semaphore_mem>> -> memref<!tpu.dma_semaphore, #tpu.memory_space<semaphore_mem>>
    tpu.enqueue_indirect_dma source(%dma_start3A_400 : memref<60x128xf32, #tpu.memory_space<vmem_shared>>) target(%dma_start3A_394 : memref<80x128xf32, #tpu.memory_space<vmem>>) offsets(%dma_start3A_397 : memref<80xi32, #tpu.memory_space<vmem>>) semaphore(%dma_start3A_402 : memref<!tpu.dma_semaphore, #tpu.memory_space<semaphore_mem>>)
    %dma_wait3A_403 = arith.constant 0 : i32
    %dma_wait3A_404 = arith.constant 0 : i32
    %dma_wait3A_405 = arith.constant 0 : i32
    %dma_wait3A_406 = arith.constant 0 : i32
    %dma_wait3A_407 = arith.constant 0 : i32
    %dma_wait3A_408 = tpu.memref_slice %arg13[%dma_wait3A_404, %dma_wait3A_406, %dma_wait3A_407] : memref<5x80x128xf32, #tpu.memory_space<vmem>> -> memref<1x80x128xf32, #tpu.memory_space<vmem>>
    %dma_wait3A_409 = tpu.memref_squeeze %dma_wait3A_408 : memref<1x80x128xf32, #tpu.memory_space<vmem>> -> memref<80x128xf32, #tpu.memory_space<vmem>>
    %dma_wait3A_410 = arith.constant 0 : i32
    %dma_wait3A_411 = tpu.memref_slice %arg12[%dma_wait3A_403, %dma_wait3A_410] : memref<5x80xi32, #tpu.memory_space<vmem>> -> memref<1x80xi32, #tpu.memory_space<vmem>>
    %dma_wait3A_412 = tpu.memref_squeeze %dma_wait3A_411 : memref<1x80xi32, #tpu.memory_space<vmem>> -> memref<80xi32, #tpu.memory_space<vmem>>
    %dma_wait3A_413 = arith.constant 0 : i32
    %dma_wait3A_414 = arith.constant 0 : i32
    %dma_wait3A_415 = tpu.memref_slice %arg11[%dma_wait3A_413, %dma_wait3A_414] : memref<60x128xf32, #tpu.memory_space<vmem_shared>> -> memref<60x128xf32, #tpu.memory_space<vmem_shared>>
    %dma_wait3A_416 = tpu.memref_slice %arg15[%dma_wait3A_405] : memref<5x!tpu.dma_semaphore, #tpu.memory_space<semaphore_mem>> -> memref<1x!tpu.dma_semaphore, #tpu.memory_space<semaphore_mem>>
    %dma_wait3A_417 = tpu.memref_squeeze %dma_wait3A_416 : memref<1x!tpu.dma_semaphore, #tpu.memory_space<semaphore_mem>> -> memref<!tpu.dma_semaphore, #tpu.memory_space<semaphore_mem>>
    tpu.wait_indirect_dma semaphore(%dma_wait3A_417 : memref<!tpu.dma_semaphore, #tpu.memory_space<semaphore_mem>>) src(%dma_wait3A_415 : memref<60x128xf32, #tpu.memory_space<vmem_shared>>) dst(%dma_wait3A_409 : memref<80x128xf32, #tpu.memory_space<vmem>>)
    %add3A_418 = arith.constant 0 : i32
    %add3A_419 = arith.addi %mul3A_2, %add3A_418 : i32
    %dma_start3A_420 = arith.constant 0 : i32
    %dma_start3A_421 = arith.constant 0 : i32
    %dma_start3A_422 = arith.constant 0 : i32
    %dma_start3A_423 = arith.constant 0 : i32
    %dma_start3A_424 = tpu.memref_slice %arg13[%dma_start3A_420, %dma_start3A_422, %dma_start3A_423] : memref<5x80x128xf32, #tpu.memory_space<vmem>> -> memref<1x80x128xf32, #tpu.memory_space<vmem>>
    %dma_start3A_425 = tpu.memref_squeeze %dma_start3A_424 : memref<1x80x128xf32, #tpu.memory_space<vmem>> -> memref<80x128xf32, #tpu.memory_space<vmem>>
    %dma_start3A_426 = arith.constant 0 : i32
    %dma_start3A_427 = tpu.memref_slice %arg6[%add3A_419, %dma_start3A_426] : memref<320000x128xf32, #tpu.memory_space<hbm>> -> memref<80x128xf32, #tpu.memory_space<hbm>>
    %dma_start3A_428 = tpu.memref_slice %arg16[%dma_start3A_421] : memref<5x!tpu.dma_semaphore, #tpu.memory_space<semaphore_mem>> -> memref<1x!tpu.dma_semaphore, #tpu.memory_space<semaphore_mem>>
    %dma_start3A_429 = tpu.memref_squeeze %dma_start3A_428 : memref<1x!tpu.dma_semaphore, #tpu.memory_space<semaphore_mem>> -> memref<!tpu.dma_semaphore, #tpu.memory_space<semaphore_mem>>
    %dma_start3A_430 = arith.constant 0 : i32
    %dma_start3A_431 = tpu.memref_slice %arg6[%add3A_419, %dma_start3A_430] : memref<320000x128xf32, #tpu.memory_space<hbm>> -> memref<80x128xf32, #tpu.memory_space<hbm>>
    %dma_start3A_432 = arith.constant 0 : i32
    %dma_start3A_433 = arith.constant 0 : i32
    %dma_start3A_434 = tpu.memref_slice %arg13[%dma_start3A_420, %dma_start3A_432, %dma_start3A_433] : memref<5x80x128xf32, #tpu.memory_space<vmem>> -> memref<1x80x128xf32, #tpu.memory_space<vmem>>
    %dma_start3A_435 = tpu.memref_squeeze %dma_start3A_434 : memref<1x80x128xf32, #tpu.memory_space<vmem>> -> memref<80x128xf32, #tpu.memory_space<vmem>>
    tpu.enqueue_dma source(%dma_start3A_435 : memref<80x128xf32, #tpu.memory_space<vmem>>) target(%dma_start3A_431 : memref<80x128xf32, #tpu.memory_space<hbm>>) target_semaphore(%dma_start3A_429 : memref<!tpu.dma_semaphore, #tpu.memory_space<semaphore_mem>>)
    %get3A_436 = arith.constant 240 : index
    %get3A_437 = tpu.vector_load %arg7[%get3A_436] {strides = array<i32>} : memref<10000xi32, #tpu.memory_space<vmem>>, vector<16xi32>,
    %get3A_438 = vector.shape_cast %get3A_437 : vector<16xi32> to vector<16xi32>
    %get3A_439 = arith.constant 240 : index
    %get3A_440 = tpu.vector_load %arg8[%get3A_439] {strides = array<i32>} : memref<10000xi32, #tpu.memory_space<vmem>>, vector<16xi32>,
    %get3A_441 = vector.shape_cast %get3A_440 : vector<16xi32> to vector<16xi32>
    %get3A_442 = arith.constant 240 : index
    %get3A_443 = tpu.vector_load %arg9[%get3A_442] {strides = array<i32>} : memref<10000xi32, #tpu.memory_space<vmem>>, vector<16xi32>,
    %get3A_444 = vector.shape_cast %get3A_443 : vector<16xi32> to vector<16xi32>
    %mul3A_445 = arith.constant 12 : i32
    %mul3A_446 = vector.broadcast %mul3A_445 : i32 to vector<16xi32>
    %mul3A_447 = arith.muli %get3A_438, %mul3A_446 : vector<16xi32>
    %mul3A_448 = arith.constant 2 : i32
    %mul3A_449 = vector.broadcast %mul3A_448 : i32 to vector<16xi32>
    %mul3A_450 = arith.muli %get3A_441, %mul3A_449 : vector<16xi32>
    %add3A_451 = arith.addi %mul3A_447, %mul3A_450 : vector<16xi32>
    %add3A_452 = arith.addi %add3A_451, %get3A_444 : vector<16xi32>
    %swap3A_453 = arith.constant 3 : i32
    %swap3A_454 = arith.index_cast %swap3A_453 : i32 to index
    %swap3A_455 = arith.constant 0 : index
    %swap3A_456 = tpu.vector_load %arg12[%swap3A_454, %swap3A_455] {strides = array<i32>} : memref<5x80xi32, #tpu.memory_space<vmem>>, vector<1x16xi32>,
    %swap3A_457 = vector.shape_cast %swap3A_456 : vector<1x16xi32> to vector<16xi32>
    %swap3A_458 = vector.shape_cast %add3A_452 : vector<16xi32> to vector<1x16xi32>
    tpu.vector_store %arg12[%swap3A_454, %swap3A_455], %swap3A_458 {strides = array<i32>} : memref<5x80xi32, #tpu.memory_space<vmem>>, vector<1x16xi32>,
    %get3A_459 = arith.constant 256 : index
    %get3A_460 = tpu.vector_load %arg7[%get3A_459] {strides = array<i32>} : memref<10000xi32, #tpu.memory_space<vmem>>, vector<16xi32>,
    %get3A_461 = vector.shape_cast %get3A_460 : vector<16xi32> to vector<16xi32>
    %get3A_462 = arith.constant 256 : index
    %get3A_463 = tpu.vector_load %arg8[%get3A_462] {strides = array<i32>} : memref<10000xi32, #tpu.memory_space<vmem>>, vector<16xi32>,
    %get3A_464 = vector.shape_cast %get3A_463 : vector<16xi32> to vector<16xi32>
    %get3A_465 = arith.constant 256 : index
    %get3A_466 = tpu.vector_load %arg9[%get3A_465] {strides = array<i32>} : memref<10000xi32, #tpu.memory_space<vmem>>, vector<16xi32>,
    %get3A_467 = vector.shape_cast %get3A_466 : vector<16xi32> to vector<16xi32>
    %mul3A_468 = arith.constant 12 : i32
    %mul3A_469 = vector.broadcast %mul3A_468 : i32 to vector<16xi32>
    %mul3A_470 = arith.muli %get3A_461, %mul3A_469 : vector<16xi32>
    %mul3A_471 = arith.constant 2 : i32
    %mul3A_472 = vector.broadcast %mul3A_471 : i32 to vector<16xi32>
    %mul3A_473 = arith.muli %get3A_464, %mul3A_472 : vector<16xi32>
    %add3A_474 = arith.addi %mul3A_470, %mul3A_473 : vector<16xi32>
    %add3A_475 = arith.addi %add3A_474, %get3A_467 : vector<16xi32>
    %swap3A_476 = arith.constant 3 : i32
    %swap3A_477 = arith.index_cast %swap3A_476 : i32 to index
    %swap3A_478 = arith.constant 16 : index
    %swap3A_479 = tpu.vector_load %arg12[%swap3A_477, %swap3A_478] {strides = array<i32>} : memref<5x80xi32, #tpu.memory_space<vmem>>, vector<1x16xi32>,
    %swap3A_480 = vector.shape_cast %swap3A_479 : vector<1x16xi32> to vector<16xi32>
    %swap3A_481 = vector.shape_cast %add3A_475 : vector<16xi32> to vector<1x16xi32>
    tpu.vector_store %arg12[%swap3A_477, %swap3A_478], %swap3A_481 {strides = array<i32>} : memref<5x80xi32, #tpu.memory_space<vmem>>, vector<1x16xi32>,
    %get3A_482 = arith.constant 272 : index
    %get3A_483 = tpu.vector_load %arg7[%get3A_482] {strides = array<i32>} : memref<10000xi32, #tpu.memory_space<vmem>>, vector<16xi32>,
    %get3A_484 = vector.shape_cast %get3A_483 : vector<16xi32> to vector<16xi32>
    %get3A_485 = arith.constant 272 : index
    %get3A_486 = tpu.vector_load %arg8[%get3A_485] {strides = array<i32>} : memref<10000xi32, #tpu.memory_space<vmem>>, vector<16xi32>,
    %get3A_487 = vector.shape_cast %get3A_486 : vector<16xi32> to vector<16xi32>
    %get3A_488 = arith.constant 272 : index
    %get3A_489 = tpu.vector_load %arg9[%get3A_488] {strides = array<i32>} : memref<10000xi32, #tpu.memory_space<vmem>>, vector<16xi32>,
    %get3A_490 = vector.shape_cast %get3A_489 : vector<16xi32> to vector<16xi32>
    %mul3A_491 = arith.constant 12 : i32
    %mul3A_492 = vector.broadcast %mul3A_491 : i32 to vector<16xi32>
    %mul3A_493 = arith.muli %get3A_484, %mul3A_492 : vector<16xi32>
    %mul3A_494 = arith.constant 2 : i32
    %mul3A_495 = vector.broadcast %mul3A_494 : i32 to vector<16xi32>
    %mul3A_496 = arith.muli %get3A_487, %mul3A_495 : vector<16xi32>
    %add3A_497 = arith.addi %mul3A_493, %mul3A_496 : vector<16xi32>
    %add3A_498 = arith.addi %add3A_497, %get3A_490 : vector<16xi32>
    %swap3A_499 = arith.constant 3 : i32
    %swap3A_500 = arith.index_cast %swap3A_499 : i32 to index
    %swap3A_501 = arith.constant 32 : index
    %swap3A_502 = tpu.vector_load %arg12[%swap3A_500, %swap3A_501] {strides = array<i32>} : memref<5x80xi32, #tpu.memory_space<vmem>>, vector<1x16xi32>,
    %swap3A_503 = vector.shape_cast %swap3A_502 : vector<1x16xi32> to vector<16xi32>
    %swap3A_504 = vector.shape_cast %add3A_498 : vector<16xi32> to vector<1x16xi32>
    tpu.vector_store %arg12[%swap3A_500, %swap3A_501], %swap3A_504 {strides = array<i32>} : memref<5x80xi32, #tpu.memory_space<vmem>>, vector<1x16xi32>,
    %get3A_505 = arith.constant 288 : index
    %get3A_506 = tpu.vector_load %arg7[%get3A_505] {strides = array<i32>} : memref<10000xi32, #tpu.memory_space<vmem>>, vector<16xi32>,
    %get3A_507 = vector.shape_cast %get3A_506 : vector<16xi32> to vector<16xi32>
    %get3A_508 = arith.constant 288 : index
    %get3A_509 = tpu.vector_load %arg8[%get3A_508] {strides = array<i32>} : memref<10000xi32, #tpu.memory_space<vmem>>, vector<16xi32>,
    %get3A_510 = vector.shape_cast %get3A_509 : vector<16xi32> to vector<16xi32>
    %get3A_511 = arith.constant 288 : index
    %get3A_512 = tpu.vector_load %arg9[%get3A_511] {strides = array<i32>} : memref<10000xi32, #tpu.memory_space<vmem>>, vector<16xi32>,
    %get3A_513 = vector.shape_cast %get3A_512 : vector<16xi32> to vector<16xi32>
    %mul3A_514 = arith.constant 12 : i32
    %mul3A_515 = vector.broadcast %mul3A_514 : i32 to vector<16xi32>
    %mul3A_516 = arith.muli %get3A_507, %mul3A_515 : vector<16xi32>
    %mul3A_517 = arith.constant 2 : i32
    %mul3A_518 = vector.broadcast %mul3A_517 : i32 to vector<16xi32>
    %mul3A_519 = arith.muli %get3A_510, %mul3A_518 : vector<16xi32>
    %add3A_520 = arith.addi %mul3A_516, %mul3A_519 : vector<16xi32>
    %add3A_521 = arith.addi %add3A_520, %get3A_513 : vector<16xi32>
    %swap3A_522 = arith.constant 3 : i32
    %swap3A_523 = arith.index_cast %swap3A_522 : i32 to index
    %swap3A_524 = arith.constant 48 : index
    %swap3A_525 = tpu.vector_load %arg12[%swap3A_523, %swap3A_524] {strides = array<i32>} : memref<5x80xi32, #tpu.memory_space<vmem>>, vector<1x16xi32>,
    %swap3A_526 = vector.shape_cast %swap3A_525 : vector<1x16xi32> to vector<16xi32>
    %swap3A_527 = vector.shape_cast %add3A_521 : vector<16xi32> to vector<1x16xi32>
    tpu.vector_store %arg12[%swap3A_523, %swap3A_524], %swap3A_527 {strides = array<i32>} : memref<5x80xi32, #tpu.memory_space<vmem>>, vector<1x16xi32>,
    %get3A_528 = arith.constant 304 : index
    %get3A_529 = tpu.vector_load %arg7[%get3A_528] {strides = array<i32>} : memref<10000xi32, #tpu.memory_space<vmem>>, vector<16xi32>,
    %get3A_530 = vector.shape_cast %get3A_529 : vector<16xi32> to vector<16xi32>
    %get3A_531 = arith.constant 304 : index
    %get3A_532 = tpu.vector_load %arg8[%get3A_531] {strides = array<i32>} : memref<10000xi32, #tpu.memory_space<vmem>>, vector<16xi32>,
    %get3A_533 = vector.shape_cast %get3A_532 : vector<16xi32> to vector<16xi32>
    %get3A_534 = arith.constant 304 : index
    %get3A_535 = tpu.vector_load %arg9[%get3A_534] {strides = array<i32>} : memref<10000xi32, #tpu.memory_space<vmem>>, vector<16xi32>,
    %get3A_536 = vector.shape_cast %get3A_535 : vector<16xi32> to vector<16xi32>
    %mul3A_537 = arith.constant 12 : i32
    %mul3A_538 = vector.broadcast %mul3A_537 : i32 to vector<16xi32>
    %mul3A_539 = arith.muli %get3A_530, %mul3A_538 : vector<16xi32>
    %mul3A_540 = arith.constant 2 : i32
    %mul3A_541 = vector.broadcast %mul3A_540 : i32 to vector<16xi32>
    %mul3A_542 = arith.muli %get3A_533, %mul3A_541 : vector<16xi32>
    %add3A_543 = arith.addi %mul3A_539, %mul3A_542 : vector<16xi32>
    %add3A_544 = arith.addi %add3A_543, %get3A_536 : vector<16xi32>
    %swap3A_545 = arith.constant 3 : i32
    %swap3A_546 = arith.index_cast %swap3A_545 : i32 to index
    %swap3A_547 = arith.constant 64 : index
    %swap3A_548 = tpu.vector_load %arg12[%swap3A_546, %swap3A_547] {strides = array<i32>} : memref<5x80xi32, #tpu.memory_space<vmem>>, vector<1x16xi32>,
    %swap3A_549 = vector.shape_cast %swap3A_548 : vector<1x16xi32> to vector<16xi32>
    %swap3A_550 = vector.shape_cast %add3A_544 : vector<16xi32> to vector<1x16xi32>
    tpu.vector_store %arg12[%swap3A_546, %swap3A_547], %swap3A_550 {strides = array<i32>} : memref<5x80xi32, #tpu.memory_space<vmem>>, vector<1x16xi32>,
    %dma_start3A_551 = arith.constant 3 : i32
    %dma_start3A_552 = arith.constant 3 : i32
    %dma_start3A_553 = arith.constant 3 : i32
    %dma_start3A_554 = arith.constant 0 : i32
    %dma_start3A_555 = arith.constant 0 : i32
    %dma_start3A_556 = tpu.memref_slice %arg13[%dma_start3A_552, %dma_start3A_554, %dma_start3A_555] : memref<5x80x128xf32, #tpu.memory_space<vmem>> -> memref<1x80x128xf32, #tpu.memory_space<vmem>>
    %dma_start3A_557 = tpu.memref_squeeze %dma_start3A_556 : memref<1x80x128xf32, #tpu.memory_space<vmem>> -> memref<80x128xf32, #tpu.memory_space<vmem>>
    %dma_start3A_558 = arith.constant 0 : i32
    %dma_start3A_559 = tpu.memref_slice %arg12[%dma_start3A_551, %dma_start3A_558] : memref<5x80xi32, #tpu.memory_space<vmem>> -> memref<1x80xi32, #tpu.memory_space<vmem>>
    %dma_start3A_560 = tpu.memref_squeeze %dma_start3A_559 : memref<1x80xi32, #tpu.memory_space<vmem>> -> memref<80xi32, #tpu.memory_space<vmem>>
    %dma_start3A_561 = arith.constant 0 : i32
    %dma_start3A_562 = arith.constant 0 : i32
    %dma_start3A_563 = tpu.memref_slice %arg11[%dma_start3A_561, %dma_start3A_562] : memref<60x128xf32, #tpu.memory_space<vmem_shared>> -> memref<60x128xf32, #tpu.memory_space<vmem_shared>>
    %dma_start3A_564 = tpu.memref_slice %arg15[%dma_start3A_553] : memref<5x!tpu.dma_semaphore, #tpu.memory_space<semaphore_mem>> -> memref<1x!tpu.dma_semaphore, #tpu.memory_space<semaphore_mem>>
    %dma_start3A_565 = tpu.memref_squeeze %dma_start3A_564 : memref<1x!tpu.dma_semaphore, #tpu.memory_space<semaphore_mem>> -> memref<!tpu.dma_semaphore, #tpu.memory_space<semaphore_mem>>
    tpu.enqueue_indirect_dma source(%dma_start3A_563 : memref<60x128xf32, #tpu.memory_space<vmem_shared>>) target(%dma_start3A_557 : memref<80x128xf32, #tpu.memory_space<vmem>>) offsets(%dma_start3A_560 : memref<80xi32, #tpu.memory_space<vmem>>) semaphore(%dma_start3A_565 : memref<!tpu.dma_semaphore, #tpu.memory_space<semaphore_mem>>)
    %dma_wait3A_566 = arith.constant 1 : i32
    %dma_wait3A_567 = arith.constant 1 : i32
    %dma_wait3A_568 = arith.constant 1 : i32
    %dma_wait3A_569 = arith.constant 0 : i32
    %dma_wait3A_570 = arith.constant 0 : i32
    %dma_wait3A_571 = tpu.memref_slice %arg13[%dma_wait3A_567, %dma_wait3A_569, %dma_wait3A_570] : memref<5x80x128xf32, #tpu.memory_space<vmem>> -> memref<1x80x128xf32, #tpu.memory_space<vmem>>
    %dma_wait3A_572 = tpu.memref_squeeze %dma_wait3A_571 : memref<1x80x128xf32, #tpu.memory_space<vmem>> -> memref<80x128xf32, #tpu.memory_space<vmem>>
    %dma_wait3A_573 = arith.constant 0 : i32
    %dma_wait3A_574 = tpu.memref_slice %arg12[%dma_wait3A_566, %dma_wait3A_573] : memref<5x80xi32, #tpu.memory_space<vmem>> -> memref<1x80xi32, #tpu.memory_space<vmem>>
    %dma_wait3A_575 = tpu.memref_squeeze %dma_wait3A_574 : memref<1x80xi32, #tpu.memory_space<vmem>> -> memref<80xi32, #tpu.memory_space<vmem>>
    %dma_wait3A_576 = arith.constant 0 : i32
    %dma_wait3A_577 = arith.constant 0 : i32
    %dma_wait3A_578 = tpu.memref_slice %arg11[%dma_wait3A_576, %dma_wait3A_577] : memref<60x128xf32, #tpu.memory_space<vmem_shared>> -> memref<60x128xf32, #tpu.memory_space<vmem_shared>>
    %dma_wait3A_579 = tpu.memref_slice %arg15[%dma_wait3A_568] : memref<5x!tpu.dma_semaphore, #tpu.memory_space<semaphore_mem>> -> memref<1x!tpu.dma_semaphore, #tpu.memory_space<semaphore_mem>>
    %dma_wait3A_580 = tpu.memref_squeeze %dma_wait3A_579 : memref<1x!tpu.dma_semaphore, #tpu.memory_space<semaphore_mem>> -> memref<!tpu.dma_semaphore, #tpu.memory_space<semaphore_mem>>
    tpu.wait_indirect_dma semaphore(%dma_wait3A_580 : memref<!tpu.dma_semaphore, #tpu.memory_space<semaphore_mem>>) src(%dma_wait3A_578 : memref<60x128xf32, #tpu.memory_space<vmem_shared>>) dst(%dma_wait3A_572 : memref<80x128xf32, #tpu.memory_space<vmem>>)
    %add3A_581 = arith.constant 80 : i32
    %add3A_582 = arith.addi %mul3A_2, %add3A_581 : i32
    %dma_start3A_583 = arith.constant 1 : i32
    %dma_start3A_584 = arith.constant 1 : i32
    %dma_start3A_585 = arith.constant 0 : i32
    %dma_start3A_586 = arith.constant 0 : i32
    %dma_start3A_587 = tpu.memref_slice %arg13[%dma_start3A_583, %dma_start3A_585, %dma_start3A_586] : memref<5x80x128xf32, #tpu.memory_space<vmem>> -> memref<1x80x128xf32, #tpu.memory_space<vmem>>
    %dma_start3A_588 = tpu.memref_squeeze %dma_start3A_587 : memref<1x80x128xf32, #tpu.memory_space<vmem>> -> memref<80x128xf32, #tpu.memory_space<vmem>>
    %dma_start3A_589 = arith.constant 0 : i32
    %dma_start3A_590 = tpu.memref_slice %arg6[%add3A_582, %dma_start3A_589] : memref<320000x128xf32, #tpu.memory_space<hbm>> -> memref<80x128xf32, #tpu.memory_space<hbm>>
    %dma_start3A_591 = tpu.memref_slice %arg16[%dma_start3A_584] : memref<5x!tpu.dma_semaphore, #tpu.memory_space<semaphore_mem>> -> memref<1x!tpu.dma_semaphore, #tpu.memory_space<semaphore_mem>>
    %dma_start3A_592 = tpu.memref_squeeze %dma_start3A_591 : memref<1x!tpu.dma_semaphore, #tpu.memory_space<semaphore_mem>> -> memref<!tpu.dma_semaphore, #tpu.memory_space<semaphore_mem>>
    %dma_start3A_593 = arith.constant 0 : i32
    %dma_start3A_594 = tpu.memref_slice %arg6[%add3A_582, %dma_start3A_593] : memref<320000x128xf32, #tpu.memory_space<hbm>> -> memref<80x128xf32, #tpu.memory_space<hbm>>
    %dma_start3A_595 = arith.constant 0 : i32
    %dma_start3A_596 = arith.constant 0 : i32
    %dma_start3A_597 = tpu.memref_slice %arg13[%dma_start3A_583, %dma_start3A_595, %dma_start3A_596] : memref<5x80x128xf32, #tpu.memory_space<vmem>> -> memref<1x80x128xf32, #tpu.memory_space<vmem>>
    %dma_start3A_598 = tpu.memref_squeeze %dma_start3A_597 : memref<1x80x128xf32, #tpu.memory_space<vmem>> -> memref<80x128xf32, #tpu.memory_space<vmem>>
    tpu.enqueue_dma source(%dma_start3A_598 : memref<80x128xf32, #tpu.memory_space<vmem>>) target(%dma_start3A_594 : memref<80x128xf32, #tpu.memory_space<hbm>>) target_semaphore(%dma_start3A_592 : memref<!tpu.dma_semaphore, #tpu.memory_space<semaphore_mem>>)
    %get3A_599 = arith.constant 320 : index
    %get3A_600 = tpu.vector_load %arg7[%get3A_599] {strides = array<i32>} : memref<10000xi32, #tpu.memory_space<vmem>>, vector<16xi32>,
    %get3A_601 = vector.shape_cast %get3A_600 : vector<16xi32> to vector<16xi32>
    %get3A_602 = arith.constant 320 : index
    %get3A_603 = tpu.vector_load %arg8[%get3A_602] {strides = array<i32>} : memref<10000xi32, #tpu.memory_space<vmem>>, vector<16xi32>,
    %get3A_604 = vector.shape_cast %get3A_603 : vector<16xi32> to vector<16xi32>
    %get3A_605 = arith.constant 320 : index
    %get3A_606 = tpu.vector_load %arg9[%get3A_605] {strides = array<i32>} : memref<10000xi32, #tpu.memory_space<vmem>>, vector<16xi32>,
    %get3A_607 = vector.shape_cast %get3A_606 : vector<16xi32> to vector<16xi32>
    %mul3A_608 = arith.constant 12 : i32
    %mul3A_609 = vector.broadcast %mul3A_608 : i32 to vector<16xi32>
    %mul3A_610 = arith.muli %get3A_601, %mul3A_609 : vector<16xi32>
    %mul3A_611 = arith.constant 2 : i32
    %mul3A_612 = vector.broadcast %mul3A_611 : i32 to vector<16xi32>
    %mul3A_613 = arith.muli %get3A_604, %mul3A_612 : vector<16xi32>
    %add3A_614 = arith.addi %mul3A_610, %mul3A_613 : vector<16xi32>
    %add3A_615 = arith.addi %add3A_614, %get3A_607 : vector<16xi32>
    %swap3A_616 = arith.constant 4 : i32
    %swap3A_617 = arith.index_cast %swap3A_616 : i32 to index
    %swap3A_618 = arith.constant 0 : index
    %swap3A_619 = tpu.vector_load %arg12[%swap3A_617, %swap3A_618] {strides = array<i32>} : memref<5x80xi32, #tpu.memory_space<vmem>>, vector<1x16xi32>,
    %swap3A_620 = vector.shape_cast %swap3A_619 : vector<1x16xi32> to vector<16xi32>
    %swap3A_621 = vector.shape_cast %add3A_615 : vector<16xi32> to vector<1x16xi32>
    tpu.vector_store %arg12[%swap3A_617, %swap3A_618], %swap3A_621 {strides = array<i32>} : memref<5x80xi32, #tpu.memory_space<vmem>>, vector<1x16xi32>,
    %get3A_622 = arith.constant 336 : index
    %get3A_623 = tpu.vector_load %arg7[%get3A_622] {strides = array<i32>} : memref<10000xi32, #tpu.memory_space<vmem>>, vector<16xi32>,
    %get3A_624 = vector.shape_cast %get3A_623 : vector<16xi32> to vector<16xi32>
    %get3A_625 = arith.constant 336 : index
    %get3A_626 = tpu.vector_load %arg8[%get3A_625] {strides = array<i32>} : memref<10000xi32, #tpu.memory_space<vmem>>, vector<16xi32>,
    %get3A_627 = vector.shape_cast %get3A_626 : vector<16xi32> to vector<16xi32>
    %get3A_628 = arith.constant 336 : index
    %get3A_629 = tpu.vector_load %arg9[%get3A_628] {strides = array<i32>} : memref<10000xi32, #tpu.memory_space<vmem>>, vector<16xi32>,
    %get3A_630 = vector.shape_cast %get3A_629 : vector<16xi32> to vector<16xi32>
    %mul3A_631 = arith.constant 12 : i32
    %mul3A_632 = vector.broadcast %mul3A_631 : i32 to vector<16xi32>
    %mul3A_633 = arith.muli %get3A_624, %mul3A_632 : vector<16xi32>
    %mul3A_634 = arith.constant 2 : i32
    %mul3A_635 = vector.broadcast %mul3A_634 : i32 to vector<16xi32>
    %mul3A_636 = arith.muli %get3A_627, %mul3A_635 : vector<16xi32>
    %add3A_637 = arith.addi %mul3A_633, %mul3A_636 : vector<16xi32>
    %add3A_638 = arith.addi %add3A_637, %get3A_630 : vector<16xi32>
    %swap3A_639 = arith.constant 4 : i32
    %swap3A_640 = arith.index_cast %swap3A_639 : i32 to index
    %swap3A_641 = arith.constant 16 : index
    %swap3A_642 = tpu.vector_load %arg12[%swap3A_640, %swap3A_641] {strides = array<i32>} : memref<5x80xi32, #tpu.memory_space<vmem>>, vector<1x16xi32>,
    %swap3A_643 = vector.shape_cast %swap3A_642 : vector<1x16xi32> to vector<16xi32>
    %swap3A_644 = vector.shape_cast %add3A_638 : vector<16xi32> to vector<1x16xi32>
    tpu.vector_store %arg12[%swap3A_640, %swap3A_641], %swap3A_644 {strides = array<i32>} : memref<5x80xi32, #tpu.memory_space<vmem>>, vector<1x16xi32>,
    %get3A_645 = arith.constant 352 : index
    %get3A_646 = tpu.vector_load %arg7[%get3A_645] {strides = array<i32>} : memref<10000xi32, #tpu.memory_space<vmem>>, vector<16xi32>,
    %get3A_647 = vector.shape_cast %get3A_646 : vector<16xi32> to vector<16xi32>
    %get3A_648 = arith.constant 352 : index
    %get3A_649 = tpu.vector_load %arg8[%get3A_648] {strides = array<i32>} : memref<10000xi32, #tpu.memory_space<vmem>>, vector<16xi32>,
    %get3A_650 = vector.shape_cast %get3A_649 : vector<16xi32> to vector<16xi32>
    %get3A_651 = arith.constant 352 : index
    %get3A_652 = tpu.vector_load %arg9[%get3A_651] {strides = array<i32>} : memref<10000xi32, #tpu.memory_space<vmem>>, vector<16xi32>,
    %get3A_653 = vector.shape_cast %get3A_652 : vector<16xi32> to vector<16xi32>
    %mul3A_654 = arith.constant 12 : i32
    %mul3A_655 = vector.broadcast %mul3A_654 : i32 to vector<16xi32>
    %mul3A_656 = arith.muli %get3A_647, %mul3A_655 : vector<16xi32>
    %mul3A_657 = arith.constant 2 : i32
    %mul3A_658 = vector.broadcast %mul3A_657 : i32 to vector<16xi32>
    %mul3A_659 = arith.muli %get3A_650, %mul3A_658 : vector<16xi32>
    %add3A_660 = arith.addi %mul3A_656, %mul3A_659 : vector<16xi32>
    %add3A_661 = arith.addi %add3A_660, %get3A_653 : vector<16xi32>
    %swap3A_662 = arith.constant 4 : i32
    %swap3A_663 = arith.index_cast %swap3A_662 : i32 to index
    %swap3A_664 = arith.constant 32 : index
    %swap3A_665 = tpu.vector_load %arg12[%swap3A_663, %swap3A_664] {strides = array<i32>} : memref<5x80xi32, #tpu.memory_space<vmem>>, vector<1x16xi32>,
    %swap3A_666 = vector.shape_cast %swap3A_665 : vector<1x16xi32> to vector<16xi32>
    %swap3A_667 = vector.shape_cast %add3A_661 : vector<16xi32> to vector<1x16xi32>
    tpu.vector_store %arg12[%swap3A_663, %swap3A_664], %swap3A_667 {strides = array<i32>} : memref<5x80xi32, #tpu.memory_space<vmem>>, vector<1x16xi32>,
    %get3A_668 = arith.constant 368 : index
    %get3A_669 = tpu.vector_load %arg7[%get3A_668] {strides = array<i32>} : memref<10000xi32, #tpu.memory_space<vmem>>, vector<16xi32>,
    %get3A_670 = vector.shape_cast %get3A_669 : vector<16xi32> to vector<16xi32>
    %get3A_671 = arith.constant 368 : index
    %get3A_672 = tpu.vector_load %arg8[%get3A_671] {strides = array<i32>} : memref<10000xi32, #tpu.memory_space<vmem>>, vector<16xi32>,
    %get3A_673 = vector.shape_cast %get3A_672 : vector<16xi32> to vector<16xi32>
    %get3A_674 = arith.constant 368 : index
    %get3A_675 = tpu.vector_load %arg9[%get3A_674] {strides = array<i32>} : memref<10000xi32, #tpu.memory_space<vmem>>, vector<16xi32>,
    %get3A_676 = vector.shape_cast %get3A_675 : vector<16xi32> to vector<16xi32>
    %mul3A_677 = arith.constant 12 : i32
    %mul3A_678 = vector.broadcast %mul3A_677 : i32 to vector<16xi32>
    %mul3A_679 = arith.muli %get3A_670, %mul3A_678 : vector<16xi32>
    %mul3A_680 = arith.constant 2 : i32
    %mul3A_681 = vector.broadcast %mul3A_680 : i32 to vector<16xi32>
    %mul3A_682 = arith.muli %get3A_673, %mul3A_681 : vector<16xi32>
    %add3A_683 = arith.addi %mul3A_679, %mul3A_682 : vector<16xi32>
    %add3A_684 = arith.addi %add3A_683, %get3A_676 : vector<16xi32>
    %swap3A_685 = arith.constant 4 : i32
    %swap3A_686 = arith.index_cast %swap3A_685 : i32 to index
    %swap3A_687 = arith.constant 48 : index
    %swap3A_688 = tpu.vector_load %arg12[%swap3A_686, %swap3A_687] {strides = array<i32>} : memref<5x80xi32, #tpu.memory_space<vmem>>, vector<1x16xi32>,
    %swap3A_689 = vector.shape_cast %swap3A_688 : vector<1x16xi32> to vector<16xi32>
    %swap3A_690 = vector.shape_cast %add3A_684 : vector<16xi32> to vector<1x16xi32>
    tpu.vector_store %arg12[%swap3A_686, %swap3A_687], %swap3A_690 {strides = array<i32>} : memref<5x80xi32, #tpu.memory_space<vmem>>, vector<1x16xi32>,
    %get3A_691 = arith.constant 384 : index
    %get3A_692 = tpu.vector_load %arg7[%get3A_691] {strides = array<i32>} : memref<10000xi32, #tpu.memory_space<vmem>>, vector<16xi32>,
    %get3A_693 = vector.shape_cast %get3A_692 : vector<16xi32> to vector<16xi32>
    %get3A_694 = arith.constant 384 : index
    %get3A_695 = tpu.vector_load %arg8[%get3A_694] {strides = array<i32>} : memref<10000xi32, #tpu.memory_space<vmem>>, vector<16xi32>,
    %get3A_696 = vector.shape_cast %get3A_695 : vector<16xi32> to vector<16xi32>
    %get3A_697 = arith.constant 384 : index
    %get3A_698 = tpu.vector_load %arg9[%get3A_697] {strides = array<i32>} : memref<10000xi32, #tpu.memory_space<vmem>>, vector<16xi32>,
    %get3A_699 = vector.shape_cast %get3A_698 : vector<16xi32> to vector<16xi32>
    %mul3A_700 = arith.constant 12 : i32
    %mul3A_701 = vector.broadcast %mul3A_700 : i32 to vector<16xi32>
    %mul3A_702 = arith.muli %get3A_693, %mul3A_701 : vector<16xi32>
    %mul3A_703 = arith.constant 2 : i32
    %mul3A_704 = vector.broadcast %mul3A_703 : i32 to vector<16xi32>
    %mul3A_705 = arith.muli %get3A_696, %mul3A_704 : vector<16xi32>
    %add3A_706 = arith.addi %mul3A_702, %mul3A_705 : vector<16xi32>
    %add3A_707 = arith.addi %add3A_706, %get3A_699 : vector<16xi32>
    %swap3A_708 = arith.constant 4 : i32
    %swap3A_709 = arith.index_cast %swap3A_708 : i32 to index
    %swap3A_710 = arith.constant 64 : index
    %swap3A_711 = tpu.vector_load %arg12[%swap3A_709, %swap3A_710] {strides = array<i32>} : memref<5x80xi32, #tpu.memory_space<vmem>>, vector<1x16xi32>,
    %swap3A_712 = vector.shape_cast %swap3A_711 : vector<1x16xi32> to vector<16xi32>
    %swap3A_713 = vector.shape_cast %add3A_707 : vector<16xi32> to vector<1x16xi32>
    tpu.vector_store %arg12[%swap3A_709, %swap3A_710], %swap3A_713 {strides = array<i32>} : memref<5x80xi32, #tpu.memory_space<vmem>>, vector<1x16xi32>,
    %dma_start3A_714 = arith.constant 4 : i32
    %dma_start3A_715 = arith.constant 4 : i32
    %dma_start3A_716 = arith.constant 4 : i32
    %dma_start3A_717 = arith.constant 0 : i32
    %dma_start3A_718 = arith.constant 0 : i32
    %dma_start3A_719 = tpu.memref_slice %arg13[%dma_start3A_715, %dma_start3A_717, %dma_start3A_718] : memref<5x80x128xf32, #tpu.memory_space<vmem>> -> memref<1x80x128xf32, #tpu.memory_space<vmem>>
    %dma_start3A_720 = tpu.memref_squeeze %dma_start3A_719 : memref<1x80x128xf32, #tpu.memory_space<vmem>> -> memref<80x128xf32, #tpu.memory_space<vmem>>
    %dma_start3A_721 = arith.constant 0 : i32
    %dma_start3A_722 = tpu.memref_slice %arg12[%dma_start3A_714, %dma_start3A_721] : memref<5x80xi32, #tpu.memory_space<vmem>> -> memref<1x80xi32, #tpu.memory_space<vmem>>
    %dma_start3A_723 = tpu.memref_squeeze %dma_start3A_722 : memref<1x80xi32, #tpu.memory_space<vmem>> -> memref<80xi32, #tpu.memory_space<vmem>>
    %dma_start3A_724 = arith.constant 0 : i32
    %dma_start3A_725 = arith.constant 0 : i32
    %dma_start3A_726 = tpu.memref_slice %arg11[%dma_start3A_724, %dma_start3A_725] : memref<60x128xf32, #tpu.memory_space<vmem_shared>> -> memref<60x128xf32, #tpu.memory_space<vmem_shared>>
    %dma_start3A_727 = tpu.memref_slice %arg15[%dma_start3A_716] : memref<5x!tpu.dma_semaphore, #tpu.memory_space<semaphore_mem>> -> memref<1x!tpu.dma_semaphore, #tpu.memory_space<semaphore_mem>>
    %dma_start3A_728 = tpu.memref_squeeze %dma_start3A_727 : memref<1x!tpu.dma_semaphore, #tpu.memory_space<semaphore_mem>> -> memref<!tpu.dma_semaphore, #tpu.memory_space<semaphore_mem>>
    tpu.enqueue_indirect_dma source(%dma_start3A_726 : memref<60x128xf32, #tpu.memory_space<vmem_shared>>) target(%dma_start3A_720 : memref<80x128xf32, #tpu.memory_space<vmem>>) offsets(%dma_start3A_723 : memref<80xi32, #tpu.memory_space<vmem>>) semaphore(%dma_start3A_728 : memref<!tpu.dma_semaphore, #tpu.memory_space<semaphore_mem>>)
    %dma_wait3A_729 = arith.constant 2 : i32
    %dma_wait3A_730 = arith.constant 2 : i32
    %dma_wait3A_731 = arith.constant 2 : i32
    %dma_wait3A_732 = arith.constant 0 : i32
    %dma_wait3A_733 = arith.constant 0 : i32
    %dma_wait3A_734 = tpu.memref_slice %arg13[%dma_wait3A_730, %dma_wait3A_732, %dma_wait3A_733] : memref<5x80x128xf32, #tpu.memory_space<vmem>> -> memref<1x80x128xf32, #tpu.memory_space<vmem>>
    %dma_wait3A_735 = tpu.memref_squeeze %dma_wait3A_734 : memref<1x80x128xf32, #tpu.memory_space<vmem>> -> memref<80x128xf32, #tpu.memory_space<vmem>>
    %dma_wait3A_736 = arith.constant 0 : i32
    %dma_wait3A_737 = tpu.memref_slice %arg12[%dma_wait3A_729, %dma_wait3A_736] : memref<5x80xi32, #tpu.memory_space<vmem>> -> memref<1x80xi32, #tpu.memory_space<vmem>>
    %dma_wait3A_738 = tpu.memref_squeeze %dma_wait3A_737 : memref<1x80xi32, #tpu.memory_space<vmem>> -> memref<80xi32, #tpu.memory_space<vmem>>
    %dma_wait3A_739 = arith.constant 0 : i32
    %dma_wait3A_740 = arith.constant 0 : i32
    %dma_wait3A_741 = tpu.memref_slice %arg11[%dma_wait3A_739, %dma_wait3A_740] : memref<60x128xf32, #tpu.memory_space<vmem_shared>> -> memref<60x128xf32, #tpu.memory_space<vmem_shared>>
    %dma_wait3A_742 = tpu.memref_slice %arg15[%dma_wait3A_731] : memref<5x!tpu.dma_semaphore, #tpu.memory_space<semaphore_mem>> -> memref<1x!tpu.dma_semaphore, #tpu.memory_space<semaphore_mem>>
    %dma_wait3A_743 = tpu.memref_squeeze %dma_wait3A_742 : memref<1x!tpu.dma_semaphore, #tpu.memory_space<semaphore_mem>> -> memref<!tpu.dma_semaphore, #tpu.memory_space<semaphore_mem>>
    tpu.wait_indirect_dma semaphore(%dma_wait3A_743 : memref<!tpu.dma_semaphore, #tpu.memory_space<semaphore_mem>>) src(%dma_wait3A_741 : memref<60x128xf32, #tpu.memory_space<vmem_shared>>) dst(%dma_wait3A_735 : memref<80x128xf32, #tpu.memory_space<vmem>>)
    %add3A_744 = arith.constant 160 : i32
    %add3A_745 = arith.addi %mul3A_2, %add3A_744 : i32
    %dma_start3A_746 = arith.constant 2 : i32
    %dma_start3A_747 = arith.constant 2 : i32
    %dma_start3A_748 = arith.constant 0 : i32
    %dma_start3A_749 = arith.constant 0 : i32
    %dma_start3A_750 = tpu.memref_slice %arg13[%dma_start3A_746, %dma_start3A_748, %dma_start3A_749] : memref<5x80x128xf32, #tpu.memory_space<vmem>> -> memref<1x80x128xf32, #tpu.memory_space<vmem>>
    %dma_start3A_751 = tpu.memref_squeeze %dma_start3A_750 : memref<1x80x128xf32, #tpu.memory_space<vmem>> -> memref<80x128xf32, #tpu.memory_space<vmem>>
    %dma_start3A_752 = arith.constant 0 : i32
    %dma_start3A_753 = tpu.memref_slice %arg6[%add3A_745, %dma_start3A_752] : memref<320000x128xf32, #tpu.memory_space<hbm>> -> memref<80x128xf32, #tpu.memory_space<hbm>>
    %dma_start3A_754 = tpu.memref_slice %arg16[%dma_start3A_747] : memref<5x!tpu.dma_semaphore, #tpu.memory_space<semaphore_mem>> -> memref<1x!tpu.dma_semaphore, #tpu.memory_space<semaphore_mem>>
    %dma_start3A_755 = tpu.memref_squeeze %dma_start3A_754 : memref<1x!tpu.dma_semaphore, #tpu.memory_space<semaphore_mem>> -> memref<!tpu.dma_semaphore, #tpu.memory_space<semaphore_mem>>
    %dma_start3A_756 = arith.constant 0 : i32
    %dma_start3A_757 = tpu.memref_slice %arg6[%add3A_745, %dma_start3A_756] : memref<320000x128xf32, #tpu.memory_space<hbm>> -> memref<80x128xf32, #tpu.memory_space<hbm>>
    %dma_start3A_758 = arith.constant 0 : i32
    %dma_start3A_759 = arith.constant 0 : i32
    %dma_start3A_760 = tpu.memref_slice %arg13[%dma_start3A_746, %dma_start3A_758, %dma_start3A_759] : memref<5x80x128xf32, #tpu.memory_space<vmem>> -> memref<1x80x128xf32, #tpu.memory_space<vmem>>
    %dma_start3A_761 = tpu.memref_squeeze %dma_start3A_760 : memref<1x80x128xf32, #tpu.memory_space<vmem>> -> memref<80x128xf32, #tpu.memory_space<vmem>>
    tpu.enqueue_dma source(%dma_start3A_761 : memref<80x128xf32, #tpu.memory_space<vmem>>) target(%dma_start3A_757 : memref<80x128xf32, #tpu.memory_space<hbm>>) target_semaphore(%dma_start3A_755 : memref<!tpu.dma_semaphore, #tpu.memory_space<semaphore_mem>>)
    %get3A_762 = arith.constant 400 : index
    %get3A_763 = tpu.vector_load %arg7[%get3A_762] {strides = array<i32>} : memref<10000xi32, #tpu.memory_space<vmem>>, vector<16xi32>,
    %get3A_764 = vector.shape_cast %get3A_763 : vector<16xi32> to vector<16xi32>
    %get3A_765 = arith.constant 400 : index
    %get3A_766 = tpu.vector_load %arg8[%get3A_765] {strides = array<i32>} : memref<10000xi32, #tpu.memory_space<vmem>>, vector<16xi32>,
    %get3A_767 = vector.shape_cast %get3A_766 : vector<16xi32> to vector<16xi32>
    %get3A_768 = arith.constant 400 : index
    %get3A_769 = tpu.vector_load %arg9[%get3A_768] {strides = array<i32>} : memref<10000xi32, #tpu.memory_space<vmem>>, vector<16xi32>,
    %get3A_770 = vector.shape_cast %get3A_769 : vector<16xi32> to vector<16xi32>
    %mul3A_771 = arith.constant 12 : i32
    %mul3A_772 = vector.broadcast %mul3A_771 : i32 to vector<16xi32>
    %mul3A_773 = arith.muli %get3A_764, %mul3A_772 : vector<16xi32>
    %mul3A_774 = arith.constant 2 : i32
    %mul3A_775 = vector.broadcast %mul3A_774 : i32 to vector<16xi32>
    %mul3A_776 = arith.muli %get3A_767, %mul3A_775 : vector<16xi32>
    %add3A_777 = arith.addi %mul3A_773, %mul3A_776 : vector<16xi32>
    %add3A_778 = arith.addi %add3A_777, %get3A_770 : vector<16xi32>
    %swap3A_779 = arith.constant 0 : i32
    %swap3A_780 = arith.index_cast %swap3A_779 : i32 to index
    %swap3A_781 = arith.constant 0 : index
    %swap3A_782 = tpu.vector_load %arg12[%swap3A_780, %swap3A_781] {strides = array<i32>} : memref<5x80xi32, #tpu.memory_space<vmem>>, vector<1x16xi32>,
    %swap3A_783 = vector.shape_cast %swap3A_782 : vector<1x16xi32> to vector<16xi32>
    %swap3A_784 = vector.shape_cast %add3A_778 : vector<16xi32> to vector<1x16xi32>
    tpu.vector_store %arg12[%swap3A_780, %swap3A_781], %swap3A_784 {strides = array<i32>} : memref<5x80xi32, #tpu.memory_space<vmem>>, vector<1x16xi32>,
    %get3A_785 = arith.constant 416 : index
    %get3A_786 = tpu.vector_load %arg7[%get3A_785] {strides = array<i32>} : memref<10000xi32, #tpu.memory_space<vmem>>, vector<16xi32>,
    %get3A_787 = vector.shape_cast %get3A_786 : vector<16xi32> to vector<16xi32>
    %get3A_788 = arith.constant 416 : index
    %get3A_789 = tpu.vector_load %arg8[%get3A_788] {strides = array<i32>} : memref<10000xi32, #tpu.memory_space<vmem>>, vector<16xi32>,
    %get3A_790 = vector.shape_cast %get3A_789 : vector<16xi32> to vector<16xi32>
    %get3A_791 = arith.constant 416 : index
    %get3A_792 = tpu.vector_load %arg9[%get3A_791] {strides = array<i32>} : memref<10000xi32, #tpu.memory_space<vmem>>, vector<16xi32>,
    %get3A_793 = vector.shape_cast %get3A_792 : vector<16xi32> to vector<16xi32>
    %mul3A_794 = arith.constant 12 : i32
    %mul3A_795 = vector.broadcast %mul3A_794 : i32 to vector<16xi32>
    %mul3A_796 = arith.muli %get3A_787, %mul3A_795 : vector<16xi32>
    %mul3A_797 = arith.constant 2 : i32
    %mul3A_798 = vector.broadcast %mul3A_797 : i32 to vector<16xi32>
    %mul3A_799 = arith.muli %get3A_790, %mul3A_798 : vector<16xi32>
    %add3A_800 = arith.addi %mul3A_796, %mul3A_799 : vector<16xi32>
    %add3A_801 = arith.addi %add3A_800, %get3A_793 : vector<16xi32>
    %swap3A_802 = arith.constant 0 : i32
    %swap3A_803 = arith.index_cast %swap3A_802 : i32 to index
    %swap3A_804 = arith.constant 16 : index
    %swap3A_805 = tpu.vector_load %arg12[%swap3A_803, %swap3A_804] {strides = array<i32>} : memref<5x80xi32, #tpu.memory_space<vmem>>, vector<1x16xi32>,
    %swap3A_806 = vector.shape_cast %swap3A_805 : vector<1x16xi32> to vector<16xi32>
    %swap3A_807 = vector.shape_cast %add3A_801 : vector<16xi32> to vector<1x16xi32>
    tpu.vector_store %arg12[%swap3A_803, %swap3A_804], %swap3A_807 {strides = array<i32>} : memref<5x80xi32, #tpu.memory_space<vmem>>, vector<1x16xi32>,
    %get3A_808 = arith.constant 432 : index
    %get3A_809 = tpu.vector_load %arg7[%get3A_808] {strides = array<i32>} : memref<10000xi32, #tpu.memory_space<vmem>>, vector<16xi32>,
    %get3A_810 = vector.shape_cast %get3A_809 : vector<16xi32> to vector<16xi32>
    %get3A_811 = arith.constant 432 : index
    %get3A_812 = tpu.vector_load %arg8[%get3A_811] {strides = array<i32>} : memref<10000xi32, #tpu.memory_space<vmem>>, vector<16xi32>,
    %get3A_813 = vector.shape_cast %get3A_812 : vector<16xi32> to vector<16xi32>
    %get3A_814 = arith.constant 432 : index
    %get3A_815 = tpu.vector_load %arg9[%get3A_814] {strides = array<i32>} : memref<10000xi32, #tpu.memory_space<vmem>>, vector<16xi32>,
    %get3A_816 = vector.shape_cast %get3A_815 : vector<16xi32> to vector<16xi32>
    %mul3A_817 = arith.constant 12 : i32
    %mul3A_818 = vector.broadcast %mul3A_817 : i32 to vector<16xi32>
    %mul3A_819 = arith.muli %get3A_810, %mul3A_818 : vector<16xi32>
    %mul3A_820 = arith.constant 2 : i32
    %mul3A_821 = vector.broadcast %mul3A_820 : i32 to vector<16xi32>
    %mul3A_822 = arith.muli %get3A_813, %mul3A_821 : vector<16xi32>
    %add3A_823 = arith.addi %mul3A_819, %mul3A_822 : vector<16xi32>
    %add3A_824 = arith.addi %add3A_823, %get3A_816 : vector<16xi32>
    %swap3A_825 = arith.constant 0 : i32
    %swap3A_826 = arith.index_cast %swap3A_825 : i32 to index
    %swap3A_827 = arith.constant 32 : index
    %swap3A_828 = tpu.vector_load %arg12[%swap3A_826, %swap3A_827] {strides = array<i32>} : memref<5x80xi32, #tpu.memory_space<vmem>>, vector<1x16xi32>,
    %swap3A_829 = vector.shape_cast %swap3A_828 : vector<1x16xi32> to vector<16xi32>
    %swap3A_830 = vector.shape_cast %add3A_824 : vector<16xi32> to vector<1x16xi32>
    tpu.vector_store %arg12[%swap3A_826, %swap3A_827], %swap3A_830 {strides = array<i32>} : memref<5x80xi32, #tpu.memory_space<vmem>>, vector<1x16xi32>,
    %get3A_831 = arith.constant 448 : index
    %get3A_832 = tpu.vector_load %arg7[%get3A_831] {strides = array<i32>} : memref<10000xi32, #tpu.memory_space<vmem>>, vector<16xi32>,
    %get3A_833 = vector.shape_cast %get3A_832 : vector<16xi32> to vector<16xi32>
    %get3A_834 = arith.constant 448 : index
    %get3A_835 = tpu.vector_load %arg8[%get3A_834] {strides = array<i32>} : memref<10000xi32, #tpu.memory_space<vmem>>, vector<16xi32>,
    %get3A_836 = vector.shape_cast %get3A_835 : vector<16xi32> to vector<16xi32>
    %get3A_837 = arith.constant 448 : index
    %get3A_838 = tpu.vector_load %arg9[%get3A_837] {strides = array<i32>} : memref<10000xi32, #tpu.memory_space<vmem>>, vector<16xi32>,
    %get3A_839 = vector.shape_cast %get3A_838 : vector<16xi32> to vector<16xi32>
    %mul3A_840 = arith.constant 12 : i32
    %mul3A_841 = vector.broadcast %mul3A_840 : i32 to vector<16xi32>
    %mul3A_842 = arith.muli %get3A_833, %mul3A_841 : vector<16xi32>
    %mul3A_843 = arith.constant 2 : i32
    %mul3A_844 = vector.broadcast %mul3A_843 : i32 to vector<16xi32>
    %mul3A_845 = arith.muli %get3A_836, %mul3A_844 : vector<16xi32>
    %add3A_846 = arith.addi %mul3A_842, %mul3A_845 : vector<16xi32>
    %add3A_847 = arith.addi %add3A_846, %get3A_839 : vector<16xi32>
    %swap3A_848 = arith.constant 0 : i32
    %swap3A_849 = arith.index_cast %swap3A_848 : i32 to index
    %swap3A_850 = arith.constant 48 : index
    %swap3A_851 = tpu.vector_load %arg12[%swap3A_849, %swap3A_850] {strides = array<i32>} : memref<5x80xi32, #tpu.memory_space<vmem>>, vector<1x16xi32>,
    %swap3A_852 = vector.shape_cast %swap3A_851 : vector<1x16xi32> to vector<16xi32>
    %swap3A_853 = vector.shape_cast %add3A_847 : vector<16xi32> to vector<1x16xi32>
    tpu.vector_store %arg12[%swap3A_849, %swap3A_850], %swap3A_853 {strides = array<i32>} : memref<5x80xi32, #tpu.memory_space<vmem>>, vector<1x16xi32>,
    %get3A_854 = arith.constant 464 : index
    %get3A_855 = tpu.vector_load %arg7[%get3A_854] {strides = array<i32>} : memref<10000xi32, #tpu.memory_space<vmem>>, vector<16xi32>,
    %get3A_856 = vector.shape_cast %get3A_855 : vector<16xi32> to vector<16xi32>
    %get3A_857 = arith.constant 464 : index
    %get3A_858 = tpu.vector_load %arg8[%get3A_857] {strides = array<i32>} : memref<10000xi32, #tpu.memory_space<vmem>>, vector<16xi32>,
    %get3A_859 = vector.shape_cast %get3A_858 : vector<16xi32> to vector<16xi32>
    %get3A_860 = arith.constant 464 : index
    %get3A_861 = tpu.vector_load %arg9[%get3A_860] {strides = array<i32>} : memref<10000xi32, #tpu.memory_space<vmem>>, vector<16xi32>,
    %get3A_862 = vector.shape_cast %get3A_861 : vector<16xi32> to vector<16xi32>
    %mul3A_863 = arith.constant 12 : i32
    %mul3A_864 = vector.broadcast %mul3A_863 : i32 to vector<16xi32>
    %mul3A_865 = arith.muli %get3A_856, %mul3A_864 : vector<16xi32>
    %mul3A_866 = arith.constant 2 : i32
    %mul3A_867 = vector.broadcast %mul3A_866 : i32 to vector<16xi32>
    %mul3A_868 = arith.muli %get3A_859, %mul3A_867 : vector<16xi32>
    %add3A_869 = arith.addi %mul3A_865, %mul3A_868 : vector<16xi32>
    %add3A_870 = arith.addi %add3A_869, %get3A_862 : vector<16xi32>
    %swap3A_871 = arith.constant 0 : i32
    %swap3A_872 = arith.index_cast %swap3A_871 : i32 to index
    %swap3A_873 = arith.constant 64 : index
    %swap3A_874 = tpu.vector_load %arg12[%swap3A_872, %swap3A_873] {strides = array<i32>} : memref<5x80xi32, #tpu.memory_space<vmem>>, vector<1x16xi32>,
    %swap3A_875 = vector.shape_cast %swap3A_874 : vector<1x16xi32> to vector<16xi32>
    %swap3A_876 = vector.shape_cast %add3A_870 : vector<16xi32> to vector<1x16xi32>
    tpu.vector_store %arg12[%swap3A_872, %swap3A_873], %swap3A_876 {strides = array<i32>} : memref<5x80xi32, #tpu.memory_space<vmem>>, vector<1x16xi32>,
    %add3A_877 = arith.constant 0 : i32
    %add3A_878 = arith.addi %mul3A_2, %add3A_877 : i32
    %dma_wait3A_879 = arith.constant 0 : i32
    %dma_wait3A_880 = arith.constant 0 : i32
    %dma_wait3A_881 = arith.constant 0 : i32
    %dma_wait3A_882 = arith.constant 0 : i32
    %dma_wait3A_883 = tpu.memref_slice %arg13[%dma_wait3A_879, %dma_wait3A_881, %dma_wait3A_882] : memref<5x80x128xf32, #tpu.memory_space<vmem>> -> memref<1x80x128xf32, #tpu.memory_space<vmem>>
    %dma_wait3A_884 = tpu.memref_squeeze %dma_wait3A_883 : memref<1x80x128xf32, #tpu.memory_space<vmem>> -> memref<80x128xf32, #tpu.memory_space<vmem>>
    %dma_wait3A_885 = arith.constant 0 : i32
    %dma_wait3A_886 = tpu.memref_slice %arg6[%add3A_878, %dma_wait3A_885] : memref<320000x128xf32, #tpu.memory_space<hbm>> -> memref<80x128xf32, #tpu.memory_space<hbm>>
    %dma_wait3A_887 = tpu.memref_slice %arg16[%dma_wait3A_880] : memref<5x!tpu.dma_semaphore, #tpu.memory_space<semaphore_mem>> -> memref<1x!tpu.dma_semaphore, #tpu.memory_space<semaphore_mem>>
    %dma_wait3A_888 = tpu.memref_squeeze %dma_wait3A_887 : memref<1x!tpu.dma_semaphore, #tpu.memory_space<semaphore_mem>> -> memref<!tpu.dma_semaphore, #tpu.memory_space<semaphore_mem>>
    %dma_wait3A_889 = arith.constant 0 : i32
    %dma_wait3A_890 = tpu.memref_slice %arg6[%add3A_878, %dma_wait3A_889] : memref<320000x128xf32, #tpu.memory_space<hbm>> -> memref<80x128xf32, #tpu.memory_space<hbm>>
    %dma_wait3A_891 = arith.constant 0 : i32
    %dma_wait3A_892 = arith.constant 0 : i32
    %dma_wait3A_893 = tpu.memref_slice %arg13[%dma_wait3A_879, %dma_wait3A_891, %dma_wait3A_892] : memref<5x80x128xf32, #tpu.memory_space<vmem>> -> memref<1x80x128xf32, #tpu.memory_space<vmem>>
    %dma_wait3A_894 = tpu.memref_squeeze %dma_wait3A_893 : memref<1x80x128xf32, #tpu.memory_space<vmem>> -> memref<80x128xf32, #tpu.memory_space<vmem>>
    tpu.wait_dma2 semaphore(%dma_wait3A_888 : memref<!tpu.dma_semaphore, #tpu.memory_space<semaphore_mem>>) src(%dma_wait3A_894 : memref<80x128xf32, #tpu.memory_space<vmem>>) dst(%dma_wait3A_890 : memref<80x128xf32, #tpu.memory_space<hbm>>)
    %dma_start3A_895 = arith.constant 0 : i32
    %dma_start3A_896 = arith.constant 0 : i32
    %dma_start3A_897 = arith.constant 0 : i32
    %dma_start3A_898 = arith.constant 0 : i32
    %dma_start3A_899 = arith.constant 0 : i32
    %dma_start3A_900 = tpu.memref_slice %arg13[%dma_start3A_896, %dma_start3A_898, %dma_start3A_899] : memref<5x80x128xf32, #tpu.memory_space<vmem>> -> memref<1x80x128xf32, #tpu.memory_space<vmem>>
    %dma_start3A_901 = tpu.memref_squeeze %dma_start3A_900 : memref<1x80x128xf32, #tpu.memory_space<vmem>> -> memref<80x128xf32, #tpu.memory_space<vmem>>
    %dma_start3A_902 = arith.constant 0 : i32
    %dma_start3A_903 = tpu.memref_slice %arg12[%dma_start3A_895, %dma_start3A_902] : memref<5x80xi32, #tpu.memory_space<vmem>> -> memref<1x80xi32, #tpu.memory_space<vmem>>
    %dma_start3A_904 = tpu.memref_squeeze %dma_start3A_903 : memref<1x80xi32, #tpu.memory_space<vmem>> -> memref<80xi32, #tpu.memory_space<vmem>>
    %dma_start3A_905 = arith.constant 0 : i32
    %dma_start3A_906 = arith.constant 0 : i32
    %dma_start3A_907 = tpu.memref_slice %arg11[%dma_start3A_905, %dma_start3A_906] : memref<60x128xf32, #tpu.memory_space<vmem_shared>> -> memref<60x128xf32, #tpu.memory_space<vmem_shared>>
    %dma_start3A_908 = tpu.memref_slice %arg15[%dma_start3A_897] : memref<5x!tpu.dma_semaphore, #tpu.memory_space<semaphore_mem>> -> memref<1x!tpu.dma_semaphore, #tpu.memory_space<semaphore_mem>>
    %dma_start3A_909 = tpu.memref_squeeze %dma_start3A_908 : memref<1x!tpu.dma_semaphore, #tpu.memory_space<semaphore_mem>> -> memref<!tpu.dma_semaphore, #tpu.memory_space<semaphore_mem>>
    tpu.enqueue_indirect_dma source(%dma_start3A_907 : memref<60x128xf32, #tpu.memory_space<vmem_shared>>) target(%dma_start3A_901 : memref<80x128xf32, #tpu.memory_space<vmem>>) offsets(%dma_start3A_904 : memref<80xi32, #tpu.memory_space<vmem>>) semaphore(%dma_start3A_909 : memref<!tpu.dma_semaphore, #tpu.memory_space<semaphore_mem>>)
    %dma_wait3A_910 = arith.constant 3 : i32
    %dma_wait3A_911 = arith.constant 3 : i32
    %dma_wait3A_912 = arith.constant 3 : i32
    %dma_wait3A_913 = arith.constant 0 : i32
    %dma_wait3A_914 = arith.constant 0 : i32
    %dma_wait3A_915 = tpu.memref_slice %arg13[%dma_wait3A_911, %dma_wait3A_913, %dma_wait3A_914] : memref<5x80x128xf32, #tpu.memory_space<vmem>> -> memref<1x80x128xf32, #tpu.memory_space<vmem>>
    %dma_wait3A_916 = tpu.memref_squeeze %dma_wait3A_915 : memref<1x80x128xf32, #tpu.memory_space<vmem>> -> memref<80x128xf32, #tpu.memory_space<vmem>>
    %dma_wait3A_917 = arith.constant 0 : i32
    %dma_wait3A_918 = tpu.memref_slice %arg12[%dma_wait3A_910, %dma_wait3A_917] : memref<5x80xi32, #tpu.memory_space<vmem>> -> memref<1x80xi32, #tpu.memory_space<vmem>>
    %dma_wait3A_919 = tpu.memref_squeeze %dma_wait3A_918 : memref<1x80xi32, #tpu.memory_space<vmem>> -> memref<80xi32, #tpu.memory_space<vmem>>
    %dma_wait3A_920 = arith.constant 0 : i32
    %dma_wait3A_921 = arith.constant 0 : i32
    %dma_wait3A_922 = tpu.memref_slice %arg11[%dma_wait3A_920, %dma_wait3A_921] : memref<60x128xf32, #tpu.memory_space<vmem_shared>> -> memref<60x128xf32, #tpu.memory_space<vmem_shared>>
    %dma_wait3A_923 = tpu.memref_slice %arg15[%dma_wait3A_912] : memref<5x!tpu.dma_semaphore, #tpu.memory_space<semaphore_mem>> -> memref<1x!tpu.dma_semaphore, #tpu.memory_space<semaphore_mem>>
    %dma_wait3A_924 = tpu.memref_squeeze %dma_wait3A_923 : memref<1x!tpu.dma_semaphore, #tpu.memory_space<semaphore_mem>> -> memref<!tpu.dma_semaphore, #tpu.memory_space<semaphore_mem>>
    tpu.wait_indirect_dma semaphore(%dma_wait3A_924 : memref<!tpu.dma_semaphore, #tpu.memory_space<semaphore_mem>>) src(%dma_wait3A_922 : memref<60x128xf32, #tpu.memory_space<vmem_shared>>) dst(%dma_wait3A_916 : memref<80x128xf32, #tpu.memory_space<vmem>>)
    %add3A_925 = arith.constant 240 : i32
    %add3A_926 = arith.addi %mul3A_2, %add3A_925 : i32
    %dma_start3A_927 = arith.constant 3 : i32
    %dma_start3A_928 = arith.constant 3 : i32
    %dma_start3A_929 = arith.constant 0 : i32
    %dma_start3A_930 = arith.constant 0 : i32
    %dma_start3A_931 = tpu.memref_slice %arg13[%dma_start3A_927, %dma_start3A_929, %dma_start3A_930] : memref<5x80x128xf32, #tpu.memory_space<vmem>> -> memref<1x80x128xf32, #tpu.memory_space<vmem>>
    %dma_start3A_932 = tpu.memref_squeeze %dma_start3A_931 : memref<1x80x128xf32, #tpu.memory_space<vmem>> -> memref<80x128xf32, #tpu.memory_space<vmem>>
    %dma_start3A_933 = arith.constant 0 : i32
    %dma_start3A_934 = tpu.memref_slice %arg6[%add3A_926, %dma_start3A_933] : memref<320000x128xf32, #tpu.memory_space<hbm>> -> memref<80x128xf32, #tpu.memory_space<hbm>>
    %dma_start3A_935 = tpu.memref_slice %arg16[%dma_start3A_928] : memref<5x!tpu.dma_semaphore, #tpu.memory_space<semaphore_mem>> -> memref<1x!tpu.dma_semaphore, #tpu.memory_space<semaphore_mem>>
    %dma_start3A_936 = tpu.memref_squeeze %dma_start3A_935 : memref<1x!tpu.dma_semaphore, #tpu.memory_space<semaphore_mem>> -> memref<!tpu.dma_semaphore, #tpu.memory_space<semaphore_mem>>
    %dma_start3A_937 = arith.constant 0 : i32
    %dma_start3A_938 = tpu.memref_slice %arg6[%add3A_926, %dma_start3A_937] : memref<320000x128xf32, #tpu.memory_space<hbm>> -> memref<80x128xf32, #tpu.memory_space<hbm>>
    %dma_start3A_939 = arith.constant 0 : i32
    %dma_start3A_940 = arith.constant 0 : i32
    %dma_start3A_941 = tpu.memref_slice %arg13[%dma_start3A_927, %dma_start3A_939, %dma_start3A_940] : memref<5x80x128xf32, #tpu.memory_space<vmem>> -> memref<1x80x128xf32, #tpu.memory_space<vmem>>
    %dma_start3A_942 = tpu.memref_squeeze %dma_start3A_941 : memref<1x80x128xf32, #tpu.memory_space<vmem>> -> memref<80x128xf32, #tpu.memory_space<vmem>>
    tpu.enqueue_dma source(%dma_start3A_942 : memref<80x128xf32, #tpu.memory_space<vmem>>) target(%dma_start3A_938 : memref<80x128xf32, #tpu.memory_space<hbm>>) target_semaphore(%dma_start3A_936 : memref<!tpu.dma_semaphore, #tpu.memory_space<semaphore_mem>>)
    %get3A_943 = arith.constant 480 : index
    %get3A_944 = tpu.vector_load %arg7[%get3A_943] {strides = array<i32>} : memref<10000xi32, #tpu.memory_space<vmem>>, vector<16xi32>,
    %get3A_945 = vector.shape_cast %get3A_944 : vector<16xi32> to vector<16xi32>
    %get3A_946 = arith.constant 480 : index
    %get3A_947 = tpu.vector_load %arg8[%get3A_946] {strides = array<i32>} : memref<10000xi32, #tpu.memory_space<vmem>>, vector<16xi32>,
    %get3A_948 = vector.shape_cast %get3A_947 : vector<16xi32> to vector<16xi32>
    %get3A_949 = arith.constant 480 : index
    %get3A_950 = tpu.vector_load %arg9[%get3A_949] {strides = array<i32>} : memref<10000xi32, #tpu.memory_space<vmem>>, vector<16xi32>,
    %get3A_951 = vector.shape_cast %get3A_950 : vector<16xi32> to vector<16xi32>
    %mul3A_952 = arith.constant 12 : i32
    %mul3A_953 = vector.broadcast %mul3A_952 : i32 to vector<16xi32>
    %mul3A_954 = arith.muli %get3A_945, %mul3A_953 : vector<16xi32>
    %mul3A_955 = arith.constant 2 : i32
    %mul3A_956 = vector.broadcast %mul3A_955 : i32 to vector<16xi32>
    %mul3A_957 = arith.muli %get3A_948, %mul3A_956 : vector<16xi32>
    %add3A_958 = arith.addi %mul3A_954, %mul3A_957 : vector<16xi32>
    %add3A_959 = arith.addi %add3A_958, %get3A_951 : vector<16xi32>
    %swap3A_960 = arith.constant 1 : i32
    %swap3A_961 = arith.index_cast %swap3A_960 : i32 to index
    %swap3A_962 = arith.constant 0 : index
    %swap3A_963 = tpu.vector_load %arg12[%swap3A_961, %swap3A_962] {strides = array<i32>} : memref<5x80xi32, #tpu.memory_space<vmem>>, vector<1x16xi32>,
    %swap3A_964 = vector.shape_cast %swap3A_963 : vector<1x16xi32> to vector<16xi32>
    %swap3A_965 = vector.shape_cast %add3A_959 : vector<16xi32> to vector<1x16xi32>
    tpu.vector_store %arg12[%swap3A_961, %swap3A_962], %swap3A_965 {strides = array<i32>} : memref<5x80xi32, #tpu.memory_space<vmem>>, vector<1x16xi32>,
    %get3A_966 = arith.constant 496 : index
    %get3A_967 = tpu.vector_load %arg7[%get3A_966] {strides = array<i32>} : memref<10000xi32, #tpu.memory_space<vmem>>, vector<16xi32>,
    %get3A_968 = vector.shape_cast %get3A_967 : vector<16xi32> to vector<16xi32>
    %get3A_969 = arith.constant 496 : index
    %get3A_970 = tpu.vector_load %arg8[%get3A_969] {strides = array<i32>} : memref<10000xi32, #tpu.memory_space<vmem>>, vector<16xi32>,
    %get3A_971 = vector.shape_cast %get3A_970 : vector<16xi32> to vector<16xi32>
    %get3A_972 = arith.constant 496 : index
    %get3A_973 = tpu.vector_load %arg9[%get3A_972] {strides = array<i32>} : memref<10000xi32, #tpu.memory_space<vmem>>, vector<16xi32>,
    %get3A_974 = vector.shape_cast %get3A_973 : vector<16xi32> to vector<16xi32>
    %mul3A_975 = arith.constant 12 : i32
    %mul3A_976 = vector.broadcast %mul3A_975 : i32 to vector<16xi32>
    %mul3A_977 = arith.muli %get3A_968, %mul3A_976 : vector<16xi32>
    %mul3A_978 = arith.constant 2 : i32
    %mul3A_979 = vector.broadcast %mul3A_978 : i32 to vector<16xi32>
    %mul3A_980 = arith.muli %get3A_971, %mul3A_979 : vector<16xi32>
    %add3A_981 = arith.addi %mul3A_977, %mul3A_980 : vector<16xi32>
    %add3A_982 = arith.addi %add3A_981, %get3A_974 : vector<16xi32>
    %swap3A_983 = arith.constant 1 : i32
    %swap3A_984 = arith.index_cast %swap3A_983 : i32 to index
    %swap3A_985 = arith.constant 16 : index
    %swap3A_986 = tpu.vector_load %arg12[%swap3A_984, %swap3A_985] {strides = array<i32>} : memref<5x80xi32, #tpu.memory_space<vmem>>, vector<1x16xi32>,
    %swap3A_987 = vector.shape_cast %swap3A_986 : vector<1x16xi32> to vector<16xi32>
    %swap3A_988 = vector.shape_cast %add3A_982 : vector<16xi32> to vector<1x16xi32>
    tpu.vector_store %arg12[%swap3A_984, %swap3A_985], %swap3A_988 {strides = array<i32>} : memref<5x80xi32, #tpu.memory_space<vmem>>, vector<1x16xi32>,
    %get3A_989 = arith.constant 512 : index
    %get3A_990 = tpu.vector_load %arg7[%get3A_989] {strides = array<i32>} : memref<10000xi32, #tpu.memory_space<vmem>>, vector<16xi32>,
    %get3A_991 = vector.shape_cast %get3A_990 : vector<16xi32> to vector<16xi32>
    %get3A_992 = arith.constant 512 : index
    %get3A_993 = tpu.vector_load %arg8[%get3A_992] {strides = array<i32>} : memref<10000xi32, #tpu.memory_space<vmem>>, vector<16xi32>,
    %get3A_994 = vector.shape_cast %get3A_993 : vector<16xi32> to vector<16xi32>
    %get3A_995 = arith.constant 512 : index
    %get3A_996 = tpu.vector_load %arg9[%get3A_995] {strides = array<i32>} : memref<10000xi32, #tpu.memory_space<vmem>>, vector<16xi32>,
    %get3A_997 = vector.shape_cast %get3A_996 : vector<16xi32> to vector<16xi32>
    %mul3A_998 = arith.constant 12 : i32
    %mul3A_999 = vector.broadcast %mul3A_998 : i32 to vector<16xi32>
    %mul3A_1000 = arith.muli %get3A_991, %mul3A_999 : vector<16xi32>
    %mul3A_1001 = arith.constant 2 : i32
    %mul3A_1002 = vector.broadcast %mul3A_1001 : i32 to vector<16xi32>
    %mul3A_1003 = arith.muli %get3A_994, %mul3A_1002 : vector<16xi32>
    %add3A_1004 = arith.addi %mul3A_1000, %mul3A_1003 : vector<16xi32>
    %add3A_1005 = arith.addi %add3A_1004, %get3A_997 : vector<16xi32>
    %swap3A_1006 = arith.constant 1 : i32
    %swap3A_1007 = arith.index_cast %swap3A_1006 : i32 to index
    %swap3A_1008 = arith.constant 32 : index
    %swap3A_1009 = tpu.vector_load %arg12[%swap3A_1007, %swap3A_1008] {strides = array<i32>} : memref<5x80xi32, #tpu.memory_space<vmem>>, vector<1x16xi32>,
    %swap3A_1010 = vector.shape_cast %swap3A_1009 : vector<1x16xi32> to vector<16xi32>
    %swap3A_1011 = vector.shape_cast %add3A_1005 : vector<16xi32> to vector<1x16xi32>
    tpu.vector_store %arg12[%swap3A_1007, %swap3A_1008], %swap3A_1011 {strides = array<i32>} : memref<5x80xi32, #tpu.memory_space<vmem>>, vector<1x16xi32>,
    %get3A_1012 = arith.constant 528 : index
    %get3A_1013 = tpu.vector_load %arg7[%get3A_1012] {strides = array<i32>} : memref<10000xi32, #tpu.memory_space<vmem>>, vector<16xi32>,
    %get3A_1014 = vector.shape_cast %get3A_1013 : vector<16xi32> to vector<16xi32>
    %get3A_1015 = arith.constant 528 : index
    %get3A_1016 = tpu.vector_load %arg8[%get3A_1015] {strides = array<i32>} : memref<10000xi32, #tpu.memory_space<vmem>>, vector<16xi32>,
    %get3A_1017 = vector.shape_cast %get3A_1016 : vector<16xi32> to vector<16xi32>
    %get3A_1018 = arith.constant 528 : index
    %get3A_1019 = tpu.vector_load %arg9[%get3A_1018] {strides = array<i32>} : memref<10000xi32, #tpu.memory_space<vmem>>, vector<16xi32>,
    %get3A_1020 = vector.shape_cast %get3A_1019 : vector<16xi32> to vector<16xi32>
    %mul3A_1021 = arith.constant 12 : i32
    %mul3A_1022 = vector.broadcast %mul3A_1021 : i32 to vector<16xi32>
    %mul3A_1023 = arith.muli %get3A_1014, %mul3A_1022 : vector<16xi32>
    %mul3A_1024 = arith.constant 2 : i32
    %mul3A_1025 = vector.broadcast %mul3A_1024 : i32 to vector<16xi32>
    %mul3A_1026 = arith.muli %get3A_1017, %mul3A_1025 : vector<16xi32>
    %add3A_1027 = arith.addi %mul3A_1023, %mul3A_1026 : vector<16xi32>
    %add3A_1028 = arith.addi %add3A_1027, %get3A_1020 : vector<16xi32>
    %swap3A_1029 = arith.constant 1 : i32
    %swap3A_1030 = arith.index_cast %swap3A_1029 : i32 to index
    %swap3A_1031 = arith.constant 48 : index
    %swap3A_1032 = tpu.vector_load %arg12[%swap3A_1030, %swap3A_1031] {strides = array<i32>} : memref<5x80xi32, #tpu.memory_space<vmem>>, vector<1x16xi32>,
    %swap3A_1033 = vector.shape_cast %swap3A_1032 : vector<1x16xi32> to vector<16xi32>
    %swap3A_1034 = vector.shape_cast %add3A_1028 : vector<16xi32> to vector<1x16xi32>
    tpu.vector_store %arg12[%swap3A_1030, %swap3A_1031], %swap3A_1034 {strides = array<i32>} : memref<5x80xi32, #tpu.memory_space<vmem>>, vector<1x16xi32>,
    %get3A_1035 = arith.constant 544 : index
    %get3A_1036 = tpu.vector_load %arg7[%get3A_1035] {strides = array<i32>} : memref<10000xi32, #tpu.memory_space<vmem>>, vector<16xi32>,
    %get3A_1037 = vector.shape_cast %get3A_1036 : vector<16xi32> to vector<16xi32>
    %get3A_1038 = arith.constant 544 : index
    %get3A_1039 = tpu.vector_load %arg8[%get3A_1038] {strides = array<i32>} : memref<10000xi32, #tpu.memory_space<vmem>>, vector<16xi32>,
    %get3A_1040 = vector.shape_cast %get3A_1039 : vector<16xi32> to vector<16xi32>
    %get3A_1041 = arith.constant 544 : index
    %get3A_1042 = tpu.vector_load %arg9[%get3A_1041] {strides = array<i32>} : memref<10000xi32, #tpu.memory_space<vmem>>, vector<16xi32>,
    %get3A_1043 = vector.shape_cast %get3A_1042 : vector<16xi32> to vector<16xi32>
    %mul3A_1044 = arith.constant 12 : i32
    %mul3A_1045 = vector.broadcast %mul3A_1044 : i32 to vector<16xi32>
    %mul3A_1046 = arith.muli %get3A_1037, %mul3A_1045 : vector<16xi32>
    %mul3A_1047 = arith.constant 2 : i32
    %mul3A_1048 = vector.broadcast %mul3A_1047 : i32 to vector<16xi32>
    %mul3A_1049 = arith.muli %get3A_1040, %mul3A_1048 : vector<16xi32>
    %add3A_1050 = arith.addi %mul3A_1046, %mul3A_1049 : vector<16xi32>
    %add3A_1051 = arith.addi %add3A_1050, %get3A_1043 : vector<16xi32>
    %swap3A_1052 = arith.constant 1 : i32
    %swap3A_1053 = arith.index_cast %swap3A_1052 : i32 to index
    %swap3A_1054 = arith.constant 64 : index
    %swap3A_1055 = tpu.vector_load %arg12[%swap3A_1053, %swap3A_1054] {strides = array<i32>} : memref<5x80xi32, #tpu.memory_space<vmem>>, vector<1x16xi32>,
    %swap3A_1056 = vector.shape_cast %swap3A_1055 : vector<1x16xi32> to vector<16xi32>
    %swap3A_1057 = vector.shape_cast %add3A_1051 : vector<16xi32> to vector<1x16xi32>
    tpu.vector_store %arg12[%swap3A_1053, %swap3A_1054], %swap3A_1057 {strides = array<i32>} : memref<5x80xi32, #tpu.memory_space<vmem>>, vector<1x16xi32>,
    %add3A_1058 = arith.constant 80 : i32
    %add3A_1059 = arith.addi %mul3A_2, %add3A_1058 : i32
    %dma_wait3A_1060 = arith.constant 1 : i32
    %dma_wait3A_1061 = arith.constant 1 : i32
    %dma_wait3A_1062 = arith.constant 0 : i32
    %dma_wait3A_1063 = arith.constant 0 : i32
    %dma_wait3A_1064 = tpu.memref_slice %arg13[%dma_wait3A_1060, %dma_wait3A_1062, %dma_wait3A_1063] : memref<5x80x128xf32, #tpu.memory_space<vmem>> -> memref<1x80x128xf32, #tpu.memory_space<vmem>>
    %dma_wait3A_1065 = tpu.memref_squeeze %dma_wait3A_1064 : memref<1x80x128xf32, #tpu.memory_space<vmem>> -> memref<80x128xf32, #tpu.memory_space<vmem>>
    %dma_wait3A_1066 = arith.constant 0 : i32
    %dma_wait3A_1067 = tpu.memref_slice %arg6[%add3A_1059, %dma_wait3A_1066] : memref<320000x128xf32, #tpu.memory_space<hbm>> -> memref<80x128xf32, #tpu.memory_space<hbm>>
    %dma_wait3A_1068 = tpu.memref_slice %arg16[%dma_wait3A_1061] : memref<5x!tpu.dma_semaphore, #tpu.memory_space<semaphore_mem>> -> memref<1x!tpu.dma_semaphore, #tpu.memory_space<semaphore_mem>>
    %dma_wait3A_1069 = tpu.memref_squeeze %dma_wait3A_1068 : memref<1x!tpu.dma_semaphore, #tpu.memory_space<semaphore_mem>> -> memref<!tpu.dma_semaphore, #tpu.memory_space<semaphore_mem>>
    %dma_wait3A_1070 = arith.constant 0 : i32
    %dma_wait3A_1071 = tpu.memref_slice %arg6[%add3A_1059, %dma_wait3A_1070] : memref<320000x128xf32, #tpu.memory_space<hbm>> -> memref<80x128xf32, #tpu.memory_space<hbm>>
    %dma_wait3A_1072 = arith.constant 0 : i32
    %dma_wait3A_1073 = arith.constant 0 : i32
    %dma_wait3A_1074 = tpu.memref_slice %arg13[%dma_wait3A_1060, %dma_wait3A_1072, %dma_wait3A_1073] : memref<5x80x128xf32, #tpu.memory_space<vmem>> -> memref<1x80x128xf32, #tpu.memory_space<vmem>>
    %dma_wait3A_1075 = tpu.memref_squeeze %dma_wait3A_1074 : memref<1x80x128xf32, #tpu.memory_space<vmem>> -> memref<80x128xf32, #tpu.memory_space<vmem>>
    tpu.wait_dma2 semaphore(%dma_wait3A_1069 : memref<!tpu.dma_semaphore, #tpu.memory_space<semaphore_mem>>) src(%dma_wait3A_1075 : memref<80x128xf32, #tpu.memory_space<vmem>>) dst(%dma_wait3A_1071 : memref<80x128xf32, #tpu.memory_space<hbm>>)
    %dma_start3A_1076 = arith.constant 1 : i32
    %dma_start3A_1077 = arith.constant 1 : i32
    %dma_start3A_1078 = arith.constant 1 : i32
    %dma_start3A_1079 = arith.constant 0 : i32
    %dma_start3A_1080 = arith.constant 0 : i32
    %dma_start3A_1081 = tpu.memref_slice %arg13[%dma_start3A_1077, %dma_start3A_1079, %dma_start3A_1080] : memref<5x80x128xf32, #tpu.memory_space<vmem>> -> memref<1x80x128xf32, #tpu.memory_space<vmem>>
    %dma_start3A_1082 = tpu.memref_squeeze %dma_start3A_1081 : memref<1x80x128xf32, #tpu.memory_space<vmem>> -> memref<80x128xf32, #tpu.memory_space<vmem>>
    %dma_start3A_1083 = arith.constant 0 : i32
    %dma_start3A_1084 = tpu.memref_slice %arg12[%dma_start3A_1076, %dma_start3A_1083] : memref<5x80xi32, #tpu.memory_space<vmem>> -> memref<1x80xi32, #tpu.memory_space<vmem>>
    %dma_start3A_1085 = tpu.memref_squeeze %dma_start3A_1084 : memref<1x80xi32, #tpu.memory_space<vmem>> -> memref<80xi32, #tpu.memory_space<vmem>>
    %dma_start3A_1086 = arith.constant 0 : i32
    %dma_start3A_1087 = arith.constant 0 : i32
    %dma_start3A_1088 = tpu.memref_slice %arg11[%dma_start3A_1086, %dma_start3A_1087] : memref<60x128xf32, #tpu.memory_space<vmem_shared>> -> memref<60x128xf32, #tpu.memory_space<vmem_shared>>
    %dma_start3A_1089 = tpu.memref_slice %arg15[%dma_start3A_1078] : memref<5x!tpu.dma_semaphore, #tpu.memory_space<semaphore_mem>> -> memref<1x!tpu.dma_semaphore, #tpu.memory_space<semaphore_mem>>
    %dma_start3A_1090 = tpu.memref_squeeze %dma_start3A_1089 : memref<1x!tpu.dma_semaphore, #tpu.memory_space<semaphore_mem>> -> memref<!tpu.dma_semaphore, #tpu.memory_space<semaphore_mem>>
    tpu.enqueue_indirect_dma source(%dma_start3A_1088 : memref<60x128xf32, #tpu.memory_space<vmem_shared>>) target(%dma_start3A_1082 : memref<80x128xf32, #tpu.memory_space<vmem>>) offsets(%dma_start3A_1085 : memref<80xi32, #tpu.memory_space<vmem>>) semaphore(%dma_start3A_1090 : memref<!tpu.dma_semaphore, #tpu.memory_space<semaphore_mem>>)
    %dma_wait3A_1091 = arith.constant 4 : i32
    %dma_wait3A_1092 = arith.constant 4 : i32
    %dma_wait3A_1093 = arith.constant 4 : i32
    %dma_wait3A_1094 = arith.constant 0 : i32
    %dma_wait3A_1095 = arith.constant 0 : i32
    %dma_wait3A_1096 = tpu.memref_slice %arg13[%dma_wait3A_1092, %dma_wait3A_1094, %dma_wait3A_1095] : memref<5x80x128xf32, #tpu.memory_space<vmem>> -> memref<1x80x128xf32, #tpu.memory_space<vmem>>
    %dma_wait3A_1097 = tpu.memref_squeeze %dma_wait3A_1096 : memref<1x80x128xf32, #tpu.memory_space<vmem>> -> memref<80x128xf32, #tpu.memory_space<vmem>>
    %dma_wait3A_1098 = arith.constant 0 : i32
    %dma_wait3A_1099 = tpu.memref_slice %arg12[%dma_wait3A_1091, %dma_wait3A_1098] : memref<5x80xi32, #tpu.memory_space<vmem>> -> memref<1x80xi32, #tpu.memory_space<vmem>>
    %dma_wait3A_1100 = tpu.memref_squeeze %dma_wait3A_1099 : memref<1x80xi32, #tpu.memory_space<vmem>> -> memref<80xi32, #tpu.memory_space<vmem>>
    %dma_wait3A_1101 = arith.constant 0 : i32
    %dma_wait3A_1102 = arith.constant 0 : i32
    %dma_wait3A_1103 = tpu.memref_slice %arg11[%dma_wait3A_1101, %dma_wait3A_1102] : memref<60x128xf32, #tpu.memory_space<vmem_shared>> -> memref<60x128xf32, #tpu.memory_space<vmem_shared>>
    %dma_wait3A_1104 = tpu.memref_slice %arg15[%dma_wait3A_1093] : memref<5x!tpu.dma_semaphore, #tpu.memory_space<semaphore_mem>> -> memref<1x!tpu.dma_semaphore, #tpu.memory_space<semaphore_mem>>
    %dma_wait3A_1105 = tpu.memref_squeeze %dma_wait3A_1104 : memref<1x!tpu.dma_semaphore, #tpu.memory_space<semaphore_mem>> -> memref<!tpu.dma_semaphore, #tpu.memory_space<semaphore_mem>>
    tpu.wait_indirect_dma semaphore(%dma_wait3A_1105 : memref<!tpu.dma_semaphore, #tpu.memory_space<semaphore_mem>>) src(%dma_wait3A_1103 : memref<60x128xf32, #tpu.memory_space<vmem_shared>>) dst(%dma_wait3A_1097 : memref<80x128xf32, #tpu.memory_space<vmem>>)
    %add3A_1106 = arith.constant 320 : i32
    %add3A_1107 = arith.addi %mul3A_2, %add3A_1106 : i32
    %dma_start3A_1108 = arith.constant 4 : i32
    %dma_start3A_1109 = arith.constant 4 : i32
    %dma_start3A_1110 = arith.constant 0 : i32
    %dma_start3A_1111 = arith.constant 0 : i32
    %dma_start3A_1112 = tpu.memref_slice %arg13[%dma_start3A_1108, %dma_start3A_1110, %dma_start3A_1111] : memref<5x80x128xf32, #tpu.memory_space<vmem>> -> memref<1x80x128xf32, #tpu.memory_space<vmem>>
    %dma_start3A_1113 = tpu.memref_squeeze %dma_start3A_1112 : memref<1x80x128xf32, #tpu.memory_space<vmem>> -> memref<80x128xf32, #tpu.memory_space<vmem>>
    %dma_start3A_1114 = arith.constant 0 : i32
    %dma_start3A_1115 = tpu.memref_slice %arg6[%add3A_1107, %dma_start3A_1114] : memref<320000x128xf32, #tpu.memory_space<hbm>> -> memref<80x128xf32, #tpu.memory_space<hbm>>
    %dma_start3A_1116 = tpu.memref_slice %arg16[%dma_start3A_1109] : memref<5x!tpu.dma_semaphore, #tpu.memory_space<semaphore_mem>> -> memref<1x!tpu.dma_semaphore, #tpu.memory_space<semaphore_mem>>
    %dma_start3A_1117 = tpu.memref_squeeze %dma_start3A_1116 : memref<1x!tpu.dma_semaphore, #tpu.memory_space<semaphore_mem>> -> memref<!tpu.dma_semaphore, #tpu.memory_space<semaphore_mem>>
    %dma_start3A_1118 = arith.constant 0 : i32
    %dma_start3A_1119 = tpu.memref_slice %arg6[%add3A_1107, %dma_start3A_1118] : memref<320000x128xf32, #tpu.memory_space<hbm>> -> memref<80x128xf32, #tpu.memory_space<hbm>>
    %dma_start3A_1120 = arith.constant 0 : i32
    %dma_start3A_1121 = arith.constant 0 : i32
    %dma_start3A_1122 = tpu.memref_slice %arg13[%dma_start3A_1108, %dma_start3A_1120, %dma_start3A_1121] : memref<5x80x128xf32, #tpu.memory_space<vmem>> -> memref<1x80x128xf32, #tpu.memory_space<vmem>>
    %dma_start3A_1123 = tpu.memref_squeeze %dma_start3A_1122 : memref<1x80x128xf32, #tpu.memory_space<vmem>> -> memref<80x128xf32, #tpu.memory_space<vmem>>
    tpu.enqueue_dma source(%dma_start3A_1123 : memref<80x128xf32, #tpu.memory_space<vmem>>) target(%dma_start3A_1119 : memref<80x128xf32, #tpu.memory_space<hbm>>) target_semaphore(%dma_start3A_1117 : memref<!tpu.dma_semaphore, #tpu.memory_space<semaphore_mem>>)
    %get3A_1124 = arith.constant 560 : index
    %get3A_1125 = tpu.vector_load %arg7[%get3A_1124] {strides = array<i32>} : memref<10000xi32, #tpu.memory_space<vmem>>, vector<16xi32>,
    %get3A_1126 = vector.shape_cast %get3A_1125 : vector<16xi32> to vector<16xi32>
    %get3A_1127 = arith.constant 560 : index
    %get3A_1128 = tpu.vector_load %arg8[%get3A_1127] {strides = array<i32>} : memref<10000xi32, #tpu.memory_space<vmem>>, vector<16xi32>,
    %get3A_1129 = vector.shape_cast %get3A_1128 : vector<16xi32> to vector<16xi32>
    %get3A_1130 = arith.constant 560 : index
    %get3A_1131 = tpu.vector_load %arg9[%get3A_1130] {strides = array<i32>} : memref<10000xi32, #tpu.memory_space<vmem>>, vector<16xi32>,
    %get3A_1132 = vector.shape_cast %get3A_1131 : vector<16xi32> to vector<16xi32>
    %mul3A_1133 = arith.constant 12 : i32
    %mul3A_1134 = vector.broadcast %mul3A_1133 : i32 to vector<16xi32>
    %mul3A_1135 = arith.muli %get3A_1126, %mul3A_1134 : vector<16xi32>
    %mul3A_1136 = arith.constant 2 : i32
    %mul3A_1137 = vector.broadcast %mul3A_1136 : i32 to vector<16xi32>
    %mul3A_1138 = arith.muli %get3A_1129, %mul3A_1137 : vector<16xi32>
    %add3A_1139 = arith.addi %mul3A_1135, %mul3A_1138 : vector<16xi32>
    %add3A_1140 = arith.addi %add3A_1139, %get3A_1132 : vector<16xi32>
    %swap3A_1141 = arith.constant 2 : i32
    %swap3A_1142 = arith.index_cast %swap3A_1141 : i32 to index
    %swap3A_1143 = arith.constant 0 : index
    %swap3A_1144 = tpu.vector_load %arg12[%swap3A_1142, %swap3A_1143] {strides = array<i32>} : memref<5x80xi32, #tpu.memory_space<vmem>>, vector<1x16xi32>,
    %swap3A_1145 = vector.shape_cast %swap3A_1144 : vector<1x16xi32> to vector<16xi32>
    %swap3A_1146 = vector.shape_cast %add3A_1140 : vector<16xi32> to vector<1x16xi32>
    tpu.vector_store %arg12[%swap3A_1142, %swap3A_1143], %swap3A_1146 {strides = array<i32>} : memref<5x80xi32, #tpu.memory_space<vmem>>, vector<1x16xi32>,
    %get3A_1147 = arith.constant 576 : index
    %get3A_1148 = tpu.vector_load %arg7[%get3A_1147] {strides = array<i32>} : memref<10000xi32, #tpu.memory_space<vmem>>, vector<16xi32>,
    %get3A_1149 = vector.shape_cast %get3A_1148 : vector<16xi32> to vector<16xi32>
    %get3A_1150 = arith.constant 576 : index
    %get3A_1151 = tpu.vector_load %arg8[%get3A_1150] {strides = array<i32>} : memref<10000xi32, #tpu.memory_space<vmem>>, vector<16xi32>,
    %get3A_1152 = vector.shape_cast %get3A_1151 : vector<16xi32> to vector<16xi32>
    %get3A_1153 = arith.constant 576 : index
    %get3A_1154 = tpu.vector_load %arg9[%get3A_1153] {strides = array<i32>} : memref<10000xi32, #tpu.memory_space<vmem>>, vector<16xi32>,
    %get3A_1155 = vector.shape_cast %get3A_1154 : vector<16xi32> to vector<16xi32>
    %mul3A_1156 = arith.constant 12 : i32
    %mul3A_1157 = vector.broadcast %mul3A_1156 : i32 to vector<16xi32>
    %mul3A_1158 = arith.muli %get3A_1149, %mul3A_1157 : vector<16xi32>
    %mul3A_1159 = arith.constant 2 : i32
    %mul3A_1160 = vector.broadcast %mul3A_1159 : i32 to vector<16xi32>
    %mul3A_1161 = arith.muli %get3A_1152, %mul3A_1160 : vector<16xi32>
    %add3A_1162 = arith.addi %mul3A_1158, %mul3A_1161 : vector<16xi32>
    %add3A_1163 = arith.addi %add3A_1162, %get3A_1155 : vector<16xi32>
    %swap3A_1164 = arith.constant 2 : i32
    %swap3A_1165 = arith.index_cast %swap3A_1164 : i32 to index
    %swap3A_1166 = arith.constant 16 : index
    %swap3A_1167 = tpu.vector_load %arg12[%swap3A_1165, %swap3A_1166] {strides = array<i32>} : memref<5x80xi32, #tpu.memory_space<vmem>>, vector<1x16xi32>,
    %swap3A_1168 = vector.shape_cast %swap3A_1167 : vector<1x16xi32> to vector<16xi32>
    %swap3A_1169 = vector.shape_cast %add3A_1163 : vector<16xi32> to vector<1x16xi32>
    tpu.vector_store %arg12[%swap3A_1165, %swap3A_1166], %swap3A_1169 {strides = array<i32>} : memref<5x80xi32, #tpu.memory_space<vmem>>, vector<1x16xi32>,
    %get3A_1170 = arith.constant 592 : index
    %get3A_1171 = tpu.vector_load %arg7[%get3A_1170] {strides = array<i32>} : memref<10000xi32, #tpu.memory_space<vmem>>, vector<16xi32>,
    %get3A_1172 = vector.shape_cast %get3A_1171 : vector<16xi32> to vector<16xi32>
    %get3A_1173 = arith.constant 592 : index
    %get3A_1174 = tpu.vector_load %arg8[%get3A_1173] {strides = array<i32>} : memref<10000xi32, #tpu.memory_space<vmem>>, vector<16xi32>,
    %get3A_1175 = vector.shape_cast %get3A_1174 : vector<16xi32> to vector<16xi32>
    %get3A_1176 = arith.constant 592 : index
    %get3A_1177 = tpu.vector_load %arg9[%get3A_1176] {strides = array<i32>} : memref<10000xi32, #tpu.memory_space<vmem>>, vector<16xi32>,
    %get3A_1178 = vector.shape_cast %get3A_1177 : vector<16xi32> to vector<16xi32>
    %mul3A_1179 = arith.constant 12 : i32
    %mul3A_1180 = vector.broadcast %mul3A_1179 : i32 to vector<16xi32>
    %mul3A_1181 = arith.muli %get3A_1172, %mul3A_1180 : vector<16xi32>
    %mul3A_1182 = arith.constant 2 : i32
    %mul3A_1183 = vector.broadcast %mul3A_1182 : i32 to vector<16xi32>
    %mul3A_1184 = arith.muli %get3A_1175, %mul3A_1183 : vector<16xi32>
    %add3A_1185 = arith.addi %mul3A_1181, %mul3A_1184 : vector<16xi32>
    %add3A_1186 = arith.addi %add3A_1185, %get3A_1178 : vector<16xi32>
    %swap3A_1187 = arith.constant 2 : i32
    %swap3A_1188 = arith.index_cast %swap3A_1187 : i32 to index
    %swap3A_1189 = arith.constant 32 : index
    %swap3A_1190 = tpu.vector_load %arg12[%swap3A_1188, %swap3A_1189] {strides = array<i32>} : memref<5x80xi32, #tpu.memory_space<vmem>>, vector<1x16xi32>,
    %swap3A_1191 = vector.shape_cast %swap3A_1190 : vector<1x16xi32> to vector<16xi32>
    %swap3A_1192 = vector.shape_cast %add3A_1186 : vector<16xi32> to vector<1x16xi32>
    tpu.vector_store %arg12[%swap3A_1188, %swap3A_1189], %swap3A_1192 {strides = array<i32>} : memref<5x80xi32, #tpu.memory_space<vmem>>, vector<1x16xi32>,
    %get3A_1193 = arith.constant 608 : index
    %get3A_1194 = tpu.vector_load %arg7[%get3A_1193] {strides = array<i32>} : memref<10000xi32, #tpu.memory_space<vmem>>, vector<16xi32>,
    %get3A_1195 = vector.shape_cast %get3A_1194 : vector<16xi32> to vector<16xi32>
    %get3A_1196 = arith.constant 608 : index
    %get3A_1197 = tpu.vector_load %arg8[%get3A_1196] {strides = array<i32>} : memref<10000xi32, #tpu.memory_space<vmem>>, vector<16xi32>,
    %get3A_1198 = vector.shape_cast %get3A_1197 : vector<16xi32> to vector<16xi32>
    %get3A_1199 = arith.constant 608 : index
    %get3A_1200 = tpu.vector_load %arg9[%get3A_1199] {strides = array<i32>} : memref<10000xi32, #tpu.memory_space<vmem>>, vector<16xi32>,
    %get3A_1201 = vector.shape_cast %get3A_1200 : vector<16xi32> to vector<16xi32>
    %mul3A_1202 = arith.constant 12 : i32
    %mul3A_1203 = vector.broadcast %mul3A_1202 : i32 to vector<16xi32>
    %mul3A_1204 = arith.muli %get3A_1195, %mul3A_1203 : vector<16xi32>
    %mul3A_1205 = arith.constant 2 : i32
    %mul3A_1206 = vector.broadcast %mul3A_1205 : i32 to vector<16xi32>
    %mul3A_1207 = arith.muli %get3A_1198, %mul3A_1206 : vector<16xi32>
    %add3A_1208 = arith.addi %mul3A_1204, %mul3A_1207 : vector<16xi32>
    %add3A_1209 = arith.addi %add3A_1208, %get3A_1201 : vector<16xi32>
    %swap3A_1210 = arith.constant 2 : i32
    %swap3A_1211 = arith.index_cast %swap3A_1210 : i32 to index
    %swap3A_1212 = arith.constant 48 : index
    %swap3A_1213 = tpu.vector_load %arg12[%swap3A_1211, %swap3A_1212] {strides = array<i32>} : memref<5x80xi32, #tpu.memory_space<vmem>>, vector<1x16xi32>,
    %swap3A_1214 = vector.shape_cast %swap3A_1213 : vector<1x16xi32> to vector<16xi32>
    %swap3A_1215 = vector.shape_cast %add3A_1209 : vector<16xi32> to vector<1x16xi32>
    tpu.vector_store %arg12[%swap3A_1211, %swap3A_1212], %swap3A_1215 {strides = array<i32>} : memref<5x80xi32, #tpu.memory_space<vmem>>, vector<1x16xi32>,
    %get3A_1216 = arith.constant 624 : index
    %get3A_1217 = tpu.vector_load %arg7[%get3A_1216] {strides = array<i32>} : memref<10000xi32, #tpu.memory_space<vmem>>, vector<16xi32>,
    %get3A_1218 = vector.shape_cast %get3A_1217 : vector<16xi32> to vector<16xi32>
    %get3A_1219 = arith.constant 624 : index
    %get3A_1220 = tpu.vector_load %arg8[%get3A_1219] {strides = array<i32>} : memref<10000xi32, #tpu.memory_space<vmem>>, vector<16xi32>,
    %get3A_1221 = vector.shape_cast %get3A_1220 : vector<16xi32> to vector<16xi32>
    %get3A_1222 = arith.constant 624 : index
    %get3A_1223 = tpu.vector_load %arg9[%get3A_1222] {strides = array<i32>} : memref<10000xi32, #tpu.memory_space<vmem>>, vector<16xi32>,
    %get3A_1224 = vector.shape_cast %get3A_1223 : vector<16xi32> to vector<16xi32>
    %mul3A_1225 = arith.constant 12 : i32
    %mul3A_1226 = vector.broadcast %mul3A_1225 : i32 to vector<16xi32>
    %mul3A_1227 = arith.muli %get3A_1218, %mul3A_1226 : vector<16xi32>
    %mul3A_1228 = arith.constant 2 : i32
    %mul3A_1229 = vector.broadcast %mul3A_1228 : i32 to vector<16xi32>
    %mul3A_1230 = arith.muli %get3A_1221, %mul3A_1229 : vector<16xi32>
    %add3A_1231 = arith.addi %mul3A_1227, %mul3A_1230 : vector<16xi32>
    %add3A_1232 = arith.addi %add3A_1231, %get3A_1224 : vector<16xi32>
    %swap3A_1233 = arith.constant 2 : i32
    %swap3A_1234 = arith.index_cast %swap3A_1233 : i32 to index
    %swap3A_1235 = arith.constant 64 : index
    %swap3A_1236 = tpu.vector_load %arg12[%swap3A_1234, %swap3A_1235] {strides = array<i32>} : memref<5x80xi32, #tpu.memory_space<vmem>>, vector<1x16xi32>,
    %swap3A_1237 = vector.shape_cast %swap3A_1236 : vector<1x16xi32> to vector<16xi32>
    %swap3A_1238 = vector.shape_cast %add3A_1232 : vector<16xi32> to vector<1x16xi32>
    tpu.vector_store %arg12[%swap3A_1234, %swap3A_1235], %swap3A_1238 {strides = array<i32>} : memref<5x80xi32, #tpu.memory_space<vmem>>, vector<1x16xi32>,
    %add3A_1239 = arith.constant 160 : i32
    %add3A_1240 = arith.addi %mul3A_2, %add3A_1239 : i32
    %dma_wait3A_1241 = arith.constant 2 : i32
    %dma_wait3A_1242 = arith.constant 2 : i32
    %dma_wait3A_1243 = arith.constant 0 : i32
    %dma_wait3A_1244 = arith.constant 0 : i32
    %dma_wait3A_1245 = tpu.memref_slice %arg13[%dma_wait3A_1241, %dma_wait3A_1243, %dma_wait3A_1244] : memref<5x80x128xf32, #tpu.memory_space<vmem>> -> memref<1x80x128xf32, #tpu.memory_space<vmem>>
    %dma_wait3A_1246 = tpu.memref_squeeze %dma_wait3A_1245 : memref<1x80x128xf32, #tpu.memory_space<vmem>> -> memref<80x128xf32, #tpu.memory_space<vmem>>
    %dma_wait3A_1247 = arith.constant 0 : i32
    %dma_wait3A_1248 = tpu.memref_slice %arg6[%add3A_1240, %dma_wait3A_1247] : memref<320000x128xf32, #tpu.memory_space<hbm>> -> memref<80x128xf32, #tpu.memory_space<hbm>>
    %dma_wait3A_1249 = tpu.memref_slice %arg16[%dma_wait3A_1242] : memref<5x!tpu.dma_semaphore, #tpu.memory_space<semaphore_mem>> -> memref<1x!tpu.dma_semaphore, #tpu.memory_space<semaphore_mem>>
    %dma_wait3A_1250 = tpu.memref_squeeze %dma_wait3A_1249 : memref<1x!tpu.dma_semaphore, #tpu.memory_space<semaphore_mem>> -> memref<!tpu.dma_semaphore, #tpu.memory_space<semaphore_mem>>
    %dma_wait3A_1251 = arith.constant 0 : i32
    %dma_wait3A_1252 = tpu.memref_slice %arg6[%add3A_1240, %dma_wait3A_1251] : memref<320000x128xf32, #tpu.memory_space<hbm>> -> memref<80x128xf32, #tpu.memory_space<hbm>>
    %dma_wait3A_1253 = arith.constant 0 : i32
    %dma_wait3A_1254 = arith.constant 0 : i32
    %dma_wait3A_1255 = tpu.memref_slice %arg13[%dma_wait3A_1241, %dma_wait3A_1253, %dma_wait3A_1254] : memref<5x80x128xf32, #tpu.memory_space<vmem>> -> memref<1x80x128xf32, #tpu.memory_space<vmem>>
    %dma_wait3A_1256 = tpu.memref_squeeze %dma_wait3A_1255 : memref<1x80x128xf32, #tpu.memory_space<vmem>> -> memref<80x128xf32, #tpu.memory_space<vmem>>
    tpu.wait_dma2 semaphore(%dma_wait3A_1250 : memref<!tpu.dma_semaphore, #tpu.memory_space<semaphore_mem>>) src(%dma_wait3A_1256 : memref<80x128xf32, #tpu.memory_space<vmem>>) dst(%dma_wait3A_1252 : memref<80x128xf32, #tpu.memory_space<hbm>>)
    %dma_start3A_1257 = arith.constant 2 : i32
    %dma_start3A_1258 = arith.constant 2 : i32
    %dma_start3A_1259 = arith.constant 2 : i32
    %dma_start3A_1260 = arith.constant 0 : i32
    %dma_start3A_1261 = arith.constant 0 : i32
    %dma_start3A_1262 = tpu.memref_slice %arg13[%dma_start3A_1258, %dma_start3A_1260, %dma_start3A_1261] : memref<5x80x128xf32, #tpu.memory_space<vmem>> -> memref<1x80x128xf32, #tpu.memory_space<vmem>>
    %dma_start3A_1263 = tpu.memref_squeeze %dma_start3A_1262 : memref<1x80x128xf32, #tpu.memory_space<vmem>> -> memref<80x128xf32, #tpu.memory_space<vmem>>
    %dma_start3A_1264 = arith.constant 0 : i32
    %dma_start3A_1265 = tpu.memref_slice %arg12[%dma_start3A_1257, %dma_start3A_1264] : memref<5x80xi32, #tpu.memory_space<vmem>> -> memref<1x80xi32, #tpu.memory_space<vmem>>
    %dma_start3A_1266 = tpu.memref_squeeze %dma_start3A_1265 : memref<1x80xi32, #tpu.memory_space<vmem>> -> memref<80xi32, #tpu.memory_space<vmem>>
    %dma_start3A_1267 = arith.constant 0 : i32
    %dma_start3A_1268 = arith.constant 0 : i32
    %dma_start3A_1269 = tpu.memref_slice %arg11[%dma_start3A_1267, %dma_start3A_1268] : memref<60x128xf32, #tpu.memory_space<vmem_shared>> -> memref<60x128xf32, #tpu.memory_space<vmem_shared>>
    %dma_start3A_1270 = tpu.memref_slice %arg15[%dma_start3A_1259] : memref<5x!tpu.dma_semaphore, #tpu.memory_space<semaphore_mem>> -> memref<1x!tpu.dma_semaphore, #tpu.memory_space<semaphore_mem>>
    %dma_start3A_1271 = tpu.memref_squeeze %dma_start3A_1270 : memref<1x!tpu.dma_semaphore, #tpu.memory_space<semaphore_mem>> -> memref<!tpu.dma_semaphore, #tpu.memory_space<semaphore_mem>>
    tpu.enqueue_indirect_dma source(%dma_start3A_1269 : memref<60x128xf32, #tpu.memory_space<vmem_shared>>) target(%dma_start3A_1263 : memref<80x128xf32, #tpu.memory_space<vmem>>) offsets(%dma_start3A_1266 : memref<80xi32, #tpu.memory_space<vmem>>) semaphore(%dma_start3A_1271 : memref<!tpu.dma_semaphore, #tpu.memory_space<semaphore_mem>>)
    %scan3A = arith.constant 0 : i32
    %scan3A_1272 = arith.constant 1 : i32
    %scan3A_1273 = arith.constant 23 : i32
    %scan3A_1274 = arith.addi %scan3A_1272, %scan3A_1273 : i32
    %scan3A_1275 = arith.constant 1 : i32
    scf.for %scan3A_1828 = %scan3A_1272 to %scan3A_1274 step %scan3A_1275  : i32 {
      %mul3A_1829 = arith.constant 5 : i32
      %mul3A_1830 = arith.muli %scan3A_1828, %mul3A_1829 : i32
      %add3A_1831 = arith.constant 0 : i32
      %add3A_1832 = arith.addi %mul3A_1830, %add3A_1831 : i32
      %dma_wait3A_1833 = arith.constant 0 : i32
      %dma_wait3A_1834 = arith.constant 0 : i32
      %dma_wait3A_1835 = arith.constant 0 : i32
      %dma_wait3A_1836 = arith.constant 0 : i32
      %dma_wait3A_1837 = arith.constant 0 : i32
      %dma_wait3A_1838 = tpu.memref_slice %arg13[%dma_wait3A_1834, %dma_wait3A_1836, %dma_wait3A_1837] : memref<5x80x128xf32, #tpu.memory_space<vmem>> -> memref<1x80x128xf32, #tpu.memory_space<vmem>>
      %dma_wait3A_1839 = tpu.memref_squeeze %dma_wait3A_1838 : memref<1x80x128xf32, #tpu.memory_space<vmem>> -> memref<80x128xf32, #tpu.memory_space<vmem>>
      %dma_wait3A_1840 = arith.constant 0 : i32
      %dma_wait3A_1841 = tpu.memref_slice %arg12[%dma_wait3A_1833, %dma_wait3A_1840] : memref<5x80xi32, #tpu.memory_space<vmem>> -> memref<1x80xi32, #tpu.memory_space<vmem>>
      %dma_wait3A_1842 = tpu.memref_squeeze %dma_wait3A_1841 : memref<1x80xi32, #tpu.memory_space<vmem>> -> memref<80xi32, #tpu.memory_space<vmem>>
      %dma_wait3A_1843 = arith.constant 0 : i32
      %dma_wait3A_1844 = arith.constant 0 : i32
      %dma_wait3A_1845 = tpu.memref_slice %arg11[%dma_wait3A_1843, %dma_wait3A_1844] : memref<60x128xf32, #tpu.memory_space<vmem_shared>> -> memref<60x128xf32, #tpu.memory_space<vmem_shared>>
      %dma_wait3A_1846 = tpu.memref_slice %arg15[%dma_wait3A_1835] : memref<5x!tpu.dma_semaphore, #tpu.memory_space<semaphore_mem>> -> memref<1x!tpu.dma_semaphore, #tpu.memory_space<semaphore_mem>>
      %dma_wait3A_1847 = tpu.memref_squeeze %dma_wait3A_1846 : memref<1x!tpu.dma_semaphore, #tpu.memory_space<semaphore_mem>> -> memref<!tpu.dma_semaphore, #tpu.memory_space<semaphore_mem>>
      tpu.wait_indirect_dma semaphore(%dma_wait3A_1847 : memref<!tpu.dma_semaphore, #tpu.memory_space<semaphore_mem>>) src(%dma_wait3A_1845 : memref<60x128xf32, #tpu.memory_space<vmem_shared>>) dst(%dma_wait3A_1839 : memref<80x128xf32, #tpu.memory_space<vmem>>)
      %mul3A_1848 = arith.constant 80 : i32
      %mul3A_1849 = arith.muli %add3A_1832, %mul3A_1848 : i32
      %add3A_1850 = arith.addi %mul3A_2, %mul3A_1849 : i32
      %dma_start3A_1851 = arith.constant 0 : i32
      %dma_start3A_1852 = arith.constant 0 : i32
      %dma_start3A_1853 = arith.constant 0 : i32
      %dma_start3A_1854 = arith.constant 0 : i32
      %dma_start3A_1855 = tpu.memref_slice %arg13[%dma_start3A_1851, %dma_start3A_1853, %dma_start3A_1854] : memref<5x80x128xf32, #tpu.memory_space<vmem>> -> memref<1x80x128xf32, #tpu.memory_space<vmem>>
      %dma_start3A_1856 = tpu.memref_squeeze %dma_start3A_1855 : memref<1x80x128xf32, #tpu.memory_space<vmem>> -> memref<80x128xf32, #tpu.memory_space<vmem>>
      %dma_start3A_1857 = arith.constant 0 : i32
      %dma_start3A_1858 = tpu.memref_slice %arg6[%add3A_1850, %dma_start3A_1857] : memref<320000x128xf32, #tpu.memory_space<hbm>> -> memref<80x128xf32, #tpu.memory_space<hbm>>
      %dma_start3A_1859 = tpu.memref_slice %arg16[%dma_start3A_1852] : memref<5x!tpu.dma_semaphore, #tpu.memory_space<semaphore_mem>> -> memref<1x!tpu.dma_semaphore, #tpu.memory_space<semaphore_mem>>
      %dma_start3A_1860 = tpu.memref_squeeze %dma_start3A_1859 : memref<1x!tpu.dma_semaphore, #tpu.memory_space<semaphore_mem>> -> memref<!tpu.dma_semaphore, #tpu.memory_space<semaphore_mem>>
      %dma_start3A_1861 = arith.constant 0 : i32
      %dma_start3A_1862 = tpu.memref_slice %arg6[%add3A_1850, %dma_start3A_1861] : memref<320000x128xf32, #tpu.memory_space<hbm>> -> memref<80x128xf32, #tpu.memory_space<hbm>>
      %dma_start3A_1863 = arith.constant 0 : i32
      %dma_start3A_1864 = arith.constant 0 : i32
      %dma_start3A_1865 = tpu.memref_slice %arg13[%dma_start3A_1851, %dma_start3A_1863, %dma_start3A_1864] : memref<5x80x128xf32, #tpu.memory_space<vmem>> -> memref<1x80x128xf32, #tpu.memory_space<vmem>>
      %dma_start3A_1866 = tpu.memref_squeeze %dma_start3A_1865 : memref<1x80x128xf32, #tpu.memory_space<vmem>> -> memref<80x128xf32, #tpu.memory_space<vmem>>
      tpu.enqueue_dma source(%dma_start3A_1866 : memref<80x128xf32, #tpu.memory_space<vmem>>) target(%dma_start3A_1862 : memref<80x128xf32, #tpu.memory_space<hbm>>) target_semaphore(%dma_start3A_1860 : memref<!tpu.dma_semaphore, #tpu.memory_space<semaphore_mem>>)
      %add3A_1867 = arith.constant 3 : i32
      %add3A_1868 = arith.addi %add3A_1832, %add3A_1867 : i32
      %mul3A_1869 = arith.constant 80 : i32
      %mul3A_1870 = arith.muli %add3A_1868, %mul3A_1869 : i32
      %add3A_1871 = arith.constant 0 : i32
      %add3A_1872 = arith.addi %mul3A_1870, %add3A_1871 : i32
      %get3A_1873 = arith.index_cast %add3A_1872 : i32 to index
      %get3A_1874 = tpu.vector_load %arg7[%get3A_1873] {strides = array<i32>} : memref<10000xi32, #tpu.memory_space<vmem>>, vector<16xi32>,
      %get3A_1875 = vector.shape_cast %get3A_1874 : vector<16xi32> to vector<16xi32>
      %get3A_1876 = arith.index_cast %add3A_1872 : i32 to index
      %get3A_1877 = tpu.vector_load %arg8[%get3A_1876] {strides = array<i32>} : memref<10000xi32, #tpu.memory_space<vmem>>, vector<16xi32>,
      %get3A_1878 = vector.shape_cast %get3A_1877 : vector<16xi32> to vector<16xi32>
      %get3A_1879 = arith.index_cast %add3A_1872 : i32 to index
      %get3A_1880 = tpu.vector_load %arg9[%get3A_1879] {strides = array<i32>} : memref<10000xi32, #tpu.memory_space<vmem>>, vector<16xi32>,
      %get3A_1881 = vector.shape_cast %get3A_1880 : vector<16xi32> to vector<16xi32>
      %mul3A_1882 = arith.constant 12 : i32
      %mul3A_1883 = vector.broadcast %mul3A_1882 : i32 to vector<16xi32>
      %mul3A_1884 = arith.muli %get3A_1875, %mul3A_1883 : vector<16xi32>
      %mul3A_1885 = arith.constant 2 : i32
      %mul3A_1886 = vector.broadcast %mul3A_1885 : i32 to vector<16xi32>
      %mul3A_1887 = arith.muli %get3A_1878, %mul3A_1886 : vector<16xi32>
      %add3A_1888 = arith.addi %mul3A_1884, %mul3A_1887 : vector<16xi32>
      %add3A_1889 = arith.addi %add3A_1888, %get3A_1881 : vector<16xi32>
      %swap3A_1890 = arith.constant 3 : i32
      %swap3A_1891 = arith.index_cast %swap3A_1890 : i32 to index
      %swap3A_1892 = arith.constant 0 : index
      %swap3A_1893 = tpu.vector_load %arg12[%swap3A_1891, %swap3A_1892] {strides = array<i32>} : memref<5x80xi32, #tpu.memory_space<vmem>>, vector<1x16xi32>,
      %swap3A_1894 = vector.shape_cast %swap3A_1893 : vector<1x16xi32> to vector<16xi32>
      %swap3A_1895 = vector.shape_cast %add3A_1889 : vector<16xi32> to vector<1x16xi32>
      tpu.vector_store %arg12[%swap3A_1891, %swap3A_1892], %swap3A_1895 {strides = array<i32>} : memref<5x80xi32, #tpu.memory_space<vmem>>, vector<1x16xi32>,
      %mul3A_1896 = arith.constant 80 : i32
      %mul3A_1897 = arith.muli %add3A_1868, %mul3A_1896 : i32
      %add3A_1898 = arith.constant 16 : i32
      %add3A_1899 = arith.addi %mul3A_1897, %add3A_1898 : i32
      %get3A_1900 = arith.index_cast %add3A_1899 : i32 to index
      %get3A_1901 = tpu.vector_load %arg7[%get3A_1900] {strides = array<i32>} : memref<10000xi32, #tpu.memory_space<vmem>>, vector<16xi32>,
      %get3A_1902 = vector.shape_cast %get3A_1901 : vector<16xi32> to vector<16xi32>
      %get3A_1903 = arith.index_cast %add3A_1899 : i32 to index
      %get3A_1904 = tpu.vector_load %arg8[%get3A_1903] {strides = array<i32>} : memref<10000xi32, #tpu.memory_space<vmem>>, vector<16xi32>,
      %get3A_1905 = vector.shape_cast %get3A_1904 : vector<16xi32> to vector<16xi32>
      %get3A_1906 = arith.index_cast %add3A_1899 : i32 to index
      %get3A_1907 = tpu.vector_load %arg9[%get3A_1906] {strides = array<i32>} : memref<10000xi32, #tpu.memory_space<vmem>>, vector<16xi32>,
      %get3A_1908 = vector.shape_cast %get3A_1907 : vector<16xi32> to vector<16xi32>
      %mul3A_1909 = arith.constant 12 : i32
      %mul3A_1910 = vector.broadcast %mul3A_1909 : i32 to vector<16xi32>
      %mul3A_1911 = arith.muli %get3A_1902, %mul3A_1910 : vector<16xi32>
      %mul3A_1912 = arith.constant 2 : i32
      %mul3A_1913 = vector.broadcast %mul3A_1912 : i32 to vector<16xi32>
      %mul3A_1914 = arith.muli %get3A_1905, %mul3A_1913 : vector<16xi32>
      %add3A_1915 = arith.addi %mul3A_1911, %mul3A_1914 : vector<16xi32>
      %add3A_1916 = arith.addi %add3A_1915, %get3A_1908 : vector<16xi32>
      %swap3A_1917 = arith.constant 3 : i32
      %swap3A_1918 = arith.index_cast %swap3A_1917 : i32 to index
      %swap3A_1919 = arith.constant 16 : index
      %swap3A_1920 = tpu.vector_load %arg12[%swap3A_1918, %swap3A_1919] {strides = array<i32>} : memref<5x80xi32, #tpu.memory_space<vmem>>, vector<1x16xi32>,
      %swap3A_1921 = vector.shape_cast %swap3A_1920 : vector<1x16xi32> to vector<16xi32>
      %swap3A_1922 = vector.shape_cast %add3A_1916 : vector<16xi32> to vector<1x16xi32>
      tpu.vector_store %arg12[%swap3A_1918, %swap3A_1919], %swap3A_1922 {strides = array<i32>} : memref<5x80xi32, #tpu.memory_space<vmem>>, vector<1x16xi32>,
      %mul3A_1923 = arith.constant 80 : i32
      %mul3A_1924 = arith.muli %add3A_1868, %mul3A_1923 : i32
      %add3A_1925 = arith.constant 32 : i32
      %add3A_1926 = arith.addi %mul3A_1924, %add3A_1925 : i32
      %get3A_1927 = arith.index_cast %add3A_1926 : i32 to index
      %get3A_1928 = tpu.vector_load %arg7[%get3A_1927] {strides = array<i32>} : memref<10000xi32, #tpu.memory_space<vmem>>, vector<16xi32>,
      %get3A_1929 = vector.shape_cast %get3A_1928 : vector<16xi32> to vector<16xi32>
      %get3A_1930 = arith.index_cast %add3A_1926 : i32 to index
      %get3A_1931 = tpu.vector_load %arg8[%get3A_1930] {strides = array<i32>} : memref<10000xi32, #tpu.memory_space<vmem>>, vector<16xi32>,
      %get3A_1932 = vector.shape_cast %get3A_1931 : vector<16xi32> to vector<16xi32>
      %get3A_1933 = arith.index_cast %add3A_1926 : i32 to index
      %get3A_1934 = tpu.vector_load %arg9[%get3A_1933] {strides = array<i32>} : memref<10000xi32, #tpu.memory_space<vmem>>, vector<16xi32>,
      %get3A_1935 = vector.shape_cast %get3A_1934 : vector<16xi32> to vector<16xi32>
      %mul3A_1936 = arith.constant 12 : i32
      %mul3A_1937 = vector.broadcast %mul3A_1936 : i32 to vector<16xi32>
      %mul3A_1938 = arith.muli %get3A_1929, %mul3A_1937 : vector<16xi32>
      %mul3A_1939 = arith.constant 2 : i32
      %mul3A_1940 = vector.broadcast %mul3A_1939 : i32 to vector<16xi32>
      %mul3A_1941 = arith.muli %get3A_1932, %mul3A_1940 : vector<16xi32>
      %add3A_1942 = arith.addi %mul3A_1938, %mul3A_1941 : vector<16xi32>
      %add3A_1943 = arith.addi %add3A_1942, %get3A_1935 : vector<16xi32>
      %swap3A_1944 = arith.constant 3 : i32
      %swap3A_1945 = arith.index_cast %swap3A_1944 : i32 to index
      %swap3A_1946 = arith.constant 32 : index
      %swap3A_1947 = tpu.vector_load %arg12[%swap3A_1945, %swap3A_1946] {strides = array<i32>} : memref<5x80xi32, #tpu.memory_space<vmem>>, vector<1x16xi32>,
      %swap3A_1948 = vector.shape_cast %swap3A_1947 : vector<1x16xi32> to vector<16xi32>
      %swap3A_1949 = vector.shape_cast %add3A_1943 : vector<16xi32> to vector<1x16xi32>
      tpu.vector_store %arg12[%swap3A_1945, %swap3A_1946], %swap3A_1949 {strides = array<i32>} : memref<5x80xi32, #tpu.memory_space<vmem>>, vector<1x16xi32>,
      %mul3A_1950 = arith.constant 80 : i32
      %mul3A_1951 = arith.muli %add3A_1868, %mul3A_1950 : i32
      %add3A_1952 = arith.constant 48 : i32
      %add3A_1953 = arith.addi %mul3A_1951, %add3A_1952 : i32
      %get3A_1954 = arith.index_cast %add3A_1953 : i32 to index
      %get3A_1955 = tpu.vector_load %arg7[%get3A_1954] {strides = array<i32>} : memref<10000xi32, #tpu.memory_space<vmem>>, vector<16xi32>,
      %get3A_1956 = vector.shape_cast %get3A_1955 : vector<16xi32> to vector<16xi32>
      %get3A_1957 = arith.index_cast %add3A_1953 : i32 to index
      %get3A_1958 = tpu.vector_load %arg8[%get3A_1957] {strides = array<i32>} : memref<10000xi32, #tpu.memory_space<vmem>>, vector<16xi32>,
      %get3A_1959 = vector.shape_cast %get3A_1958 : vector<16xi32> to vector<16xi32>
      %get3A_1960 = arith.index_cast %add3A_1953 : i32 to index
      %get3A_1961 = tpu.vector_load %arg9[%get3A_1960] {strides = array<i32>} : memref<10000xi32, #tpu.memory_space<vmem>>, vector<16xi32>,
      %get3A_1962 = vector.shape_cast %get3A_1961 : vector<16xi32> to vector<16xi32>
      %mul3A_1963 = arith.constant 12 : i32
      %mul3A_1964 = vector.broadcast %mul3A_1963 : i32 to vector<16xi32>
      %mul3A_1965 = arith.muli %get3A_1956, %mul3A_1964 : vector<16xi32>
      %mul3A_1966 = arith.constant 2 : i32
      %mul3A_1967 = vector.broadcast %mul3A_1966 : i32 to vector<16xi32>
      %mul3A_1968 = arith.muli %get3A_1959, %mul3A_1967 : vector<16xi32>
      %add3A_1969 = arith.addi %mul3A_1965, %mul3A_1968 : vector<16xi32>
      %add3A_1970 = arith.addi %add3A_1969, %get3A_1962 : vector<16xi32>
      %swap3A_1971 = arith.constant 3 : i32
      %swap3A_1972 = arith.index_cast %swap3A_1971 : i32 to index
      %swap3A_1973 = arith.constant 48 : index
      %swap3A_1974 = tpu.vector_load %arg12[%swap3A_1972, %swap3A_1973] {strides = array<i32>} : memref<5x80xi32, #tpu.memory_space<vmem>>, vector<1x16xi32>,
      %swap3A_1975 = vector.shape_cast %swap3A_1974 : vector<1x16xi32> to vector<16xi32>
      %swap3A_1976 = vector.shape_cast %add3A_1970 : vector<16xi32> to vector<1x16xi32>
      tpu.vector_store %arg12[%swap3A_1972, %swap3A_1973], %swap3A_1976 {strides = array<i32>} : memref<5x80xi32, #tpu.memory_space<vmem>>, vector<1x16xi32>,
      %mul3A_1977 = arith.constant 80 : i32
      %mul3A_1978 = arith.muli %add3A_1868, %mul3A_1977 : i32
      %add3A_1979 = arith.constant 64 : i32
      %add3A_1980 = arith.addi %mul3A_1978, %add3A_1979 : i32
      %get3A_1981 = arith.index_cast %add3A_1980 : i32 to index
      %get3A_1982 = tpu.vector_load %arg7[%get3A_1981] {strides = array<i32>} : memref<10000xi32, #tpu.memory_space<vmem>>, vector<16xi32>,
      %get3A_1983 = vector.shape_cast %get3A_1982 : vector<16xi32> to vector<16xi32>
      %get3A_1984 = arith.index_cast %add3A_1980 : i32 to index
      %get3A_1985 = tpu.vector_load %arg8[%get3A_1984] {strides = array<i32>} : memref<10000xi32, #tpu.memory_space<vmem>>, vector<16xi32>,
      %get3A_1986 = vector.shape_cast %get3A_1985 : vector<16xi32> to vector<16xi32>
      %get3A_1987 = arith.index_cast %add3A_1980 : i32 to index
      %get3A_1988 = tpu.vector_load %arg9[%get3A_1987] {strides = array<i32>} : memref<10000xi32, #tpu.memory_space<vmem>>, vector<16xi32>,
      %get3A_1989 = vector.shape_cast %get3A_1988 : vector<16xi32> to vector<16xi32>
      %mul3A_1990 = arith.constant 12 : i32
      %mul3A_1991 = vector.broadcast %mul3A_1990 : i32 to vector<16xi32>
      %mul3A_1992 = arith.muli %get3A_1983, %mul3A_1991 : vector<16xi32>
      %mul3A_1993 = arith.constant 2 : i32
      %mul3A_1994 = vector.broadcast %mul3A_1993 : i32 to vector<16xi32>
      %mul3A_1995 = arith.muli %get3A_1986, %mul3A_1994 : vector<16xi32>
      %add3A_1996 = arith.addi %mul3A_1992, %mul3A_1995 : vector<16xi32>
      %add3A_1997 = arith.addi %add3A_1996, %get3A_1989 : vector<16xi32>
      %swap3A_1998 = arith.constant 3 : i32
      %swap3A_1999 = arith.index_cast %swap3A_1998 : i32 to index
      %swap3A_2000 = arith.constant 64 : index
      %swap3A_2001 = tpu.vector_load %arg12[%swap3A_1999, %swap3A_2000] {strides = array<i32>} : memref<5x80xi32, #tpu.memory_space<vmem>>, vector<1x16xi32>,
      %swap3A_2002 = vector.shape_cast %swap3A_2001 : vector<1x16xi32> to vector<16xi32>
      %swap3A_2003 = vector.shape_cast %add3A_1997 : vector<16xi32> to vector<1x16xi32>
      tpu.vector_store %arg12[%swap3A_1999, %swap3A_2000], %swap3A_2003 {strides = array<i32>} : memref<5x80xi32, #tpu.memory_space<vmem>>, vector<1x16xi32>,
      %sub3A = arith.constant 2 : i32
      %sub3A_2004 = arith.subi %add3A_1832, %sub3A : i32
      %mul3A_2005 = arith.constant 80 : i32
      %mul3A_2006 = arith.muli %sub3A_2004, %mul3A_2005 : i32
      %add3A_2007 = arith.addi %mul3A_2, %mul3A_2006 : i32
      %dma_wait3A_2008 = arith.constant 3 : i32
      %dma_wait3A_2009 = arith.constant 3 : i32
      %dma_wait3A_2010 = arith.constant 0 : i32
      %dma_wait3A_2011 = arith.constant 0 : i32
      %dma_wait3A_2012 = tpu.memref_slice %arg13[%dma_wait3A_2008, %dma_wait3A_2010, %dma_wait3A_2011] : memref<5x80x128xf32, #tpu.memory_space<vmem>> -> memref<1x80x128xf32, #tpu.memory_space<vmem>>
      %dma_wait3A_2013 = tpu.memref_squeeze %dma_wait3A_2012 : memref<1x80x128xf32, #tpu.memory_space<vmem>> -> memref<80x128xf32, #tpu.memory_space<vmem>>
      %dma_wait3A_2014 = arith.constant 0 : i32
      %dma_wait3A_2015 = tpu.memref_slice %arg6[%add3A_2007, %dma_wait3A_2014] : memref<320000x128xf32, #tpu.memory_space<hbm>> -> memref<80x128xf32, #tpu.memory_space<hbm>>
      %dma_wait3A_2016 = tpu.memref_slice %arg16[%dma_wait3A_2009] : memref<5x!tpu.dma_semaphore, #tpu.memory_space<semaphore_mem>> -> memref<1x!tpu.dma_semaphore, #tpu.memory_space<semaphore_mem>>
      %dma_wait3A_2017 = tpu.memref_squeeze %dma_wait3A_2016 : memref<1x!tpu.dma_semaphore, #tpu.memory_space<semaphore_mem>> -> memref<!tpu.dma_semaphore, #tpu.memory_space<semaphore_mem>>
      %dma_wait3A_2018 = arith.constant 0 : i32
      %dma_wait3A_2019 = tpu.memref_slice %arg6[%add3A_2007, %dma_wait3A_2018] : memref<320000x128xf32, #tpu.memory_space<hbm>> -> memref<80x128xf32, #tpu.memory_space<hbm>>
      %dma_wait3A_2020 = arith.constant 0 : i32
      %dma_wait3A_2021 = arith.constant 0 : i32
      %dma_wait3A_2022 = tpu.memref_slice %arg13[%dma_wait3A_2008, %dma_wait3A_2020, %dma_wait3A_2021] : memref<5x80x128xf32, #tpu.memory_space<vmem>> -> memref<1x80x128xf32, #tpu.memory_space<vmem>>
      %dma_wait3A_2023 = tpu.memref_squeeze %dma_wait3A_2022 : memref<1x80x128xf32, #tpu.memory_space<vmem>> -> memref<80x128xf32, #tpu.memory_space<vmem>>
      tpu.wait_dma2 semaphore(%dma_wait3A_2017 : memref<!tpu.dma_semaphore, #tpu.memory_space<semaphore_mem>>) src(%dma_wait3A_2023 : memref<80x128xf32, #tpu.memory_space<vmem>>) dst(%dma_wait3A_2019 : memref<80x128xf32, #tpu.memory_space<hbm>>)
      %add3A_2024 = arith.constant 3 : i32
      %add3A_2025 = arith.addi %add3A_1832, %add3A_2024 : i32
      %dma_start3A_2026 = arith.constant 3 : i32
      %dma_start3A_2027 = arith.constant 3 : i32
      %dma_start3A_2028 = arith.constant 3 : i32
      %dma_start3A_2029 = arith.constant 0 : i32
      %dma_start3A_2030 = arith.constant 0 : i32
      %dma_start3A_2031 = tpu.memref_slice %arg13[%dma_start3A_2027, %dma_start3A_2029, %dma_start3A_2030] : memref<5x80x128xf32, #tpu.memory_space<vmem>> -> memref<1x80x128xf32, #tpu.memory_space<vmem>>
      %dma_start3A_2032 = tpu.memref_squeeze %dma_start3A_2031 : memref<1x80x128xf32, #tpu.memory_space<vmem>> -> memref<80x128xf32, #tpu.memory_space<vmem>>
      %dma_start3A_2033 = arith.constant 0 : i32
      %dma_start3A_2034 = tpu.memref_slice %arg12[%dma_start3A_2026, %dma_start3A_2033] : memref<5x80xi32, #tpu.memory_space<vmem>> -> memref<1x80xi32, #tpu.memory_space<vmem>>
      %dma_start3A_2035 = tpu.memref_squeeze %dma_start3A_2034 : memref<1x80xi32, #tpu.memory_space<vmem>> -> memref<80xi32, #tpu.memory_space<vmem>>
      %dma_start3A_2036 = arith.constant 0 : i32
      %dma_start3A_2037 = arith.constant 0 : i32
      %dma_start3A_2038 = tpu.memref_slice %arg11[%dma_start3A_2036, %dma_start3A_2037] : memref<60x128xf32, #tpu.memory_space<vmem_shared>> -> memref<60x128xf32, #tpu.memory_space<vmem_shared>>
      %dma_start3A_2039 = tpu.memref_slice %arg15[%dma_start3A_2028] : memref<5x!tpu.dma_semaphore, #tpu.memory_space<semaphore_mem>> -> memref<1x!tpu.dma_semaphore, #tpu.memory_space<semaphore_mem>>
      %dma_start3A_2040 = tpu.memref_squeeze %dma_start3A_2039 : memref<1x!tpu.dma_semaphore, #tpu.memory_space<semaphore_mem>> -> memref<!tpu.dma_semaphore, #tpu.memory_space<semaphore_mem>>
      tpu.enqueue_indirect_dma source(%dma_start3A_2038 : memref<60x128xf32, #tpu.memory_space<vmem_shared>>) target(%dma_start3A_2032 : memref<80x128xf32, #tpu.memory_space<vmem>>) offsets(%dma_start3A_2035 : memref<80xi32, #tpu.memory_space<vmem>>) semaphore(%dma_start3A_2040 : memref<!tpu.dma_semaphore, #tpu.memory_space<semaphore_mem>>)
      %add3A_2041 = arith.constant 1 : i32
      %add3A_2042 = arith.addi %mul3A_1830, %add3A_2041 : i32
      %dma_wait3A_2043 = arith.constant 1 : i32
      %dma_wait3A_2044 = arith.constant 1 : i32
      %dma_wait3A_2045 = arith.constant 1 : i32
      %dma_wait3A_2046 = arith.constant 0 : i32
      %dma_wait3A_2047 = arith.constant 0 : i32
      %dma_wait3A_2048 = tpu.memref_slice %arg13[%dma_wait3A_2044, %dma_wait3A_2046, %dma_wait3A_2047] : memref<5x80x128xf32, #tpu.memory_space<vmem>> -> memref<1x80x128xf32, #tpu.memory_space<vmem>>
      %dma_wait3A_2049 = tpu.memref_squeeze %dma_wait3A_2048 : memref<1x80x128xf32, #tpu.memory_space<vmem>> -> memref<80x128xf32, #tpu.memory_space<vmem>>
      %dma_wait3A_2050 = arith.constant 0 : i32
      %dma_wait3A_2051 = tpu.memref_slice %arg12[%dma_wait3A_2043, %dma_wait3A_2050] : memref<5x80xi32, #tpu.memory_space<vmem>> -> memref<1x80xi32, #tpu.memory_space<vmem>>
      %dma_wait3A_2052 = tpu.memref_squeeze %dma_wait3A_2051 : memref<1x80xi32, #tpu.memory_space<vmem>> -> memref<80xi32, #tpu.memory_space<vmem>>
      %dma_wait3A_2053 = arith.constant 0 : i32
      %dma_wait3A_2054 = arith.constant 0 : i32
      %dma_wait3A_2055 = tpu.memref_slice %arg11[%dma_wait3A_2053, %dma_wait3A_2054] : memref<60x128xf32, #tpu.memory_space<vmem_shared>> -> memref<60x128xf32, #tpu.memory_space<vmem_shared>>
      %dma_wait3A_2056 = tpu.memref_slice %arg15[%dma_wait3A_2045] : memref<5x!tpu.dma_semaphore, #tpu.memory_space<semaphore_mem>> -> memref<1x!tpu.dma_semaphore, #tpu.memory_space<semaphore_mem>>
      %dma_wait3A_2057 = tpu.memref_squeeze %dma_wait3A_2056 : memref<1x!tpu.dma_semaphore, #tpu.memory_space<semaphore_mem>> -> memref<!tpu.dma_semaphore, #tpu.memory_space<semaphore_mem>>
      tpu.wait_indirect_dma semaphore(%dma_wait3A_2057 : memref<!tpu.dma_semaphore, #tpu.memory_space<semaphore_mem>>) src(%dma_wait3A_2055 : memref<60x128xf32, #tpu.memory_space<vmem_shared>>) dst(%dma_wait3A_2049 : memref<80x128xf32, #tpu.memory_space<vmem>>)
      %mul3A_2058 = arith.constant 80 : i32
      %mul3A_2059 = arith.muli %add3A_2042, %mul3A_2058 : i32
      %add3A_2060 = arith.addi %mul3A_2, %mul3A_2059 : i32
      %dma_start3A_2061 = arith.constant 1 : i32
      %dma_start3A_2062 = arith.constant 1 : i32
      %dma_start3A_2063 = arith.constant 0 : i32
      %dma_start3A_2064 = arith.constant 0 : i32
      %dma_start3A_2065 = tpu.memref_slice %arg13[%dma_start3A_2061, %dma_start3A_2063, %dma_start3A_2064] : memref<5x80x128xf32, #tpu.memory_space<vmem>> -> memref<1x80x128xf32, #tpu.memory_space<vmem>>
      %dma_start3A_2066 = tpu.memref_squeeze %dma_start3A_2065 : memref<1x80x128xf32, #tpu.memory_space<vmem>> -> memref<80x128xf32, #tpu.memory_space<vmem>>
      %dma_start3A_2067 = arith.constant 0 : i32
      %dma_start3A_2068 = tpu.memref_slice %arg6[%add3A_2060, %dma_start3A_2067] : memref<320000x128xf32, #tpu.memory_space<hbm>> -> memref<80x128xf32, #tpu.memory_space<hbm>>
      %dma_start3A_2069 = tpu.memref_slice %arg16[%dma_start3A_2062] : memref<5x!tpu.dma_semaphore, #tpu.memory_space<semaphore_mem>> -> memref<1x!tpu.dma_semaphore, #tpu.memory_space<semaphore_mem>>
      %dma_start3A_2070 = tpu.memref_squeeze %dma_start3A_2069 : memref<1x!tpu.dma_semaphore, #tpu.memory_space<semaphore_mem>> -> memref<!tpu.dma_semaphore, #tpu.memory_space<semaphore_mem>>
      %dma_start3A_2071 = arith.constant 0 : i32
      %dma_start3A_2072 = tpu.memref_slice %arg6[%add3A_2060, %dma_start3A_2071] : memref<320000x128xf32, #tpu.memory_space<hbm>> -> memref<80x128xf32, #tpu.memory_space<hbm>>
      %dma_start3A_2073 = arith.constant 0 : i32
      %dma_start3A_2074 = arith.constant 0 : i32
      %dma_start3A_2075 = tpu.memref_slice %arg13[%dma_start3A_2061, %dma_start3A_2073, %dma_start3A_2074] : memref<5x80x128xf32, #tpu.memory_space<vmem>> -> memref<1x80x128xf32, #tpu.memory_space<vmem>>
      %dma_start3A_2076 = tpu.memref_squeeze %dma_start3A_2075 : memref<1x80x128xf32, #tpu.memory_space<vmem>> -> memref<80x128xf32, #tpu.memory_space<vmem>>
      tpu.enqueue_dma source(%dma_start3A_2076 : memref<80x128xf32, #tpu.memory_space<vmem>>) target(%dma_start3A_2072 : memref<80x128xf32, #tpu.memory_space<hbm>>) target_semaphore(%dma_start3A_2070 : memref<!tpu.dma_semaphore, #tpu.memory_space<semaphore_mem>>)
      %add3A_2077 = arith.constant 3 : i32
      %add3A_2078 = arith.addi %add3A_2042, %add3A_2077 : i32
      %mul3A_2079 = arith.constant 80 : i32
      %mul3A_2080 = arith.muli %add3A_2078, %mul3A_2079 : i32
      %add3A_2081 = arith.constant 0 : i32
      %add3A_2082 = arith.addi %mul3A_2080, %add3A_2081 : i32
      %get3A_2083 = arith.index_cast %add3A_2082 : i32 to index
      %get3A_2084 = tpu.vector_load %arg7[%get3A_2083] {strides = array<i32>} : memref<10000xi32, #tpu.memory_space<vmem>>, vector<16xi32>,
      %get3A_2085 = vector.shape_cast %get3A_2084 : vector<16xi32> to vector<16xi32>
      %get3A_2086 = arith.index_cast %add3A_2082 : i32 to index
      %get3A_2087 = tpu.vector_load %arg8[%get3A_2086] {strides = array<i32>} : memref<10000xi32, #tpu.memory_space<vmem>>, vector<16xi32>,
      %get3A_2088 = vector.shape_cast %get3A_2087 : vector<16xi32> to vector<16xi32>
      %get3A_2089 = arith.index_cast %add3A_2082 : i32 to index
      %get3A_2090 = tpu.vector_load %arg9[%get3A_2089] {strides = array<i32>} : memref<10000xi32, #tpu.memory_space<vmem>>, vector<16xi32>,
      %get3A_2091 = vector.shape_cast %get3A_2090 : vector<16xi32> to vector<16xi32>
      %mul3A_2092 = arith.constant 12 : i32
      %mul3A_2093 = vector.broadcast %mul3A_2092 : i32 to vector<16xi32>
      %mul3A_2094 = arith.muli %get3A_2085, %mul3A_2093 : vector<16xi32>
      %mul3A_2095 = arith.constant 2 : i32
      %mul3A_2096 = vector.broadcast %mul3A_2095 : i32 to vector<16xi32>
      %mul3A_2097 = arith.muli %get3A_2088, %mul3A_2096 : vector<16xi32>
      %add3A_2098 = arith.addi %mul3A_2094, %mul3A_2097 : vector<16xi32>
      %add3A_2099 = arith.addi %add3A_2098, %get3A_2091 : vector<16xi32>
      %swap3A_2100 = arith.constant 4 : i32
      %swap3A_2101 = arith.index_cast %swap3A_2100 : i32 to index
      %swap3A_2102 = arith.constant 0 : index
      %swap3A_2103 = tpu.vector_load %arg12[%swap3A_2101, %swap3A_2102] {strides = array<i32>} : memref<5x80xi32, #tpu.memory_space<vmem>>, vector<1x16xi32>,
      %swap3A_2104 = vector.shape_cast %swap3A_2103 : vector<1x16xi32> to vector<16xi32>
      %swap3A_2105 = vector.shape_cast %add3A_2099 : vector<16xi32> to vector<1x16xi32>
      tpu.vector_store %arg12[%swap3A_2101, %swap3A_2102], %swap3A_2105 {strides = array<i32>} : memref<5x80xi32, #tpu.memory_space<vmem>>, vector<1x16xi32>,
      %mul3A_2106 = arith.constant 80 : i32
      %mul3A_2107 = arith.muli %add3A_2078, %mul3A_2106 : i32
      %add3A_2108 = arith.constant 16 : i32
      %add3A_2109 = arith.addi %mul3A_2107, %add3A_2108 : i32
      %get3A_2110 = arith.index_cast %add3A_2109 : i32 to index
      %get3A_2111 = tpu.vector_load %arg7[%get3A_2110] {strides = array<i32>} : memref<10000xi32, #tpu.memory_space<vmem>>, vector<16xi32>,
      %get3A_2112 = vector.shape_cast %get3A_2111 : vector<16xi32> to vector<16xi32>
      %get3A_2113 = arith.index_cast %add3A_2109 : i32 to index
      %get3A_2114 = tpu.vector_load %arg8[%get3A_2113] {strides = array<i32>} : memref<10000xi32, #tpu.memory_space<vmem>>, vector<16xi32>,
      %get3A_2115 = vector.shape_cast %get3A_2114 : vector<16xi32> to vector<16xi32>
      %get3A_2116 = arith.index_cast %add3A_2109 : i32 to index
      %get3A_2117 = tpu.vector_load %arg9[%get3A_2116] {strides = array<i32>} : memref<10000xi32, #tpu.memory_space<vmem>>, vector<16xi32>,
      %get3A_2118 = vector.shape_cast %get3A_2117 : vector<16xi32> to vector<16xi32>
      %mul3A_2119 = arith.constant 12 : i32
      %mul3A_2120 = vector.broadcast %mul3A_2119 : i32 to vector<16xi32>
      %mul3A_2121 = arith.muli %get3A_2112, %mul3A_2120 : vector<16xi32>
      %mul3A_2122 = arith.constant 2 : i32
      %mul3A_2123 = vector.broadcast %mul3A_2122 : i32 to vector<16xi32>
      %mul3A_2124 = arith.muli %get3A_2115, %mul3A_2123 : vector<16xi32>
      %add3A_2125 = arith.addi %mul3A_2121, %mul3A_2124 : vector<16xi32>
      %add3A_2126 = arith.addi %add3A_2125, %get3A_2118 : vector<16xi32>
      %swap3A_2127 = arith.constant 4 : i32
      %swap3A_2128 = arith.index_cast %swap3A_2127 : i32 to index
      %swap3A_2129 = arith.constant 16 : index
      %swap3A_2130 = tpu.vector_load %arg12[%swap3A_2128, %swap3A_2129] {strides = array<i32>} : memref<5x80xi32, #tpu.memory_space<vmem>>, vector<1x16xi32>,
      %swap3A_2131 = vector.shape_cast %swap3A_2130 : vector<1x16xi32> to vector<16xi32>
      %swap3A_2132 = vector.shape_cast %add3A_2126 : vector<16xi32> to vector<1x16xi32>
      tpu.vector_store %arg12[%swap3A_2128, %swap3A_2129], %swap3A_2132 {strides = array<i32>} : memref<5x80xi32, #tpu.memory_space<vmem>>, vector<1x16xi32>,
      %mul3A_2133 = arith.constant 80 : i32
      %mul3A_2134 = arith.muli %add3A_2078, %mul3A_2133 : i32
      %add3A_2135 = arith.constant 32 : i32
      %add3A_2136 = arith.addi %mul3A_2134, %add3A_2135 : i32
      %get3A_2137 = arith.index_cast %add3A_2136 : i32 to index
      %get3A_2138 = tpu.vector_load %arg7[%get3A_2137] {strides = array<i32>} : memref<10000xi32, #tpu.memory_space<vmem>>, vector<16xi32>,
      %get3A_2139 = vector.shape_cast %get3A_2138 : vector<16xi32> to vector<16xi32>
      %get3A_2140 = arith.index_cast %add3A_2136 : i32 to index
      %get3A_2141 = tpu.vector_load %arg8[%get3A_2140] {strides = array<i32>} : memref<10000xi32, #tpu.memory_space<vmem>>, vector<16xi32>,
      %get3A_2142 = vector.shape_cast %get3A_2141 : vector<16xi32> to vector<16xi32>
      %get3A_2143 = arith.index_cast %add3A_2136 : i32 to index
      %get3A_2144 = tpu.vector_load %arg9[%get3A_2143] {strides = array<i32>} : memref<10000xi32, #tpu.memory_space<vmem>>, vector<16xi32>,
      %get3A_2145 = vector.shape_cast %get3A_2144 : vector<16xi32> to vector<16xi32>
      %mul3A_2146 = arith.constant 12 : i32
      %mul3A_2147 = vector.broadcast %mul3A_2146 : i32 to vector<16xi32>
      %mul3A_2148 = arith.muli %get3A_2139, %mul3A_2147 : vector<16xi32>
      %mul3A_2149 = arith.constant 2 : i32
      %mul3A_2150 = vector.broadcast %mul3A_2149 : i32 to vector<16xi32>
      %mul3A_2151 = arith.muli %get3A_2142, %mul3A_2150 : vector<16xi32>
      %add3A_2152 = arith.addi %mul3A_2148, %mul3A_2151 : vector<16xi32>
      %add3A_2153 = arith.addi %add3A_2152, %get3A_2145 : vector<16xi32>
      %swap3A_2154 = arith.constant 4 : i32
      %swap3A_2155 = arith.index_cast %swap3A_2154 : i32 to index
      %swap3A_2156 = arith.constant 32 : index
      %swap3A_2157 = tpu.vector_load %arg12[%swap3A_2155, %swap3A_2156] {strides = array<i32>} : memref<5x80xi32, #tpu.memory_space<vmem>>, vector<1x16xi32>,
      %swap3A_2158 = vector.shape_cast %swap3A_2157 : vector<1x16xi32> to vector<16xi32>
      %swap3A_2159 = vector.shape_cast %add3A_2153 : vector<16xi32> to vector<1x16xi32>
      tpu.vector_store %arg12[%swap3A_2155, %swap3A_2156], %swap3A_2159 {strides = array<i32>} : memref<5x80xi32, #tpu.memory_space<vmem>>, vector<1x16xi32>,
      %mul3A_2160 = arith.constant 80 : i32
      %mul3A_2161 = arith.muli %add3A_2078, %mul3A_2160 : i32
      %add3A_2162 = arith.constant 48 : i32
      %add3A_2163 = arith.addi %mul3A_2161, %add3A_2162 : i32
      %get3A_2164 = arith.index_cast %add3A_2163 : i32 to index
      %get3A_2165 = tpu.vector_load %arg7[%get3A_2164] {strides = array<i32>} : memref<10000xi32, #tpu.memory_space<vmem>>, vector<16xi32>,
      %get3A_2166 = vector.shape_cast %get3A_2165 : vector<16xi32> to vector<16xi32>
      %get3A_2167 = arith.index_cast %add3A_2163 : i32 to index
      %get3A_2168 = tpu.vector_load %arg8[%get3A_2167] {strides = array<i32>} : memref<10000xi32, #tpu.memory_space<vmem>>, vector<16xi32>,
      %get3A_2169 = vector.shape_cast %get3A_2168 : vector<16xi32> to vector<16xi32>
      %get3A_2170 = arith.index_cast %add3A_2163 : i32 to index
      %get3A_2171 = tpu.vector_load %arg9[%get3A_2170] {strides = array<i32>} : memref<10000xi32, #tpu.memory_space<vmem>>, vector<16xi32>,
      %get3A_2172 = vector.shape_cast %get3A_2171 : vector<16xi32> to vector<16xi32>
      %mul3A_2173 = arith.constant 12 : i32
      %mul3A_2174 = vector.broadcast %mul3A_2173 : i32 to vector<16xi32>
      %mul3A_2175 = arith.muli %get3A_2166, %mul3A_2174 : vector<16xi32>
      %mul3A_2176 = arith.constant 2 : i32
      %mul3A_2177 = vector.broadcast %mul3A_2176 : i32 to vector<16xi32>
      %mul3A_2178 = arith.muli %get3A_2169, %mul3A_2177 : vector<16xi32>
      %add3A_2179 = arith.addi %mul3A_2175, %mul3A_2178 : vector<16xi32>
      %add3A_2180 = arith.addi %add3A_2179, %get3A_2172 : vector<16xi32>
      %swap3A_2181 = arith.constant 4 : i32
      %swap3A_2182 = arith.index_cast %swap3A_2181 : i32 to index
      %swap3A_2183 = arith.constant 48 : index
      %swap3A_2184 = tpu.vector_load %arg12[%swap3A_2182, %swap3A_2183] {strides = array<i32>} : memref<5x80xi32, #tpu.memory_space<vmem>>, vector<1x16xi32>,
      %swap3A_2185 = vector.shape_cast %swap3A_2184 : vector<1x16xi32> to vector<16xi32>
      %swap3A_2186 = vector.shape_cast %add3A_2180 : vector<16xi32> to vector<1x16xi32>
      tpu.vector_store %arg12[%swap3A_2182, %swap3A_2183], %swap3A_2186 {strides = array<i32>} : memref<5x80xi32, #tpu.memory_space<vmem>>, vector<1x16xi32>,
      %mul3A_2187 = arith.constant 80 : i32
      %mul3A_2188 = arith.muli %add3A_2078, %mul3A_2187 : i32
      %add3A_2189 = arith.constant 64 : i32
      %add3A_2190 = arith.addi %mul3A_2188, %add3A_2189 : i32
      %get3A_2191 = arith.index_cast %add3A_2190 : i32 to index
      %get3A_2192 = tpu.vector_load %arg7[%get3A_2191] {strides = array<i32>} : memref<10000xi32, #tpu.memory_space<vmem>>, vector<16xi32>,
      %get3A_2193 = vector.shape_cast %get3A_2192 : vector<16xi32> to vector<16xi32>
      %get3A_2194 = arith.index_cast %add3A_2190 : i32 to index
      %get3A_2195 = tpu.vector_load %arg8[%get3A_2194] {strides = array<i32>} : memref<10000xi32, #tpu.memory_space<vmem>>, vector<16xi32>,
      %get3A_2196 = vector.shape_cast %get3A_2195 : vector<16xi32> to vector<16xi32>
      %get3A_2197 = arith.index_cast %add3A_2190 : i32 to index
      %get3A_2198 = tpu.vector_load %arg9[%get3A_2197] {strides = array<i32>} : memref<10000xi32, #tpu.memory_space<vmem>>, vector<16xi32>,
      %get3A_2199 = vector.shape_cast %get3A_2198 : vector<16xi32> to vector<16xi32>
      %mul3A_2200 = arith.constant 12 : i32
      %mul3A_2201 = vector.broadcast %mul3A_2200 : i32 to vector<16xi32>
      %mul3A_2202 = arith.muli %get3A_2193, %mul3A_2201 : vector<16xi32>
      %mul3A_2203 = arith.constant 2 : i32
      %mul3A_2204 = vector.broadcast %mul3A_2203 : i32 to vector<16xi32>
      %mul3A_2205 = arith.muli %get3A_2196, %mul3A_2204 : vector<16xi32>
      %add3A_2206 = arith.addi %mul3A_2202, %mul3A_2205 : vector<16xi32>
      %add3A_2207 = arith.addi %add3A_2206, %get3A_2199 : vector<16xi32>
      %swap3A_2208 = arith.constant 4 : i32
      %swap3A_2209 = arith.index_cast %swap3A_2208 : i32 to index
      %swap3A_2210 = arith.constant 64 : index
      %swap3A_2211 = tpu.vector_load %arg12[%swap3A_2209, %swap3A_2210] {strides = array<i32>} : memref<5x80xi32, #tpu.memory_space<vmem>>, vector<1x16xi32>,
      %swap3A_2212 = vector.shape_cast %swap3A_2211 : vector<1x16xi32> to vector<16xi32>
      %swap3A_2213 = vector.shape_cast %add3A_2207 : vector<16xi32> to vector<1x16xi32>
      tpu.vector_store %arg12[%swap3A_2209, %swap3A_2210], %swap3A_2213 {strides = array<i32>} : memref<5x80xi32, #tpu.memory_space<vmem>>, vector<1x16xi32>,
      %sub3A_2214 = arith.constant 2 : i32
      %sub3A_2215 = arith.subi %add3A_2042, %sub3A_2214 : i32
      %mul3A_2216 = arith.constant 80 : i32
      %mul3A_2217 = arith.muli %sub3A_2215, %mul3A_2216 : i32
      %add3A_2218 = arith.addi %mul3A_2, %mul3A_2217 : i32
      %dma_wait3A_2219 = arith.constant 4 : i32
      %dma_wait3A_2220 = arith.constant 4 : i32
      %dma_wait3A_2221 = arith.constant 0 : i32
      %dma_wait3A_2222 = arith.constant 0 : i32
      %dma_wait3A_2223 = tpu.memref_slice %arg13[%dma_wait3A_2219, %dma_wait3A_2221, %dma_wait3A_2222] : memref<5x80x128xf32, #tpu.memory_space<vmem>> -> memref<1x80x128xf32, #tpu.memory_space<vmem>>
      %dma_wait3A_2224 = tpu.memref_squeeze %dma_wait3A_2223 : memref<1x80x128xf32, #tpu.memory_space<vmem>> -> memref<80x128xf32, #tpu.memory_space<vmem>>
      %dma_wait3A_2225 = arith.constant 0 : i32
      %dma_wait3A_2226 = tpu.memref_slice %arg6[%add3A_2218, %dma_wait3A_2225] : memref<320000x128xf32, #tpu.memory_space<hbm>> -> memref<80x128xf32, #tpu.memory_space<hbm>>
      %dma_wait3A_2227 = tpu.memref_slice %arg16[%dma_wait3A_2220] : memref<5x!tpu.dma_semaphore, #tpu.memory_space<semaphore_mem>> -> memref<1x!tpu.dma_semaphore, #tpu.memory_space<semaphore_mem>>
      %dma_wait3A_2228 = tpu.memref_squeeze %dma_wait3A_2227 : memref<1x!tpu.dma_semaphore, #tpu.memory_space<semaphore_mem>> -> memref<!tpu.dma_semaphore, #tpu.memory_space<semaphore_mem>>
      %dma_wait3A_2229 = arith.constant 0 : i32
      %dma_wait3A_2230 = tpu.memref_slice %arg6[%add3A_2218, %dma_wait3A_2229] : memref<320000x128xf32, #tpu.memory_space<hbm>> -> memref<80x128xf32, #tpu.memory_space<hbm>>
      %dma_wait3A_2231 = arith.constant 0 : i32
      %dma_wait3A_2232 = arith.constant 0 : i32
      %dma_wait3A_2233 = tpu.memref_slice %arg13[%dma_wait3A_2219, %dma_wait3A_2231, %dma_wait3A_2232] : memref<5x80x128xf32, #tpu.memory_space<vmem>> -> memref<1x80x128xf32, #tpu.memory_space<vmem>>
      %dma_wait3A_2234 = tpu.memref_squeeze %dma_wait3A_2233 : memref<1x80x128xf32, #tpu.memory_space<vmem>> -> memref<80x128xf32, #tpu.memory_space<vmem>>
      tpu.wait_dma2 semaphore(%dma_wait3A_2228 : memref<!tpu.dma_semaphore, #tpu.memory_space<semaphore_mem>>) src(%dma_wait3A_2234 : memref<80x128xf32, #tpu.memory_space<vmem>>) dst(%dma_wait3A_2230 : memref<80x128xf32, #tpu.memory_space<hbm>>)
      %add3A_2235 = arith.constant 3 : i32
      %add3A_2236 = arith.addi %add3A_2042, %add3A_2235 : i32
      %dma_start3A_2237 = arith.constant 4 : i32
      %dma_start3A_2238 = arith.constant 4 : i32
      %dma_start3A_2239 = arith.constant 4 : i32
      %dma_start3A_2240 = arith.constant 0 : i32
      %dma_start3A_2241 = arith.constant 0 : i32
      %dma_start3A_2242 = tpu.memref_slice %arg13[%dma_start3A_2238, %dma_start3A_2240, %dma_start3A_2241] : memref<5x80x128xf32, #tpu.memory_space<vmem>> -> memref<1x80x128xf32, #tpu.memory_space<vmem>>
      %dma_start3A_2243 = tpu.memref_squeeze %dma_start3A_2242 : memref<1x80x128xf32, #tpu.memory_space<vmem>> -> memref<80x128xf32, #tpu.memory_space<vmem>>
      %dma_start3A_2244 = arith.constant 0 : i32
      %dma_start3A_2245 = tpu.memref_slice %arg12[%dma_start3A_2237, %dma_start3A_2244] : memref<5x80xi32, #tpu.memory_space<vmem>> -> memref<1x80xi32, #tpu.memory_space<vmem>>
      %dma_start3A_2246 = tpu.memref_squeeze %dma_start3A_2245 : memref<1x80xi32, #tpu.memory_space<vmem>> -> memref<80xi32, #tpu.memory_space<vmem>>
      %dma_start3A_2247 = arith.constant 0 : i32
      %dma_start3A_2248 = arith.constant 0 : i32
      %dma_start3A_2249 = tpu.memref_slice %arg11[%dma_start3A_2247, %dma_start3A_2248] : memref<60x128xf32, #tpu.memory_space<vmem_shared>> -> memref<60x128xf32, #tpu.memory_space<vmem_shared>>
      %dma_start3A_2250 = tpu.memref_slice %arg15[%dma_start3A_2239] : memref<5x!tpu.dma_semaphore, #tpu.memory_space<semaphore_mem>> -> memref<1x!tpu.dma_semaphore, #tpu.memory_space<semaphore_mem>>
      %dma_start3A_2251 = tpu.memref_squeeze %dma_start3A_2250 : memref<1x!tpu.dma_semaphore, #tpu.memory_space<semaphore_mem>> -> memref<!tpu.dma_semaphore, #tpu.memory_space<semaphore_mem>>
      tpu.enqueue_indirect_dma source(%dma_start3A_2249 : memref<60x128xf32, #tpu.memory_space<vmem_shared>>) target(%dma_start3A_2243 : memref<80x128xf32, #tpu.memory_space<vmem>>) offsets(%dma_start3A_2246 : memref<80xi32, #tpu.memory_space<vmem>>) semaphore(%dma_start3A_2251 : memref<!tpu.dma_semaphore, #tpu.memory_space<semaphore_mem>>)
      %add3A_2252 = arith.constant 2 : i32
      %add3A_2253 = arith.addi %mul3A_1830, %add3A_2252 : i32
      %dma_wait3A_2254 = arith.constant 2 : i32
      %dma_wait3A_2255 = arith.constant 2 : i32
      %dma_wait3A_2256 = arith.constant 2 : i32
      %dma_wait3A_2257 = arith.constant 0 : i32
      %dma_wait3A_2258 = arith.constant 0 : i32
      %dma_wait3A_2259 = tpu.memref_slice %arg13[%dma_wait3A_2255, %dma_wait3A_2257, %dma_wait3A_2258] : memref<5x80x128xf32, #tpu.memory_space<vmem>> -> memref<1x80x128xf32, #tpu.memory_space<vmem>>
      %dma_wait3A_2260 = tpu.memref_squeeze %dma_wait3A_2259 : memref<1x80x128xf32, #tpu.memory_space<vmem>> -> memref<80x128xf32, #tpu.memory_space<vmem>>
      %dma_wait3A_2261 = arith.constant 0 : i32
      %dma_wait3A_2262 = tpu.memref_slice %arg12[%dma_wait3A_2254, %dma_wait3A_2261] : memref<5x80xi32, #tpu.memory_space<vmem>> -> memref<1x80xi32, #tpu.memory_space<vmem>>
      %dma_wait3A_2263 = tpu.memref_squeeze %dma_wait3A_2262 : memref<1x80xi32, #tpu.memory_space<vmem>> -> memref<80xi32, #tpu.memory_space<vmem>>
      %dma_wait3A_2264 = arith.constant 0 : i32
      %dma_wait3A_2265 = arith.constant 0 : i32
      %dma_wait3A_2266 = tpu.memref_slice %arg11[%dma_wait3A_2264, %dma_wait3A_2265] : memref<60x128xf32, #tpu.memory_space<vmem_shared>> -> memref<60x128xf32, #tpu.memory_space<vmem_shared>>
      %dma_wait3A_2267 = tpu.memref_slice %arg15[%dma_wait3A_2256] : memref<5x!tpu.dma_semaphore, #tpu.memory_space<semaphore_mem>> -> memref<1x!tpu.dma_semaphore, #tpu.memory_space<semaphore_mem>>
      %dma_wait3A_2268 = tpu.memref_squeeze %dma_wait3A_2267 : memref<1x!tpu.dma_semaphore, #tpu.memory_space<semaphore_mem>> -> memref<!tpu.dma_semaphore, #tpu.memory_space<semaphore_mem>>
      tpu.wait_indirect_dma semaphore(%dma_wait3A_2268 : memref<!tpu.dma_semaphore, #tpu.memory_space<semaphore_mem>>) src(%dma_wait3A_2266 : memref<60x128xf32, #tpu.memory_space<vmem_shared>>) dst(%dma_wait3A_2260 : memref<80x128xf32, #tpu.memory_space<vmem>>)
      %mul3A_2269 = arith.constant 80 : i32
      %mul3A_2270 = arith.muli %add3A_2253, %mul3A_2269 : i32
      %add3A_2271 = arith.addi %mul3A_2, %mul3A_2270 : i32
      %dma_start3A_2272 = arith.constant 2 : i32
      %dma_start3A_2273 = arith.constant 2 : i32
      %dma_start3A_2274 = arith.constant 0 : i32
      %dma_start3A_2275 = arith.constant 0 : i32
      %dma_start3A_2276 = tpu.memref_slice %arg13[%dma_start3A_2272, %dma_start3A_2274, %dma_start3A_2275] : memref<5x80x128xf32, #tpu.memory_space<vmem>> -> memref<1x80x128xf32, #tpu.memory_space<vmem>>
      %dma_start3A_2277 = tpu.memref_squeeze %dma_start3A_2276 : memref<1x80x128xf32, #tpu.memory_space<vmem>> -> memref<80x128xf32, #tpu.memory_space<vmem>>
      %dma_start3A_2278 = arith.constant 0 : i32
      %dma_start3A_2279 = tpu.memref_slice %arg6[%add3A_2271, %dma_start3A_2278] : memref<320000x128xf32, #tpu.memory_space<hbm>> -> memref<80x128xf32, #tpu.memory_space<hbm>>
      %dma_start3A_2280 = tpu.memref_slice %arg16[%dma_start3A_2273] : memref<5x!tpu.dma_semaphore, #tpu.memory_space<semaphore_mem>> -> memref<1x!tpu.dma_semaphore, #tpu.memory_space<semaphore_mem>>
      %dma_start3A_2281 = tpu.memref_squeeze %dma_start3A_2280 : memref<1x!tpu.dma_semaphore, #tpu.memory_space<semaphore_mem>> -> memref<!tpu.dma_semaphore, #tpu.memory_space<semaphore_mem>>
      %dma_start3A_2282 = arith.constant 0 : i32
      %dma_start3A_2283 = tpu.memref_slice %arg6[%add3A_2271, %dma_start3A_2282] : memref<320000x128xf32, #tpu.memory_space<hbm>> -> memref<80x128xf32, #tpu.memory_space<hbm>>
      %dma_start3A_2284 = arith.constant 0 : i32
      %dma_start3A_2285 = arith.constant 0 : i32
      %dma_start3A_2286 = tpu.memref_slice %arg13[%dma_start3A_2272, %dma_start3A_2284, %dma_start3A_2285] : memref<5x80x128xf32, #tpu.memory_space<vmem>> -> memref<1x80x128xf32, #tpu.memory_space<vmem>>
      %dma_start3A_2287 = tpu.memref_squeeze %dma_start3A_2286 : memref<1x80x128xf32, #tpu.memory_space<vmem>> -> memref<80x128xf32, #tpu.memory_space<vmem>>
      tpu.enqueue_dma source(%dma_start3A_2287 : memref<80x128xf32, #tpu.memory_space<vmem>>) target(%dma_start3A_2283 : memref<80x128xf32, #tpu.memory_space<hbm>>) target_semaphore(%dma_start3A_2281 : memref<!tpu.dma_semaphore, #tpu.memory_space<semaphore_mem>>)
      %add3A_2288 = arith.constant 3 : i32
      %add3A_2289 = arith.addi %add3A_2253, %add3A_2288 : i32
      %mul3A_2290 = arith.constant 80 : i32
      %mul3A_2291 = arith.muli %add3A_2289, %mul3A_2290 : i32
      %add3A_2292 = arith.constant 0 : i32
      %add3A_2293 = arith.addi %mul3A_2291, %add3A_2292 : i32
      %get3A_2294 = arith.index_cast %add3A_2293 : i32 to index
      %get3A_2295 = tpu.vector_load %arg7[%get3A_2294] {strides = array<i32>} : memref<10000xi32, #tpu.memory_space<vmem>>, vector<16xi32>,
      %get3A_2296 = vector.shape_cast %get3A_2295 : vector<16xi32> to vector<16xi32>
      %get3A_2297 = arith.index_cast %add3A_2293 : i32 to index
      %get3A_2298 = tpu.vector_load %arg8[%get3A_2297] {strides = array<i32>} : memref<10000xi32, #tpu.memory_space<vmem>>, vector<16xi32>,
      %get3A_2299 = vector.shape_cast %get3A_2298 : vector<16xi32> to vector<16xi32>
      %get3A_2300 = arith.index_cast %add3A_2293 : i32 to index
      %get3A_2301 = tpu.vector_load %arg9[%get3A_2300] {strides = array<i32>} : memref<10000xi32, #tpu.memory_space<vmem>>, vector<16xi32>,
      %get3A_2302 = vector.shape_cast %get3A_2301 : vector<16xi32> to vector<16xi32>
      %mul3A_2303 = arith.constant 12 : i32
      %mul3A_2304 = vector.broadcast %mul3A_2303 : i32 to vector<16xi32>
      %mul3A_2305 = arith.muli %get3A_2296, %mul3A_2304 : vector<16xi32>
      %mul3A_2306 = arith.constant 2 : i32
      %mul3A_2307 = vector.broadcast %mul3A_2306 : i32 to vector<16xi32>
      %mul3A_2308 = arith.muli %get3A_2299, %mul3A_2307 : vector<16xi32>
      %add3A_2309 = arith.addi %mul3A_2305, %mul3A_2308 : vector<16xi32>
      %add3A_2310 = arith.addi %add3A_2309, %get3A_2302 : vector<16xi32>
      %swap3A_2311 = arith.constant 0 : i32
      %swap3A_2312 = arith.index_cast %swap3A_2311 : i32 to index
      %swap3A_2313 = arith.constant 0 : index
      %swap3A_2314 = tpu.vector_load %arg12[%swap3A_2312, %swap3A_2313] {strides = array<i32>} : memref<5x80xi32, #tpu.memory_space<vmem>>, vector<1x16xi32>,
      %swap3A_2315 = vector.shape_cast %swap3A_2314 : vector<1x16xi32> to vector<16xi32>
      %swap3A_2316 = vector.shape_cast %add3A_2310 : vector<16xi32> to vector<1x16xi32>
      tpu.vector_store %arg12[%swap3A_2312, %swap3A_2313], %swap3A_2316 {strides = array<i32>} : memref<5x80xi32, #tpu.memory_space<vmem>>, vector<1x16xi32>,
      %mul3A_2317 = arith.constant 80 : i32
      %mul3A_2318 = arith.muli %add3A_2289, %mul3A_2317 : i32
      %add3A_2319 = arith.constant 16 : i32
      %add3A_2320 = arith.addi %mul3A_2318, %add3A_2319 : i32
      %get3A_2321 = arith.index_cast %add3A_2320 : i32 to index
      %get3A_2322 = tpu.vector_load %arg7[%get3A_2321] {strides = array<i32>} : memref<10000xi32, #tpu.memory_space<vmem>>, vector<16xi32>,
      %get3A_2323 = vector.shape_cast %get3A_2322 : vector<16xi32> to vector<16xi32>
      %get3A_2324 = arith.index_cast %add3A_2320 : i32 to index
      %get3A_2325 = tpu.vector_load %arg8[%get3A_2324] {strides = array<i32>} : memref<10000xi32, #tpu.memory_space<vmem>>, vector<16xi32>,
      %get3A_2326 = vector.shape_cast %get3A_2325 : vector<16xi32> to vector<16xi32>
      %get3A_2327 = arith.index_cast %add3A_2320 : i32 to index
      %get3A_2328 = tpu.vector_load %arg9[%get3A_2327] {strides = array<i32>} : memref<10000xi32, #tpu.memory_space<vmem>>, vector<16xi32>,
      %get3A_2329 = vector.shape_cast %get3A_2328 : vector<16xi32> to vector<16xi32>
      %mul3A_2330 = arith.constant 12 : i32
      %mul3A_2331 = vector.broadcast %mul3A_2330 : i32 to vector<16xi32>
      %mul3A_2332 = arith.muli %get3A_2323, %mul3A_2331 : vector<16xi32>
      %mul3A_2333 = arith.constant 2 : i32
      %mul3A_2334 = vector.broadcast %mul3A_2333 : i32 to vector<16xi32>
      %mul3A_2335 = arith.muli %get3A_2326, %mul3A_2334 : vector<16xi32>
      %add3A_2336 = arith.addi %mul3A_2332, %mul3A_2335 : vector<16xi32>
      %add3A_2337 = arith.addi %add3A_2336, %get3A_2329 : vector<16xi32>
      %swap3A_2338 = arith.constant 0 : i32
      %swap3A_2339 = arith.index_cast %swap3A_2338 : i32 to index
      %swap3A_2340 = arith.constant 16 : index
      %swap3A_2341 = tpu.vector_load %arg12[%swap3A_2339, %swap3A_2340] {strides = array<i32>} : memref<5x80xi32, #tpu.memory_space<vmem>>, vector<1x16xi32>,
      %swap3A_2342 = vector.shape_cast %swap3A_2341 : vector<1x16xi32> to vector<16xi32>
      %swap3A_2343 = vector.shape_cast %add3A_2337 : vector<16xi32> to vector<1x16xi32>
      tpu.vector_store %arg12[%swap3A_2339, %swap3A_2340], %swap3A_2343 {strides = array<i32>} : memref<5x80xi32, #tpu.memory_space<vmem>>, vector<1x16xi32>,
      %mul3A_2344 = arith.constant 80 : i32
      %mul3A_2345 = arith.muli %add3A_2289, %mul3A_2344 : i32
      %add3A_2346 = arith.constant 32 : i32
      %add3A_2347 = arith.addi %mul3A_2345, %add3A_2346 : i32
      %get3A_2348 = arith.index_cast %add3A_2347 : i32 to index
      %get3A_2349 = tpu.vector_load %arg7[%get3A_2348] {strides = array<i32>} : memref<10000xi32, #tpu.memory_space<vmem>>, vector<16xi32>,
      %get3A_2350 = vector.shape_cast %get3A_2349 : vector<16xi32> to vector<16xi32>
      %get3A_2351 = arith.index_cast %add3A_2347 : i32 to index
      %get3A_2352 = tpu.vector_load %arg8[%get3A_2351] {strides = array<i32>} : memref<10000xi32, #tpu.memory_space<vmem>>, vector<16xi32>,
      %get3A_2353 = vector.shape_cast %get3A_2352 : vector<16xi32> to vector<16xi32>
      %get3A_2354 = arith.index_cast %add3A_2347 : i32 to index
      %get3A_2355 = tpu.vector_load %arg9[%get3A_2354] {strides = array<i32>} : memref<10000xi32, #tpu.memory_space<vmem>>, vector<16xi32>,
      %get3A_2356 = vector.shape_cast %get3A_2355 : vector<16xi32> to vector<16xi32>
      %mul3A_2357 = arith.constant 12 : i32
      %mul3A_2358 = vector.broadcast %mul3A_2357 : i32 to vector<16xi32>
      %mul3A_2359 = arith.muli %get3A_2350, %mul3A_2358 : vector<16xi32>
      %mul3A_2360 = arith.constant 2 : i32
      %mul3A_2361 = vector.broadcast %mul3A_2360 : i32 to vector<16xi32>
      %mul3A_2362 = arith.muli %get3A_2353, %mul3A_2361 : vector<16xi32>
      %add3A_2363 = arith.addi %mul3A_2359, %mul3A_2362 : vector<16xi32>
      %add3A_2364 = arith.addi %add3A_2363, %get3A_2356 : vector<16xi32>
      %swap3A_2365 = arith.constant 0 : i32
      %swap3A_2366 = arith.index_cast %swap3A_2365 : i32 to index
      %swap3A_2367 = arith.constant 32 : index
      %swap3A_2368 = tpu.vector_load %arg12[%swap3A_2366, %swap3A_2367] {strides = array<i32>} : memref<5x80xi32, #tpu.memory_space<vmem>>, vector<1x16xi32>,
      %swap3A_2369 = vector.shape_cast %swap3A_2368 : vector<1x16xi32> to vector<16xi32>
      %swap3A_2370 = vector.shape_cast %add3A_2364 : vector<16xi32> to vector<1x16xi32>
      tpu.vector_store %arg12[%swap3A_2366, %swap3A_2367], %swap3A_2370 {strides = array<i32>} : memref<5x80xi32, #tpu.memory_space<vmem>>, vector<1x16xi32>,
      %mul3A_2371 = arith.constant 80 : i32
      %mul3A_2372 = arith.muli %add3A_2289, %mul3A_2371 : i32
      %add3A_2373 = arith.constant 48 : i32
      %add3A_2374 = arith.addi %mul3A_2372, %add3A_2373 : i32
      %get3A_2375 = arith.index_cast %add3A_2374 : i32 to index
      %get3A_2376 = tpu.vector_load %arg7[%get3A_2375] {strides = array<i32>} : memref<10000xi32, #tpu.memory_space<vmem>>, vector<16xi32>,
      %get3A_2377 = vector.shape_cast %get3A_2376 : vector<16xi32> to vector<16xi32>
      %get3A_2378 = arith.index_cast %add3A_2374 : i32 to index
      %get3A_2379 = tpu.vector_load %arg8[%get3A_2378] {strides = array<i32>} : memref<10000xi32, #tpu.memory_space<vmem>>, vector<16xi32>,
      %get3A_2380 = vector.shape_cast %get3A_2379 : vector<16xi32> to vector<16xi32>
      %get3A_2381 = arith.index_cast %add3A_2374 : i32 to index
      %get3A_2382 = tpu.vector_load %arg9[%get3A_2381] {strides = array<i32>} : memref<10000xi32, #tpu.memory_space<vmem>>, vector<16xi32>,
      %get3A_2383 = vector.shape_cast %get3A_2382 : vector<16xi32> to vector<16xi32>
      %mul3A_2384 = arith.constant 12 : i32
      %mul3A_2385 = vector.broadcast %mul3A_2384 : i32 to vector<16xi32>
      %mul3A_2386 = arith.muli %get3A_2377, %mul3A_2385 : vector<16xi32>
      %mul3A_2387 = arith.constant 2 : i32
      %mul3A_2388 = vector.broadcast %mul3A_2387 : i32 to vector<16xi32>
      %mul3A_2389 = arith.muli %get3A_2380, %mul3A_2388 : vector<16xi32>
      %add3A_2390 = arith.addi %mul3A_2386, %mul3A_2389 : vector<16xi32>
      %add3A_2391 = arith.addi %add3A_2390, %get3A_2383 : vector<16xi32>
      %swap3A_2392 = arith.constant 0 : i32
      %swap3A_2393 = arith.index_cast %swap3A_2392 : i32 to index
      %swap3A_2394 = arith.constant 48 : index
      %swap3A_2395 = tpu.vector_load %arg12[%swap3A_2393, %swap3A_2394] {strides = array<i32>} : memref<5x80xi32, #tpu.memory_space<vmem>>, vector<1x16xi32>,
      %swap3A_2396 = vector.shape_cast %swap3A_2395 : vector<1x16xi32> to vector<16xi32>
      %swap3A_2397 = vector.shape_cast %add3A_2391 : vector<16xi32> to vector<1x16xi32>
      tpu.vector_store %arg12[%swap3A_2393, %swap3A_2394], %swap3A_2397 {strides = array<i32>} : memref<5x80xi32, #tpu.memory_space<vmem>>, vector<1x16xi32>,
      %mul3A_2398 = arith.constant 80 : i32
      %mul3A_2399 = arith.muli %add3A_2289, %mul3A_2398 : i32
      %add3A_2400 = arith.constant 64 : i32
      %add3A_2401 = arith.addi %mul3A_2399, %add3A_2400 : i32
      %get3A_2402 = arith.index_cast %add3A_2401 : i32 to index
      %get3A_2403 = tpu.vector_load %arg7[%get3A_2402] {strides = array<i32>} : memref<10000xi32, #tpu.memory_space<vmem>>, vector<16xi32>,
      %get3A_2404 = vector.shape_cast %get3A_2403 : vector<16xi32> to vector<16xi32>
      %get3A_2405 = arith.index_cast %add3A_2401 : i32 to index
      %get3A_2406 = tpu.vector_load %arg8[%get3A_2405] {strides = array<i32>} : memref<10000xi32, #tpu.memory_space<vmem>>, vector<16xi32>,
      %get3A_2407 = vector.shape_cast %get3A_2406 : vector<16xi32> to vector<16xi32>
      %get3A_2408 = arith.index_cast %add3A_2401 : i32 to index
      %get3A_2409 = tpu.vector_load %arg9[%get3A_2408] {strides = array<i32>} : memref<10000xi32, #tpu.memory_space<vmem>>, vector<16xi32>,
      %get3A_2410 = vector.shape_cast %get3A_2409 : vector<16xi32> to vector<16xi32>
      %mul3A_2411 = arith.constant 12 : i32
      %mul3A_2412 = vector.broadcast %mul3A_2411 : i32 to vector<16xi32>
      %mul3A_2413 = arith.muli %get3A_2404, %mul3A_2412 : vector<16xi32>
      %mul3A_2414 = arith.constant 2 : i32
      %mul3A_2415 = vector.broadcast %mul3A_2414 : i32 to vector<16xi32>
      %mul3A_2416 = arith.muli %get3A_2407, %mul3A_2415 : vector<16xi32>
      %add3A_2417 = arith.addi %mul3A_2413, %mul3A_2416 : vector<16xi32>
      %add3A_2418 = arith.addi %add3A_2417, %get3A_2410 : vector<16xi32>
      %swap3A_2419 = arith.constant 0 : i32
      %swap3A_2420 = arith.index_cast %swap3A_2419 : i32 to index
      %swap3A_2421 = arith.constant 64 : index
      %swap3A_2422 = tpu.vector_load %arg12[%swap3A_2420, %swap3A_2421] {strides = array<i32>} : memref<5x80xi32, #tpu.memory_space<vmem>>, vector<1x16xi32>,
      %swap3A_2423 = vector.shape_cast %swap3A_2422 : vector<1x16xi32> to vector<16xi32>
      %swap3A_2424 = vector.shape_cast %add3A_2418 : vector<16xi32> to vector<1x16xi32>
      tpu.vector_store %arg12[%swap3A_2420, %swap3A_2421], %swap3A_2424 {strides = array<i32>} : memref<5x80xi32, #tpu.memory_space<vmem>>, vector<1x16xi32>,
      %sub3A_2425 = arith.constant 2 : i32
      %sub3A_2426 = arith.subi %add3A_2253, %sub3A_2425 : i32
      %mul3A_2427 = arith.constant 80 : i32
      %mul3A_2428 = arith.muli %sub3A_2426, %mul3A_2427 : i32
      %add3A_2429 = arith.addi %mul3A_2, %mul3A_2428 : i32
      %dma_wait3A_2430 = arith.constant 0 : i32
      %dma_wait3A_2431 = arith.constant 0 : i32
      %dma_wait3A_2432 = arith.constant 0 : i32
      %dma_wait3A_2433 = arith.constant 0 : i32
      %dma_wait3A_2434 = tpu.memref_slice %arg13[%dma_wait3A_2430, %dma_wait3A_2432, %dma_wait3A_2433] : memref<5x80x128xf32, #tpu.memory_space<vmem>> -> memref<1x80x128xf32, #tpu.memory_space<vmem>>
      %dma_wait3A_2435 = tpu.memref_squeeze %dma_wait3A_2434 : memref<1x80x128xf32, #tpu.memory_space<vmem>> -> memref<80x128xf32, #tpu.memory_space<vmem>>
      %dma_wait3A_2436 = arith.constant 0 : i32
      %dma_wait3A_2437 = tpu.memref_slice %arg6[%add3A_2429, %dma_wait3A_2436] : memref<320000x128xf32, #tpu.memory_space<hbm>> -> memref<80x128xf32, #tpu.memory_space<hbm>>
      %dma_wait3A_2438 = tpu.memref_slice %arg16[%dma_wait3A_2431] : memref<5x!tpu.dma_semaphore, #tpu.memory_space<semaphore_mem>> -> memref<1x!tpu.dma_semaphore, #tpu.memory_space<semaphore_mem>>
      %dma_wait3A_2439 = tpu.memref_squeeze %dma_wait3A_2438 : memref<1x!tpu.dma_semaphore, #tpu.memory_space<semaphore_mem>> -> memref<!tpu.dma_semaphore, #tpu.memory_space<semaphore_mem>>
      %dma_wait3A_2440 = arith.constant 0 : i32
      %dma_wait3A_2441 = tpu.memref_slice %arg6[%add3A_2429, %dma_wait3A_2440] : memref<320000x128xf32, #tpu.memory_space<hbm>> -> memref<80x128xf32, #tpu.memory_space<hbm>>
      %dma_wait3A_2442 = arith.constant 0 : i32
      %dma_wait3A_2443 = arith.constant 0 : i32
      %dma_wait3A_2444 = tpu.memref_slice %arg13[%dma_wait3A_2430, %dma_wait3A_2442, %dma_wait3A_2443] : memref<5x80x128xf32, #tpu.memory_space<vmem>> -> memref<1x80x128xf32, #tpu.memory_space<vmem>>
      %dma_wait3A_2445 = tpu.memref_squeeze %dma_wait3A_2444 : memref<1x80x128xf32, #tpu.memory_space<vmem>> -> memref<80x128xf32, #tpu.memory_space<vmem>>
      tpu.wait_dma2 semaphore(%dma_wait3A_2439 : memref<!tpu.dma_semaphore, #tpu.memory_space<semaphore_mem>>) src(%dma_wait3A_2445 : memref<80x128xf32, #tpu.memory_space<vmem>>) dst(%dma_wait3A_2441 : memref<80x128xf32, #tpu.memory_space<hbm>>)
      %add3A_2446 = arith.constant 3 : i32
      %add3A_2447 = arith.addi %add3A_2253, %add3A_2446 : i32
      %dma_start3A_2448 = arith.constant 0 : i32
      %dma_start3A_2449 = arith.constant 0 : i32
      %dma_start3A_2450 = arith.constant 0 : i32
      %dma_start3A_2451 = arith.constant 0 : i32
      %dma_start3A_2452 = arith.constant 0 : i32
      %dma_start3A_2453 = tpu.memref_slice %arg13[%dma_start3A_2449, %dma_start3A_2451, %dma_start3A_2452] : memref<5x80x128xf32, #tpu.memory_space<vmem>> -> memref<1x80x128xf32, #tpu.memory_space<vmem>>
      %dma_start3A_2454 = tpu.memref_squeeze %dma_start3A_2453 : memref<1x80x128xf32, #tpu.memory_space<vmem>> -> memref<80x128xf32, #tpu.memory_space<vmem>>
      %dma_start3A_2455 = arith.constant 0 : i32
      %dma_start3A_2456 = tpu.memref_slice %arg12[%dma_start3A_2448, %dma_start3A_2455] : memref<5x80xi32, #tpu.memory_space<vmem>> -> memref<1x80xi32, #tpu.memory_space<vmem>>
      %dma_start3A_2457 = tpu.memref_squeeze %dma_start3A_2456 : memref<1x80xi32, #tpu.memory_space<vmem>> -> memref<80xi32, #tpu.memory_space<vmem>>
      %dma_start3A_2458 = arith.constant 0 : i32
      %dma_start3A_2459 = arith.constant 0 : i32
      %dma_start3A_2460 = tpu.memref_slice %arg11[%dma_start3A_2458, %dma_start3A_2459] : memref<60x128xf32, #tpu.memory_space<vmem_shared>> -> memref<60x128xf32, #tpu.memory_space<vmem_shared>>
      %dma_start3A_2461 = tpu.memref_slice %arg15[%dma_start3A_2450] : memref<5x!tpu.dma_semaphore, #tpu.memory_space<semaphore_mem>> -> memref<1x!tpu.dma_semaphore, #tpu.memory_space<semaphore_mem>>
      %dma_start3A_2462 = tpu.memref_squeeze %dma_start3A_2461 : memref<1x!tpu.dma_semaphore, #tpu.memory_space<semaphore_mem>> -> memref<!tpu.dma_semaphore, #tpu.memory_space<semaphore_mem>>
      tpu.enqueue_indirect_dma source(%dma_start3A_2460 : memref<60x128xf32, #tpu.memory_space<vmem_shared>>) target(%dma_start3A_2454 : memref<80x128xf32, #tpu.memory_space<vmem>>) offsets(%dma_start3A_2457 : memref<80xi32, #tpu.memory_space<vmem>>) semaphore(%dma_start3A_2462 : memref<!tpu.dma_semaphore, #tpu.memory_space<semaphore_mem>>)
      %add3A_2463 = arith.constant 3 : i32
      %add3A_2464 = arith.addi %mul3A_1830, %add3A_2463 : i32
      %dma_wait3A_2465 = arith.constant 3 : i32
      %dma_wait3A_2466 = arith.constant 3 : i32
      %dma_wait3A_2467 = arith.constant 3 : i32
      %dma_wait3A_2468 = arith.constant 0 : i32
      %dma_wait3A_2469 = arith.constant 0 : i32
      %dma_wait3A_2470 = tpu.memref_slice %arg13[%dma_wait3A_2466, %dma_wait3A_2468, %dma_wait3A_2469] : memref<5x80x128xf32, #tpu.memory_space<vmem>> -> memref<1x80x128xf32, #tpu.memory_space<vmem>>
      %dma_wait3A_2471 = tpu.memref_squeeze %dma_wait3A_2470 : memref<1x80x128xf32, #tpu.memory_space<vmem>> -> memref<80x128xf32, #tpu.memory_space<vmem>>
      %dma_wait3A_2472 = arith.constant 0 : i32
      %dma_wait3A_2473 = tpu.memref_slice %arg12[%dma_wait3A_2465, %dma_wait3A_2472] : memref<5x80xi32, #tpu.memory_space<vmem>> -> memref<1x80xi32, #tpu.memory_space<vmem>>
      %dma_wait3A_2474 = tpu.memref_squeeze %dma_wait3A_2473 : memref<1x80xi32, #tpu.memory_space<vmem>> -> memref<80xi32, #tpu.memory_space<vmem>>
      %dma_wait3A_2475 = arith.constant 0 : i32
      %dma_wait3A_2476 = arith.constant 0 : i32
      %dma_wait3A_2477 = tpu.memref_slice %arg11[%dma_wait3A_2475, %dma_wait3A_2476] : memref<60x128xf32, #tpu.memory_space<vmem_shared>> -> memref<60x128xf32, #tpu.memory_space<vmem_shared>>
      %dma_wait3A_2478 = tpu.memref_slice %arg15[%dma_wait3A_2467] : memref<5x!tpu.dma_semaphore, #tpu.memory_space<semaphore_mem>> -> memref<1x!tpu.dma_semaphore, #tpu.memory_space<semaphore_mem>>
      %dma_wait3A_2479 = tpu.memref_squeeze %dma_wait3A_2478 : memref<1x!tpu.dma_semaphore, #tpu.memory_space<semaphore_mem>> -> memref<!tpu.dma_semaphore, #tpu.memory_space<semaphore_mem>>
      tpu.wait_indirect_dma semaphore(%dma_wait3A_2479 : memref<!tpu.dma_semaphore, #tpu.memory_space<semaphore_mem>>) src(%dma_wait3A_2477 : memref<60x128xf32, #tpu.memory_space<vmem_shared>>) dst(%dma_wait3A_2471 : memref<80x128xf32, #tpu.memory_space<vmem>>)
      %mul3A_2480 = arith.constant 80 : i32
      %mul3A_2481 = arith.muli %add3A_2464, %mul3A_2480 : i32
      %add3A_2482 = arith.addi %mul3A_2, %mul3A_2481 : i32
      %dma_start3A_2483 = arith.constant 3 : i32
      %dma_start3A_2484 = arith.constant 3 : i32
      %dma_start3A_2485 = arith.constant 0 : i32
      %dma_start3A_2486 = arith.constant 0 : i32
      %dma_start3A_2487 = tpu.memref_slice %arg13[%dma_start3A_2483, %dma_start3A_2485, %dma_start3A_2486] : memref<5x80x128xf32, #tpu.memory_space<vmem>> -> memref<1x80x128xf32, #tpu.memory_space<vmem>>
      %dma_start3A_2488 = tpu.memref_squeeze %dma_start3A_2487 : memref<1x80x128xf32, #tpu.memory_space<vmem>> -> memref<80x128xf32, #tpu.memory_space<vmem>>
      %dma_start3A_2489 = arith.constant 0 : i32
      %dma_start3A_2490 = tpu.memref_slice %arg6[%add3A_2482, %dma_start3A_2489] : memref<320000x128xf32, #tpu.memory_space<hbm>> -> memref<80x128xf32, #tpu.memory_space<hbm>>
      %dma_start3A_2491 = tpu.memref_slice %arg16[%dma_start3A_2484] : memref<5x!tpu.dma_semaphore, #tpu.memory_space<semaphore_mem>> -> memref<1x!tpu.dma_semaphore, #tpu.memory_space<semaphore_mem>>
      %dma_start3A_2492 = tpu.memref_squeeze %dma_start3A_2491 : memref<1x!tpu.dma_semaphore, #tpu.memory_space<semaphore_mem>> -> memref<!tpu.dma_semaphore, #tpu.memory_space<semaphore_mem>>
      %dma_start3A_2493 = arith.constant 0 : i32
      %dma_start3A_2494 = tpu.memref_slice %arg6[%add3A_2482, %dma_start3A_2493] : memref<320000x128xf32, #tpu.memory_space<hbm>> -> memref<80x128xf32, #tpu.memory_space<hbm>>
      %dma_start3A_2495 = arith.constant 0 : i32
      %dma_start3A_2496 = arith.constant 0 : i32
      %dma_start3A_2497 = tpu.memref_slice %arg13[%dma_start3A_2483, %dma_start3A_2495, %dma_start3A_2496] : memref<5x80x128xf32, #tpu.memory_space<vmem>> -> memref<1x80x128xf32, #tpu.memory_space<vmem>>
      %dma_start3A_2498 = tpu.memref_squeeze %dma_start3A_2497 : memref<1x80x128xf32, #tpu.memory_space<vmem>> -> memref<80x128xf32, #tpu.memory_space<vmem>>
      tpu.enqueue_dma source(%dma_start3A_2498 : memref<80x128xf32, #tpu.memory_space<vmem>>) target(%dma_start3A_2494 : memref<80x128xf32, #tpu.memory_space<hbm>>) target_semaphore(%dma_start3A_2492 : memref<!tpu.dma_semaphore, #tpu.memory_space<semaphore_mem>>)
      %add3A_2499 = arith.constant 3 : i32
      %add3A_2500 = arith.addi %add3A_2464, %add3A_2499 : i32
      %mul3A_2501 = arith.constant 80 : i32
      %mul3A_2502 = arith.muli %add3A_2500, %mul3A_2501 : i32
      %add3A_2503 = arith.constant 0 : i32
      %add3A_2504 = arith.addi %mul3A_2502, %add3A_2503 : i32
      %get3A_2505 = arith.index_cast %add3A_2504 : i32 to index
      %get3A_2506 = tpu.vector_load %arg7[%get3A_2505] {strides = array<i32>} : memref<10000xi32, #tpu.memory_space<vmem>>, vector<16xi32>,
      %get3A_2507 = vector.shape_cast %get3A_2506 : vector<16xi32> to vector<16xi32>
      %get3A_2508 = arith.index_cast %add3A_2504 : i32 to index
      %get3A_2509 = tpu.vector_load %arg8[%get3A_2508] {strides = array<i32>} : memref<10000xi32, #tpu.memory_space<vmem>>, vector<16xi32>,
      %get3A_2510 = vector.shape_cast %get3A_2509 : vector<16xi32> to vector<16xi32>
      %get3A_2511 = arith.index_cast %add3A_2504 : i32 to index
      %get3A_2512 = tpu.vector_load %arg9[%get3A_2511] {strides = array<i32>} : memref<10000xi32, #tpu.memory_space<vmem>>, vector<16xi32>,
      %get3A_2513 = vector.shape_cast %get3A_2512 : vector<16xi32> to vector<16xi32>
      %mul3A_2514 = arith.constant 12 : i32
      %mul3A_2515 = vector.broadcast %mul3A_2514 : i32 to vector<16xi32>
      %mul3A_2516 = arith.muli %get3A_2507, %mul3A_2515 : vector<16xi32>
      %mul3A_2517 = arith.constant 2 : i32
      %mul3A_2518 = vector.broadcast %mul3A_2517 : i32 to vector<16xi32>
      %mul3A_2519 = arith.muli %get3A_2510, %mul3A_2518 : vector<16xi32>
      %add3A_2520 = arith.addi %mul3A_2516, %mul3A_2519 : vector<16xi32>
      %add3A_2521 = arith.addi %add3A_2520, %get3A_2513 : vector<16xi32>
      %swap3A_2522 = arith.constant 1 : i32
      %swap3A_2523 = arith.index_cast %swap3A_2522 : i32 to index
      %swap3A_2524 = arith.constant 0 : index
      %swap3A_2525 = tpu.vector_load %arg12[%swap3A_2523, %swap3A_2524] {strides = array<i32>} : memref<5x80xi32, #tpu.memory_space<vmem>>, vector<1x16xi32>,
      %swap3A_2526 = vector.shape_cast %swap3A_2525 : vector<1x16xi32> to vector<16xi32>
      %swap3A_2527 = vector.shape_cast %add3A_2521 : vector<16xi32> to vector<1x16xi32>
      tpu.vector_store %arg12[%swap3A_2523, %swap3A_2524], %swap3A_2527 {strides = array<i32>} : memref<5x80xi32, #tpu.memory_space<vmem>>, vector<1x16xi32>,
      %mul3A_2528 = arith.constant 80 : i32
      %mul3A_2529 = arith.muli %add3A_2500, %mul3A_2528 : i32
      %add3A_2530 = arith.constant 16 : i32
      %add3A_2531 = arith.addi %mul3A_2529, %add3A_2530 : i32
      %get3A_2532 = arith.index_cast %add3A_2531 : i32 to index
      %get3A_2533 = tpu.vector_load %arg7[%get3A_2532] {strides = array<i32>} : memref<10000xi32, #tpu.memory_space<vmem>>, vector<16xi32>,
      %get3A_2534 = vector.shape_cast %get3A_2533 : vector<16xi32> to vector<16xi32>
      %get3A_2535 = arith.index_cast %add3A_2531 : i32 to index
      %get3A_2536 = tpu.vector_load %arg8[%get3A_2535] {strides = array<i32>} : memref<10000xi32, #tpu.memory_space<vmem>>, vector<16xi32>,
      %get3A_2537 = vector.shape_cast %get3A_2536 : vector<16xi32> to vector<16xi32>
      %get3A_2538 = arith.index_cast %add3A_2531 : i32 to index
      %get3A_2539 = tpu.vector_load %arg9[%get3A_2538] {strides = array<i32>} : memref<10000xi32, #tpu.memory_space<vmem>>, vector<16xi32>,
      %get3A_2540 = vector.shape_cast %get3A_2539 : vector<16xi32> to vector<16xi32>
      %mul3A_2541 = arith.constant 12 : i32
      %mul3A_2542 = vector.broadcast %mul3A_2541 : i32 to vector<16xi32>
      %mul3A_2543 = arith.muli %get3A_2534, %mul3A_2542 : vector<16xi32>
      %mul3A_2544 = arith.constant 2 : i32
      %mul3A_2545 = vector.broadcast %mul3A_2544 : i32 to vector<16xi32>
      %mul3A_2546 = arith.muli %get3A_2537, %mul3A_2545 : vector<16xi32>
      %add3A_2547 = arith.addi %mul3A_2543, %mul3A_2546 : vector<16xi32>
      %add3A_2548 = arith.addi %add3A_2547, %get3A_2540 : vector<16xi32>
      %swap3A_2549 = arith.constant 1 : i32
      %swap3A_2550 = arith.index_cast %swap3A_2549 : i32 to index
      %swap3A_2551 = arith.constant 16 : index
      %swap3A_2552 = tpu.vector_load %arg12[%swap3A_2550, %swap3A_2551] {strides = array<i32>} : memref<5x80xi32, #tpu.memory_space<vmem>>, vector<1x16xi32>,
      %swap3A_2553 = vector.shape_cast %swap3A_2552 : vector<1x16xi32> to vector<16xi32>
      %swap3A_2554 = vector.shape_cast %add3A_2548 : vector<16xi32> to vector<1x16xi32>
      tpu.vector_store %arg12[%swap3A_2550, %swap3A_2551], %swap3A_2554 {strides = array<i32>} : memref<5x80xi32, #tpu.memory_space<vmem>>, vector<1x16xi32>,
      %mul3A_2555 = arith.constant 80 : i32
      %mul3A_2556 = arith.muli %add3A_2500, %mul3A_2555 : i32
      %add3A_2557 = arith.constant 32 : i32
      %add3A_2558 = arith.addi %mul3A_2556, %add3A_2557 : i32
      %get3A_2559 = arith.index_cast %add3A_2558 : i32 to index
      %get3A_2560 = tpu.vector_load %arg7[%get3A_2559] {strides = array<i32>} : memref<10000xi32, #tpu.memory_space<vmem>>, vector<16xi32>,
      %get3A_2561 = vector.shape_cast %get3A_2560 : vector<16xi32> to vector<16xi32>
      %get3A_2562 = arith.index_cast %add3A_2558 : i32 to index
      %get3A_2563 = tpu.vector_load %arg8[%get3A_2562] {strides = array<i32>} : memref<10000xi32, #tpu.memory_space<vmem>>, vector<16xi32>,
      %get3A_2564 = vector.shape_cast %get3A_2563 : vector<16xi32> to vector<16xi32>
      %get3A_2565 = arith.index_cast %add3A_2558 : i32 to index
      %get3A_2566 = tpu.vector_load %arg9[%get3A_2565] {strides = array<i32>} : memref<10000xi32, #tpu.memory_space<vmem>>, vector<16xi32>,
      %get3A_2567 = vector.shape_cast %get3A_2566 : vector<16xi32> to vector<16xi32>
      %mul3A_2568 = arith.constant 12 : i32
      %mul3A_2569 = vector.broadcast %mul3A_2568 : i32 to vector<16xi32>
      %mul3A_2570 = arith.muli %get3A_2561, %mul3A_2569 : vector<16xi32>
      %mul3A_2571 = arith.constant 2 : i32
      %mul3A_2572 = vector.broadcast %mul3A_2571 : i32 to vector<16xi32>
      %mul3A_2573 = arith.muli %get3A_2564, %mul3A_2572 : vector<16xi32>
      %add3A_2574 = arith.addi %mul3A_2570, %mul3A_2573 : vector<16xi32>
      %add3A_2575 = arith.addi %add3A_2574, %get3A_2567 : vector<16xi32>
      %swap3A_2576 = arith.constant 1 : i32
      %swap3A_2577 = arith.index_cast %swap3A_2576 : i32 to index
      %swap3A_2578 = arith.constant 32 : index
      %swap3A_2579 = tpu.vector_load %arg12[%swap3A_2577, %swap3A_2578] {strides = array<i32>} : memref<5x80xi32, #tpu.memory_space<vmem>>, vector<1x16xi32>,
      %swap3A_2580 = vector.shape_cast %swap3A_2579 : vector<1x16xi32> to vector<16xi32>
      %swap3A_2581 = vector.shape_cast %add3A_2575 : vector<16xi32> to vector<1x16xi32>
      tpu.vector_store %arg12[%swap3A_2577, %swap3A_2578], %swap3A_2581 {strides = array<i32>} : memref<5x80xi32, #tpu.memory_space<vmem>>, vector<1x16xi32>,
      %mul3A_2582 = arith.constant 80 : i32
      %mul3A_2583 = arith.muli %add3A_2500, %mul3A_2582 : i32
      %add3A_2584 = arith.constant 48 : i32
      %add3A_2585 = arith.addi %mul3A_2583, %add3A_2584 : i32
      %get3A_2586 = arith.index_cast %add3A_2585 : i32 to index
      %get3A_2587 = tpu.vector_load %arg7[%get3A_2586] {strides = array<i32>} : memref<10000xi32, #tpu.memory_space<vmem>>, vector<16xi32>,
      %get3A_2588 = vector.shape_cast %get3A_2587 : vector<16xi32> to vector<16xi32>
      %get3A_2589 = arith.index_cast %add3A_2585 : i32 to index
      %get3A_2590 = tpu.vector_load %arg8[%get3A_2589] {strides = array<i32>} : memref<10000xi32, #tpu.memory_space<vmem>>, vector<16xi32>,
      %get3A_2591 = vector.shape_cast %get3A_2590 : vector<16xi32> to vector<16xi32>
      %get3A_2592 = arith.index_cast %add3A_2585 : i32 to index
      %get3A_2593 = tpu.vector_load %arg9[%get3A_2592] {strides = array<i32>} : memref<10000xi32, #tpu.memory_space<vmem>>, vector<16xi32>,
      %get3A_2594 = vector.shape_cast %get3A_2593 : vector<16xi32> to vector<16xi32>
      %mul3A_2595 = arith.constant 12 : i32
      %mul3A_2596 = vector.broadcast %mul3A_2595 : i32 to vector<16xi32>
      %mul3A_2597 = arith.muli %get3A_2588, %mul3A_2596 : vector<16xi32>
      %mul3A_2598 = arith.constant 2 : i32
      %mul3A_2599 = vector.broadcast %mul3A_2598 : i32 to vector<16xi32>
      %mul3A_2600 = arith.muli %get3A_2591, %mul3A_2599 : vector<16xi32>
      %add3A_2601 = arith.addi %mul3A_2597, %mul3A_2600 : vector<16xi32>
      %add3A_2602 = arith.addi %add3A_2601, %get3A_2594 : vector<16xi32>
      %swap3A_2603 = arith.constant 1 : i32
      %swap3A_2604 = arith.index_cast %swap3A_2603 : i32 to index
      %swap3A_2605 = arith.constant 48 : index
      %swap3A_2606 = tpu.vector_load %arg12[%swap3A_2604, %swap3A_2605] {strides = array<i32>} : memref<5x80xi32, #tpu.memory_space<vmem>>, vector<1x16xi32>,
      %swap3A_2607 = vector.shape_cast %swap3A_2606 : vector<1x16xi32> to vector<16xi32>
      %swap3A_2608 = vector.shape_cast %add3A_2602 : vector<16xi32> to vector<1x16xi32>
      tpu.vector_store %arg12[%swap3A_2604, %swap3A_2605], %swap3A_2608 {strides = array<i32>} : memref<5x80xi32, #tpu.memory_space<vmem>>, vector<1x16xi32>,
      %mul3A_2609 = arith.constant 80 : i32
      %mul3A_2610 = arith.muli %add3A_2500, %mul3A_2609 : i32
      %add3A_2611 = arith.constant 64 : i32
      %add3A_2612 = arith.addi %mul3A_2610, %add3A_2611 : i32
      %get3A_2613 = arith.index_cast %add3A_2612 : i32 to index
      %get3A_2614 = tpu.vector_load %arg7[%get3A_2613] {strides = array<i32>} : memref<10000xi32, #tpu.memory_space<vmem>>, vector<16xi32>,
      %get3A_2615 = vector.shape_cast %get3A_2614 : vector<16xi32> to vector<16xi32>
      %get3A_2616 = arith.index_cast %add3A_2612 : i32 to index
      %get3A_2617 = tpu.vector_load %arg8[%get3A_2616] {strides = array<i32>} : memref<10000xi32, #tpu.memory_space<vmem>>, vector<16xi32>,
      %get3A_2618 = vector.shape_cast %get3A_2617 : vector<16xi32> to vector<16xi32>
      %get3A_2619 = arith.index_cast %add3A_2612 : i32 to index
      %get3A_2620 = tpu.vector_load %arg9[%get3A_2619] {strides = array<i32>} : memref<10000xi32, #tpu.memory_space<vmem>>, vector<16xi32>,
      %get3A_2621 = vector.shape_cast %get3A_2620 : vector<16xi32> to vector<16xi32>
      %mul3A_2622 = arith.constant 12 : i32
      %mul3A_2623 = vector.broadcast %mul3A_2622 : i32 to vector<16xi32>
      %mul3A_2624 = arith.muli %get3A_2615, %mul3A_2623 : vector<16xi32>
      %mul3A_2625 = arith.constant 2 : i32
      %mul3A_2626 = vector.broadcast %mul3A_2625 : i32 to vector<16xi32>
      %mul3A_2627 = arith.muli %get3A_2618, %mul3A_2626 : vector<16xi32>
      %add3A_2628 = arith.addi %mul3A_2624, %mul3A_2627 : vector<16xi32>
      %add3A_2629 = arith.addi %add3A_2628, %get3A_2621 : vector<16xi32>
      %swap3A_2630 = arith.constant 1 : i32
      %swap3A_2631 = arith.index_cast %swap3A_2630 : i32 to index
      %swap3A_2632 = arith.constant 64 : index
      %swap3A_2633 = tpu.vector_load %arg12[%swap3A_2631, %swap3A_2632] {strides = array<i32>} : memref<5x80xi32, #tpu.memory_space<vmem>>, vector<1x16xi32>,
      %swap3A_2634 = vector.shape_cast %swap3A_2633 : vector<1x16xi32> to vector<16xi32>
      %swap3A_2635 = vector.shape_cast %add3A_2629 : vector<16xi32> to vector<1x16xi32>
      tpu.vector_store %arg12[%swap3A_2631, %swap3A_2632], %swap3A_2635 {strides = array<i32>} : memref<5x80xi32, #tpu.memory_space<vmem>>, vector<1x16xi32>,
      %sub3A_2636 = arith.constant 2 : i32
      %sub3A_2637 = arith.subi %add3A_2464, %sub3A_2636 : i32
      %mul3A_2638 = arith.constant 80 : i32
      %mul3A_2639 = arith.muli %sub3A_2637, %mul3A_2638 : i32
      %add3A_2640 = arith.addi %mul3A_2, %mul3A_2639 : i32
      %dma_wait3A_2641 = arith.constant 1 : i32
      %dma_wait3A_2642 = arith.constant 1 : i32
      %dma_wait3A_2643 = arith.constant 0 : i32
      %dma_wait3A_2644 = arith.constant 0 : i32
      %dma_wait3A_2645 = tpu.memref_slice %arg13[%dma_wait3A_2641, %dma_wait3A_2643, %dma_wait3A_2644] : memref<5x80x128xf32, #tpu.memory_space<vmem>> -> memref<1x80x128xf32, #tpu.memory_space<vmem>>
      %dma_wait3A_2646 = tpu.memref_squeeze %dma_wait3A_2645 : memref<1x80x128xf32, #tpu.memory_space<vmem>> -> memref<80x128xf32, #tpu.memory_space<vmem>>
      %dma_wait3A_2647 = arith.constant 0 : i32
      %dma_wait3A_2648 = tpu.memref_slice %arg6[%add3A_2640, %dma_wait3A_2647] : memref<320000x128xf32, #tpu.memory_space<hbm>> -> memref<80x128xf32, #tpu.memory_space<hbm>>
      %dma_wait3A_2649 = tpu.memref_slice %arg16[%dma_wait3A_2642] : memref<5x!tpu.dma_semaphore, #tpu.memory_space<semaphore_mem>> -> memref<1x!tpu.dma_semaphore, #tpu.memory_space<semaphore_mem>>
      %dma_wait3A_2650 = tpu.memref_squeeze %dma_wait3A_2649 : memref<1x!tpu.dma_semaphore, #tpu.memory_space<semaphore_mem>> -> memref<!tpu.dma_semaphore, #tpu.memory_space<semaphore_mem>>
      %dma_wait3A_2651 = arith.constant 0 : i32
      %dma_wait3A_2652 = tpu.memref_slice %arg6[%add3A_2640, %dma_wait3A_2651] : memref<320000x128xf32, #tpu.memory_space<hbm>> -> memref<80x128xf32, #tpu.memory_space<hbm>>
      %dma_wait3A_2653 = arith.constant 0 : i32
      %dma_wait3A_2654 = arith.constant 0 : i32
      %dma_wait3A_2655 = tpu.memref_slice %arg13[%dma_wait3A_2641, %dma_wait3A_2653, %dma_wait3A_2654] : memref<5x80x128xf32, #tpu.memory_space<vmem>> -> memref<1x80x128xf32, #tpu.memory_space<vmem>>
      %dma_wait3A_2656 = tpu.memref_squeeze %dma_wait3A_2655 : memref<1x80x128xf32, #tpu.memory_space<vmem>> -> memref<80x128xf32, #tpu.memory_space<vmem>>
      tpu.wait_dma2 semaphore(%dma_wait3A_2650 : memref<!tpu.dma_semaphore, #tpu.memory_space<semaphore_mem>>) src(%dma_wait3A_2656 : memref<80x128xf32, #tpu.memory_space<vmem>>) dst(%dma_wait3A_2652 : memref<80x128xf32, #tpu.memory_space<hbm>>)
      %add3A_2657 = arith.constant 3 : i32
      %add3A_2658 = arith.addi %add3A_2464, %add3A_2657 : i32
      %dma_start3A_2659 = arith.constant 1 : i32
      %dma_start3A_2660 = arith.constant 1 : i32
      %dma_start3A_2661 = arith.constant 1 : i32
      %dma_start3A_2662 = arith.constant 0 : i32
      %dma_start3A_2663 = arith.constant 0 : i32
      %dma_start3A_2664 = tpu.memref_slice %arg13[%dma_start3A_2660, %dma_start3A_2662, %dma_start3A_2663] : memref<5x80x128xf32, #tpu.memory_space<vmem>> -> memref<1x80x128xf32, #tpu.memory_space<vmem>>
      %dma_start3A_2665 = tpu.memref_squeeze %dma_start3A_2664 : memref<1x80x128xf32, #tpu.memory_space<vmem>> -> memref<80x128xf32, #tpu.memory_space<vmem>>
      %dma_start3A_2666 = arith.constant 0 : i32
      %dma_start3A_2667 = tpu.memref_slice %arg12[%dma_start3A_2659, %dma_start3A_2666] : memref<5x80xi32, #tpu.memory_space<vmem>> -> memref<1x80xi32, #tpu.memory_space<vmem>>
      %dma_start3A_2668 = tpu.memref_squeeze %dma_start3A_2667 : memref<1x80xi32, #tpu.memory_space<vmem>> -> memref<80xi32, #tpu.memory_space<vmem>>
      %dma_start3A_2669 = arith.constant 0 : i32
      %dma_start3A_2670 = arith.constant 0 : i32
      %dma_start3A_2671 = tpu.memref_slice %arg11[%dma_start3A_2669, %dma_start3A_2670] : memref<60x128xf32, #tpu.memory_space<vmem_shared>> -> memref<60x128xf32, #tpu.memory_space<vmem_shared>>
      %dma_start3A_2672 = tpu.memref_slice %arg15[%dma_start3A_2661] : memref<5x!tpu.dma_semaphore, #tpu.memory_space<semaphore_mem>> -> memref<1x!tpu.dma_semaphore, #tpu.memory_space<semaphore_mem>>
      %dma_start3A_2673 = tpu.memref_squeeze %dma_start3A_2672 : memref<1x!tpu.dma_semaphore, #tpu.memory_space<semaphore_mem>> -> memref<!tpu.dma_semaphore, #tpu.memory_space<semaphore_mem>>
      tpu.enqueue_indirect_dma source(%dma_start3A_2671 : memref<60x128xf32, #tpu.memory_space<vmem_shared>>) target(%dma_start3A_2665 : memref<80x128xf32, #tpu.memory_space<vmem>>) offsets(%dma_start3A_2668 : memref<80xi32, #tpu.memory_space<vmem>>) semaphore(%dma_start3A_2673 : memref<!tpu.dma_semaphore, #tpu.memory_space<semaphore_mem>>)
      %add3A_2674 = arith.constant 4 : i32
      %add3A_2675 = arith.addi %mul3A_1830, %add3A_2674 : i32
      %dma_wait3A_2676 = arith.constant 4 : i32
      %dma_wait3A_2677 = arith.constant 4 : i32
      %dma_wait3A_2678 = arith.constant 4 : i32
      %dma_wait3A_2679 = arith.constant 0 : i32
      %dma_wait3A_2680 = arith.constant 0 : i32
      %dma_wait3A_2681 = tpu.memref_slice %arg13[%dma_wait3A_2677, %dma_wait3A_2679, %dma_wait3A_2680] : memref<5x80x128xf32, #tpu.memory_space<vmem>> -> memref<1x80x128xf32, #tpu.memory_space<vmem>>
      %dma_wait3A_2682 = tpu.memref_squeeze %dma_wait3A_2681 : memref<1x80x128xf32, #tpu.memory_space<vmem>> -> memref<80x128xf32, #tpu.memory_space<vmem>>
      %dma_wait3A_2683 = arith.constant 0 : i32
      %dma_wait3A_2684 = tpu.memref_slice %arg12[%dma_wait3A_2676, %dma_wait3A_2683] : memref<5x80xi32, #tpu.memory_space<vmem>> -> memref<1x80xi32, #tpu.memory_space<vmem>>
      %dma_wait3A_2685 = tpu.memref_squeeze %dma_wait3A_2684 : memref<1x80xi32, #tpu.memory_space<vmem>> -> memref<80xi32, #tpu.memory_space<vmem>>
      %dma_wait3A_2686 = arith.constant 0 : i32
      %dma_wait3A_2687 = arith.constant 0 : i32
      %dma_wait3A_2688 = tpu.memref_slice %arg11[%dma_wait3A_2686, %dma_wait3A_2687] : memref<60x128xf32, #tpu.memory_space<vmem_shared>> -> memref<60x128xf32, #tpu.memory_space<vmem_shared>>
      %dma_wait3A_2689 = tpu.memref_slice %arg15[%dma_wait3A_2678] : memref<5x!tpu.dma_semaphore, #tpu.memory_space<semaphore_mem>> -> memref<1x!tpu.dma_semaphore, #tpu.memory_space<semaphore_mem>>
      %dma_wait3A_2690 = tpu.memref_squeeze %dma_wait3A_2689 : memref<1x!tpu.dma_semaphore, #tpu.memory_space<semaphore_mem>> -> memref<!tpu.dma_semaphore, #tpu.memory_space<semaphore_mem>>
      tpu.wait_indirect_dma semaphore(%dma_wait3A_2690 : memref<!tpu.dma_semaphore, #tpu.memory_space<semaphore_mem>>) src(%dma_wait3A_2688 : memref<60x128xf32, #tpu.memory_space<vmem_shared>>) dst(%dma_wait3A_2682 : memref<80x128xf32, #tpu.memory_space<vmem>>)
      %mul3A_2691 = arith.constant 80 : i32
      %mul3A_2692 = arith.muli %add3A_2675, %mul3A_2691 : i32
      %add3A_2693 = arith.addi %mul3A_2, %mul3A_2692 : i32
      %dma_start3A_2694 = arith.constant 4 : i32
      %dma_start3A_2695 = arith.constant 4 : i32
      %dma_start3A_2696 = arith.constant 0 : i32
      %dma_start3A_2697 = arith.constant 0 : i32
      %dma_start3A_2698 = tpu.memref_slice %arg13[%dma_start3A_2694, %dma_start3A_2696, %dma_start3A_2697] : memref<5x80x128xf32, #tpu.memory_space<vmem>> -> memref<1x80x128xf32, #tpu.memory_space<vmem>>
      %dma_start3A_2699 = tpu.memref_squeeze %dma_start3A_2698 : memref<1x80x128xf32, #tpu.memory_space<vmem>> -> memref<80x128xf32, #tpu.memory_space<vmem>>
      %dma_start3A_2700 = arith.constant 0 : i32
      %dma_start3A_2701 = tpu.memref_slice %arg6[%add3A_2693, %dma_start3A_2700] : memref<320000x128xf32, #tpu.memory_space<hbm>> -> memref<80x128xf32, #tpu.memory_space<hbm>>
      %dma_start3A_2702 = tpu.memref_slice %arg16[%dma_start3A_2695] : memref<5x!tpu.dma_semaphore, #tpu.memory_space<semaphore_mem>> -> memref<1x!tpu.dma_semaphore, #tpu.memory_space<semaphore_mem>>
      %dma_start3A_2703 = tpu.memref_squeeze %dma_start3A_2702 : memref<1x!tpu.dma_semaphore, #tpu.memory_space<semaphore_mem>> -> memref<!tpu.dma_semaphore, #tpu.memory_space<semaphore_mem>>
      %dma_start3A_2704 = arith.constant 0 : i32
      %dma_start3A_2705 = tpu.memref_slice %arg6[%add3A_2693, %dma_start3A_2704] : memref<320000x128xf32, #tpu.memory_space<hbm>> -> memref<80x128xf32, #tpu.memory_space<hbm>>
      %dma_start3A_2706 = arith.constant 0 : i32
      %dma_start3A_2707 = arith.constant 0 : i32
      %dma_start3A_2708 = tpu.memref_slice %arg13[%dma_start3A_2694, %dma_start3A_2706, %dma_start3A_2707] : memref<5x80x128xf32, #tpu.memory_space<vmem>> -> memref<1x80x128xf32, #tpu.memory_space<vmem>>
      %dma_start3A_2709 = tpu.memref_squeeze %dma_start3A_2708 : memref<1x80x128xf32, #tpu.memory_space<vmem>> -> memref<80x128xf32, #tpu.memory_space<vmem>>
      tpu.enqueue_dma source(%dma_start3A_2709 : memref<80x128xf32, #tpu.memory_space<vmem>>) target(%dma_start3A_2705 : memref<80x128xf32, #tpu.memory_space<hbm>>) target_semaphore(%dma_start3A_2703 : memref<!tpu.dma_semaphore, #tpu.memory_space<semaphore_mem>>)
      %add3A_2710 = arith.constant 3 : i32
      %add3A_2711 = arith.addi %add3A_2675, %add3A_2710 : i32
      %mul3A_2712 = arith.constant 80 : i32
      %mul3A_2713 = arith.muli %add3A_2711, %mul3A_2712 : i32
      %add3A_2714 = arith.constant 0 : i32
      %add3A_2715 = arith.addi %mul3A_2713, %add3A_2714 : i32
      %get3A_2716 = arith.index_cast %add3A_2715 : i32 to index
      %get3A_2717 = tpu.vector_load %arg7[%get3A_2716] {strides = array<i32>} : memref<10000xi32, #tpu.memory_space<vmem>>, vector<16xi32>,
      %get3A_2718 = vector.shape_cast %get3A_2717 : vector<16xi32> to vector<16xi32>
      %get3A_2719 = arith.index_cast %add3A_2715 : i32 to index
      %get3A_2720 = tpu.vector_load %arg8[%get3A_2719] {strides = array<i32>} : memref<10000xi32, #tpu.memory_space<vmem>>, vector<16xi32>,
      %get3A_2721 = vector.shape_cast %get3A_2720 : vector<16xi32> to vector<16xi32>
      %get3A_2722 = arith.index_cast %add3A_2715 : i32 to index
      %get3A_2723 = tpu.vector_load %arg9[%get3A_2722] {strides = array<i32>} : memref<10000xi32, #tpu.memory_space<vmem>>, vector<16xi32>,
      %get3A_2724 = vector.shape_cast %get3A_2723 : vector<16xi32> to vector<16xi32>
      %mul3A_2725 = arith.constant 12 : i32
      %mul3A_2726 = vector.broadcast %mul3A_2725 : i32 to vector<16xi32>
      %mul3A_2727 = arith.muli %get3A_2718, %mul3A_2726 : vector<16xi32>
      %mul3A_2728 = arith.constant 2 : i32
      %mul3A_2729 = vector.broadcast %mul3A_2728 : i32 to vector<16xi32>
      %mul3A_2730 = arith.muli %get3A_2721, %mul3A_2729 : vector<16xi32>
      %add3A_2731 = arith.addi %mul3A_2727, %mul3A_2730 : vector<16xi32>
      %add3A_2732 = arith.addi %add3A_2731, %get3A_2724 : vector<16xi32>
      %swap3A_2733 = arith.constant 2 : i32
      %swap3A_2734 = arith.index_cast %swap3A_2733 : i32 to index
      %swap3A_2735 = arith.constant 0 : index
      %swap3A_2736 = tpu.vector_load %arg12[%swap3A_2734, %swap3A_2735] {strides = array<i32>} : memref<5x80xi32, #tpu.memory_space<vmem>>, vector<1x16xi32>,
      %swap3A_2737 = vector.shape_cast %swap3A_2736 : vector<1x16xi32> to vector<16xi32>
      %swap3A_2738 = vector.shape_cast %add3A_2732 : vector<16xi32> to vector<1x16xi32>
      tpu.vector_store %arg12[%swap3A_2734, %swap3A_2735], %swap3A_2738 {strides = array<i32>} : memref<5x80xi32, #tpu.memory_space<vmem>>, vector<1x16xi32>,
      %mul3A_2739 = arith.constant 80 : i32
      %mul3A_2740 = arith.muli %add3A_2711, %mul3A_2739 : i32
      %add3A_2741 = arith.constant 16 : i32
      %add3A_2742 = arith.addi %mul3A_2740, %add3A_2741 : i32
      %get3A_2743 = arith.index_cast %add3A_2742 : i32 to index
      %get3A_2744 = tpu.vector_load %arg7[%get3A_2743] {strides = array<i32>} : memref<10000xi32, #tpu.memory_space<vmem>>, vector<16xi32>,
      %get3A_2745 = vector.shape_cast %get3A_2744 : vector<16xi32> to vector<16xi32>
      %get3A_2746 = arith.index_cast %add3A_2742 : i32 to index
      %get3A_2747 = tpu.vector_load %arg8[%get3A_2746] {strides = array<i32>} : memref<10000xi32, #tpu.memory_space<vmem>>, vector<16xi32>,
      %get3A_2748 = vector.shape_cast %get3A_2747 : vector<16xi32> to vector<16xi32>
      %get3A_2749 = arith.index_cast %add3A_2742 : i32 to index
      %get3A_2750 = tpu.vector_load %arg9[%get3A_2749] {strides = array<i32>} : memref<10000xi32, #tpu.memory_space<vmem>>, vector<16xi32>,
      %get3A_2751 = vector.shape_cast %get3A_2750 : vector<16xi32> to vector<16xi32>
      %mul3A_2752 = arith.constant 12 : i32
      %mul3A_2753 = vector.broadcast %mul3A_2752 : i32 to vector<16xi32>
      %mul3A_2754 = arith.muli %get3A_2745, %mul3A_2753 : vector<16xi32>
      %mul3A_2755 = arith.constant 2 : i32
      %mul3A_2756 = vector.broadcast %mul3A_2755 : i32 to vector<16xi32>
      %mul3A_2757 = arith.muli %get3A_2748, %mul3A_2756 : vector<16xi32>
      %add3A_2758 = arith.addi %mul3A_2754, %mul3A_2757 : vector<16xi32>
      %add3A_2759 = arith.addi %add3A_2758, %get3A_2751 : vector<16xi32>
      %swap3A_2760 = arith.constant 2 : i32
      %swap3A_2761 = arith.index_cast %swap3A_2760 : i32 to index
      %swap3A_2762 = arith.constant 16 : index
      %swap3A_2763 = tpu.vector_load %arg12[%swap3A_2761, %swap3A_2762] {strides = array<i32>} : memref<5x80xi32, #tpu.memory_space<vmem>>, vector<1x16xi32>,
      %swap3A_2764 = vector.shape_cast %swap3A_2763 : vector<1x16xi32> to vector<16xi32>
      %swap3A_2765 = vector.shape_cast %add3A_2759 : vector<16xi32> to vector<1x16xi32>
      tpu.vector_store %arg12[%swap3A_2761, %swap3A_2762], %swap3A_2765 {strides = array<i32>} : memref<5x80xi32, #tpu.memory_space<vmem>>, vector<1x16xi32>,
      %mul3A_2766 = arith.constant 80 : i32
      %mul3A_2767 = arith.muli %add3A_2711, %mul3A_2766 : i32
      %add3A_2768 = arith.constant 32 : i32
      %add3A_2769 = arith.addi %mul3A_2767, %add3A_2768 : i32
      %get3A_2770 = arith.index_cast %add3A_2769 : i32 to index
      %get3A_2771 = tpu.vector_load %arg7[%get3A_2770] {strides = array<i32>} : memref<10000xi32, #tpu.memory_space<vmem>>, vector<16xi32>,
      %get3A_2772 = vector.shape_cast %get3A_2771 : vector<16xi32> to vector<16xi32>
      %get3A_2773 = arith.index_cast %add3A_2769 : i32 to index
      %get3A_2774 = tpu.vector_load %arg8[%get3A_2773] {strides = array<i32>} : memref<10000xi32, #tpu.memory_space<vmem>>, vector<16xi32>,
      %get3A_2775 = vector.shape_cast %get3A_2774 : vector<16xi32> to vector<16xi32>
      %get3A_2776 = arith.index_cast %add3A_2769 : i32 to index
      %get3A_2777 = tpu.vector_load %arg9[%get3A_2776] {strides = array<i32>} : memref<10000xi32, #tpu.memory_space<vmem>>, vector<16xi32>,
      %get3A_2778 = vector.shape_cast %get3A_2777 : vector<16xi32> to vector<16xi32>
      %mul3A_2779 = arith.constant 12 : i32
      %mul3A_2780 = vector.broadcast %mul3A_2779 : i32 to vector<16xi32>
      %mul3A_2781 = arith.muli %get3A_2772, %mul3A_2780 : vector<16xi32>
      %mul3A_2782 = arith.constant 2 : i32
      %mul3A_2783 = vector.broadcast %mul3A_2782 : i32 to vector<16xi32>
      %mul3A_2784 = arith.muli %get3A_2775, %mul3A_2783 : vector<16xi32>
      %add3A_2785 = arith.addi %mul3A_2781, %mul3A_2784 : vector<16xi32>
      %add3A_2786 = arith.addi %add3A_2785, %get3A_2778 : vector<16xi32>
      %swap3A_2787 = arith.constant 2 : i32
      %swap3A_2788 = arith.index_cast %swap3A_2787 : i32 to index
      %swap3A_2789 = arith.constant 32 : index
      %swap3A_2790 = tpu.vector_load %arg12[%swap3A_2788, %swap3A_2789] {strides = array<i32>} : memref<5x80xi32, #tpu.memory_space<vmem>>, vector<1x16xi32>,
      %swap3A_2791 = vector.shape_cast %swap3A_2790 : vector<1x16xi32> to vector<16xi32>
      %swap3A_2792 = vector.shape_cast %add3A_2786 : vector<16xi32> to vector<1x16xi32>
      tpu.vector_store %arg12[%swap3A_2788, %swap3A_2789], %swap3A_2792 {strides = array<i32>} : memref<5x80xi32, #tpu.memory_space<vmem>>, vector<1x16xi32>,
      %mul3A_2793 = arith.constant 80 : i32
      %mul3A_2794 = arith.muli %add3A_2711, %mul3A_2793 : i32
      %add3A_2795 = arith.constant 48 : i32
      %add3A_2796 = arith.addi %mul3A_2794, %add3A_2795 : i32
      %get3A_2797 = arith.index_cast %add3A_2796 : i32 to index
      %get3A_2798 = tpu.vector_load %arg7[%get3A_2797] {strides = array<i32>} : memref<10000xi32, #tpu.memory_space<vmem>>, vector<16xi32>,
      %get3A_2799 = vector.shape_cast %get3A_2798 : vector<16xi32> to vector<16xi32>
      %get3A_2800 = arith.index_cast %add3A_2796 : i32 to index
      %get3A_2801 = tpu.vector_load %arg8[%get3A_2800] {strides = array<i32>} : memref<10000xi32, #tpu.memory_space<vmem>>, vector<16xi32>,
      %get3A_2802 = vector.shape_cast %get3A_2801 : vector<16xi32> to vector<16xi32>
      %get3A_2803 = arith.index_cast %add3A_2796 : i32 to index
      %get3A_2804 = tpu.vector_load %arg9[%get3A_2803] {strides = array<i32>} : memref<10000xi32, #tpu.memory_space<vmem>>, vector<16xi32>,
      %get3A_2805 = vector.shape_cast %get3A_2804 : vector<16xi32> to vector<16xi32>
      %mul3A_2806 = arith.constant 12 : i32
      %mul3A_2807 = vector.broadcast %mul3A_2806 : i32 to vector<16xi32>
      %mul3A_2808 = arith.muli %get3A_2799, %mul3A_2807 : vector<16xi32>
      %mul3A_2809 = arith.constant 2 : i32
      %mul3A_2810 = vector.broadcast %mul3A_2809 : i32 to vector<16xi32>
      %mul3A_2811 = arith.muli %get3A_2802, %mul3A_2810 : vector<16xi32>
      %add3A_2812 = arith.addi %mul3A_2808, %mul3A_2811 : vector<16xi32>
      %add3A_2813 = arith.addi %add3A_2812, %get3A_2805 : vector<16xi32>
      %swap3A_2814 = arith.constant 2 : i32
      %swap3A_2815 = arith.index_cast %swap3A_2814 : i32 to index
      %swap3A_2816 = arith.constant 48 : index
      %swap3A_2817 = tpu.vector_load %arg12[%swap3A_2815, %swap3A_2816] {strides = array<i32>} : memref<5x80xi32, #tpu.memory_space<vmem>>, vector<1x16xi32>,
      %swap3A_2818 = vector.shape_cast %swap3A_2817 : vector<1x16xi32> to vector<16xi32>
      %swap3A_2819 = vector.shape_cast %add3A_2813 : vector<16xi32> to vector<1x16xi32>
      tpu.vector_store %arg12[%swap3A_2815, %swap3A_2816], %swap3A_2819 {strides = array<i32>} : memref<5x80xi32, #tpu.memory_space<vmem>>, vector<1x16xi32>,
      %mul3A_2820 = arith.constant 80 : i32
      %mul3A_2821 = arith.muli %add3A_2711, %mul3A_2820 : i32
      %add3A_2822 = arith.constant 64 : i32
      %add3A_2823 = arith.addi %mul3A_2821, %add3A_2822 : i32
      %get3A_2824 = arith.index_cast %add3A_2823 : i32 to index
      %get3A_2825 = tpu.vector_load %arg7[%get3A_2824] {strides = array<i32>} : memref<10000xi32, #tpu.memory_space<vmem>>, vector<16xi32>,
      %get3A_2826 = vector.shape_cast %get3A_2825 : vector<16xi32> to vector<16xi32>
      %get3A_2827 = arith.index_cast %add3A_2823 : i32 to index
      %get3A_2828 = tpu.vector_load %arg8[%get3A_2827] {strides = array<i32>} : memref<10000xi32, #tpu.memory_space<vmem>>, vector<16xi32>,
      %get3A_2829 = vector.shape_cast %get3A_2828 : vector<16xi32> to vector<16xi32>
      %get3A_2830 = arith.index_cast %add3A_2823 : i32 to index
      %get3A_2831 = tpu.vector_load %arg9[%get3A_2830] {strides = array<i32>} : memref<10000xi32, #tpu.memory_space<vmem>>, vector<16xi32>,
      %get3A_2832 = vector.shape_cast %get3A_2831 : vector<16xi32> to vector<16xi32>
      %mul3A_2833 = arith.constant 12 : i32
      %mul3A_2834 = vector.broadcast %mul3A_2833 : i32 to vector<16xi32>
      %mul3A_2835 = arith.muli %get3A_2826, %mul3A_2834 : vector<16xi32>
      %mul3A_2836 = arith.constant 2 : i32
      %mul3A_2837 = vector.broadcast %mul3A_2836 : i32 to vector<16xi32>
      %mul3A_2838 = arith.muli %get3A_2829, %mul3A_2837 : vector<16xi32>
      %add3A_2839 = arith.addi %mul3A_2835, %mul3A_2838 : vector<16xi32>
      %add3A_2840 = arith.addi %add3A_2839, %get3A_2832 : vector<16xi32>
      %swap3A_2841 = arith.constant 2 : i32
      %swap3A_2842 = arith.index_cast %swap3A_2841 : i32 to index
      %swap3A_2843 = arith.constant 64 : index
      %swap3A_2844 = tpu.vector_load %arg12[%swap3A_2842, %swap3A_2843] {strides = array<i32>} : memref<5x80xi32, #tpu.memory_space<vmem>>, vector<1x16xi32>,
      %swap3A_2845 = vector.shape_cast %swap3A_2844 : vector<1x16xi32> to vector<16xi32>
      %swap3A_2846 = vector.shape_cast %add3A_2840 : vector<16xi32> to vector<1x16xi32>
      tpu.vector_store %arg12[%swap3A_2842, %swap3A_2843], %swap3A_2846 {strides = array<i32>} : memref<5x80xi32, #tpu.memory_space<vmem>>, vector<1x16xi32>,
      %sub3A_2847 = arith.constant 2 : i32
      %sub3A_2848 = arith.subi %add3A_2675, %sub3A_2847 : i32
      %mul3A_2849 = arith.constant 80 : i32
      %mul3A_2850 = arith.muli %sub3A_2848, %mul3A_2849 : i32
      %add3A_2851 = arith.addi %mul3A_2, %mul3A_2850 : i32
      %dma_wait3A_2852 = arith.constant 2 : i32
      %dma_wait3A_2853 = arith.constant 2 : i32
      %dma_wait3A_2854 = arith.constant 0 : i32
      %dma_wait3A_2855 = arith.constant 0 : i32
      %dma_wait3A_2856 = tpu.memref_slice %arg13[%dma_wait3A_2852, %dma_wait3A_2854, %dma_wait3A_2855] : memref<5x80x128xf32, #tpu.memory_space<vmem>> -> memref<1x80x128xf32, #tpu.memory_space<vmem>>
      %dma_wait3A_2857 = tpu.memref_squeeze %dma_wait3A_2856 : memref<1x80x128xf32, #tpu.memory_space<vmem>> -> memref<80x128xf32, #tpu.memory_space<vmem>>
      %dma_wait3A_2858 = arith.constant 0 : i32
      %dma_wait3A_2859 = tpu.memref_slice %arg6[%add3A_2851, %dma_wait3A_2858] : memref<320000x128xf32, #tpu.memory_space<hbm>> -> memref<80x128xf32, #tpu.memory_space<hbm>>
      %dma_wait3A_2860 = tpu.memref_slice %arg16[%dma_wait3A_2853] : memref<5x!tpu.dma_semaphore, #tpu.memory_space<semaphore_mem>> -> memref<1x!tpu.dma_semaphore, #tpu.memory_space<semaphore_mem>>
      %dma_wait3A_2861 = tpu.memref_squeeze %dma_wait3A_2860 : memref<1x!tpu.dma_semaphore, #tpu.memory_space<semaphore_mem>> -> memref<!tpu.dma_semaphore, #tpu.memory_space<semaphore_mem>>
      %dma_wait3A_2862 = arith.constant 0 : i32
      %dma_wait3A_2863 = tpu.memref_slice %arg6[%add3A_2851, %dma_wait3A_2862] : memref<320000x128xf32, #tpu.memory_space<hbm>> -> memref<80x128xf32, #tpu.memory_space<hbm>>
      %dma_wait3A_2864 = arith.constant 0 : i32
      %dma_wait3A_2865 = arith.constant 0 : i32
      %dma_wait3A_2866 = tpu.memref_slice %arg13[%dma_wait3A_2852, %dma_wait3A_2864, %dma_wait3A_2865] : memref<5x80x128xf32, #tpu.memory_space<vmem>> -> memref<1x80x128xf32, #tpu.memory_space<vmem>>
      %dma_wait3A_2867 = tpu.memref_squeeze %dma_wait3A_2866 : memref<1x80x128xf32, #tpu.memory_space<vmem>> -> memref<80x128xf32, #tpu.memory_space<vmem>>
      tpu.wait_dma2 semaphore(%dma_wait3A_2861 : memref<!tpu.dma_semaphore, #tpu.memory_space<semaphore_mem>>) src(%dma_wait3A_2867 : memref<80x128xf32, #tpu.memory_space<vmem>>) dst(%dma_wait3A_2863 : memref<80x128xf32, #tpu.memory_space<hbm>>)
      %add3A_2868 = arith.constant 3 : i32
      %add3A_2869 = arith.addi %add3A_2675, %add3A_2868 : i32
      %dma_start3A_2870 = arith.constant 2 : i32
      %dma_start3A_2871 = arith.constant 2 : i32
      %dma_start3A_2872 = arith.constant 2 : i32
      %dma_start3A_2873 = arith.constant 0 : i32
      %dma_start3A_2874 = arith.constant 0 : i32
      %dma_start3A_2875 = tpu.memref_slice %arg13[%dma_start3A_2871, %dma_start3A_2873, %dma_start3A_2874] : memref<5x80x128xf32, #tpu.memory_space<vmem>> -> memref<1x80x128xf32, #tpu.memory_space<vmem>>
      %dma_start3A_2876 = tpu.memref_squeeze %dma_start3A_2875 : memref<1x80x128xf32, #tpu.memory_space<vmem>> -> memref<80x128xf32, #tpu.memory_space<vmem>>
      %dma_start3A_2877 = arith.constant 0 : i32
      %dma_start3A_2878 = tpu.memref_slice %arg12[%dma_start3A_2870, %dma_start3A_2877] : memref<5x80xi32, #tpu.memory_space<vmem>> -> memref<1x80xi32, #tpu.memory_space<vmem>>
      %dma_start3A_2879 = tpu.memref_squeeze %dma_start3A_2878 : memref<1x80xi32, #tpu.memory_space<vmem>> -> memref<80xi32, #tpu.memory_space<vmem>>
      %dma_start3A_2880 = arith.constant 0 : i32
      %dma_start3A_2881 = arith.constant 0 : i32
      %dma_start3A_2882 = tpu.memref_slice %arg11[%dma_start3A_2880, %dma_start3A_2881] : memref<60x128xf32, #tpu.memory_space<vmem_shared>> -> memref<60x128xf32, #tpu.memory_space<vmem_shared>>
      %dma_start3A_2883 = tpu.memref_slice %arg15[%dma_start3A_2872] : memref<5x!tpu.dma_semaphore, #tpu.memory_space<semaphore_mem>> -> memref<1x!tpu.dma_semaphore, #tpu.memory_space<semaphore_mem>>
      %dma_start3A_2884 = tpu.memref_squeeze %dma_start3A_2883 : memref<1x!tpu.dma_semaphore, #tpu.memory_space<semaphore_mem>> -> memref<!tpu.dma_semaphore, #tpu.memory_space<semaphore_mem>>
      tpu.enqueue_indirect_dma source(%dma_start3A_2882 : memref<60x128xf32, #tpu.memory_space<vmem_shared>>) target(%dma_start3A_2876 : memref<80x128xf32, #tpu.memory_space<vmem>>) offsets(%dma_start3A_2879 : memref<80xi32, #tpu.memory_space<vmem>>) semaphore(%dma_start3A_2884 : memref<!tpu.dma_semaphore, #tpu.memory_space<semaphore_mem>>)
    }
    %scan3A_1276 = arith.constant 23 : i32
    %dma_wait3A_1277 = arith.constant 0 : i32
    %dma_wait3A_1278 = arith.constant 0 : i32
    %dma_wait3A_1279 = arith.constant 0 : i32
    %dma_wait3A_1280 = arith.constant 0 : i32
    %dma_wait3A_1281 = arith.constant 0 : i32
    %dma_wait3A_1282 = tpu.memref_slice %arg13[%dma_wait3A_1278, %dma_wait3A_1280, %dma_wait3A_1281] : memref<5x80x128xf32, #tpu.memory_space<vmem>> -> memref<1x80x128xf32, #tpu.memory_space<vmem>>
    %dma_wait3A_1283 = tpu.memref_squeeze %dma_wait3A_1282 : memref<1x80x128xf32, #tpu.memory_space<vmem>> -> memref<80x128xf32, #tpu.memory_space<vmem>>
    %dma_wait3A_1284 = arith.constant 0 : i32
    %dma_wait3A_1285 = tpu.memref_slice %arg12[%dma_wait3A_1277, %dma_wait3A_1284] : memref<5x80xi32, #tpu.memory_space<vmem>> -> memref<1x80xi32, #tpu.memory_space<vmem>>
    %dma_wait3A_1286 = tpu.memref_squeeze %dma_wait3A_1285 : memref<1x80xi32, #tpu.memory_space<vmem>> -> memref<80xi32, #tpu.memory_space<vmem>>
    %dma_wait3A_1287 = arith.constant 0 : i32
    %dma_wait3A_1288 = arith.constant 0 : i32
    %dma_wait3A_1289 = tpu.memref_slice %arg11[%dma_wait3A_1287, %dma_wait3A_1288] : memref<60x128xf32, #tpu.memory_space<vmem_shared>> -> memref<60x128xf32, #tpu.memory_space<vmem_shared>>
    %dma_wait3A_1290 = tpu.memref_slice %arg15[%dma_wait3A_1279] : memref<5x!tpu.dma_semaphore, #tpu.memory_space<semaphore_mem>> -> memref<1x!tpu.dma_semaphore, #tpu.memory_space<semaphore_mem>>
    %dma_wait3A_1291 = tpu.memref_squeeze %dma_wait3A_1290 : memref<1x!tpu.dma_semaphore, #tpu.memory_space<semaphore_mem>> -> memref<!tpu.dma_semaphore, #tpu.memory_space<semaphore_mem>>
    tpu.wait_indirect_dma semaphore(%dma_wait3A_1291 : memref<!tpu.dma_semaphore, #tpu.memory_space<semaphore_mem>>) src(%dma_wait3A_1289 : memref<60x128xf32, #tpu.memory_space<vmem_shared>>) dst(%dma_wait3A_1283 : memref<80x128xf32, #tpu.memory_space<vmem>>)
    %add3A_1292 = arith.constant 9600 : i32
    %add3A_1293 = arith.addi %mul3A_2, %add3A_1292 : i32
    %dma_start3A_1294 = arith.constant 0 : i32
    %dma_start3A_1295 = arith.constant 0 : i32
    %dma_start3A_1296 = arith.constant 0 : i32
    %dma_start3A_1297 = arith.constant 0 : i32
    %dma_start3A_1298 = tpu.memref_slice %arg13[%dma_start3A_1294, %dma_start3A_1296, %dma_start3A_1297] : memref<5x80x128xf32, #tpu.memory_space<vmem>> -> memref<1x80x128xf32, #tpu.memory_space<vmem>>
    %dma_start3A_1299 = tpu.memref_squeeze %dma_start3A_1298 : memref<1x80x128xf32, #tpu.memory_space<vmem>> -> memref<80x128xf32, #tpu.memory_space<vmem>>
    %dma_start3A_1300 = arith.constant 0 : i32
    %dma_start3A_1301 = tpu.memref_slice %arg6[%add3A_1293, %dma_start3A_1300] : memref<320000x128xf32, #tpu.memory_space<hbm>> -> memref<80x128xf32, #tpu.memory_space<hbm>>
    %dma_start3A_1302 = tpu.memref_slice %arg16[%dma_start3A_1295] : memref<5x!tpu.dma_semaphore, #tpu.memory_space<semaphore_mem>> -> memref<1x!tpu.dma_semaphore, #tpu.memory_space<semaphore_mem>>
    %dma_start3A_1303 = tpu.memref_squeeze %dma_start3A_1302 : memref<1x!tpu.dma_semaphore, #tpu.memory_space<semaphore_mem>> -> memref<!tpu.dma_semaphore, #tpu.memory_space<semaphore_mem>>
    %dma_start3A_1304 = arith.constant 0 : i32
    %dma_start3A_1305 = tpu.memref_slice %arg6[%add3A_1293, %dma_start3A_1304] : memref<320000x128xf32, #tpu.memory_space<hbm>> -> memref<80x128xf32, #tpu.memory_space<hbm>>
    %dma_start3A_1306 = arith.constant 0 : i32
    %dma_start3A_1307 = arith.constant 0 : i32
    %dma_start3A_1308 = tpu.memref_slice %arg13[%dma_start3A_1294, %dma_start3A_1306, %dma_start3A_1307] : memref<5x80x128xf32, #tpu.memory_space<vmem>> -> memref<1x80x128xf32, #tpu.memory_space<vmem>>
    %dma_start3A_1309 = tpu.memref_squeeze %dma_start3A_1308 : memref<1x80x128xf32, #tpu.memory_space<vmem>> -> memref<80x128xf32, #tpu.memory_space<vmem>>
    tpu.enqueue_dma source(%dma_start3A_1309 : memref<80x128xf32, #tpu.memory_space<vmem>>) target(%dma_start3A_1305 : memref<80x128xf32, #tpu.memory_space<hbm>>) target_semaphore(%dma_start3A_1303 : memref<!tpu.dma_semaphore, #tpu.memory_space<semaphore_mem>>)
    %get3A_1310 = arith.constant 9840 : index
    %get3A_1311 = tpu.vector_load %arg7[%get3A_1310] {strides = array<i32>} : memref<10000xi32, #tpu.memory_space<vmem>>, vector<16xi32>,
    %get3A_1312 = vector.shape_cast %get3A_1311 : vector<16xi32> to vector<16xi32>
    %get3A_1313 = arith.constant 9840 : index
    %get3A_1314 = tpu.vector_load %arg8[%get3A_1313] {strides = array<i32>} : memref<10000xi32, #tpu.memory_space<vmem>>, vector<16xi32>,
    %get3A_1315 = vector.shape_cast %get3A_1314 : vector<16xi32> to vector<16xi32>
    %get3A_1316 = arith.constant 9840 : index
    %get3A_1317 = tpu.vector_load %arg9[%get3A_1316] {strides = array<i32>} : memref<10000xi32, #tpu.memory_space<vmem>>, vector<16xi32>,
    %get3A_1318 = vector.shape_cast %get3A_1317 : vector<16xi32> to vector<16xi32>
    %mul3A_1319 = arith.constant 12 : i32
    %mul3A_1320 = vector.broadcast %mul3A_1319 : i32 to vector<16xi32>
    %mul3A_1321 = arith.muli %get3A_1312, %mul3A_1320 : vector<16xi32>
    %mul3A_1322 = arith.constant 2 : i32
    %mul3A_1323 = vector.broadcast %mul3A_1322 : i32 to vector<16xi32>
    %mul3A_1324 = arith.muli %get3A_1315, %mul3A_1323 : vector<16xi32>
    %add3A_1325 = arith.addi %mul3A_1321, %mul3A_1324 : vector<16xi32>
    %add3A_1326 = arith.addi %add3A_1325, %get3A_1318 : vector<16xi32>
    %swap3A_1327 = arith.constant 3 : i32
    %swap3A_1328 = arith.index_cast %swap3A_1327 : i32 to index
    %swap3A_1329 = arith.constant 0 : index
    %swap3A_1330 = tpu.vector_load %arg12[%swap3A_1328, %swap3A_1329] {strides = array<i32>} : memref<5x80xi32, #tpu.memory_space<vmem>>, vector<1x16xi32>,
    %swap3A_1331 = vector.shape_cast %swap3A_1330 : vector<1x16xi32> to vector<16xi32>
    %swap3A_1332 = vector.shape_cast %add3A_1326 : vector<16xi32> to vector<1x16xi32>
    tpu.vector_store %arg12[%swap3A_1328, %swap3A_1329], %swap3A_1332 {strides = array<i32>} : memref<5x80xi32, #tpu.memory_space<vmem>>, vector<1x16xi32>,
    %get3A_1333 = arith.constant 9856 : index
    %get3A_1334 = tpu.vector_load %arg7[%get3A_1333] {strides = array<i32>} : memref<10000xi32, #tpu.memory_space<vmem>>, vector<16xi32>,
    %get3A_1335 = vector.shape_cast %get3A_1334 : vector<16xi32> to vector<16xi32>
    %get3A_1336 = arith.constant 9856 : index
    %get3A_1337 = tpu.vector_load %arg8[%get3A_1336] {strides = array<i32>} : memref<10000xi32, #tpu.memory_space<vmem>>, vector<16xi32>,
    %get3A_1338 = vector.shape_cast %get3A_1337 : vector<16xi32> to vector<16xi32>
    %get3A_1339 = arith.constant 9856 : index
    %get3A_1340 = tpu.vector_load %arg9[%get3A_1339] {strides = array<i32>} : memref<10000xi32, #tpu.memory_space<vmem>>, vector<16xi32>,
    %get3A_1341 = vector.shape_cast %get3A_1340 : vector<16xi32> to vector<16xi32>
    %mul3A_1342 = arith.constant 12 : i32
    %mul3A_1343 = vector.broadcast %mul3A_1342 : i32 to vector<16xi32>
    %mul3A_1344 = arith.muli %get3A_1335, %mul3A_1343 : vector<16xi32>
    %mul3A_1345 = arith.constant 2 : i32
    %mul3A_1346 = vector.broadcast %mul3A_1345 : i32 to vector<16xi32>
    %mul3A_1347 = arith.muli %get3A_1338, %mul3A_1346 : vector<16xi32>
    %add3A_1348 = arith.addi %mul3A_1344, %mul3A_1347 : vector<16xi32>
    %add3A_1349 = arith.addi %add3A_1348, %get3A_1341 : vector<16xi32>
    %swap3A_1350 = arith.constant 3 : i32
    %swap3A_1351 = arith.index_cast %swap3A_1350 : i32 to index
    %swap3A_1352 = arith.constant 16 : index
    %swap3A_1353 = tpu.vector_load %arg12[%swap3A_1351, %swap3A_1352] {strides = array<i32>} : memref<5x80xi32, #tpu.memory_space<vmem>>, vector<1x16xi32>,
    %swap3A_1354 = vector.shape_cast %swap3A_1353 : vector<1x16xi32> to vector<16xi32>
    %swap3A_1355 = vector.shape_cast %add3A_1349 : vector<16xi32> to vector<1x16xi32>
    tpu.vector_store %arg12[%swap3A_1351, %swap3A_1352], %swap3A_1355 {strides = array<i32>} : memref<5x80xi32, #tpu.memory_space<vmem>>, vector<1x16xi32>,
    %get3A_1356 = arith.constant 9872 : index
    %get3A_1357 = tpu.vector_load %arg7[%get3A_1356] {strides = array<i32>} : memref<10000xi32, #tpu.memory_space<vmem>>, vector<16xi32>,
    %get3A_1358 = vector.shape_cast %get3A_1357 : vector<16xi32> to vector<16xi32>
    %get3A_1359 = arith.constant 9872 : index
    %get3A_1360 = tpu.vector_load %arg8[%get3A_1359] {strides = array<i32>} : memref<10000xi32, #tpu.memory_space<vmem>>, vector<16xi32>,
    %get3A_1361 = vector.shape_cast %get3A_1360 : vector<16xi32> to vector<16xi32>
    %get3A_1362 = arith.constant 9872 : index
    %get3A_1363 = tpu.vector_load %arg9[%get3A_1362] {strides = array<i32>} : memref<10000xi32, #tpu.memory_space<vmem>>, vector<16xi32>,
    %get3A_1364 = vector.shape_cast %get3A_1363 : vector<16xi32> to vector<16xi32>
    %mul3A_1365 = arith.constant 12 : i32
    %mul3A_1366 = vector.broadcast %mul3A_1365 : i32 to vector<16xi32>
    %mul3A_1367 = arith.muli %get3A_1358, %mul3A_1366 : vector<16xi32>
    %mul3A_1368 = arith.constant 2 : i32
    %mul3A_1369 = vector.broadcast %mul3A_1368 : i32 to vector<16xi32>
    %mul3A_1370 = arith.muli %get3A_1361, %mul3A_1369 : vector<16xi32>
    %add3A_1371 = arith.addi %mul3A_1367, %mul3A_1370 : vector<16xi32>
    %add3A_1372 = arith.addi %add3A_1371, %get3A_1364 : vector<16xi32>
    %swap3A_1373 = arith.constant 3 : i32
    %swap3A_1374 = arith.index_cast %swap3A_1373 : i32 to index
    %swap3A_1375 = arith.constant 32 : index
    %swap3A_1376 = tpu.vector_load %arg12[%swap3A_1374, %swap3A_1375] {strides = array<i32>} : memref<5x80xi32, #tpu.memory_space<vmem>>, vector<1x16xi32>,
    %swap3A_1377 = vector.shape_cast %swap3A_1376 : vector<1x16xi32> to vector<16xi32>
    %swap3A_1378 = vector.shape_cast %add3A_1372 : vector<16xi32> to vector<1x16xi32>
    tpu.vector_store %arg12[%swap3A_1374, %swap3A_1375], %swap3A_1378 {strides = array<i32>} : memref<5x80xi32, #tpu.memory_space<vmem>>, vector<1x16xi32>,
    %get3A_1379 = arith.constant 9888 : index
    %get3A_1380 = tpu.vector_load %arg7[%get3A_1379] {strides = array<i32>} : memref<10000xi32, #tpu.memory_space<vmem>>, vector<16xi32>,
    %get3A_1381 = vector.shape_cast %get3A_1380 : vector<16xi32> to vector<16xi32>
    %get3A_1382 = arith.constant 9888 : index
    %get3A_1383 = tpu.vector_load %arg8[%get3A_1382] {strides = array<i32>} : memref<10000xi32, #tpu.memory_space<vmem>>, vector<16xi32>,
    %get3A_1384 = vector.shape_cast %get3A_1383 : vector<16xi32> to vector<16xi32>
    %get3A_1385 = arith.constant 9888 : index
    %get3A_1386 = tpu.vector_load %arg9[%get3A_1385] {strides = array<i32>} : memref<10000xi32, #tpu.memory_space<vmem>>, vector<16xi32>,
    %get3A_1387 = vector.shape_cast %get3A_1386 : vector<16xi32> to vector<16xi32>
    %mul3A_1388 = arith.constant 12 : i32
    %mul3A_1389 = vector.broadcast %mul3A_1388 : i32 to vector<16xi32>
    %mul3A_1390 = arith.muli %get3A_1381, %mul3A_1389 : vector<16xi32>
    %mul3A_1391 = arith.constant 2 : i32
    %mul3A_1392 = vector.broadcast %mul3A_1391 : i32 to vector<16xi32>
    %mul3A_1393 = arith.muli %get3A_1384, %mul3A_1392 : vector<16xi32>
    %add3A_1394 = arith.addi %mul3A_1390, %mul3A_1393 : vector<16xi32>
    %add3A_1395 = arith.addi %add3A_1394, %get3A_1387 : vector<16xi32>
    %swap3A_1396 = arith.constant 3 : i32
    %swap3A_1397 = arith.index_cast %swap3A_1396 : i32 to index
    %swap3A_1398 = arith.constant 48 : index
    %swap3A_1399 = tpu.vector_load %arg12[%swap3A_1397, %swap3A_1398] {strides = array<i32>} : memref<5x80xi32, #tpu.memory_space<vmem>>, vector<1x16xi32>,
    %swap3A_1400 = vector.shape_cast %swap3A_1399 : vector<1x16xi32> to vector<16xi32>
    %swap3A_1401 = vector.shape_cast %add3A_1395 : vector<16xi32> to vector<1x16xi32>
    tpu.vector_store %arg12[%swap3A_1397, %swap3A_1398], %swap3A_1401 {strides = array<i32>} : memref<5x80xi32, #tpu.memory_space<vmem>>, vector<1x16xi32>,
    %get3A_1402 = arith.constant 9904 : index
    %get3A_1403 = tpu.vector_load %arg7[%get3A_1402] {strides = array<i32>} : memref<10000xi32, #tpu.memory_space<vmem>>, vector<16xi32>,
    %get3A_1404 = vector.shape_cast %get3A_1403 : vector<16xi32> to vector<16xi32>
    %get3A_1405 = arith.constant 9904 : index
    %get3A_1406 = tpu.vector_load %arg8[%get3A_1405] {strides = array<i32>} : memref<10000xi32, #tpu.memory_space<vmem>>, vector<16xi32>,
    %get3A_1407 = vector.shape_cast %get3A_1406 : vector<16xi32> to vector<16xi32>
    %get3A_1408 = arith.constant 9904 : index
    %get3A_1409 = tpu.vector_load %arg9[%get3A_1408] {strides = array<i32>} : memref<10000xi32, #tpu.memory_space<vmem>>, vector<16xi32>,
    %get3A_1410 = vector.shape_cast %get3A_1409 : vector<16xi32> to vector<16xi32>
    %mul3A_1411 = arith.constant 12 : i32
    %mul3A_1412 = vector.broadcast %mul3A_1411 : i32 to vector<16xi32>
    %mul3A_1413 = arith.muli %get3A_1404, %mul3A_1412 : vector<16xi32>
    %mul3A_1414 = arith.constant 2 : i32
    %mul3A_1415 = vector.broadcast %mul3A_1414 : i32 to vector<16xi32>
    %mul3A_1416 = arith.muli %get3A_1407, %mul3A_1415 : vector<16xi32>
    %add3A_1417 = arith.addi %mul3A_1413, %mul3A_1416 : vector<16xi32>
    %add3A_1418 = arith.addi %add3A_1417, %get3A_1410 : vector<16xi32>
    %swap3A_1419 = arith.constant 3 : i32
    %swap3A_1420 = arith.index_cast %swap3A_1419 : i32 to index
    %swap3A_1421 = arith.constant 64 : index
    %swap3A_1422 = tpu.vector_load %arg12[%swap3A_1420, %swap3A_1421] {strides = array<i32>} : memref<5x80xi32, #tpu.memory_space<vmem>>, vector<1x16xi32>,
    %swap3A_1423 = vector.shape_cast %swap3A_1422 : vector<1x16xi32> to vector<16xi32>
    %swap3A_1424 = vector.shape_cast %add3A_1418 : vector<16xi32> to vector<1x16xi32>
    tpu.vector_store %arg12[%swap3A_1420, %swap3A_1421], %swap3A_1424 {strides = array<i32>} : memref<5x80xi32, #tpu.memory_space<vmem>>, vector<1x16xi32>,
    %add3A_1425 = arith.constant 9440 : i32
    %add3A_1426 = arith.addi %mul3A_2, %add3A_1425 : i32
    %dma_wait3A_1427 = arith.constant 3 : i32
    %dma_wait3A_1428 = arith.constant 3 : i32
    %dma_wait3A_1429 = arith.constant 0 : i32
    %dma_wait3A_1430 = arith.constant 0 : i32
    %dma_wait3A_1431 = tpu.memref_slice %arg13[%dma_wait3A_1427, %dma_wait3A_1429, %dma_wait3A_1430] : memref<5x80x128xf32, #tpu.memory_space<vmem>> -> memref<1x80x128xf32, #tpu.memory_space<vmem>>
    %dma_wait3A_1432 = tpu.memref_squeeze %dma_wait3A_1431 : memref<1x80x128xf32, #tpu.memory_space<vmem>> -> memref<80x128xf32, #tpu.memory_space<vmem>>
    %dma_wait3A_1433 = arith.constant 0 : i32
    %dma_wait3A_1434 = tpu.memref_slice %arg6[%add3A_1426, %dma_wait3A_1433] : memref<320000x128xf32, #tpu.memory_space<hbm>> -> memref<80x128xf32, #tpu.memory_space<hbm>>
    %dma_wait3A_1435 = tpu.memref_slice %arg16[%dma_wait3A_1428] : memref<5x!tpu.dma_semaphore, #tpu.memory_space<semaphore_mem>> -> memref<1x!tpu.dma_semaphore, #tpu.memory_space<semaphore_mem>>
    %dma_wait3A_1436 = tpu.memref_squeeze %dma_wait3A_1435 : memref<1x!tpu.dma_semaphore, #tpu.memory_space<semaphore_mem>> -> memref<!tpu.dma_semaphore, #tpu.memory_space<semaphore_mem>>
    %dma_wait3A_1437 = arith.constant 0 : i32
    %dma_wait3A_1438 = tpu.memref_slice %arg6[%add3A_1426, %dma_wait3A_1437] : memref<320000x128xf32, #tpu.memory_space<hbm>> -> memref<80x128xf32, #tpu.memory_space<hbm>>
    %dma_wait3A_1439 = arith.constant 0 : i32
    %dma_wait3A_1440 = arith.constant 0 : i32
    %dma_wait3A_1441 = tpu.memref_slice %arg13[%dma_wait3A_1427, %dma_wait3A_1439, %dma_wait3A_1440] : memref<5x80x128xf32, #tpu.memory_space<vmem>> -> memref<1x80x128xf32, #tpu.memory_space<vmem>>
    %dma_wait3A_1442 = tpu.memref_squeeze %dma_wait3A_1441 : memref<1x80x128xf32, #tpu.memory_space<vmem>> -> memref<80x128xf32, #tpu.memory_space<vmem>>
    tpu.wait_dma2 semaphore(%dma_wait3A_1436 : memref<!tpu.dma_semaphore, #tpu.memory_space<semaphore_mem>>) src(%dma_wait3A_1442 : memref<80x128xf32, #tpu.memory_space<vmem>>) dst(%dma_wait3A_1438 : memref<80x128xf32, #tpu.memory_space<hbm>>)
    %dma_start3A_1443 = arith.constant 3 : i32
    %dma_start3A_1444 = arith.constant 3 : i32
    %dma_start3A_1445 = arith.constant 3 : i32
    %dma_start3A_1446 = arith.constant 0 : i32
    %dma_start3A_1447 = arith.constant 0 : i32
    %dma_start3A_1448 = tpu.memref_slice %arg13[%dma_start3A_1444, %dma_start3A_1446, %dma_start3A_1447] : memref<5x80x128xf32, #tpu.memory_space<vmem>> -> memref<1x80x128xf32, #tpu.memory_space<vmem>>
    %dma_start3A_1449 = tpu.memref_squeeze %dma_start3A_1448 : memref<1x80x128xf32, #tpu.memory_space<vmem>> -> memref<80x128xf32, #tpu.memory_space<vmem>>
    %dma_start3A_1450 = arith.constant 0 : i32
    %dma_start3A_1451 = tpu.memref_slice %arg12[%dma_start3A_1443, %dma_start3A_1450] : memref<5x80xi32, #tpu.memory_space<vmem>> -> memref<1x80xi32, #tpu.memory_space<vmem>>
    %dma_start3A_1452 = tpu.memref_squeeze %dma_start3A_1451 : memref<1x80xi32, #tpu.memory_space<vmem>> -> memref<80xi32, #tpu.memory_space<vmem>>
    %dma_start3A_1453 = arith.constant 0 : i32
    %dma_start3A_1454 = arith.constant 0 : i32
    %dma_start3A_1455 = tpu.memref_slice %arg11[%dma_start3A_1453, %dma_start3A_1454] : memref<60x128xf32, #tpu.memory_space<vmem_shared>> -> memref<60x128xf32, #tpu.memory_space<vmem_shared>>
    %dma_start3A_1456 = tpu.memref_slice %arg15[%dma_start3A_1445] : memref<5x!tpu.dma_semaphore, #tpu.memory_space<semaphore_mem>> -> memref<1x!tpu.dma_semaphore, #tpu.memory_space<semaphore_mem>>
    %dma_start3A_1457 = tpu.memref_squeeze %dma_start3A_1456 : memref<1x!tpu.dma_semaphore, #tpu.memory_space<semaphore_mem>> -> memref<!tpu.dma_semaphore, #tpu.memory_space<semaphore_mem>>
    tpu.enqueue_indirect_dma source(%dma_start3A_1455 : memref<60x128xf32, #tpu.memory_space<vmem_shared>>) target(%dma_start3A_1449 : memref<80x128xf32, #tpu.memory_space<vmem>>) offsets(%dma_start3A_1452 : memref<80xi32, #tpu.memory_space<vmem>>) semaphore(%dma_start3A_1457 : memref<!tpu.dma_semaphore, #tpu.memory_space<semaphore_mem>>)
    %dma_wait3A_1458 = arith.constant 1 : i32
    %dma_wait3A_1459 = arith.constant 1 : i32
    %dma_wait3A_1460 = arith.constant 1 : i32
    %dma_wait3A_1461 = arith.constant 0 : i32
    %dma_wait3A_1462 = arith.constant 0 : i32
    %dma_wait3A_1463 = tpu.memref_slice %arg13[%dma_wait3A_1459, %dma_wait3A_1461, %dma_wait3A_1462] : memref<5x80x128xf32, #tpu.memory_space<vmem>> -> memref<1x80x128xf32, #tpu.memory_space<vmem>>
    %dma_wait3A_1464 = tpu.memref_squeeze %dma_wait3A_1463 : memref<1x80x128xf32, #tpu.memory_space<vmem>> -> memref<80x128xf32, #tpu.memory_space<vmem>>
    %dma_wait3A_1465 = arith.constant 0 : i32
    %dma_wait3A_1466 = tpu.memref_slice %arg12[%dma_wait3A_1458, %dma_wait3A_1465] : memref<5x80xi32, #tpu.memory_space<vmem>> -> memref<1x80xi32, #tpu.memory_space<vmem>>
    %dma_wait3A_1467 = tpu.memref_squeeze %dma_wait3A_1466 : memref<1x80xi32, #tpu.memory_space<vmem>> -> memref<80xi32, #tpu.memory_space<vmem>>
    %dma_wait3A_1468 = arith.constant 0 : i32
    %dma_wait3A_1469 = arith.constant 0 : i32
    %dma_wait3A_1470 = tpu.memref_slice %arg11[%dma_wait3A_1468, %dma_wait3A_1469] : memref<60x128xf32, #tpu.memory_space<vmem_shared>> -> memref<60x128xf32, #tpu.memory_space<vmem_shared>>
    %dma_wait3A_1471 = tpu.memref_slice %arg15[%dma_wait3A_1460] : memref<5x!tpu.dma_semaphore, #tpu.memory_space<semaphore_mem>> -> memref<1x!tpu.dma_semaphore, #tpu.memory_space<semaphore_mem>>
    %dma_wait3A_1472 = tpu.memref_squeeze %dma_wait3A_1471 : memref<1x!tpu.dma_semaphore, #tpu.memory_space<semaphore_mem>> -> memref<!tpu.dma_semaphore, #tpu.memory_space<semaphore_mem>>
    tpu.wait_indirect_dma semaphore(%dma_wait3A_1472 : memref<!tpu.dma_semaphore, #tpu.memory_space<semaphore_mem>>) src(%dma_wait3A_1470 : memref<60x128xf32, #tpu.memory_space<vmem_shared>>) dst(%dma_wait3A_1464 : memref<80x128xf32, #tpu.memory_space<vmem>>)
    %add3A_1473 = arith.constant 9680 : i32
    %add3A_1474 = arith.addi %mul3A_2, %add3A_1473 : i32
    %dma_start3A_1475 = arith.constant 1 : i32
    %dma_start3A_1476 = arith.constant 1 : i32
    %dma_start3A_1477 = arith.constant 0 : i32
    %dma_start3A_1478 = arith.constant 0 : i32
    %dma_start3A_1479 = tpu.memref_slice %arg13[%dma_start3A_1475, %dma_start3A_1477, %dma_start3A_1478] : memref<5x80x128xf32, #tpu.memory_space<vmem>> -> memref<1x80x128xf32, #tpu.memory_space<vmem>>
    %dma_start3A_1480 = tpu.memref_squeeze %dma_start3A_1479 : memref<1x80x128xf32, #tpu.memory_space<vmem>> -> memref<80x128xf32, #tpu.memory_space<vmem>>
    %dma_start3A_1481 = arith.constant 0 : i32
    %dma_start3A_1482 = tpu.memref_slice %arg6[%add3A_1474, %dma_start3A_1481] : memref<320000x128xf32, #tpu.memory_space<hbm>> -> memref<80x128xf32, #tpu.memory_space<hbm>>
    %dma_start3A_1483 = tpu.memref_slice %arg16[%dma_start3A_1476] : memref<5x!tpu.dma_semaphore, #tpu.memory_space<semaphore_mem>> -> memref<1x!tpu.dma_semaphore, #tpu.memory_space<semaphore_mem>>
    %dma_start3A_1484 = tpu.memref_squeeze %dma_start3A_1483 : memref<1x!tpu.dma_semaphore, #tpu.memory_space<semaphore_mem>> -> memref<!tpu.dma_semaphore, #tpu.memory_space<semaphore_mem>>
    %dma_start3A_1485 = arith.constant 0 : i32
    %dma_start3A_1486 = tpu.memref_slice %arg6[%add3A_1474, %dma_start3A_1485] : memref<320000x128xf32, #tpu.memory_space<hbm>> -> memref<80x128xf32, #tpu.memory_space<hbm>>
    %dma_start3A_1487 = arith.constant 0 : i32
    %dma_start3A_1488 = arith.constant 0 : i32
    %dma_start3A_1489 = tpu.memref_slice %arg13[%dma_start3A_1475, %dma_start3A_1487, %dma_start3A_1488] : memref<5x80x128xf32, #tpu.memory_space<vmem>> -> memref<1x80x128xf32, #tpu.memory_space<vmem>>
    %dma_start3A_1490 = tpu.memref_squeeze %dma_start3A_1489 : memref<1x80x128xf32, #tpu.memory_space<vmem>> -> memref<80x128xf32, #tpu.memory_space<vmem>>
    tpu.enqueue_dma source(%dma_start3A_1490 : memref<80x128xf32, #tpu.memory_space<vmem>>) target(%dma_start3A_1486 : memref<80x128xf32, #tpu.memory_space<hbm>>) target_semaphore(%dma_start3A_1484 : memref<!tpu.dma_semaphore, #tpu.memory_space<semaphore_mem>>)
    %get3A_1491 = arith.constant 9920 : index
    %get3A_1492 = tpu.vector_load %arg7[%get3A_1491] {strides = array<i32>} : memref<10000xi32, #tpu.memory_space<vmem>>, vector<16xi32>,
    %get3A_1493 = vector.shape_cast %get3A_1492 : vector<16xi32> to vector<16xi32>
    %get3A_1494 = arith.constant 9920 : index
    %get3A_1495 = tpu.vector_load %arg8[%get3A_1494] {strides = array<i32>} : memref<10000xi32, #tpu.memory_space<vmem>>, vector<16xi32>,
    %get3A_1496 = vector.shape_cast %get3A_1495 : vector<16xi32> to vector<16xi32>
    %get3A_1497 = arith.constant 9920 : index
    %get3A_1498 = tpu.vector_load %arg9[%get3A_1497] {strides = array<i32>} : memref<10000xi32, #tpu.memory_space<vmem>>, vector<16xi32>,
    %get3A_1499 = vector.shape_cast %get3A_1498 : vector<16xi32> to vector<16xi32>
    %mul3A_1500 = arith.constant 12 : i32
    %mul3A_1501 = vector.broadcast %mul3A_1500 : i32 to vector<16xi32>
    %mul3A_1502 = arith.muli %get3A_1493, %mul3A_1501 : vector<16xi32>
    %mul3A_1503 = arith.constant 2 : i32
    %mul3A_1504 = vector.broadcast %mul3A_1503 : i32 to vector<16xi32>
    %mul3A_1505 = arith.muli %get3A_1496, %mul3A_1504 : vector<16xi32>
    %add3A_1506 = arith.addi %mul3A_1502, %mul3A_1505 : vector<16xi32>
    %add3A_1507 = arith.addi %add3A_1506, %get3A_1499 : vector<16xi32>
    %swap3A_1508 = arith.constant 4 : i32
    %swap3A_1509 = arith.index_cast %swap3A_1508 : i32 to index
    %swap3A_1510 = arith.constant 0 : index
    %swap3A_1511 = tpu.vector_load %arg12[%swap3A_1509, %swap3A_1510] {strides = array<i32>} : memref<5x80xi32, #tpu.memory_space<vmem>>, vector<1x16xi32>,
    %swap3A_1512 = vector.shape_cast %swap3A_1511 : vector<1x16xi32> to vector<16xi32>
    %swap3A_1513 = vector.shape_cast %add3A_1507 : vector<16xi32> to vector<1x16xi32>
    tpu.vector_store %arg12[%swap3A_1509, %swap3A_1510], %swap3A_1513 {strides = array<i32>} : memref<5x80xi32, #tpu.memory_space<vmem>>, vector<1x16xi32>,
    %get3A_1514 = arith.constant 9936 : index
    %get3A_1515 = tpu.vector_load %arg7[%get3A_1514] {strides = array<i32>} : memref<10000xi32, #tpu.memory_space<vmem>>, vector<16xi32>,
    %get3A_1516 = vector.shape_cast %get3A_1515 : vector<16xi32> to vector<16xi32>
    %get3A_1517 = arith.constant 9936 : index
    %get3A_1518 = tpu.vector_load %arg8[%get3A_1517] {strides = array<i32>} : memref<10000xi32, #tpu.memory_space<vmem>>, vector<16xi32>,
    %get3A_1519 = vector.shape_cast %get3A_1518 : vector<16xi32> to vector<16xi32>
    %get3A_1520 = arith.constant 9936 : index
    %get3A_1521 = tpu.vector_load %arg9[%get3A_1520] {strides = array<i32>} : memref<10000xi32, #tpu.memory_space<vmem>>, vector<16xi32>,
    %get3A_1522 = vector.shape_cast %get3A_1521 : vector<16xi32> to vector<16xi32>
    %mul3A_1523 = arith.constant 12 : i32
    %mul3A_1524 = vector.broadcast %mul3A_1523 : i32 to vector<16xi32>
    %mul3A_1525 = arith.muli %get3A_1516, %mul3A_1524 : vector<16xi32>
    %mul3A_1526 = arith.constant 2 : i32
    %mul3A_1527 = vector.broadcast %mul3A_1526 : i32 to vector<16xi32>
    %mul3A_1528 = arith.muli %get3A_1519, %mul3A_1527 : vector<16xi32>
    %add3A_1529 = arith.addi %mul3A_1525, %mul3A_1528 : vector<16xi32>
    %add3A_1530 = arith.addi %add3A_1529, %get3A_1522 : vector<16xi32>
    %swap3A_1531 = arith.constant 4 : i32
    %swap3A_1532 = arith.index_cast %swap3A_1531 : i32 to index
    %swap3A_1533 = arith.constant 16 : index
    %swap3A_1534 = tpu.vector_load %arg12[%swap3A_1532, %swap3A_1533] {strides = array<i32>} : memref<5x80xi32, #tpu.memory_space<vmem>>, vector<1x16xi32>,
    %swap3A_1535 = vector.shape_cast %swap3A_1534 : vector<1x16xi32> to vector<16xi32>
    %swap3A_1536 = vector.shape_cast %add3A_1530 : vector<16xi32> to vector<1x16xi32>
    tpu.vector_store %arg12[%swap3A_1532, %swap3A_1533], %swap3A_1536 {strides = array<i32>} : memref<5x80xi32, #tpu.memory_space<vmem>>, vector<1x16xi32>,
    %get3A_1537 = arith.constant 9952 : index
    %get3A_1538 = tpu.vector_load %arg7[%get3A_1537] {strides = array<i32>} : memref<10000xi32, #tpu.memory_space<vmem>>, vector<16xi32>,
    %get3A_1539 = vector.shape_cast %get3A_1538 : vector<16xi32> to vector<16xi32>
    %get3A_1540 = arith.constant 9952 : index
    %get3A_1541 = tpu.vector_load %arg8[%get3A_1540] {strides = array<i32>} : memref<10000xi32, #tpu.memory_space<vmem>>, vector<16xi32>,
    %get3A_1542 = vector.shape_cast %get3A_1541 : vector<16xi32> to vector<16xi32>
    %get3A_1543 = arith.constant 9952 : index
    %get3A_1544 = tpu.vector_load %arg9[%get3A_1543] {strides = array<i32>} : memref<10000xi32, #tpu.memory_space<vmem>>, vector<16xi32>,
    %get3A_1545 = vector.shape_cast %get3A_1544 : vector<16xi32> to vector<16xi32>
    %mul3A_1546 = arith.constant 12 : i32
    %mul3A_1547 = vector.broadcast %mul3A_1546 : i32 to vector<16xi32>
    %mul3A_1548 = arith.muli %get3A_1539, %mul3A_1547 : vector<16xi32>
    %mul3A_1549 = arith.constant 2 : i32
    %mul3A_1550 = vector.broadcast %mul3A_1549 : i32 to vector<16xi32>
    %mul3A_1551 = arith.muli %get3A_1542, %mul3A_1550 : vector<16xi32>
    %add3A_1552 = arith.addi %mul3A_1548, %mul3A_1551 : vector<16xi32>
    %add3A_1553 = arith.addi %add3A_1552, %get3A_1545 : vector<16xi32>
    %swap3A_1554 = arith.constant 4 : i32
    %swap3A_1555 = arith.index_cast %swap3A_1554 : i32 to index
    %swap3A_1556 = arith.constant 32 : index
    %swap3A_1557 = tpu.vector_load %arg12[%swap3A_1555, %swap3A_1556] {strides = array<i32>} : memref<5x80xi32, #tpu.memory_space<vmem>>, vector<1x16xi32>,
    %swap3A_1558 = vector.shape_cast %swap3A_1557 : vector<1x16xi32> to vector<16xi32>
    %swap3A_1559 = vector.shape_cast %add3A_1553 : vector<16xi32> to vector<1x16xi32>
    tpu.vector_store %arg12[%swap3A_1555, %swap3A_1556], %swap3A_1559 {strides = array<i32>} : memref<5x80xi32, #tpu.memory_space<vmem>>, vector<1x16xi32>,
    %get3A_1560 = arith.constant 9968 : index
    %get3A_1561 = tpu.vector_load %arg7[%get3A_1560] {strides = array<i32>} : memref<10000xi32, #tpu.memory_space<vmem>>, vector<16xi32>,
    %get3A_1562 = vector.shape_cast %get3A_1561 : vector<16xi32> to vector<16xi32>
    %get3A_1563 = arith.constant 9968 : index
    %get3A_1564 = tpu.vector_load %arg8[%get3A_1563] {strides = array<i32>} : memref<10000xi32, #tpu.memory_space<vmem>>, vector<16xi32>,
    %get3A_1565 = vector.shape_cast %get3A_1564 : vector<16xi32> to vector<16xi32>
    %get3A_1566 = arith.constant 9968 : index
    %get3A_1567 = tpu.vector_load %arg9[%get3A_1566] {strides = array<i32>} : memref<10000xi32, #tpu.memory_space<vmem>>, vector<16xi32>,
    %get3A_1568 = vector.shape_cast %get3A_1567 : vector<16xi32> to vector<16xi32>
    %mul3A_1569 = arith.constant 12 : i32
    %mul3A_1570 = vector.broadcast %mul3A_1569 : i32 to vector<16xi32>
    %mul3A_1571 = arith.muli %get3A_1562, %mul3A_1570 : vector<16xi32>
    %mul3A_1572 = arith.constant 2 : i32
    %mul3A_1573 = vector.broadcast %mul3A_1572 : i32 to vector<16xi32>
    %mul3A_1574 = arith.muli %get3A_1565, %mul3A_1573 : vector<16xi32>
    %add3A_1575 = arith.addi %mul3A_1571, %mul3A_1574 : vector<16xi32>
    %add3A_1576 = arith.addi %add3A_1575, %get3A_1568 : vector<16xi32>
    %swap3A_1577 = arith.constant 4 : i32
    %swap3A_1578 = arith.index_cast %swap3A_1577 : i32 to index
    %swap3A_1579 = arith.constant 48 : index
    %swap3A_1580 = tpu.vector_load %arg12[%swap3A_1578, %swap3A_1579] {strides = array<i32>} : memref<5x80xi32, #tpu.memory_space<vmem>>, vector<1x16xi32>,
    %swap3A_1581 = vector.shape_cast %swap3A_1580 : vector<1x16xi32> to vector<16xi32>
    %swap3A_1582 = vector.shape_cast %add3A_1576 : vector<16xi32> to vector<1x16xi32>
    tpu.vector_store %arg12[%swap3A_1578, %swap3A_1579], %swap3A_1582 {strides = array<i32>} : memref<5x80xi32, #tpu.memory_space<vmem>>, vector<1x16xi32>,
    %get3A_1583 = arith.constant 9984 : index
    %get3A_1584 = tpu.vector_load %arg7[%get3A_1583] {strides = array<i32>} : memref<10000xi32, #tpu.memory_space<vmem>>, vector<16xi32>,
    %get3A_1585 = vector.shape_cast %get3A_1584 : vector<16xi32> to vector<16xi32>
    %get3A_1586 = arith.constant 9984 : index
    %get3A_1587 = tpu.vector_load %arg8[%get3A_1586] {strides = array<i32>} : memref<10000xi32, #tpu.memory_space<vmem>>, vector<16xi32>,
    %get3A_1588 = vector.shape_cast %get3A_1587 : vector<16xi32> to vector<16xi32>
    %get3A_1589 = arith.constant 9984 : index
    %get3A_1590 = tpu.vector_load %arg9[%get3A_1589] {strides = array<i32>} : memref<10000xi32, #tpu.memory_space<vmem>>, vector<16xi32>,
    %get3A_1591 = vector.shape_cast %get3A_1590 : vector<16xi32> to vector<16xi32>
    %mul3A_1592 = arith.constant 12 : i32
    %mul3A_1593 = vector.broadcast %mul3A_1592 : i32 to vector<16xi32>
    %mul3A_1594 = arith.muli %get3A_1585, %mul3A_1593 : vector<16xi32>
    %mul3A_1595 = arith.constant 2 : i32
    %mul3A_1596 = vector.broadcast %mul3A_1595 : i32 to vector<16xi32>
    %mul3A_1597 = arith.muli %get3A_1588, %mul3A_1596 : vector<16xi32>
    %add3A_1598 = arith.addi %mul3A_1594, %mul3A_1597 : vector<16xi32>
    %add3A_1599 = arith.addi %add3A_1598, %get3A_1591 : vector<16xi32>
    %swap3A_1600 = arith.constant 4 : i32
    %swap3A_1601 = arith.index_cast %swap3A_1600 : i32 to index
    %swap3A_1602 = arith.constant 64 : index
    %swap3A_1603 = tpu.vector_load %arg12[%swap3A_1601, %swap3A_1602] {strides = array<i32>} : memref<5x80xi32, #tpu.memory_space<vmem>>, vector<1x16xi32>,
    %swap3A_1604 = vector.shape_cast %swap3A_1603 : vector<1x16xi32> to vector<16xi32>
    %swap3A_1605 = vector.shape_cast %add3A_1599 : vector<16xi32> to vector<1x16xi32>
    tpu.vector_store %arg12[%swap3A_1601, %swap3A_1602], %swap3A_1605 {strides = array<i32>} : memref<5x80xi32, #tpu.memory_space<vmem>>, vector<1x16xi32>,
    %add3A_1606 = arith.constant 9520 : i32
    %add3A_1607 = arith.addi %mul3A_2, %add3A_1606 : i32
    %dma_wait3A_1608 = arith.constant 4 : i32
    %dma_wait3A_1609 = arith.constant 4 : i32
    %dma_wait3A_1610 = arith.constant 0 : i32
    %dma_wait3A_1611 = arith.constant 0 : i32
    %dma_wait3A_1612 = tpu.memref_slice %arg13[%dma_wait3A_1608, %dma_wait3A_1610, %dma_wait3A_1611] : memref<5x80x128xf32, #tpu.memory_space<vmem>> -> memref<1x80x128xf32, #tpu.memory_space<vmem>>
    %dma_wait3A_1613 = tpu.memref_squeeze %dma_wait3A_1612 : memref<1x80x128xf32, #tpu.memory_space<vmem>> -> memref<80x128xf32, #tpu.memory_space<vmem>>
    %dma_wait3A_1614 = arith.constant 0 : i32
    %dma_wait3A_1615 = tpu.memref_slice %arg6[%add3A_1607, %dma_wait3A_1614] : memref<320000x128xf32, #tpu.memory_space<hbm>> -> memref<80x128xf32, #tpu.memory_space<hbm>>
    %dma_wait3A_1616 = tpu.memref_slice %arg16[%dma_wait3A_1609] : memref<5x!tpu.dma_semaphore, #tpu.memory_space<semaphore_mem>> -> memref<1x!tpu.dma_semaphore, #tpu.memory_space<semaphore_mem>>
    %dma_wait3A_1617 = tpu.memref_squeeze %dma_wait3A_1616 : memref<1x!tpu.dma_semaphore, #tpu.memory_space<semaphore_mem>> -> memref<!tpu.dma_semaphore, #tpu.memory_space<semaphore_mem>>
    %dma_wait3A_1618 = arith.constant 0 : i32
    %dma_wait3A_1619 = tpu.memref_slice %arg6[%add3A_1607, %dma_wait3A_1618] : memref<320000x128xf32, #tpu.memory_space<hbm>> -> memref<80x128xf32, #tpu.memory_space<hbm>>
    %dma_wait3A_1620 = arith.constant 0 : i32
    %dma_wait3A_1621 = arith.constant 0 : i32
    %dma_wait3A_1622 = tpu.memref_slice %arg13[%dma_wait3A_1608, %dma_wait3A_1620, %dma_wait3A_1621] : memref<5x80x128xf32, #tpu.memory_space<vmem>> -> memref<1x80x128xf32, #tpu.memory_space<vmem>>
    %dma_wait3A_1623 = tpu.memref_squeeze %dma_wait3A_1622 : memref<1x80x128xf32, #tpu.memory_space<vmem>> -> memref<80x128xf32, #tpu.memory_space<vmem>>
    tpu.wait_dma2 semaphore(%dma_wait3A_1617 : memref<!tpu.dma_semaphore, #tpu.memory_space<semaphore_mem>>) src(%dma_wait3A_1623 : memref<80x128xf32, #tpu.memory_space<vmem>>) dst(%dma_wait3A_1619 : memref<80x128xf32, #tpu.memory_space<hbm>>)
    %dma_start3A_1624 = arith.constant 4 : i32
    %dma_start3A_1625 = arith.constant 4 : i32
    %dma_start3A_1626 = arith.constant 4 : i32
    %dma_start3A_1627 = arith.constant 0 : i32
    %dma_start3A_1628 = arith.constant 0 : i32
    %dma_start3A_1629 = tpu.memref_slice %arg13[%dma_start3A_1625, %dma_start3A_1627, %dma_start3A_1628] : memref<5x80x128xf32, #tpu.memory_space<vmem>> -> memref<1x80x128xf32, #tpu.memory_space<vmem>>
    %dma_start3A_1630 = tpu.memref_squeeze %dma_start3A_1629 : memref<1x80x128xf32, #tpu.memory_space<vmem>> -> memref<80x128xf32, #tpu.memory_space<vmem>>
    %dma_start3A_1631 = arith.constant 0 : i32
    %dma_start3A_1632 = tpu.memref_slice %arg12[%dma_start3A_1624, %dma_start3A_1631] : memref<5x80xi32, #tpu.memory_space<vmem>> -> memref<1x80xi32, #tpu.memory_space<vmem>>
    %dma_start3A_1633 = tpu.memref_squeeze %dma_start3A_1632 : memref<1x80xi32, #tpu.memory_space<vmem>> -> memref<80xi32, #tpu.memory_space<vmem>>
    %dma_start3A_1634 = arith.constant 0 : i32
    %dma_start3A_1635 = arith.constant 0 : i32
    %dma_start3A_1636 = tpu.memref_slice %arg11[%dma_start3A_1634, %dma_start3A_1635] : memref<60x128xf32, #tpu.memory_space<vmem_shared>> -> memref<60x128xf32, #tpu.memory_space<vmem_shared>>
    %dma_start3A_1637 = tpu.memref_slice %arg15[%dma_start3A_1626] : memref<5x!tpu.dma_semaphore, #tpu.memory_space<semaphore_mem>> -> memref<1x!tpu.dma_semaphore, #tpu.memory_space<semaphore_mem>>
    %dma_start3A_1638 = tpu.memref_squeeze %dma_start3A_1637 : memref<1x!tpu.dma_semaphore, #tpu.memory_space<semaphore_mem>> -> memref<!tpu.dma_semaphore, #tpu.memory_space<semaphore_mem>>
    tpu.enqueue_indirect_dma source(%dma_start3A_1636 : memref<60x128xf32, #tpu.memory_space<vmem_shared>>) target(%dma_start3A_1630 : memref<80x128xf32, #tpu.memory_space<vmem>>) offsets(%dma_start3A_1633 : memref<80xi32, #tpu.memory_space<vmem>>) semaphore(%dma_start3A_1638 : memref<!tpu.dma_semaphore, #tpu.memory_space<semaphore_mem>>)
    %dma_wait3A_1639 = arith.constant 2 : i32
    %dma_wait3A_1640 = arith.constant 2 : i32
    %dma_wait3A_1641 = arith.constant 2 : i32
    %dma_wait3A_1642 = arith.constant 0 : i32
    %dma_wait3A_1643 = arith.constant 0 : i32
    %dma_wait3A_1644 = tpu.memref_slice %arg13[%dma_wait3A_1640, %dma_wait3A_1642, %dma_wait3A_1643] : memref<5x80x128xf32, #tpu.memory_space<vmem>> -> memref<1x80x128xf32, #tpu.memory_space<vmem>>
    %dma_wait3A_1645 = tpu.memref_squeeze %dma_wait3A_1644 : memref<1x80x128xf32, #tpu.memory_space<vmem>> -> memref<80x128xf32, #tpu.memory_space<vmem>>
    %dma_wait3A_1646 = arith.constant 0 : i32
    %dma_wait3A_1647 = tpu.memref_slice %arg12[%dma_wait3A_1639, %dma_wait3A_1646] : memref<5x80xi32, #tpu.memory_space<vmem>> -> memref<1x80xi32, #tpu.memory_space<vmem>>
    %dma_wait3A_1648 = tpu.memref_squeeze %dma_wait3A_1647 : memref<1x80xi32, #tpu.memory_space<vmem>> -> memref<80xi32, #tpu.memory_space<vmem>>
    %dma_wait3A_1649 = arith.constant 0 : i32
    %dma_wait3A_1650 = arith.constant 0 : i32
    %dma_wait3A_1651 = tpu.memref_slice %arg11[%dma_wait3A_1649, %dma_wait3A_1650] : memref<60x128xf32, #tpu.memory_space<vmem_shared>> -> memref<60x128xf32, #tpu.memory_space<vmem_shared>>
    %dma_wait3A_1652 = tpu.memref_slice %arg15[%dma_wait3A_1641] : memref<5x!tpu.dma_semaphore, #tpu.memory_space<semaphore_mem>> -> memref<1x!tpu.dma_semaphore, #tpu.memory_space<semaphore_mem>>
    %dma_wait3A_1653 = tpu.memref_squeeze %dma_wait3A_1652 : memref<1x!tpu.dma_semaphore, #tpu.memory_space<semaphore_mem>> -> memref<!tpu.dma_semaphore, #tpu.memory_space<semaphore_mem>>
    tpu.wait_indirect_dma semaphore(%dma_wait3A_1653 : memref<!tpu.dma_semaphore, #tpu.memory_space<semaphore_mem>>) src(%dma_wait3A_1651 : memref<60x128xf32, #tpu.memory_space<vmem_shared>>) dst(%dma_wait3A_1645 : memref<80x128xf32, #tpu.memory_space<vmem>>)
    %add3A_1654 = arith.constant 9760 : i32
    %add3A_1655 = arith.addi %mul3A_2, %add3A_1654 : i32
    %dma_start3A_1656 = arith.constant 2 : i32
    %dma_start3A_1657 = arith.constant 2 : i32
    %dma_start3A_1658 = arith.constant 0 : i32
    %dma_start3A_1659 = arith.constant 0 : i32
    %dma_start3A_1660 = tpu.memref_slice %arg13[%dma_start3A_1656, %dma_start3A_1658, %dma_start3A_1659] : memref<5x80x128xf32, #tpu.memory_space<vmem>> -> memref<1x80x128xf32, #tpu.memory_space<vmem>>
    %dma_start3A_1661 = tpu.memref_squeeze %dma_start3A_1660 : memref<1x80x128xf32, #tpu.memory_space<vmem>> -> memref<80x128xf32, #tpu.memory_space<vmem>>
    %dma_start3A_1662 = arith.constant 0 : i32
    %dma_start3A_1663 = tpu.memref_slice %arg6[%add3A_1655, %dma_start3A_1662] : memref<320000x128xf32, #tpu.memory_space<hbm>> -> memref<80x128xf32, #tpu.memory_space<hbm>>
    %dma_start3A_1664 = tpu.memref_slice %arg16[%dma_start3A_1657] : memref<5x!tpu.dma_semaphore, #tpu.memory_space<semaphore_mem>> -> memref<1x!tpu.dma_semaphore, #tpu.memory_space<semaphore_mem>>
    %dma_start3A_1665 = tpu.memref_squeeze %dma_start3A_1664 : memref<1x!tpu.dma_semaphore, #tpu.memory_space<semaphore_mem>> -> memref<!tpu.dma_semaphore, #tpu.memory_space<semaphore_mem>>
    %dma_start3A_1666 = arith.constant 0 : i32
    %dma_start3A_1667 = tpu.memref_slice %arg6[%add3A_1655, %dma_start3A_1666] : memref<320000x128xf32, #tpu.memory_space<hbm>> -> memref<80x128xf32, #tpu.memory_space<hbm>>
    %dma_start3A_1668 = arith.constant 0 : i32
    %dma_start3A_1669 = arith.constant 0 : i32
    %dma_start3A_1670 = tpu.memref_slice %arg13[%dma_start3A_1656, %dma_start3A_1668, %dma_start3A_1669] : memref<5x80x128xf32, #tpu.memory_space<vmem>> -> memref<1x80x128xf32, #tpu.memory_space<vmem>>
    %dma_start3A_1671 = tpu.memref_squeeze %dma_start3A_1670 : memref<1x80x128xf32, #tpu.memory_space<vmem>> -> memref<80x128xf32, #tpu.memory_space<vmem>>
    tpu.enqueue_dma source(%dma_start3A_1671 : memref<80x128xf32, #tpu.memory_space<vmem>>) target(%dma_start3A_1667 : memref<80x128xf32, #tpu.memory_space<hbm>>) target_semaphore(%dma_start3A_1665 : memref<!tpu.dma_semaphore, #tpu.memory_space<semaphore_mem>>)
    %add3A_1672 = arith.constant 9600 : i32
    %add3A_1673 = arith.addi %mul3A_2, %add3A_1672 : i32
    %dma_wait3A_1674 = arith.constant 0 : i32
    %dma_wait3A_1675 = arith.constant 0 : i32
    %dma_wait3A_1676 = arith.constant 0 : i32
    %dma_wait3A_1677 = arith.constant 0 : i32
    %dma_wait3A_1678 = tpu.memref_slice %arg13[%dma_wait3A_1674, %dma_wait3A_1676, %dma_wait3A_1677] : memref<5x80x128xf32, #tpu.memory_space<vmem>> -> memref<1x80x128xf32, #tpu.memory_space<vmem>>
    %dma_wait3A_1679 = tpu.memref_squeeze %dma_wait3A_1678 : memref<1x80x128xf32, #tpu.memory_space<vmem>> -> memref<80x128xf32, #tpu.memory_space<vmem>>
    %dma_wait3A_1680 = arith.constant 0 : i32
    %dma_wait3A_1681 = tpu.memref_slice %arg6[%add3A_1673, %dma_wait3A_1680] : memref<320000x128xf32, #tpu.memory_space<hbm>> -> memref<80x128xf32, #tpu.memory_space<hbm>>
    %dma_wait3A_1682 = tpu.memref_slice %arg16[%dma_wait3A_1675] : memref<5x!tpu.dma_semaphore, #tpu.memory_space<semaphore_mem>> -> memref<1x!tpu.dma_semaphore, #tpu.memory_space<semaphore_mem>>
    %dma_wait3A_1683 = tpu.memref_squeeze %dma_wait3A_1682 : memref<1x!tpu.dma_semaphore, #tpu.memory_space<semaphore_mem>> -> memref<!tpu.dma_semaphore, #tpu.memory_space<semaphore_mem>>
    %dma_wait3A_1684 = arith.constant 0 : i32
    %dma_wait3A_1685 = tpu.memref_slice %arg6[%add3A_1673, %dma_wait3A_1684] : memref<320000x128xf32, #tpu.memory_space<hbm>> -> memref<80x128xf32, #tpu.memory_space<hbm>>
    %dma_wait3A_1686 = arith.constant 0 : i32
    %dma_wait3A_1687 = arith.constant 0 : i32
    %dma_wait3A_1688 = tpu.memref_slice %arg13[%dma_wait3A_1674, %dma_wait3A_1686, %dma_wait3A_1687] : memref<5x80x128xf32, #tpu.memory_space<vmem>> -> memref<1x80x128xf32, #tpu.memory_space<vmem>>
    %dma_wait3A_1689 = tpu.memref_squeeze %dma_wait3A_1688 : memref<1x80x128xf32, #tpu.memory_space<vmem>> -> memref<80x128xf32, #tpu.memory_space<vmem>>
    tpu.wait_dma2 semaphore(%dma_wait3A_1683 : memref<!tpu.dma_semaphore, #tpu.memory_space<semaphore_mem>>) src(%dma_wait3A_1689 : memref<80x128xf32, #tpu.memory_space<vmem>>) dst(%dma_wait3A_1685 : memref<80x128xf32, #tpu.memory_space<hbm>>)
    %dma_wait3A_1690 = arith.constant 3 : i32
    %dma_wait3A_1691 = arith.constant 3 : i32
    %dma_wait3A_1692 = arith.constant 3 : i32
    %dma_wait3A_1693 = arith.constant 0 : i32
    %dma_wait3A_1694 = arith.constant 0 : i32
    %dma_wait3A_1695 = tpu.memref_slice %arg13[%dma_wait3A_1691, %dma_wait3A_1693, %dma_wait3A_1694] : memref<5x80x128xf32, #tpu.memory_space<vmem>> -> memref<1x80x128xf32, #tpu.memory_space<vmem>>
    %dma_wait3A_1696 = tpu.memref_squeeze %dma_wait3A_1695 : memref<1x80x128xf32, #tpu.memory_space<vmem>> -> memref<80x128xf32, #tpu.memory_space<vmem>>
    %dma_wait3A_1697 = arith.constant 0 : i32
    %dma_wait3A_1698 = tpu.memref_slice %arg12[%dma_wait3A_1690, %dma_wait3A_1697] : memref<5x80xi32, #tpu.memory_space<vmem>> -> memref<1x80xi32, #tpu.memory_space<vmem>>
    %dma_wait3A_1699 = tpu.memref_squeeze %dma_wait3A_1698 : memref<1x80xi32, #tpu.memory_space<vmem>> -> memref<80xi32, #tpu.memory_space<vmem>>
    %dma_wait3A_1700 = arith.constant 0 : i32
    %dma_wait3A_1701 = arith.constant 0 : i32
    %dma_wait3A_1702 = tpu.memref_slice %arg11[%dma_wait3A_1700, %dma_wait3A_1701] : memref<60x128xf32, #tpu.memory_space<vmem_shared>> -> memref<60x128xf32, #tpu.memory_space<vmem_shared>>
    %dma_wait3A_1703 = tpu.memref_slice %arg15[%dma_wait3A_1692] : memref<5x!tpu.dma_semaphore, #tpu.memory_space<semaphore_mem>> -> memref<1x!tpu.dma_semaphore, #tpu.memory_space<semaphore_mem>>
    %dma_wait3A_1704 = tpu.memref_squeeze %dma_wait3A_1703 : memref<1x!tpu.dma_semaphore, #tpu.memory_space<semaphore_mem>> -> memref<!tpu.dma_semaphore, #tpu.memory_space<semaphore_mem>>
    tpu.wait_indirect_dma semaphore(%dma_wait3A_1704 : memref<!tpu.dma_semaphore, #tpu.memory_space<semaphore_mem>>) src(%dma_wait3A_1702 : memref<60x128xf32, #tpu.memory_space<vmem_shared>>) dst(%dma_wait3A_1696 : memref<80x128xf32, #tpu.memory_space<vmem>>)
    %add3A_1705 = arith.constant 9840 : i32
    %add3A_1706 = arith.addi %mul3A_2, %add3A_1705 : i32
    %dma_start3A_1707 = arith.constant 3 : i32
    %dma_start3A_1708 = arith.constant 3 : i32
    %dma_start3A_1709 = arith.constant 0 : i32
    %dma_start3A_1710 = arith.constant 0 : i32
    %dma_start3A_1711 = tpu.memref_slice %arg13[%dma_start3A_1707, %dma_start3A_1709, %dma_start3A_1710] : memref<5x80x128xf32, #tpu.memory_space<vmem>> -> memref<1x80x128xf32, #tpu.memory_space<vmem>>
    %dma_start3A_1712 = tpu.memref_squeeze %dma_start3A_1711 : memref<1x80x128xf32, #tpu.memory_space<vmem>> -> memref<80x128xf32, #tpu.memory_space<vmem>>
    %dma_start3A_1713 = arith.constant 0 : i32
    %dma_start3A_1714 = tpu.memref_slice %arg6[%add3A_1706, %dma_start3A_1713] : memref<320000x128xf32, #tpu.memory_space<hbm>> -> memref<80x128xf32, #tpu.memory_space<hbm>>
    %dma_start3A_1715 = tpu.memref_slice %arg16[%dma_start3A_1708] : memref<5x!tpu.dma_semaphore, #tpu.memory_space<semaphore_mem>> -> memref<1x!tpu.dma_semaphore, #tpu.memory_space<semaphore_mem>>
    %dma_start3A_1716 = tpu.memref_squeeze %dma_start3A_1715 : memref<1x!tpu.dma_semaphore, #tpu.memory_space<semaphore_mem>> -> memref<!tpu.dma_semaphore, #tpu.memory_space<semaphore_mem>>
    %dma_start3A_1717 = arith.constant 0 : i32
    %dma_start3A_1718 = tpu.memref_slice %arg6[%add3A_1706, %dma_start3A_1717] : memref<320000x128xf32, #tpu.memory_space<hbm>> -> memref<80x128xf32, #tpu.memory_space<hbm>>
    %dma_start3A_1719 = arith.constant 0 : i32
    %dma_start3A_1720 = arith.constant 0 : i32
    %dma_start3A_1721 = tpu.memref_slice %arg13[%dma_start3A_1707, %dma_start3A_1719, %dma_start3A_1720] : memref<5x80x128xf32, #tpu.memory_space<vmem>> -> memref<1x80x128xf32, #tpu.memory_space<vmem>>
    %dma_start3A_1722 = tpu.memref_squeeze %dma_start3A_1721 : memref<1x80x128xf32, #tpu.memory_space<vmem>> -> memref<80x128xf32, #tpu.memory_space<vmem>>
    tpu.enqueue_dma source(%dma_start3A_1722 : memref<80x128xf32, #tpu.memory_space<vmem>>) target(%dma_start3A_1718 : memref<80x128xf32, #tpu.memory_space<hbm>>) target_semaphore(%dma_start3A_1716 : memref<!tpu.dma_semaphore, #tpu.memory_space<semaphore_mem>>)
    %add3A_1723 = arith.constant 9680 : i32
    %add3A_1724 = arith.addi %mul3A_2, %add3A_1723 : i32
    %dma_wait3A_1725 = arith.constant 1 : i32
    %dma_wait3A_1726 = arith.constant 1 : i32
    %dma_wait3A_1727 = arith.constant 0 : i32
    %dma_wait3A_1728 = arith.constant 0 : i32
    %dma_wait3A_1729 = tpu.memref_slice %arg13[%dma_wait3A_1725, %dma_wait3A_1727, %dma_wait3A_1728] : memref<5x80x128xf32, #tpu.memory_space<vmem>> -> memref<1x80x128xf32, #tpu.memory_space<vmem>>
    %dma_wait3A_1730 = tpu.memref_squeeze %dma_wait3A_1729 : memref<1x80x128xf32, #tpu.memory_space<vmem>> -> memref<80x128xf32, #tpu.memory_space<vmem>>
    %dma_wait3A_1731 = arith.constant 0 : i32
    %dma_wait3A_1732 = tpu.memref_slice %arg6[%add3A_1724, %dma_wait3A_1731] : memref<320000x128xf32, #tpu.memory_space<hbm>> -> memref<80x128xf32, #tpu.memory_space<hbm>>
    %dma_wait3A_1733 = tpu.memref_slice %arg16[%dma_wait3A_1726] : memref<5x!tpu.dma_semaphore, #tpu.memory_space<semaphore_mem>> -> memref<1x!tpu.dma_semaphore, #tpu.memory_space<semaphore_mem>>
    %dma_wait3A_1734 = tpu.memref_squeeze %dma_wait3A_1733 : memref<1x!tpu.dma_semaphore, #tpu.memory_space<semaphore_mem>> -> memref<!tpu.dma_semaphore, #tpu.memory_space<semaphore_mem>>
    %dma_wait3A_1735 = arith.constant 0 : i32
    %dma_wait3A_1736 = tpu.memref_slice %arg6[%add3A_1724, %dma_wait3A_1735] : memref<320000x128xf32, #tpu.memory_space<hbm>> -> memref<80x128xf32, #tpu.memory_space<hbm>>
    %dma_wait3A_1737 = arith.constant 0 : i32
    %dma_wait3A_1738 = arith.constant 0 : i32
    %dma_wait3A_1739 = tpu.memref_slice %arg13[%dma_wait3A_1725, %dma_wait3A_1737, %dma_wait3A_1738] : memref<5x80x128xf32, #tpu.memory_space<vmem>> -> memref<1x80x128xf32, #tpu.memory_space<vmem>>
    %dma_wait3A_1740 = tpu.memref_squeeze %dma_wait3A_1739 : memref<1x80x128xf32, #tpu.memory_space<vmem>> -> memref<80x128xf32, #tpu.memory_space<vmem>>
    tpu.wait_dma2 semaphore(%dma_wait3A_1734 : memref<!tpu.dma_semaphore, #tpu.memory_space<semaphore_mem>>) src(%dma_wait3A_1740 : memref<80x128xf32, #tpu.memory_space<vmem>>) dst(%dma_wait3A_1736 : memref<80x128xf32, #tpu.memory_space<hbm>>)
    %dma_wait3A_1741 = arith.constant 4 : i32
    %dma_wait3A_1742 = arith.constant 4 : i32
    %dma_wait3A_1743 = arith.constant 4 : i32
    %dma_wait3A_1744 = arith.constant 0 : i32
    %dma_wait3A_1745 = arith.constant 0 : i32
    %dma_wait3A_1746 = tpu.memref_slice %arg13[%dma_wait3A_1742, %dma_wait3A_1744, %dma_wait3A_1745] : memref<5x80x128xf32, #tpu.memory_space<vmem>> -> memref<1x80x128xf32, #tpu.memory_space<vmem>>
    %dma_wait3A_1747 = tpu.memref_squeeze %dma_wait3A_1746 : memref<1x80x128xf32, #tpu.memory_space<vmem>> -> memref<80x128xf32, #tpu.memory_space<vmem>>
    %dma_wait3A_1748 = arith.constant 0 : i32
    %dma_wait3A_1749 = tpu.memref_slice %arg12[%dma_wait3A_1741, %dma_wait3A_1748] : memref<5x80xi32, #tpu.memory_space<vmem>> -> memref<1x80xi32, #tpu.memory_space<vmem>>
    %dma_wait3A_1750 = tpu.memref_squeeze %dma_wait3A_1749 : memref<1x80xi32, #tpu.memory_space<vmem>> -> memref<80xi32, #tpu.memory_space<vmem>>
    %dma_wait3A_1751 = arith.constant 0 : i32
    %dma_wait3A_1752 = arith.constant 0 : i32
    %dma_wait3A_1753 = tpu.memref_slice %arg11[%dma_wait3A_1751, %dma_wait3A_1752] : memref<60x128xf32, #tpu.memory_space<vmem_shared>> -> memref<60x128xf32, #tpu.memory_space<vmem_shared>>
    %dma_wait3A_1754 = tpu.memref_slice %arg15[%dma_wait3A_1743] : memref<5x!tpu.dma_semaphore, #tpu.memory_space<semaphore_mem>> -> memref<1x!tpu.dma_semaphore, #tpu.memory_space<semaphore_mem>>
    %dma_wait3A_1755 = tpu.memref_squeeze %dma_wait3A_1754 : memref<1x!tpu.dma_semaphore, #tpu.memory_space<semaphore_mem>> -> memref<!tpu.dma_semaphore, #tpu.memory_space<semaphore_mem>>
    tpu.wait_indirect_dma semaphore(%dma_wait3A_1755 : memref<!tpu.dma_semaphore, #tpu.memory_space<semaphore_mem>>) src(%dma_wait3A_1753 : memref<60x128xf32, #tpu.memory_space<vmem_shared>>) dst(%dma_wait3A_1747 : memref<80x128xf32, #tpu.memory_space<vmem>>)
    %add3A_1756 = arith.constant 9920 : i32
    %add3A_1757 = arith.addi %mul3A_2, %add3A_1756 : i32
    %dma_start3A_1758 = arith.constant 4 : i32
    %dma_start3A_1759 = arith.constant 4 : i32
    %dma_start3A_1760 = arith.constant 0 : i32
    %dma_start3A_1761 = arith.constant 0 : i32
    %dma_start3A_1762 = tpu.memref_slice %arg13[%dma_start3A_1758, %dma_start3A_1760, %dma_start3A_1761] : memref<5x80x128xf32, #tpu.memory_space<vmem>> -> memref<1x80x128xf32, #tpu.memory_space<vmem>>
    %dma_start3A_1763 = tpu.memref_squeeze %dma_start3A_1762 : memref<1x80x128xf32, #tpu.memory_space<vmem>> -> memref<80x128xf32, #tpu.memory_space<vmem>>
    %dma_start3A_1764 = arith.constant 0 : i32
    %dma_start3A_1765 = tpu.memref_slice %arg6[%add3A_1757, %dma_start3A_1764] : memref<320000x128xf32, #tpu.memory_space<hbm>> -> memref<80x128xf32, #tpu.memory_space<hbm>>
    %dma_start3A_1766 = tpu.memref_slice %arg16[%dma_start3A_1759] : memref<5x!tpu.dma_semaphore, #tpu.memory_space<semaphore_mem>> -> memref<1x!tpu.dma_semaphore, #tpu.memory_space<semaphore_mem>>
    %dma_start3A_1767 = tpu.memref_squeeze %dma_start3A_1766 : memref<1x!tpu.dma_semaphore, #tpu.memory_space<semaphore_mem>> -> memref<!tpu.dma_semaphore, #tpu.memory_space<semaphore_mem>>
    %dma_start3A_1768 = arith.constant 0 : i32
    %dma_start3A_1769 = tpu.memref_slice %arg6[%add3A_1757, %dma_start3A_1768] : memref<320000x128xf32, #tpu.memory_space<hbm>> -> memref<80x128xf32, #tpu.memory_space<hbm>>
    %dma_start3A_1770 = arith.constant 0 : i32
    %dma_start3A_1771 = arith.constant 0 : i32
    %dma_start3A_1772 = tpu.memref_slice %arg13[%dma_start3A_1758, %dma_start3A_1770, %dma_start3A_1771] : memref<5x80x128xf32, #tpu.memory_space<vmem>> -> memref<1x80x128xf32, #tpu.memory_space<vmem>>
    %dma_start3A_1773 = tpu.memref_squeeze %dma_start3A_1772 : memref<1x80x128xf32, #tpu.memory_space<vmem>> -> memref<80x128xf32, #tpu.memory_space<vmem>>
    tpu.enqueue_dma source(%dma_start3A_1773 : memref<80x128xf32, #tpu.memory_space<vmem>>) target(%dma_start3A_1769 : memref<80x128xf32, #tpu.memory_space<hbm>>) target_semaphore(%dma_start3A_1767 : memref<!tpu.dma_semaphore, #tpu.memory_space<semaphore_mem>>)
    %add3A_1774 = arith.constant 9760 : i32
    %add3A_1775 = arith.addi %mul3A_2, %add3A_1774 : i32
    %dma_wait3A_1776 = arith.constant 2 : i32
    %dma_wait3A_1777 = arith.constant 2 : i32
    %dma_wait3A_1778 = arith.constant 0 : i32
    %dma_wait3A_1779 = arith.constant 0 : i32
    %dma_wait3A_1780 = tpu.memref_slice %arg13[%dma_wait3A_1776, %dma_wait3A_1778, %dma_wait3A_1779] : memref<5x80x128xf32, #tpu.memory_space<vmem>> -> memref<1x80x128xf32, #tpu.memory_space<vmem>>
    %dma_wait3A_1781 = tpu.memref_squeeze %dma_wait3A_1780 : memref<1x80x128xf32, #tpu.memory_space<vmem>> -> memref<80x128xf32, #tpu.memory_space<vmem>>
    %dma_wait3A_1782 = arith.constant 0 : i32
    %dma_wait3A_1783 = tpu.memref_slice %arg6[%add3A_1775, %dma_wait3A_1782] : memref<320000x128xf32, #tpu.memory_space<hbm>> -> memref<80x128xf32, #tpu.memory_space<hbm>>
    %dma_wait3A_1784 = tpu.memref_slice %arg16[%dma_wait3A_1777] : memref<5x!tpu.dma_semaphore, #tpu.memory_space<semaphore_mem>> -> memref<1x!tpu.dma_semaphore, #tpu.memory_space<semaphore_mem>>
    %dma_wait3A_1785 = tpu.memref_squeeze %dma_wait3A_1784 : memref<1x!tpu.dma_semaphore, #tpu.memory_space<semaphore_mem>> -> memref<!tpu.dma_semaphore, #tpu.memory_space<semaphore_mem>>
    %dma_wait3A_1786 = arith.constant 0 : i32
    %dma_wait3A_1787 = tpu.memref_slice %arg6[%add3A_1775, %dma_wait3A_1786] : memref<320000x128xf32, #tpu.memory_space<hbm>> -> memref<80x128xf32, #tpu.memory_space<hbm>>
    %dma_wait3A_1788 = arith.constant 0 : i32
    %dma_wait3A_1789 = arith.constant 0 : i32
    %dma_wait3A_1790 = tpu.memref_slice %arg13[%dma_wait3A_1776, %dma_wait3A_1788, %dma_wait3A_1789] : memref<5x80x128xf32, #tpu.memory_space<vmem>> -> memref<1x80x128xf32, #tpu.memory_space<vmem>>
    %dma_wait3A_1791 = tpu.memref_squeeze %dma_wait3A_1790 : memref<1x80x128xf32, #tpu.memory_space<vmem>> -> memref<80x128xf32, #tpu.memory_space<vmem>>
    tpu.wait_dma2 semaphore(%dma_wait3A_1785 : memref<!tpu.dma_semaphore, #tpu.memory_space<semaphore_mem>>) src(%dma_wait3A_1791 : memref<80x128xf32, #tpu.memory_space<vmem>>) dst(%dma_wait3A_1787 : memref<80x128xf32, #tpu.memory_space<hbm>>)
    %add3A_1792 = arith.constant 9840 : i32
    %add3A_1793 = arith.addi %mul3A_2, %add3A_1792 : i32
    %dma_wait3A_1794 = arith.constant 3 : i32
    %dma_wait3A_1795 = arith.constant 3 : i32
    %dma_wait3A_1796 = arith.constant 0 : i32
    %dma_wait3A_1797 = arith.constant 0 : i32
    %dma_wait3A_1798 = tpu.memref_slice %arg13[%dma_wait3A_1794, %dma_wait3A_1796, %dma_wait3A_1797] : memref<5x80x128xf32, #tpu.memory_space<vmem>> -> memref<1x80x128xf32, #tpu.memory_space<vmem>>
    %dma_wait3A_1799 = tpu.memref_squeeze %dma_wait3A_1798 : memref<1x80x128xf32, #tpu.memory_space<vmem>> -> memref<80x128xf32, #tpu.memory_space<vmem>>
    %dma_wait3A_1800 = arith.constant 0 : i32
    %dma_wait3A_1801 = tpu.memref_slice %arg6[%add3A_1793, %dma_wait3A_1800] : memref<320000x128xf32, #tpu.memory_space<hbm>> -> memref<80x128xf32, #tpu.memory_space<hbm>>
    %dma_wait3A_1802 = tpu.memref_slice %arg16[%dma_wait3A_1795] : memref<5x!tpu.dma_semaphore, #tpu.memory_space<semaphore_mem>> -> memref<1x!tpu.dma_semaphore, #tpu.memory_space<semaphore_mem>>
    %dma_wait3A_1803 = tpu.memref_squeeze %dma_wait3A_1802 : memref<1x!tpu.dma_semaphore, #tpu.memory_space<semaphore_mem>> -> memref<!tpu.dma_semaphore, #tpu.memory_space<semaphore_mem>>
    %dma_wait3A_1804 = arith.constant 0 : i32
    %dma_wait3A_1805 = tpu.memref_slice %arg6[%add3A_1793, %dma_wait3A_1804] : memref<320000x128xf32, #tpu.memory_space<hbm>> -> memref<80x128xf32, #tpu.memory_space<hbm>>
    %dma_wait3A_1806 = arith.constant 0 : i32
    %dma_wait3A_1807 = arith.constant 0 : i32
    %dma_wait3A_1808 = tpu.memref_slice %arg13[%dma_wait3A_1794, %dma_wait3A_1806, %dma_wait3A_1807] : memref<5x80x128xf32, #tpu.memory_space<vmem>> -> memref<1x80x128xf32, #tpu.memory_space<vmem>>
    %dma_wait3A_1809 = tpu.memref_squeeze %dma_wait3A_1808 : memref<1x80x128xf32, #tpu.memory_space<vmem>> -> memref<80x128xf32, #tpu.memory_space<vmem>>
    tpu.wait_dma2 semaphore(%dma_wait3A_1803 : memref<!tpu.dma_semaphore, #tpu.memory_space<semaphore_mem>>) src(%dma_wait3A_1809 : memref<80x128xf32, #tpu.memory_space<vmem>>) dst(%dma_wait3A_1805 : memref<80x128xf32, #tpu.memory_space<hbm>>)
    %add3A_1810 = arith.constant 9920 : i32
    %add3A_1811 = arith.addi %mul3A_2, %add3A_1810 : i32
    %dma_wait3A_1812 = arith.constant 4 : i32
    %dma_wait3A_1813 = arith.constant 4 : i32
    %dma_wait3A_1814 = arith.constant 0 : i32
    %dma_wait3A_1815 = arith.constant 0 : i32
    %dma_wait3A_1816 = tpu.memref_slice %arg13[%dma_wait3A_1812, %dma_wait3A_1814, %dma_wait3A_1815] : memref<5x80x128xf32, #tpu.memory_space<vmem>> -> memref<1x80x128xf32, #tpu.memory_space<vmem>>
    %dma_wait3A_1817 = tpu.memref_squeeze %dma_wait3A_1816 : memref<1x80x128xf32, #tpu.memory_space<vmem>> -> memref<80x128xf32, #tpu.memory_space<vmem>>
    %dma_wait3A_1818 = arith.constant 0 : i32
    %dma_wait3A_1819 = tpu.memref_slice %arg6[%add3A_1811, %dma_wait3A_1818] : memref<320000x128xf32, #tpu.memory_space<hbm>> -> memref<80x128xf32, #tpu.memory_space<hbm>>
    %dma_wait3A_1820 = tpu.memref_slice %arg16[%dma_wait3A_1813] : memref<5x!tpu.dma_semaphore, #tpu.memory_space<semaphore_mem>> -> memref<1x!tpu.dma_semaphore, #tpu.memory_space<semaphore_mem>>
    %dma_wait3A_1821 = tpu.memref_squeeze %dma_wait3A_1820 : memref<1x!tpu.dma_semaphore, #tpu.memory_space<semaphore_mem>> -> memref<!tpu.dma_semaphore, #tpu.memory_space<semaphore_mem>>
    %dma_wait3A_1822 = arith.constant 0 : i32
    %dma_wait3A_1823 = tpu.memref_slice %arg6[%add3A_1811, %dma_wait3A_1822] : memref<320000x128xf32, #tpu.memory_space<hbm>> -> memref<80x128xf32, #tpu.memory_space<hbm>>
    %dma_wait3A_1824 = arith.constant 0 : i32
    %dma_wait3A_1825 = arith.constant 0 : i32
    %dma_wait3A_1826 = tpu.memref_slice %arg13[%dma_wait3A_1812, %dma_wait3A_1824, %dma_wait3A_1825] : memref<5x80x128xf32, #tpu.memory_space<vmem>> -> memref<1x80x128xf32, #tpu.memory_space<vmem>>
    %dma_wait3A_1827 = tpu.memref_squeeze %dma_wait3A_1826 : memref<1x80x128xf32, #tpu.memory_space<vmem>> -> memref<80x128xf32, #tpu.memory_space<vmem>>
    tpu.wait_dma2 semaphore(%dma_wait3A_1821 : memref<!tpu.dma_semaphore, #tpu.memory_space<semaphore_mem>>) src(%dma_wait3A_1827 : memref<80x128xf32, #tpu.memory_space<vmem>>) dst(%dma_wait3A_1823 : memref<80x128xf32, #tpu.memory_space<hbm>>)
    return
  }
}

module attributes {stable_mosaic.version = 14 : i64} {
  func.func @_table_body(%arg0: memref<5x128xf32, #tpu.memory_space<vmem>>, %arg1: memref<6x128xf32, #tpu.memory_space<vmem>>, %arg2: memref<2x128xf32, #tpu.memory_space<vmem>>, %arg3: memref<60x128xf32, #tpu.memory_space<vmem>>) attributes {dimension_semantics = [], scalar_prefetch = 0 : i64, scratch_operands = 0 : i64, tpu.core_type = #tpu.core_type<tc>} {
    %get3A = arith.constant 0 : index
    %get3A_0 = arith.constant 0 : index
    %get3A_1 = vector.load %arg0[%get3A, %get3A_0] : memref<5x128xf32, #tpu.memory_space<vmem>>, vector<1x128xf32>
    %get3A_2 = arith.constant 0 : index
    %get3A_3 = arith.constant 0 : index
    %get3A_4 = vector.load %arg1[%get3A_2, %get3A_3] : memref<6x128xf32, #tpu.memory_space<vmem>>, vector<1x128xf32>
    %add3A = arith.addf %get3A_1, %get3A_4 : vector<1x128xf32>
    %get3A_5 = arith.constant 0 : index
    %get3A_6 = arith.constant 0 : index
    %get3A_7 = vector.load %arg2[%get3A_5, %get3A_6] : memref<2x128xf32, #tpu.memory_space<vmem>>, vector<1x128xf32>
    %add3A_8 = arith.addf %add3A, %get3A_7 : vector<1x128xf32>
    %swap3A = arith.constant 0 : index
    %swap3A_9 = arith.constant 0 : index
    %swap3A_10 = vector.load %arg3[%swap3A, %swap3A_9] : memref<60x128xf32, #tpu.memory_space<vmem>>, vector<1x128xf32>
    tpu.vector_store %arg3[%swap3A, %swap3A_9], %add3A_8 {strides = array<i32>} : memref<60x128xf32, #tpu.memory_space<vmem>>, vector<1x128xf32>,
    %get3A_11 = arith.constant 0 : index
    %get3A_12 = arith.constant 0 : index
    %get3A_13 = vector.load %arg0[%get3A_11, %get3A_12] : memref<5x128xf32, #tpu.memory_space<vmem>>, vector<1x128xf32>
    %get3A_14 = arith.constant 0 : index
    %get3A_15 = arith.constant 0 : index
    %get3A_16 = vector.load %arg1[%get3A_14, %get3A_15] : memref<6x128xf32, #tpu.memory_space<vmem>>, vector<1x128xf32>
    %add3A_17 = arith.addf %get3A_13, %get3A_16 : vector<1x128xf32>
    %get3A_18 = arith.constant 1 : index
    %get3A_19 = arith.constant 0 : index
    %get3A_20 = vector.load %arg2[%get3A_18, %get3A_19] : memref<2x128xf32, #tpu.memory_space<vmem>>, vector<1x128xf32>
    %add3A_21 = arith.addf %add3A_17, %get3A_20 : vector<1x128xf32>
    %swap3A_22 = arith.constant 1 : index
    %swap3A_23 = arith.constant 0 : index
    %swap3A_24 = vector.load %arg3[%swap3A_22, %swap3A_23] : memref<60x128xf32, #tpu.memory_space<vmem>>, vector<1x128xf32>
    tpu.vector_store %arg3[%swap3A_22, %swap3A_23], %add3A_21 {strides = array<i32>} : memref<60x128xf32, #tpu.memory_space<vmem>>, vector<1x128xf32>,
    %get3A_25 = arith.constant 0 : index
    %get3A_26 = arith.constant 0 : index
    %get3A_27 = vector.load %arg0[%get3A_25, %get3A_26] : memref<5x128xf32, #tpu.memory_space<vmem>>, vector<1x128xf32>
    %get3A_28 = arith.constant 1 : index
    %get3A_29 = arith.constant 0 : index
    %get3A_30 = vector.load %arg1[%get3A_28, %get3A_29] : memref<6x128xf32, #tpu.memory_space<vmem>>, vector<1x128xf32>
    %add3A_31 = arith.addf %get3A_27, %get3A_30 : vector<1x128xf32>
    %get3A_32 = arith.constant 0 : index
    %get3A_33 = arith.constant 0 : index
    %get3A_34 = vector.load %arg2[%get3A_32, %get3A_33] : memref<2x128xf32, #tpu.memory_space<vmem>>, vector<1x128xf32>
    %add3A_35 = arith.addf %add3A_31, %get3A_34 : vector<1x128xf32>
    %swap3A_36 = arith.constant 2 : index
    %swap3A_37 = arith.constant 0 : index
    %swap3A_38 = vector.load %arg3[%swap3A_36, %swap3A_37] : memref<60x128xf32, #tpu.memory_space<vmem>>, vector<1x128xf32>
    tpu.vector_store %arg3[%swap3A_36, %swap3A_37], %add3A_35 {strides = array<i32>} : memref<60x128xf32, #tpu.memory_space<vmem>>, vector<1x128xf32>,
    %get3A_39 = arith.constant 0 : index
    %get3A_40 = arith.constant 0 : index
    %get3A_41 = vector.load %arg0[%get3A_39, %get3A_40] : memref<5x128xf32, #tpu.memory_space<vmem>>, vector<1x128xf32>
    %get3A_42 = arith.constant 1 : index
    %get3A_43 = arith.constant 0 : index
    %get3A_44 = vector.load %arg1[%get3A_42, %get3A_43] : memref<6x128xf32, #tpu.memory_space<vmem>>, vector<1x128xf32>
    %add3A_45 = arith.addf %get3A_41, %get3A_44 : vector<1x128xf32>
    %get3A_46 = arith.constant 1 : index
    %get3A_47 = arith.constant 0 : index
    %get3A_48 = vector.load %arg2[%get3A_46, %get3A_47] : memref<2x128xf32, #tpu.memory_space<vmem>>, vector<1x128xf32>
    %add3A_49 = arith.addf %add3A_45, %get3A_48 : vector<1x128xf32>
    %swap3A_50 = arith.constant 3 : index
    %swap3A_51 = arith.constant 0 : index
    %swap3A_52 = vector.load %arg3[%swap3A_50, %swap3A_51] : memref<60x128xf32, #tpu.memory_space<vmem>>, vector<1x128xf32>
    tpu.vector_store %arg3[%swap3A_50, %swap3A_51], %add3A_49 {strides = array<i32>} : memref<60x128xf32, #tpu.memory_space<vmem>>, vector<1x128xf32>,
    %get3A_53 = arith.constant 0 : index
    %get3A_54 = arith.constant 0 : index
    %get3A_55 = vector.load %arg0[%get3A_53, %get3A_54] : memref<5x128xf32, #tpu.memory_space<vmem>>, vector<1x128xf32>
    %get3A_56 = arith.constant 2 : index
    %get3A_57 = arith.constant 0 : index
    %get3A_58 = vector.load %arg1[%get3A_56, %get3A_57] : memref<6x128xf32, #tpu.memory_space<vmem>>, vector<1x128xf32>
    %add3A_59 = arith.addf %get3A_55, %get3A_58 : vector<1x128xf32>
    %get3A_60 = arith.constant 0 : index
    %get3A_61 = arith.constant 0 : index
    %get3A_62 = vector.load %arg2[%get3A_60, %get3A_61] : memref<2x128xf32, #tpu.memory_space<vmem>>, vector<1x128xf32>
    %add3A_63 = arith.addf %add3A_59, %get3A_62 : vector<1x128xf32>
    %swap3A_64 = arith.constant 4 : index
    %swap3A_65 = arith.constant 0 : index
    %swap3A_66 = vector.load %arg3[%swap3A_64, %swap3A_65] : memref<60x128xf32, #tpu.memory_space<vmem>>, vector<1x128xf32>
    tpu.vector_store %arg3[%swap3A_64, %swap3A_65], %add3A_63 {strides = array<i32>} : memref<60x128xf32, #tpu.memory_space<vmem>>, vector<1x128xf32>,
    %get3A_67 = arith.constant 0 : index
    %get3A_68 = arith.constant 0 : index
    %get3A_69 = vector.load %arg0[%get3A_67, %get3A_68] : memref<5x128xf32, #tpu.memory_space<vmem>>, vector<1x128xf32>
    %get3A_70 = arith.constant 2 : index
    %get3A_71 = arith.constant 0 : index
    %get3A_72 = vector.load %arg1[%get3A_70, %get3A_71] : memref<6x128xf32, #tpu.memory_space<vmem>>, vector<1x128xf32>
    %add3A_73 = arith.addf %get3A_69, %get3A_72 : vector<1x128xf32>
    %get3A_74 = arith.constant 1 : index
    %get3A_75 = arith.constant 0 : index
    %get3A_76 = vector.load %arg2[%get3A_74, %get3A_75] : memref<2x128xf32, #tpu.memory_space<vmem>>, vector<1x128xf32>
    %add3A_77 = arith.addf %add3A_73, %get3A_76 : vector<1x128xf32>
    %swap3A_78 = arith.constant 5 : index
    %swap3A_79 = arith.constant 0 : index
    %swap3A_80 = vector.load %arg3[%swap3A_78, %swap3A_79] : memref<60x128xf32, #tpu.memory_space<vmem>>, vector<1x128xf32>
    tpu.vector_store %arg3[%swap3A_78, %swap3A_79], %add3A_77 {strides = array<i32>} : memref<60x128xf32, #tpu.memory_space<vmem>>, vector<1x128xf32>,
    %get3A_81 = arith.constant 0 : index
    %get3A_82 = arith.constant 0 : index
    %get3A_83 = vector.load %arg0[%get3A_81, %get3A_82] : memref<5x128xf32, #tpu.memory_space<vmem>>, vector<1x128xf32>
    %get3A_84 = arith.constant 3 : index
    %get3A_85 = arith.constant 0 : index
    %get3A_86 = vector.load %arg1[%get3A_84, %get3A_85] : memref<6x128xf32, #tpu.memory_space<vmem>>, vector<1x128xf32>
    %add3A_87 = arith.addf %get3A_83, %get3A_86 : vector<1x128xf32>
    %get3A_88 = arith.constant 0 : index
    %get3A_89 = arith.constant 0 : index
    %get3A_90 = vector.load %arg2[%get3A_88, %get3A_89] : memref<2x128xf32, #tpu.memory_space<vmem>>, vector<1x128xf32>
    %add3A_91 = arith.addf %add3A_87, %get3A_90 : vector<1x128xf32>
    %swap3A_92 = arith.constant 6 : index
    %swap3A_93 = arith.constant 0 : index
    %swap3A_94 = vector.load %arg3[%swap3A_92, %swap3A_93] : memref<60x128xf32, #tpu.memory_space<vmem>>, vector<1x128xf32>
    tpu.vector_store %arg3[%swap3A_92, %swap3A_93], %add3A_91 {strides = array<i32>} : memref<60x128xf32, #tpu.memory_space<vmem>>, vector<1x128xf32>,
    %get3A_95 = arith.constant 0 : index
    %get3A_96 = arith.constant 0 : index
    %get3A_97 = vector.load %arg0[%get3A_95, %get3A_96] : memref<5x128xf32, #tpu.memory_space<vmem>>, vector<1x128xf32>
    %get3A_98 = arith.constant 3 : index
    %get3A_99 = arith.constant 0 : index
    %get3A_100 = vector.load %arg1[%get3A_98, %get3A_99] : memref<6x128xf32, #tpu.memory_space<vmem>>, vector<1x128xf32>
    %add3A_101 = arith.addf %get3A_97, %get3A_100 : vector<1x128xf32>
    %get3A_102 = arith.constant 1 : index
    %get3A_103 = arith.constant 0 : index
    %get3A_104 = vector.load %arg2[%get3A_102, %get3A_103] : memref<2x128xf32, #tpu.memory_space<vmem>>, vector<1x128xf32>
    %add3A_105 = arith.addf %add3A_101, %get3A_104 : vector<1x128xf32>
    %swap3A_106 = arith.constant 7 : index
    %swap3A_107 = arith.constant 0 : index
    %swap3A_108 = vector.load %arg3[%swap3A_106, %swap3A_107] : memref<60x128xf32, #tpu.memory_space<vmem>>, vector<1x128xf32>
    tpu.vector_store %arg3[%swap3A_106, %swap3A_107], %add3A_105 {strides = array<i32>} : memref<60x128xf32, #tpu.memory_space<vmem>>, vector<1x128xf32>,
    %get3A_109 = arith.constant 0 : index
    %get3A_110 = arith.constant 0 : index
    %get3A_111 = vector.load %arg0[%get3A_109, %get3A_110] : memref<5x128xf32, #tpu.memory_space<vmem>>, vector<1x128xf32>
    %get3A_112 = arith.constant 4 : index
    %get3A_113 = arith.constant 0 : index
    %get3A_114 = vector.load %arg1[%get3A_112, %get3A_113] : memref<6x128xf32, #tpu.memory_space<vmem>>, vector<1x128xf32>
    %add3A_115 = arith.addf %get3A_111, %get3A_114 : vector<1x128xf32>
    %get3A_116 = arith.constant 0 : index
    %get3A_117 = arith.constant 0 : index
    %get3A_118 = vector.load %arg2[%get3A_116, %get3A_117] : memref<2x128xf32, #tpu.memory_space<vmem>>, vector<1x128xf32>
    %add3A_119 = arith.addf %add3A_115, %get3A_118 : vector<1x128xf32>
    %swap3A_120 = arith.constant 8 : index
    %swap3A_121 = arith.constant 0 : index
    %swap3A_122 = vector.load %arg3[%swap3A_120, %swap3A_121] : memref<60x128xf32, #tpu.memory_space<vmem>>, vector<1x128xf32>
    tpu.vector_store %arg3[%swap3A_120, %swap3A_121], %add3A_119 {strides = array<i32>} : memref<60x128xf32, #tpu.memory_space<vmem>>, vector<1x128xf32>,
    %get3A_123 = arith.constant 0 : index
    %get3A_124 = arith.constant 0 : index
    %get3A_125 = vector.load %arg0[%get3A_123, %get3A_124] : memref<5x128xf32, #tpu.memory_space<vmem>>, vector<1x128xf32>
    %get3A_126 = arith.constant 4 : index
    %get3A_127 = arith.constant 0 : index
    %get3A_128 = vector.load %arg1[%get3A_126, %get3A_127] : memref<6x128xf32, #tpu.memory_space<vmem>>, vector<1x128xf32>
    %add3A_129 = arith.addf %get3A_125, %get3A_128 : vector<1x128xf32>
    %get3A_130 = arith.constant 1 : index
    %get3A_131 = arith.constant 0 : index
    %get3A_132 = vector.load %arg2[%get3A_130, %get3A_131] : memref<2x128xf32, #tpu.memory_space<vmem>>, vector<1x128xf32>
    %add3A_133 = arith.addf %add3A_129, %get3A_132 : vector<1x128xf32>
    %swap3A_134 = arith.constant 9 : index
    %swap3A_135 = arith.constant 0 : index
    %swap3A_136 = vector.load %arg3[%swap3A_134, %swap3A_135] : memref<60x128xf32, #tpu.memory_space<vmem>>, vector<1x128xf32>
    tpu.vector_store %arg3[%swap3A_134, %swap3A_135], %add3A_133 {strides = array<i32>} : memref<60x128xf32, #tpu.memory_space<vmem>>, vector<1x128xf32>,
    %get3A_137 = arith.constant 0 : index
    %get3A_138 = arith.constant 0 : index
    %get3A_139 = vector.load %arg0[%get3A_137, %get3A_138] : memref<5x128xf32, #tpu.memory_space<vmem>>, vector<1x128xf32>
    %get3A_140 = arith.constant 5 : index
    %get3A_141 = arith.constant 0 : index
    %get3A_142 = vector.load %arg1[%get3A_140, %get3A_141] : memref<6x128xf32, #tpu.memory_space<vmem>>, vector<1x128xf32>
    %add3A_143 = arith.addf %get3A_139, %get3A_142 : vector<1x128xf32>
    %get3A_144 = arith.constant 0 : index
    %get3A_145 = arith.constant 0 : index
    %get3A_146 = vector.load %arg2[%get3A_144, %get3A_145] : memref<2x128xf32, #tpu.memory_space<vmem>>, vector<1x128xf32>
    %add3A_147 = arith.addf %add3A_143, %get3A_146 : vector<1x128xf32>
    %swap3A_148 = arith.constant 10 : index
    %swap3A_149 = arith.constant 0 : index
    %swap3A_150 = vector.load %arg3[%swap3A_148, %swap3A_149] : memref<60x128xf32, #tpu.memory_space<vmem>>, vector<1x128xf32>
    tpu.vector_store %arg3[%swap3A_148, %swap3A_149], %add3A_147 {strides = array<i32>} : memref<60x128xf32, #tpu.memory_space<vmem>>, vector<1x128xf32>,
    %get3A_151 = arith.constant 0 : index
    %get3A_152 = arith.constant 0 : index
    %get3A_153 = vector.load %arg0[%get3A_151, %get3A_152] : memref<5x128xf32, #tpu.memory_space<vmem>>, vector<1x128xf32>
    %get3A_154 = arith.constant 5 : index
    %get3A_155 = arith.constant 0 : index
    %get3A_156 = vector.load %arg1[%get3A_154, %get3A_155] : memref<6x128xf32, #tpu.memory_space<vmem>>, vector<1x128xf32>
    %add3A_157 = arith.addf %get3A_153, %get3A_156 : vector<1x128xf32>
    %get3A_158 = arith.constant 1 : index
    %get3A_159 = arith.constant 0 : index
    %get3A_160 = vector.load %arg2[%get3A_158, %get3A_159] : memref<2x128xf32, #tpu.memory_space<vmem>>, vector<1x128xf32>
    %add3A_161 = arith.addf %add3A_157, %get3A_160 : vector<1x128xf32>
    %swap3A_162 = arith.constant 11 : index
    %swap3A_163 = arith.constant 0 : index
    %swap3A_164 = vector.load %arg3[%swap3A_162, %swap3A_163] : memref<60x128xf32, #tpu.memory_space<vmem>>, vector<1x128xf32>
    tpu.vector_store %arg3[%swap3A_162, %swap3A_163], %add3A_161 {strides = array<i32>} : memref<60x128xf32, #tpu.memory_space<vmem>>, vector<1x128xf32>,
    %get3A_165 = arith.constant 1 : index
    %get3A_166 = arith.constant 0 : index
    %get3A_167 = vector.load %arg0[%get3A_165, %get3A_166] : memref<5x128xf32, #tpu.memory_space<vmem>>, vector<1x128xf32>
    %get3A_168 = arith.constant 0 : index
    %get3A_169 = arith.constant 0 : index
    %get3A_170 = vector.load %arg1[%get3A_168, %get3A_169] : memref<6x128xf32, #tpu.memory_space<vmem>>, vector<1x128xf32>
    %add3A_171 = arith.addf %get3A_167, %get3A_170 : vector<1x128xf32>
    %get3A_172 = arith.constant 0 : index
    %get3A_173 = arith.constant 0 : index
    %get3A_174 = vector.load %arg2[%get3A_172, %get3A_173] : memref<2x128xf32, #tpu.memory_space<vmem>>, vector<1x128xf32>
    %add3A_175 = arith.addf %add3A_171, %get3A_174 : vector<1x128xf32>
    %swap3A_176 = arith.constant 12 : index
    %swap3A_177 = arith.constant 0 : index
    %swap3A_178 = vector.load %arg3[%swap3A_176, %swap3A_177] : memref<60x128xf32, #tpu.memory_space<vmem>>, vector<1x128xf32>
    tpu.vector_store %arg3[%swap3A_176, %swap3A_177], %add3A_175 {strides = array<i32>} : memref<60x128xf32, #tpu.memory_space<vmem>>, vector<1x128xf32>,
    %get3A_179 = arith.constant 1 : index
    %get3A_180 = arith.constant 0 : index
    %get3A_181 = vector.load %arg0[%get3A_179, %get3A_180] : memref<5x128xf32, #tpu.memory_space<vmem>>, vector<1x128xf32>
    %get3A_182 = arith.constant 0 : index
    %get3A_183 = arith.constant 0 : index
    %get3A_184 = vector.load %arg1[%get3A_182, %get3A_183] : memref<6x128xf32, #tpu.memory_space<vmem>>, vector<1x128xf32>
    %add3A_185 = arith.addf %get3A_181, %get3A_184 : vector<1x128xf32>
    %get3A_186 = arith.constant 1 : index
    %get3A_187 = arith.constant 0 : index
    %get3A_188 = vector.load %arg2[%get3A_186, %get3A_187] : memref<2x128xf32, #tpu.memory_space<vmem>>, vector<1x128xf32>
    %add3A_189 = arith.addf %add3A_185, %get3A_188 : vector<1x128xf32>
    %swap3A_190 = arith.constant 13 : index
    %swap3A_191 = arith.constant 0 : index
    %swap3A_192 = vector.load %arg3[%swap3A_190, %swap3A_191] : memref<60x128xf32, #tpu.memory_space<vmem>>, vector<1x128xf32>
    tpu.vector_store %arg3[%swap3A_190, %swap3A_191], %add3A_189 {strides = array<i32>} : memref<60x128xf32, #tpu.memory_space<vmem>>, vector<1x128xf32>,
    %get3A_193 = arith.constant 1 : index
    %get3A_194 = arith.constant 0 : index
    %get3A_195 = vector.load %arg0[%get3A_193, %get3A_194] : memref<5x128xf32, #tpu.memory_space<vmem>>, vector<1x128xf32>
    %get3A_196 = arith.constant 1 : index
    %get3A_197 = arith.constant 0 : index
    %get3A_198 = vector.load %arg1[%get3A_196, %get3A_197] : memref<6x128xf32, #tpu.memory_space<vmem>>, vector<1x128xf32>
    %add3A_199 = arith.addf %get3A_195, %get3A_198 : vector<1x128xf32>
    %get3A_200 = arith.constant 0 : index
    %get3A_201 = arith.constant 0 : index
    %get3A_202 = vector.load %arg2[%get3A_200, %get3A_201] : memref<2x128xf32, #tpu.memory_space<vmem>>, vector<1x128xf32>
    %add3A_203 = arith.addf %add3A_199, %get3A_202 : vector<1x128xf32>
    %swap3A_204 = arith.constant 14 : index
    %swap3A_205 = arith.constant 0 : index
    %swap3A_206 = vector.load %arg3[%swap3A_204, %swap3A_205] : memref<60x128xf32, #tpu.memory_space<vmem>>, vector<1x128xf32>
    tpu.vector_store %arg3[%swap3A_204, %swap3A_205], %add3A_203 {strides = array<i32>} : memref<60x128xf32, #tpu.memory_space<vmem>>, vector<1x128xf32>,
    %get3A_207 = arith.constant 1 : index
    %get3A_208 = arith.constant 0 : index
    %get3A_209 = vector.load %arg0[%get3A_207, %get3A_208] : memref<5x128xf32, #tpu.memory_space<vmem>>, vector<1x128xf32>
    %get3A_210 = arith.constant 1 : index
    %get3A_211 = arith.constant 0 : index
    %get3A_212 = vector.load %arg1[%get3A_210, %get3A_211] : memref<6x128xf32, #tpu.memory_space<vmem>>, vector<1x128xf32>
    %add3A_213 = arith.addf %get3A_209, %get3A_212 : vector<1x128xf32>
    %get3A_214 = arith.constant 1 : index
    %get3A_215 = arith.constant 0 : index
    %get3A_216 = vector.load %arg2[%get3A_214, %get3A_215] : memref<2x128xf32, #tpu.memory_space<vmem>>, vector<1x128xf32>
    %add3A_217 = arith.addf %add3A_213, %get3A_216 : vector<1x128xf32>
    %swap3A_218 = arith.constant 15 : index
    %swap3A_219 = arith.constant 0 : index
    %swap3A_220 = vector.load %arg3[%swap3A_218, %swap3A_219] : memref<60x128xf32, #tpu.memory_space<vmem>>, vector<1x128xf32>
    tpu.vector_store %arg3[%swap3A_218, %swap3A_219], %add3A_217 {strides = array<i32>} : memref<60x128xf32, #tpu.memory_space<vmem>>, vector<1x128xf32>,
    %get3A_221 = arith.constant 1 : index
    %get3A_222 = arith.constant 0 : index
    %get3A_223 = vector.load %arg0[%get3A_221, %get3A_222] : memref<5x128xf32, #tpu.memory_space<vmem>>, vector<1x128xf32>
    %get3A_224 = arith.constant 2 : index
    %get3A_225 = arith.constant 0 : index
    %get3A_226 = vector.load %arg1[%get3A_224, %get3A_225] : memref<6x128xf32, #tpu.memory_space<vmem>>, vector<1x128xf32>
    %add3A_227 = arith.addf %get3A_223, %get3A_226 : vector<1x128xf32>
    %get3A_228 = arith.constant 0 : index
    %get3A_229 = arith.constant 0 : index
    %get3A_230 = vector.load %arg2[%get3A_228, %get3A_229] : memref<2x128xf32, #tpu.memory_space<vmem>>, vector<1x128xf32>
    %add3A_231 = arith.addf %add3A_227, %get3A_230 : vector<1x128xf32>
    %swap3A_232 = arith.constant 16 : index
    %swap3A_233 = arith.constant 0 : index
    %swap3A_234 = vector.load %arg3[%swap3A_232, %swap3A_233] : memref<60x128xf32, #tpu.memory_space<vmem>>, vector<1x128xf32>
    tpu.vector_store %arg3[%swap3A_232, %swap3A_233], %add3A_231 {strides = array<i32>} : memref<60x128xf32, #tpu.memory_space<vmem>>, vector<1x128xf32>,
    %get3A_235 = arith.constant 1 : index
    %get3A_236 = arith.constant 0 : index
    %get3A_237 = vector.load %arg0[%get3A_235, %get3A_236] : memref<5x128xf32, #tpu.memory_space<vmem>>, vector<1x128xf32>
    %get3A_238 = arith.constant 2 : index
    %get3A_239 = arith.constant 0 : index
    %get3A_240 = vector.load %arg1[%get3A_238, %get3A_239] : memref<6x128xf32, #tpu.memory_space<vmem>>, vector<1x128xf32>
    %add3A_241 = arith.addf %get3A_237, %get3A_240 : vector<1x128xf32>
    %get3A_242 = arith.constant 1 : index
    %get3A_243 = arith.constant 0 : index
    %get3A_244 = vector.load %arg2[%get3A_242, %get3A_243] : memref<2x128xf32, #tpu.memory_space<vmem>>, vector<1x128xf32>
    %add3A_245 = arith.addf %add3A_241, %get3A_244 : vector<1x128xf32>
    %swap3A_246 = arith.constant 17 : index
    %swap3A_247 = arith.constant 0 : index
    %swap3A_248 = vector.load %arg3[%swap3A_246, %swap3A_247] : memref<60x128xf32, #tpu.memory_space<vmem>>, vector<1x128xf32>
    tpu.vector_store %arg3[%swap3A_246, %swap3A_247], %add3A_245 {strides = array<i32>} : memref<60x128xf32, #tpu.memory_space<vmem>>, vector<1x128xf32>,
    %get3A_249 = arith.constant 1 : index
    %get3A_250 = arith.constant 0 : index
    %get3A_251 = vector.load %arg0[%get3A_249, %get3A_250] : memref<5x128xf32, #tpu.memory_space<vmem>>, vector<1x128xf32>
    %get3A_252 = arith.constant 3 : index
    %get3A_253 = arith.constant 0 : index
    %get3A_254 = vector.load %arg1[%get3A_252, %get3A_253] : memref<6x128xf32, #tpu.memory_space<vmem>>, vector<1x128xf32>
    %add3A_255 = arith.addf %get3A_251, %get3A_254 : vector<1x128xf32>
    %get3A_256 = arith.constant 0 : index
    %get3A_257 = arith.constant 0 : index
    %get3A_258 = vector.load %arg2[%get3A_256, %get3A_257] : memref<2x128xf32, #tpu.memory_space<vmem>>, vector<1x128xf32>
    %add3A_259 = arith.addf %add3A_255, %get3A_258 : vector<1x128xf32>
    %swap3A_260 = arith.constant 18 : index
    %swap3A_261 = arith.constant 0 : index
    %swap3A_262 = vector.load %arg3[%swap3A_260, %swap3A_261] : memref<60x128xf32, #tpu.memory_space<vmem>>, vector<1x128xf32>
    tpu.vector_store %arg3[%swap3A_260, %swap3A_261], %add3A_259 {strides = array<i32>} : memref<60x128xf32, #tpu.memory_space<vmem>>, vector<1x128xf32>,
    %get3A_263 = arith.constant 1 : index
    %get3A_264 = arith.constant 0 : index
    %get3A_265 = vector.load %arg0[%get3A_263, %get3A_264] : memref<5x128xf32, #tpu.memory_space<vmem>>, vector<1x128xf32>
    %get3A_266 = arith.constant 3 : index
    %get3A_267 = arith.constant 0 : index
    %get3A_268 = vector.load %arg1[%get3A_266, %get3A_267] : memref<6x128xf32, #tpu.memory_space<vmem>>, vector<1x128xf32>
    %add3A_269 = arith.addf %get3A_265, %get3A_268 : vector<1x128xf32>
    %get3A_270 = arith.constant 1 : index
    %get3A_271 = arith.constant 0 : index
    %get3A_272 = vector.load %arg2[%get3A_270, %get3A_271] : memref<2x128xf32, #tpu.memory_space<vmem>>, vector<1x128xf32>
    %add3A_273 = arith.addf %add3A_269, %get3A_272 : vector<1x128xf32>
    %swap3A_274 = arith.constant 19 : index
    %swap3A_275 = arith.constant 0 : index
    %swap3A_276 = vector.load %arg3[%swap3A_274, %swap3A_275] : memref<60x128xf32, #tpu.memory_space<vmem>>, vector<1x128xf32>
    tpu.vector_store %arg3[%swap3A_274, %swap3A_275], %add3A_273 {strides = array<i32>} : memref<60x128xf32, #tpu.memory_space<vmem>>, vector<1x128xf32>,
    %get3A_277 = arith.constant 1 : index
    %get3A_278 = arith.constant 0 : index
    %get3A_279 = vector.load %arg0[%get3A_277, %get3A_278] : memref<5x128xf32, #tpu.memory_space<vmem>>, vector<1x128xf32>
    %get3A_280 = arith.constant 4 : index
    %get3A_281 = arith.constant 0 : index
    %get3A_282 = vector.load %arg1[%get3A_280, %get3A_281] : memref<6x128xf32, #tpu.memory_space<vmem>>, vector<1x128xf32>
    %add3A_283 = arith.addf %get3A_279, %get3A_282 : vector<1x128xf32>
    %get3A_284 = arith.constant 0 : index
    %get3A_285 = arith.constant 0 : index
    %get3A_286 = vector.load %arg2[%get3A_284, %get3A_285] : memref<2x128xf32, #tpu.memory_space<vmem>>, vector<1x128xf32>
    %add3A_287 = arith.addf %add3A_283, %get3A_286 : vector<1x128xf32>
    %swap3A_288 = arith.constant 20 : index
    %swap3A_289 = arith.constant 0 : index
    %swap3A_290 = vector.load %arg3[%swap3A_288, %swap3A_289] : memref<60x128xf32, #tpu.memory_space<vmem>>, vector<1x128xf32>
    tpu.vector_store %arg3[%swap3A_288, %swap3A_289], %add3A_287 {strides = array<i32>} : memref<60x128xf32, #tpu.memory_space<vmem>>, vector<1x128xf32>,
    %get3A_291 = arith.constant 1 : index
    %get3A_292 = arith.constant 0 : index
    %get3A_293 = vector.load %arg0[%get3A_291, %get3A_292] : memref<5x128xf32, #tpu.memory_space<vmem>>, vector<1x128xf32>
    %get3A_294 = arith.constant 4 : index
    %get3A_295 = arith.constant 0 : index
    %get3A_296 = vector.load %arg1[%get3A_294, %get3A_295] : memref<6x128xf32, #tpu.memory_space<vmem>>, vector<1x128xf32>
    %add3A_297 = arith.addf %get3A_293, %get3A_296 : vector<1x128xf32>
    %get3A_298 = arith.constant 1 : index
    %get3A_299 = arith.constant 0 : index
    %get3A_300 = vector.load %arg2[%get3A_298, %get3A_299] : memref<2x128xf32, #tpu.memory_space<vmem>>, vector<1x128xf32>
    %add3A_301 = arith.addf %add3A_297, %get3A_300 : vector<1x128xf32>
    %swap3A_302 = arith.constant 21 : index
    %swap3A_303 = arith.constant 0 : index
    %swap3A_304 = vector.load %arg3[%swap3A_302, %swap3A_303] : memref<60x128xf32, #tpu.memory_space<vmem>>, vector<1x128xf32>
    tpu.vector_store %arg3[%swap3A_302, %swap3A_303], %add3A_301 {strides = array<i32>} : memref<60x128xf32, #tpu.memory_space<vmem>>, vector<1x128xf32>,
    %get3A_305 = arith.constant 1 : index
    %get3A_306 = arith.constant 0 : index
    %get3A_307 = vector.load %arg0[%get3A_305, %get3A_306] : memref<5x128xf32, #tpu.memory_space<vmem>>, vector<1x128xf32>
    %get3A_308 = arith.constant 5 : index
    %get3A_309 = arith.constant 0 : index
    %get3A_310 = vector.load %arg1[%get3A_308, %get3A_309] : memref<6x128xf32, #tpu.memory_space<vmem>>, vector<1x128xf32>
    %add3A_311 = arith.addf %get3A_307, %get3A_310 : vector<1x128xf32>
    %get3A_312 = arith.constant 0 : index
    %get3A_313 = arith.constant 0 : index
    %get3A_314 = vector.load %arg2[%get3A_312, %get3A_313] : memref<2x128xf32, #tpu.memory_space<vmem>>, vector<1x128xf32>
    %add3A_315 = arith.addf %add3A_311, %get3A_314 : vector<1x128xf32>
    %swap3A_316 = arith.constant 22 : index
    %swap3A_317 = arith.constant 0 : index
    %swap3A_318 = vector.load %arg3[%swap3A_316, %swap3A_317] : memref<60x128xf32, #tpu.memory_space<vmem>>, vector<1x128xf32>
    tpu.vector_store %arg3[%swap3A_316, %swap3A_317], %add3A_315 {strides = array<i32>} : memref<60x128xf32, #tpu.memory_space<vmem>>, vector<1x128xf32>,
    %get3A_319 = arith.constant 1 : index
    %get3A_320 = arith.constant 0 : index
    %get3A_321 = vector.load %arg0[%get3A_319, %get3A_320] : memref<5x128xf32, #tpu.memory_space<vmem>>, vector<1x128xf32>
    %get3A_322 = arith.constant 5 : index
    %get3A_323 = arith.constant 0 : index
    %get3A_324 = vector.load %arg1[%get3A_322, %get3A_323] : memref<6x128xf32, #tpu.memory_space<vmem>>, vector<1x128xf32>
    %add3A_325 = arith.addf %get3A_321, %get3A_324 : vector<1x128xf32>
    %get3A_326 = arith.constant 1 : index
    %get3A_327 = arith.constant 0 : index
    %get3A_328 = vector.load %arg2[%get3A_326, %get3A_327] : memref<2x128xf32, #tpu.memory_space<vmem>>, vector<1x128xf32>
    %add3A_329 = arith.addf %add3A_325, %get3A_328 : vector<1x128xf32>
    %swap3A_330 = arith.constant 23 : index
    %swap3A_331 = arith.constant 0 : index
    %swap3A_332 = vector.load %arg3[%swap3A_330, %swap3A_331] : memref<60x128xf32, #tpu.memory_space<vmem>>, vector<1x128xf32>
    tpu.vector_store %arg3[%swap3A_330, %swap3A_331], %add3A_329 {strides = array<i32>} : memref<60x128xf32, #tpu.memory_space<vmem>>, vector<1x128xf32>,
    %get3A_333 = arith.constant 2 : index
    %get3A_334 = arith.constant 0 : index
    %get3A_335 = vector.load %arg0[%get3A_333, %get3A_334] : memref<5x128xf32, #tpu.memory_space<vmem>>, vector<1x128xf32>
    %get3A_336 = arith.constant 0 : index
    %get3A_337 = arith.constant 0 : index
    %get3A_338 = vector.load %arg1[%get3A_336, %get3A_337] : memref<6x128xf32, #tpu.memory_space<vmem>>, vector<1x128xf32>
    %add3A_339 = arith.addf %get3A_335, %get3A_338 : vector<1x128xf32>
    %get3A_340 = arith.constant 0 : index
    %get3A_341 = arith.constant 0 : index
    %get3A_342 = vector.load %arg2[%get3A_340, %get3A_341] : memref<2x128xf32, #tpu.memory_space<vmem>>, vector<1x128xf32>
    %add3A_343 = arith.addf %add3A_339, %get3A_342 : vector<1x128xf32>
    %swap3A_344 = arith.constant 24 : index
    %swap3A_345 = arith.constant 0 : index
    %swap3A_346 = vector.load %arg3[%swap3A_344, %swap3A_345] : memref<60x128xf32, #tpu.memory_space<vmem>>, vector<1x128xf32>
    tpu.vector_store %arg3[%swap3A_344, %swap3A_345], %add3A_343 {strides = array<i32>} : memref<60x128xf32, #tpu.memory_space<vmem>>, vector<1x128xf32>,
    %get3A_347 = arith.constant 2 : index
    %get3A_348 = arith.constant 0 : index
    %get3A_349 = vector.load %arg0[%get3A_347, %get3A_348] : memref<5x128xf32, #tpu.memory_space<vmem>>, vector<1x128xf32>
    %get3A_350 = arith.constant 0 : index
    %get3A_351 = arith.constant 0 : index
    %get3A_352 = vector.load %arg1[%get3A_350, %get3A_351] : memref<6x128xf32, #tpu.memory_space<vmem>>, vector<1x128xf32>
    %add3A_353 = arith.addf %get3A_349, %get3A_352 : vector<1x128xf32>
    %get3A_354 = arith.constant 1 : index
    %get3A_355 = arith.constant 0 : index
    %get3A_356 = vector.load %arg2[%get3A_354, %get3A_355] : memref<2x128xf32, #tpu.memory_space<vmem>>, vector<1x128xf32>
    %add3A_357 = arith.addf %add3A_353, %get3A_356 : vector<1x128xf32>
    %swap3A_358 = arith.constant 25 : index
    %swap3A_359 = arith.constant 0 : index
    %swap3A_360 = vector.load %arg3[%swap3A_358, %swap3A_359] : memref<60x128xf32, #tpu.memory_space<vmem>>, vector<1x128xf32>
    tpu.vector_store %arg3[%swap3A_358, %swap3A_359], %add3A_357 {strides = array<i32>} : memref<60x128xf32, #tpu.memory_space<vmem>>, vector<1x128xf32>,
    %get3A_361 = arith.constant 2 : index
    %get3A_362 = arith.constant 0 : index
    %get3A_363 = vector.load %arg0[%get3A_361, %get3A_362] : memref<5x128xf32, #tpu.memory_space<vmem>>, vector<1x128xf32>
    %get3A_364 = arith.constant 1 : index
    %get3A_365 = arith.constant 0 : index
    %get3A_366 = vector.load %arg1[%get3A_364, %get3A_365] : memref<6x128xf32, #tpu.memory_space<vmem>>, vector<1x128xf32>
    %add3A_367 = arith.addf %get3A_363, %get3A_366 : vector<1x128xf32>
    %get3A_368 = arith.constant 0 : index
    %get3A_369 = arith.constant 0 : index
    %get3A_370 = vector.load %arg2[%get3A_368, %get3A_369] : memref<2x128xf32, #tpu.memory_space<vmem>>, vector<1x128xf32>
    %add3A_371 = arith.addf %add3A_367, %get3A_370 : vector<1x128xf32>
    %swap3A_372 = arith.constant 26 : index
    %swap3A_373 = arith.constant 0 : index
    %swap3A_374 = vector.load %arg3[%swap3A_372, %swap3A_373] : memref<60x128xf32, #tpu.memory_space<vmem>>, vector<1x128xf32>
    tpu.vector_store %arg3[%swap3A_372, %swap3A_373], %add3A_371 {strides = array<i32>} : memref<60x128xf32, #tpu.memory_space<vmem>>, vector<1x128xf32>,
    %get3A_375 = arith.constant 2 : index
    %get3A_376 = arith.constant 0 : index
    %get3A_377 = vector.load %arg0[%get3A_375, %get3A_376] : memref<5x128xf32, #tpu.memory_space<vmem>>, vector<1x128xf32>
    %get3A_378 = arith.constant 1 : index
    %get3A_379 = arith.constant 0 : index
    %get3A_380 = vector.load %arg1[%get3A_378, %get3A_379] : memref<6x128xf32, #tpu.memory_space<vmem>>, vector<1x128xf32>
    %add3A_381 = arith.addf %get3A_377, %get3A_380 : vector<1x128xf32>
    %get3A_382 = arith.constant 1 : index
    %get3A_383 = arith.constant 0 : index
    %get3A_384 = vector.load %arg2[%get3A_382, %get3A_383] : memref<2x128xf32, #tpu.memory_space<vmem>>, vector<1x128xf32>
    %add3A_385 = arith.addf %add3A_381, %get3A_384 : vector<1x128xf32>
    %swap3A_386 = arith.constant 27 : index
    %swap3A_387 = arith.constant 0 : index
    %swap3A_388 = vector.load %arg3[%swap3A_386, %swap3A_387] : memref<60x128xf32, #tpu.memory_space<vmem>>, vector<1x128xf32>
    tpu.vector_store %arg3[%swap3A_386, %swap3A_387], %add3A_385 {strides = array<i32>} : memref<60x128xf32, #tpu.memory_space<vmem>>, vector<1x128xf32>,
    %get3A_389 = arith.constant 2 : index
    %get3A_390 = arith.constant 0 : index
    %get3A_391 = vector.load %arg0[%get3A_389, %get3A_390] : memref<5x128xf32, #tpu.memory_space<vmem>>, vector<1x128xf32>
    %get3A_392 = arith.constant 2 : index
    %get3A_393 = arith.constant 0 : index
    %get3A_394 = vector.load %arg1[%get3A_392, %get3A_393] : memref<6x128xf32, #tpu.memory_space<vmem>>, vector<1x128xf32>
    %add3A_395 = arith.addf %get3A_391, %get3A_394 : vector<1x128xf32>
    %get3A_396 = arith.constant 0 : index
    %get3A_397 = arith.constant 0 : index
    %get3A_398 = vector.load %arg2[%get3A_396, %get3A_397] : memref<2x128xf32, #tpu.memory_space<vmem>>, vector<1x128xf32>
    %add3A_399 = arith.addf %add3A_395, %get3A_398 : vector<1x128xf32>
    %swap3A_400 = arith.constant 28 : index
    %swap3A_401 = arith.constant 0 : index
    %swap3A_402 = vector.load %arg3[%swap3A_400, %swap3A_401] : memref<60x128xf32, #tpu.memory_space<vmem>>, vector<1x128xf32>
    tpu.vector_store %arg3[%swap3A_400, %swap3A_401], %add3A_399 {strides = array<i32>} : memref<60x128xf32, #tpu.memory_space<vmem>>, vector<1x128xf32>,
    %get3A_403 = arith.constant 2 : index
    %get3A_404 = arith.constant 0 : index
    %get3A_405 = vector.load %arg0[%get3A_403, %get3A_404] : memref<5x128xf32, #tpu.memory_space<vmem>>, vector<1x128xf32>
    %get3A_406 = arith.constant 2 : index
    %get3A_407 = arith.constant 0 : index
    %get3A_408 = vector.load %arg1[%get3A_406, %get3A_407] : memref<6x128xf32, #tpu.memory_space<vmem>>, vector<1x128xf32>
    %add3A_409 = arith.addf %get3A_405, %get3A_408 : vector<1x128xf32>
    %get3A_410 = arith.constant 1 : index
    %get3A_411 = arith.constant 0 : index
    %get3A_412 = vector.load %arg2[%get3A_410, %get3A_411] : memref<2x128xf32, #tpu.memory_space<vmem>>, vector<1x128xf32>
    %add3A_413 = arith.addf %add3A_409, %get3A_412 : vector<1x128xf32>
    %swap3A_414 = arith.constant 29 : index
    %swap3A_415 = arith.constant 0 : index
    %swap3A_416 = vector.load %arg3[%swap3A_414, %swap3A_415] : memref<60x128xf32, #tpu.memory_space<vmem>>, vector<1x128xf32>
    tpu.vector_store %arg3[%swap3A_414, %swap3A_415], %add3A_413 {strides = array<i32>} : memref<60x128xf32, #tpu.memory_space<vmem>>, vector<1x128xf32>,
    %get3A_417 = arith.constant 2 : index
    %get3A_418 = arith.constant 0 : index
    %get3A_419 = vector.load %arg0[%get3A_417, %get3A_418] : memref<5x128xf32, #tpu.memory_space<vmem>>, vector<1x128xf32>
    %get3A_420 = arith.constant 3 : index
    %get3A_421 = arith.constant 0 : index
    %get3A_422 = vector.load %arg1[%get3A_420, %get3A_421] : memref<6x128xf32, #tpu.memory_space<vmem>>, vector<1x128xf32>
    %add3A_423 = arith.addf %get3A_419, %get3A_422 : vector<1x128xf32>
    %get3A_424 = arith.constant 0 : index
    %get3A_425 = arith.constant 0 : index
    %get3A_426 = vector.load %arg2[%get3A_424, %get3A_425] : memref<2x128xf32, #tpu.memory_space<vmem>>, vector<1x128xf32>
    %add3A_427 = arith.addf %add3A_423, %get3A_426 : vector<1x128xf32>
    %swap3A_428 = arith.constant 30 : index
    %swap3A_429 = arith.constant 0 : index
    %swap3A_430 = vector.load %arg3[%swap3A_428, %swap3A_429] : memref<60x128xf32, #tpu.memory_space<vmem>>, vector<1x128xf32>
    tpu.vector_store %arg3[%swap3A_428, %swap3A_429], %add3A_427 {strides = array<i32>} : memref<60x128xf32, #tpu.memory_space<vmem>>, vector<1x128xf32>,
    %get3A_431 = arith.constant 2 : index
    %get3A_432 = arith.constant 0 : index
    %get3A_433 = vector.load %arg0[%get3A_431, %get3A_432] : memref<5x128xf32, #tpu.memory_space<vmem>>, vector<1x128xf32>
    %get3A_434 = arith.constant 3 : index
    %get3A_435 = arith.constant 0 : index
    %get3A_436 = vector.load %arg1[%get3A_434, %get3A_435] : memref<6x128xf32, #tpu.memory_space<vmem>>, vector<1x128xf32>
    %add3A_437 = arith.addf %get3A_433, %get3A_436 : vector<1x128xf32>
    %get3A_438 = arith.constant 1 : index
    %get3A_439 = arith.constant 0 : index
    %get3A_440 = vector.load %arg2[%get3A_438, %get3A_439] : memref<2x128xf32, #tpu.memory_space<vmem>>, vector<1x128xf32>
    %add3A_441 = arith.addf %add3A_437, %get3A_440 : vector<1x128xf32>
    %swap3A_442 = arith.constant 31 : index
    %swap3A_443 = arith.constant 0 : index
    %swap3A_444 = vector.load %arg3[%swap3A_442, %swap3A_443] : memref<60x128xf32, #tpu.memory_space<vmem>>, vector<1x128xf32>
    tpu.vector_store %arg3[%swap3A_442, %swap3A_443], %add3A_441 {strides = array<i32>} : memref<60x128xf32, #tpu.memory_space<vmem>>, vector<1x128xf32>,
    %get3A_445 = arith.constant 2 : index
    %get3A_446 = arith.constant 0 : index
    %get3A_447 = vector.load %arg0[%get3A_445, %get3A_446] : memref<5x128xf32, #tpu.memory_space<vmem>>, vector<1x128xf32>
    %get3A_448 = arith.constant 4 : index
    %get3A_449 = arith.constant 0 : index
    %get3A_450 = vector.load %arg1[%get3A_448, %get3A_449] : memref<6x128xf32, #tpu.memory_space<vmem>>, vector<1x128xf32>
    %add3A_451 = arith.addf %get3A_447, %get3A_450 : vector<1x128xf32>
    %get3A_452 = arith.constant 0 : index
    %get3A_453 = arith.constant 0 : index
    %get3A_454 = vector.load %arg2[%get3A_452, %get3A_453] : memref<2x128xf32, #tpu.memory_space<vmem>>, vector<1x128xf32>
    %add3A_455 = arith.addf %add3A_451, %get3A_454 : vector<1x128xf32>
    %swap3A_456 = arith.constant 32 : index
    %swap3A_457 = arith.constant 0 : index
    %swap3A_458 = vector.load %arg3[%swap3A_456, %swap3A_457] : memref<60x128xf32, #tpu.memory_space<vmem>>, vector<1x128xf32>
    tpu.vector_store %arg3[%swap3A_456, %swap3A_457], %add3A_455 {strides = array<i32>} : memref<60x128xf32, #tpu.memory_space<vmem>>, vector<1x128xf32>,
    %get3A_459 = arith.constant 2 : index
    %get3A_460 = arith.constant 0 : index
    %get3A_461 = vector.load %arg0[%get3A_459, %get3A_460] : memref<5x128xf32, #tpu.memory_space<vmem>>, vector<1x128xf32>
    %get3A_462 = arith.constant 4 : index
    %get3A_463 = arith.constant 0 : index
    %get3A_464 = vector.load %arg1[%get3A_462, %get3A_463] : memref<6x128xf32, #tpu.memory_space<vmem>>, vector<1x128xf32>
    %add3A_465 = arith.addf %get3A_461, %get3A_464 : vector<1x128xf32>
    %get3A_466 = arith.constant 1 : index
    %get3A_467 = arith.constant 0 : index
    %get3A_468 = vector.load %arg2[%get3A_466, %get3A_467] : memref<2x128xf32, #tpu.memory_space<vmem>>, vector<1x128xf32>
    %add3A_469 = arith.addf %add3A_465, %get3A_468 : vector<1x128xf32>
    %swap3A_470 = arith.constant 33 : index
    %swap3A_471 = arith.constant 0 : index
    %swap3A_472 = vector.load %arg3[%swap3A_470, %swap3A_471] : memref<60x128xf32, #tpu.memory_space<vmem>>, vector<1x128xf32>
    tpu.vector_store %arg3[%swap3A_470, %swap3A_471], %add3A_469 {strides = array<i32>} : memref<60x128xf32, #tpu.memory_space<vmem>>, vector<1x128xf32>,
    %get3A_473 = arith.constant 2 : index
    %get3A_474 = arith.constant 0 : index
    %get3A_475 = vector.load %arg0[%get3A_473, %get3A_474] : memref<5x128xf32, #tpu.memory_space<vmem>>, vector<1x128xf32>
    %get3A_476 = arith.constant 5 : index
    %get3A_477 = arith.constant 0 : index
    %get3A_478 = vector.load %arg1[%get3A_476, %get3A_477] : memref<6x128xf32, #tpu.memory_space<vmem>>, vector<1x128xf32>
    %add3A_479 = arith.addf %get3A_475, %get3A_478 : vector<1x128xf32>
    %get3A_480 = arith.constant 0 : index
    %get3A_481 = arith.constant 0 : index
    %get3A_482 = vector.load %arg2[%get3A_480, %get3A_481] : memref<2x128xf32, #tpu.memory_space<vmem>>, vector<1x128xf32>
    %add3A_483 = arith.addf %add3A_479, %get3A_482 : vector<1x128xf32>
    %swap3A_484 = arith.constant 34 : index
    %swap3A_485 = arith.constant 0 : index
    %swap3A_486 = vector.load %arg3[%swap3A_484, %swap3A_485] : memref<60x128xf32, #tpu.memory_space<vmem>>, vector<1x128xf32>
    tpu.vector_store %arg3[%swap3A_484, %swap3A_485], %add3A_483 {strides = array<i32>} : memref<60x128xf32, #tpu.memory_space<vmem>>, vector<1x128xf32>,
    %get3A_487 = arith.constant 2 : index
    %get3A_488 = arith.constant 0 : index
    %get3A_489 = vector.load %arg0[%get3A_487, %get3A_488] : memref<5x128xf32, #tpu.memory_space<vmem>>, vector<1x128xf32>
    %get3A_490 = arith.constant 5 : index
    %get3A_491 = arith.constant 0 : index
    %get3A_492 = vector.load %arg1[%get3A_490, %get3A_491] : memref<6x128xf32, #tpu.memory_space<vmem>>, vector<1x128xf32>
    %add3A_493 = arith.addf %get3A_489, %get3A_492 : vector<1x128xf32>
    %get3A_494 = arith.constant 1 : index
    %get3A_495 = arith.constant 0 : index
    %get3A_496 = vector.load %arg2[%get3A_494, %get3A_495] : memref<2x128xf32, #tpu.memory_space<vmem>>, vector<1x128xf32>
    %add3A_497 = arith.addf %add3A_493, %get3A_496 : vector<1x128xf32>
    %swap3A_498 = arith.constant 35 : index
    %swap3A_499 = arith.constant 0 : index
    %swap3A_500 = vector.load %arg3[%swap3A_498, %swap3A_499] : memref<60x128xf32, #tpu.memory_space<vmem>>, vector<1x128xf32>
    tpu.vector_store %arg3[%swap3A_498, %swap3A_499], %add3A_497 {strides = array<i32>} : memref<60x128xf32, #tpu.memory_space<vmem>>, vector<1x128xf32>,
    %get3A_501 = arith.constant 3 : index
    %get3A_502 = arith.constant 0 : index
    %get3A_503 = vector.load %arg0[%get3A_501, %get3A_502] : memref<5x128xf32, #tpu.memory_space<vmem>>, vector<1x128xf32>
    %get3A_504 = arith.constant 0 : index
    %get3A_505 = arith.constant 0 : index
    %get3A_506 = vector.load %arg1[%get3A_504, %get3A_505] : memref<6x128xf32, #tpu.memory_space<vmem>>, vector<1x128xf32>
    %add3A_507 = arith.addf %get3A_503, %get3A_506 : vector<1x128xf32>
    %get3A_508 = arith.constant 0 : index
    %get3A_509 = arith.constant 0 : index
    %get3A_510 = vector.load %arg2[%get3A_508, %get3A_509] : memref<2x128xf32, #tpu.memory_space<vmem>>, vector<1x128xf32>
    %add3A_511 = arith.addf %add3A_507, %get3A_510 : vector<1x128xf32>
    %swap3A_512 = arith.constant 36 : index
    %swap3A_513 = arith.constant 0 : index
    %swap3A_514 = vector.load %arg3[%swap3A_512, %swap3A_513] : memref<60x128xf32, #tpu.memory_space<vmem>>, vector<1x128xf32>
    tpu.vector_store %arg3[%swap3A_512, %swap3A_513], %add3A_511 {strides = array<i32>} : memref<60x128xf32, #tpu.memory_space<vmem>>, vector<1x128xf32>,
    %get3A_515 = arith.constant 3 : index
    %get3A_516 = arith.constant 0 : index
    %get3A_517 = vector.load %arg0[%get3A_515, %get3A_516] : memref<5x128xf32, #tpu.memory_space<vmem>>, vector<1x128xf32>
    %get3A_518 = arith.constant 0 : index
    %get3A_519 = arith.constant 0 : index
    %get3A_520 = vector.load %arg1[%get3A_518, %get3A_519] : memref<6x128xf32, #tpu.memory_space<vmem>>, vector<1x128xf32>
    %add3A_521 = arith.addf %get3A_517, %get3A_520 : vector<1x128xf32>
    %get3A_522 = arith.constant 1 : index
    %get3A_523 = arith.constant 0 : index
    %get3A_524 = vector.load %arg2[%get3A_522, %get3A_523] : memref<2x128xf32, #tpu.memory_space<vmem>>, vector<1x128xf32>
    %add3A_525 = arith.addf %add3A_521, %get3A_524 : vector<1x128xf32>
    %swap3A_526 = arith.constant 37 : index
    %swap3A_527 = arith.constant 0 : index
    %swap3A_528 = vector.load %arg3[%swap3A_526, %swap3A_527] : memref<60x128xf32, #tpu.memory_space<vmem>>, vector<1x128xf32>
    tpu.vector_store %arg3[%swap3A_526, %swap3A_527], %add3A_525 {strides = array<i32>} : memref<60x128xf32, #tpu.memory_space<vmem>>, vector<1x128xf32>,
    %get3A_529 = arith.constant 3 : index
    %get3A_530 = arith.constant 0 : index
    %get3A_531 = vector.load %arg0[%get3A_529, %get3A_530] : memref<5x128xf32, #tpu.memory_space<vmem>>, vector<1x128xf32>
    %get3A_532 = arith.constant 1 : index
    %get3A_533 = arith.constant 0 : index
    %get3A_534 = vector.load %arg1[%get3A_532, %get3A_533] : memref<6x128xf32, #tpu.memory_space<vmem>>, vector<1x128xf32>
    %add3A_535 = arith.addf %get3A_531, %get3A_534 : vector<1x128xf32>
    %get3A_536 = arith.constant 0 : index
    %get3A_537 = arith.constant 0 : index
    %get3A_538 = vector.load %arg2[%get3A_536, %get3A_537] : memref<2x128xf32, #tpu.memory_space<vmem>>, vector<1x128xf32>
    %add3A_539 = arith.addf %add3A_535, %get3A_538 : vector<1x128xf32>
    %swap3A_540 = arith.constant 38 : index
    %swap3A_541 = arith.constant 0 : index
    %swap3A_542 = vector.load %arg3[%swap3A_540, %swap3A_541] : memref<60x128xf32, #tpu.memory_space<vmem>>, vector<1x128xf32>
    tpu.vector_store %arg3[%swap3A_540, %swap3A_541], %add3A_539 {strides = array<i32>} : memref<60x128xf32, #tpu.memory_space<vmem>>, vector<1x128xf32>,
    %get3A_543 = arith.constant 3 : index
    %get3A_544 = arith.constant 0 : index
    %get3A_545 = vector.load %arg0[%get3A_543, %get3A_544] : memref<5x128xf32, #tpu.memory_space<vmem>>, vector<1x128xf32>
    %get3A_546 = arith.constant 1 : index
    %get3A_547 = arith.constant 0 : index
    %get3A_548 = vector.load %arg1[%get3A_546, %get3A_547] : memref<6x128xf32, #tpu.memory_space<vmem>>, vector<1x128xf32>
    %add3A_549 = arith.addf %get3A_545, %get3A_548 : vector<1x128xf32>
    %get3A_550 = arith.constant 1 : index
    %get3A_551 = arith.constant 0 : index
    %get3A_552 = vector.load %arg2[%get3A_550, %get3A_551] : memref<2x128xf32, #tpu.memory_space<vmem>>, vector<1x128xf32>
    %add3A_553 = arith.addf %add3A_549, %get3A_552 : vector<1x128xf32>
    %swap3A_554 = arith.constant 39 : index
    %swap3A_555 = arith.constant 0 : index
    %swap3A_556 = vector.load %arg3[%swap3A_554, %swap3A_555] : memref<60x128xf32, #tpu.memory_space<vmem>>, vector<1x128xf32>
    tpu.vector_store %arg3[%swap3A_554, %swap3A_555], %add3A_553 {strides = array<i32>} : memref<60x128xf32, #tpu.memory_space<vmem>>, vector<1x128xf32>,
    %get3A_557 = arith.constant 3 : index
    %get3A_558 = arith.constant 0 : index
    %get3A_559 = vector.load %arg0[%get3A_557, %get3A_558] : memref<5x128xf32, #tpu.memory_space<vmem>>, vector<1x128xf32>
    %get3A_560 = arith.constant 2 : index
    %get3A_561 = arith.constant 0 : index
    %get3A_562 = vector.load %arg1[%get3A_560, %get3A_561] : memref<6x128xf32, #tpu.memory_space<vmem>>, vector<1x128xf32>
    %add3A_563 = arith.addf %get3A_559, %get3A_562 : vector<1x128xf32>
    %get3A_564 = arith.constant 0 : index
    %get3A_565 = arith.constant 0 : index
    %get3A_566 = vector.load %arg2[%get3A_564, %get3A_565] : memref<2x128xf32, #tpu.memory_space<vmem>>, vector<1x128xf32>
    %add3A_567 = arith.addf %add3A_563, %get3A_566 : vector<1x128xf32>
    %swap3A_568 = arith.constant 40 : index
    %swap3A_569 = arith.constant 0 : index
    %swap3A_570 = vector.load %arg3[%swap3A_568, %swap3A_569] : memref<60x128xf32, #tpu.memory_space<vmem>>, vector<1x128xf32>
    tpu.vector_store %arg3[%swap3A_568, %swap3A_569], %add3A_567 {strides = array<i32>} : memref<60x128xf32, #tpu.memory_space<vmem>>, vector<1x128xf32>,
    %get3A_571 = arith.constant 3 : index
    %get3A_572 = arith.constant 0 : index
    %get3A_573 = vector.load %arg0[%get3A_571, %get3A_572] : memref<5x128xf32, #tpu.memory_space<vmem>>, vector<1x128xf32>
    %get3A_574 = arith.constant 2 : index
    %get3A_575 = arith.constant 0 : index
    %get3A_576 = vector.load %arg1[%get3A_574, %get3A_575] : memref<6x128xf32, #tpu.memory_space<vmem>>, vector<1x128xf32>
    %add3A_577 = arith.addf %get3A_573, %get3A_576 : vector<1x128xf32>
    %get3A_578 = arith.constant 1 : index
    %get3A_579 = arith.constant 0 : index
    %get3A_580 = vector.load %arg2[%get3A_578, %get3A_579] : memref<2x128xf32, #tpu.memory_space<vmem>>, vector<1x128xf32>
    %add3A_581 = arith.addf %add3A_577, %get3A_580 : vector<1x128xf32>
    %swap3A_582 = arith.constant 41 : index
    %swap3A_583 = arith.constant 0 : index
    %swap3A_584 = vector.load %arg3[%swap3A_582, %swap3A_583] : memref<60x128xf32, #tpu.memory_space<vmem>>, vector<1x128xf32>
    tpu.vector_store %arg3[%swap3A_582, %swap3A_583], %add3A_581 {strides = array<i32>} : memref<60x128xf32, #tpu.memory_space<vmem>>, vector<1x128xf32>,
    %get3A_585 = arith.constant 3 : index
    %get3A_586 = arith.constant 0 : index
    %get3A_587 = vector.load %arg0[%get3A_585, %get3A_586] : memref<5x128xf32, #tpu.memory_space<vmem>>, vector<1x128xf32>
    %get3A_588 = arith.constant 3 : index
    %get3A_589 = arith.constant 0 : index
    %get3A_590 = vector.load %arg1[%get3A_588, %get3A_589] : memref<6x128xf32, #tpu.memory_space<vmem>>, vector<1x128xf32>
    %add3A_591 = arith.addf %get3A_587, %get3A_590 : vector<1x128xf32>
    %get3A_592 = arith.constant 0 : index
    %get3A_593 = arith.constant 0 : index
    %get3A_594 = vector.load %arg2[%get3A_592, %get3A_593] : memref<2x128xf32, #tpu.memory_space<vmem>>, vector<1x128xf32>
    %add3A_595 = arith.addf %add3A_591, %get3A_594 : vector<1x128xf32>
    %swap3A_596 = arith.constant 42 : index
    %swap3A_597 = arith.constant 0 : index
    %swap3A_598 = vector.load %arg3[%swap3A_596, %swap3A_597] : memref<60x128xf32, #tpu.memory_space<vmem>>, vector<1x128xf32>
    tpu.vector_store %arg3[%swap3A_596, %swap3A_597], %add3A_595 {strides = array<i32>} : memref<60x128xf32, #tpu.memory_space<vmem>>, vector<1x128xf32>,
    %get3A_599 = arith.constant 3 : index
    %get3A_600 = arith.constant 0 : index
    %get3A_601 = vector.load %arg0[%get3A_599, %get3A_600] : memref<5x128xf32, #tpu.memory_space<vmem>>, vector<1x128xf32>
    %get3A_602 = arith.constant 3 : index
    %get3A_603 = arith.constant 0 : index
    %get3A_604 = vector.load %arg1[%get3A_602, %get3A_603] : memref<6x128xf32, #tpu.memory_space<vmem>>, vector<1x128xf32>
    %add3A_605 = arith.addf %get3A_601, %get3A_604 : vector<1x128xf32>
    %get3A_606 = arith.constant 1 : index
    %get3A_607 = arith.constant 0 : index
    %get3A_608 = vector.load %arg2[%get3A_606, %get3A_607] : memref<2x128xf32, #tpu.memory_space<vmem>>, vector<1x128xf32>
    %add3A_609 = arith.addf %add3A_605, %get3A_608 : vector<1x128xf32>
    %swap3A_610 = arith.constant 43 : index
    %swap3A_611 = arith.constant 0 : index
    %swap3A_612 = vector.load %arg3[%swap3A_610, %swap3A_611] : memref<60x128xf32, #tpu.memory_space<vmem>>, vector<1x128xf32>
    tpu.vector_store %arg3[%swap3A_610, %swap3A_611], %add3A_609 {strides = array<i32>} : memref<60x128xf32, #tpu.memory_space<vmem>>, vector<1x128xf32>,
    %get3A_613 = arith.constant 3 : index
    %get3A_614 = arith.constant 0 : index
    %get3A_615 = vector.load %arg0[%get3A_613, %get3A_614] : memref<5x128xf32, #tpu.memory_space<vmem>>, vector<1x128xf32>
    %get3A_616 = arith.constant 4 : index
    %get3A_617 = arith.constant 0 : index
    %get3A_618 = vector.load %arg1[%get3A_616, %get3A_617] : memref<6x128xf32, #tpu.memory_space<vmem>>, vector<1x128xf32>
    %add3A_619 = arith.addf %get3A_615, %get3A_618 : vector<1x128xf32>
    %get3A_620 = arith.constant 0 : index
    %get3A_621 = arith.constant 0 : index
    %get3A_622 = vector.load %arg2[%get3A_620, %get3A_621] : memref<2x128xf32, #tpu.memory_space<vmem>>, vector<1x128xf32>
    %add3A_623 = arith.addf %add3A_619, %get3A_622 : vector<1x128xf32>
    %swap3A_624 = arith.constant 44 : index
    %swap3A_625 = arith.constant 0 : index
    %swap3A_626 = vector.load %arg3[%swap3A_624, %swap3A_625] : memref<60x128xf32, #tpu.memory_space<vmem>>, vector<1x128xf32>
    tpu.vector_store %arg3[%swap3A_624, %swap3A_625], %add3A_623 {strides = array<i32>} : memref<60x128xf32, #tpu.memory_space<vmem>>, vector<1x128xf32>,
    %get3A_627 = arith.constant 3 : index
    %get3A_628 = arith.constant 0 : index
    %get3A_629 = vector.load %arg0[%get3A_627, %get3A_628] : memref<5x128xf32, #tpu.memory_space<vmem>>, vector<1x128xf32>
    %get3A_630 = arith.constant 4 : index
    %get3A_631 = arith.constant 0 : index
    %get3A_632 = vector.load %arg1[%get3A_630, %get3A_631] : memref<6x128xf32, #tpu.memory_space<vmem>>, vector<1x128xf32>
    %add3A_633 = arith.addf %get3A_629, %get3A_632 : vector<1x128xf32>
    %get3A_634 = arith.constant 1 : index
    %get3A_635 = arith.constant 0 : index
    %get3A_636 = vector.load %arg2[%get3A_634, %get3A_635] : memref<2x128xf32, #tpu.memory_space<vmem>>, vector<1x128xf32>
    %add3A_637 = arith.addf %add3A_633, %get3A_636 : vector<1x128xf32>
    %swap3A_638 = arith.constant 45 : index
    %swap3A_639 = arith.constant 0 : index
    %swap3A_640 = vector.load %arg3[%swap3A_638, %swap3A_639] : memref<60x128xf32, #tpu.memory_space<vmem>>, vector<1x128xf32>
    tpu.vector_store %arg3[%swap3A_638, %swap3A_639], %add3A_637 {strides = array<i32>} : memref<60x128xf32, #tpu.memory_space<vmem>>, vector<1x128xf32>,
    %get3A_641 = arith.constant 3 : index
    %get3A_642 = arith.constant 0 : index
    %get3A_643 = vector.load %arg0[%get3A_641, %get3A_642] : memref<5x128xf32, #tpu.memory_space<vmem>>, vector<1x128xf32>
    %get3A_644 = arith.constant 5 : index
    %get3A_645 = arith.constant 0 : index
    %get3A_646 = vector.load %arg1[%get3A_644, %get3A_645] : memref<6x128xf32, #tpu.memory_space<vmem>>, vector<1x128xf32>
    %add3A_647 = arith.addf %get3A_643, %get3A_646 : vector<1x128xf32>
    %get3A_648 = arith.constant 0 : index
    %get3A_649 = arith.constant 0 : index
    %get3A_650 = vector.load %arg2[%get3A_648, %get3A_649] : memref<2x128xf32, #tpu.memory_space<vmem>>, vector<1x128xf32>
    %add3A_651 = arith.addf %add3A_647, %get3A_650 : vector<1x128xf32>
    %swap3A_652 = arith.constant 46 : index
    %swap3A_653 = arith.constant 0 : index
    %swap3A_654 = vector.load %arg3[%swap3A_652, %swap3A_653] : memref<60x128xf32, #tpu.memory_space<vmem>>, vector<1x128xf32>
    tpu.vector_store %arg3[%swap3A_652, %swap3A_653], %add3A_651 {strides = array<i32>} : memref<60x128xf32, #tpu.memory_space<vmem>>, vector<1x128xf32>,
    %get3A_655 = arith.constant 3 : index
    %get3A_656 = arith.constant 0 : index
    %get3A_657 = vector.load %arg0[%get3A_655, %get3A_656] : memref<5x128xf32, #tpu.memory_space<vmem>>, vector<1x128xf32>
    %get3A_658 = arith.constant 5 : index
    %get3A_659 = arith.constant 0 : index
    %get3A_660 = vector.load %arg1[%get3A_658, %get3A_659] : memref<6x128xf32, #tpu.memory_space<vmem>>, vector<1x128xf32>
    %add3A_661 = arith.addf %get3A_657, %get3A_660 : vector<1x128xf32>
    %get3A_662 = arith.constant 1 : index
    %get3A_663 = arith.constant 0 : index
    %get3A_664 = vector.load %arg2[%get3A_662, %get3A_663] : memref<2x128xf32, #tpu.memory_space<vmem>>, vector<1x128xf32>
    %add3A_665 = arith.addf %add3A_661, %get3A_664 : vector<1x128xf32>
    %swap3A_666 = arith.constant 47 : index
    %swap3A_667 = arith.constant 0 : index
    %swap3A_668 = vector.load %arg3[%swap3A_666, %swap3A_667] : memref<60x128xf32, #tpu.memory_space<vmem>>, vector<1x128xf32>
    tpu.vector_store %arg3[%swap3A_666, %swap3A_667], %add3A_665 {strides = array<i32>} : memref<60x128xf32, #tpu.memory_space<vmem>>, vector<1x128xf32>,
    %get3A_669 = arith.constant 4 : index
    %get3A_670 = arith.constant 0 : index
    %get3A_671 = vector.load %arg0[%get3A_669, %get3A_670] : memref<5x128xf32, #tpu.memory_space<vmem>>, vector<1x128xf32>
    %get3A_672 = arith.constant 0 : index
    %get3A_673 = arith.constant 0 : index
    %get3A_674 = vector.load %arg1[%get3A_672, %get3A_673] : memref<6x128xf32, #tpu.memory_space<vmem>>, vector<1x128xf32>
    %add3A_675 = arith.addf %get3A_671, %get3A_674 : vector<1x128xf32>
    %get3A_676 = arith.constant 0 : index
    %get3A_677 = arith.constant 0 : index
    %get3A_678 = vector.load %arg2[%get3A_676, %get3A_677] : memref<2x128xf32, #tpu.memory_space<vmem>>, vector<1x128xf32>
    %add3A_679 = arith.addf %add3A_675, %get3A_678 : vector<1x128xf32>
    %swap3A_680 = arith.constant 48 : index
    %swap3A_681 = arith.constant 0 : index
    %swap3A_682 = vector.load %arg3[%swap3A_680, %swap3A_681] : memref<60x128xf32, #tpu.memory_space<vmem>>, vector<1x128xf32>
    tpu.vector_store %arg3[%swap3A_680, %swap3A_681], %add3A_679 {strides = array<i32>} : memref<60x128xf32, #tpu.memory_space<vmem>>, vector<1x128xf32>,
    %get3A_683 = arith.constant 4 : index
    %get3A_684 = arith.constant 0 : index
    %get3A_685 = vector.load %arg0[%get3A_683, %get3A_684] : memref<5x128xf32, #tpu.memory_space<vmem>>, vector<1x128xf32>
    %get3A_686 = arith.constant 0 : index
    %get3A_687 = arith.constant 0 : index
    %get3A_688 = vector.load %arg1[%get3A_686, %get3A_687] : memref<6x128xf32, #tpu.memory_space<vmem>>, vector<1x128xf32>
    %add3A_689 = arith.addf %get3A_685, %get3A_688 : vector<1x128xf32>
    %get3A_690 = arith.constant 1 : index
    %get3A_691 = arith.constant 0 : index
    %get3A_692 = vector.load %arg2[%get3A_690, %get3A_691] : memref<2x128xf32, #tpu.memory_space<vmem>>, vector<1x128xf32>
    %add3A_693 = arith.addf %add3A_689, %get3A_692 : vector<1x128xf32>
    %swap3A_694 = arith.constant 49 : index
    %swap3A_695 = arith.constant 0 : index
    %swap3A_696 = vector.load %arg3[%swap3A_694, %swap3A_695] : memref<60x128xf32, #tpu.memory_space<vmem>>, vector<1x128xf32>
    tpu.vector_store %arg3[%swap3A_694, %swap3A_695], %add3A_693 {strides = array<i32>} : memref<60x128xf32, #tpu.memory_space<vmem>>, vector<1x128xf32>,
    %get3A_697 = arith.constant 4 : index
    %get3A_698 = arith.constant 0 : index
    %get3A_699 = vector.load %arg0[%get3A_697, %get3A_698] : memref<5x128xf32, #tpu.memory_space<vmem>>, vector<1x128xf32>
    %get3A_700 = arith.constant 1 : index
    %get3A_701 = arith.constant 0 : index
    %get3A_702 = vector.load %arg1[%get3A_700, %get3A_701] : memref<6x128xf32, #tpu.memory_space<vmem>>, vector<1x128xf32>
    %add3A_703 = arith.addf %get3A_699, %get3A_702 : vector<1x128xf32>
    %get3A_704 = arith.constant 0 : index
    %get3A_705 = arith.constant 0 : index
    %get3A_706 = vector.load %arg2[%get3A_704, %get3A_705] : memref<2x128xf32, #tpu.memory_space<vmem>>, vector<1x128xf32>
    %add3A_707 = arith.addf %add3A_703, %get3A_706 : vector<1x128xf32>
    %swap3A_708 = arith.constant 50 : index
    %swap3A_709 = arith.constant 0 : index
    %swap3A_710 = vector.load %arg3[%swap3A_708, %swap3A_709] : memref<60x128xf32, #tpu.memory_space<vmem>>, vector<1x128xf32>
    tpu.vector_store %arg3[%swap3A_708, %swap3A_709], %add3A_707 {strides = array<i32>} : memref<60x128xf32, #tpu.memory_space<vmem>>, vector<1x128xf32>,
    %get3A_711 = arith.constant 4 : index
    %get3A_712 = arith.constant 0 : index
    %get3A_713 = vector.load %arg0[%get3A_711, %get3A_712] : memref<5x128xf32, #tpu.memory_space<vmem>>, vector<1x128xf32>
    %get3A_714 = arith.constant 1 : index
    %get3A_715 = arith.constant 0 : index
    %get3A_716 = vector.load %arg1[%get3A_714, %get3A_715] : memref<6x128xf32, #tpu.memory_space<vmem>>, vector<1x128xf32>
    %add3A_717 = arith.addf %get3A_713, %get3A_716 : vector<1x128xf32>
    %get3A_718 = arith.constant 1 : index
    %get3A_719 = arith.constant 0 : index
    %get3A_720 = vector.load %arg2[%get3A_718, %get3A_719] : memref<2x128xf32, #tpu.memory_space<vmem>>, vector<1x128xf32>
    %add3A_721 = arith.addf %add3A_717, %get3A_720 : vector<1x128xf32>
    %swap3A_722 = arith.constant 51 : index
    %swap3A_723 = arith.constant 0 : index
    %swap3A_724 = vector.load %arg3[%swap3A_722, %swap3A_723] : memref<60x128xf32, #tpu.memory_space<vmem>>, vector<1x128xf32>
    tpu.vector_store %arg3[%swap3A_722, %swap3A_723], %add3A_721 {strides = array<i32>} : memref<60x128xf32, #tpu.memory_space<vmem>>, vector<1x128xf32>,
    %get3A_725 = arith.constant 4 : index
    %get3A_726 = arith.constant 0 : index
    %get3A_727 = vector.load %arg0[%get3A_725, %get3A_726] : memref<5x128xf32, #tpu.memory_space<vmem>>, vector<1x128xf32>
    %get3A_728 = arith.constant 2 : index
    %get3A_729 = arith.constant 0 : index
    %get3A_730 = vector.load %arg1[%get3A_728, %get3A_729] : memref<6x128xf32, #tpu.memory_space<vmem>>, vector<1x128xf32>
    %add3A_731 = arith.addf %get3A_727, %get3A_730 : vector<1x128xf32>
    %get3A_732 = arith.constant 0 : index
    %get3A_733 = arith.constant 0 : index
    %get3A_734 = vector.load %arg2[%get3A_732, %get3A_733] : memref<2x128xf32, #tpu.memory_space<vmem>>, vector<1x128xf32>
    %add3A_735 = arith.addf %add3A_731, %get3A_734 : vector<1x128xf32>
    %swap3A_736 = arith.constant 52 : index
    %swap3A_737 = arith.constant 0 : index
    %swap3A_738 = vector.load %arg3[%swap3A_736, %swap3A_737] : memref<60x128xf32, #tpu.memory_space<vmem>>, vector<1x128xf32>
    tpu.vector_store %arg3[%swap3A_736, %swap3A_737], %add3A_735 {strides = array<i32>} : memref<60x128xf32, #tpu.memory_space<vmem>>, vector<1x128xf32>,
    %get3A_739 = arith.constant 4 : index
    %get3A_740 = arith.constant 0 : index
    %get3A_741 = vector.load %arg0[%get3A_739, %get3A_740] : memref<5x128xf32, #tpu.memory_space<vmem>>, vector<1x128xf32>
    %get3A_742 = arith.constant 2 : index
    %get3A_743 = arith.constant 0 : index
    %get3A_744 = vector.load %arg1[%get3A_742, %get3A_743] : memref<6x128xf32, #tpu.memory_space<vmem>>, vector<1x128xf32>
    %add3A_745 = arith.addf %get3A_741, %get3A_744 : vector<1x128xf32>
    %get3A_746 = arith.constant 1 : index
    %get3A_747 = arith.constant 0 : index
    %get3A_748 = vector.load %arg2[%get3A_746, %get3A_747] : memref<2x128xf32, #tpu.memory_space<vmem>>, vector<1x128xf32>
    %add3A_749 = arith.addf %add3A_745, %get3A_748 : vector<1x128xf32>
    %swap3A_750 = arith.constant 53 : index
    %swap3A_751 = arith.constant 0 : index
    %swap3A_752 = vector.load %arg3[%swap3A_750, %swap3A_751] : memref<60x128xf32, #tpu.memory_space<vmem>>, vector<1x128xf32>
    tpu.vector_store %arg3[%swap3A_750, %swap3A_751], %add3A_749 {strides = array<i32>} : memref<60x128xf32, #tpu.memory_space<vmem>>, vector<1x128xf32>,
    %get3A_753 = arith.constant 4 : index
    %get3A_754 = arith.constant 0 : index
    %get3A_755 = vector.load %arg0[%get3A_753, %get3A_754] : memref<5x128xf32, #tpu.memory_space<vmem>>, vector<1x128xf32>
    %get3A_756 = arith.constant 3 : index
    %get3A_757 = arith.constant 0 : index
    %get3A_758 = vector.load %arg1[%get3A_756, %get3A_757] : memref<6x128xf32, #tpu.memory_space<vmem>>, vector<1x128xf32>
    %add3A_759 = arith.addf %get3A_755, %get3A_758 : vector<1x128xf32>
    %get3A_760 = arith.constant 0 : index
    %get3A_761 = arith.constant 0 : index
    %get3A_762 = vector.load %arg2[%get3A_760, %get3A_761] : memref<2x128xf32, #tpu.memory_space<vmem>>, vector<1x128xf32>
    %add3A_763 = arith.addf %add3A_759, %get3A_762 : vector<1x128xf32>
    %swap3A_764 = arith.constant 54 : index
    %swap3A_765 = arith.constant 0 : index
    %swap3A_766 = vector.load %arg3[%swap3A_764, %swap3A_765] : memref<60x128xf32, #tpu.memory_space<vmem>>, vector<1x128xf32>
    tpu.vector_store %arg3[%swap3A_764, %swap3A_765], %add3A_763 {strides = array<i32>} : memref<60x128xf32, #tpu.memory_space<vmem>>, vector<1x128xf32>,
    %get3A_767 = arith.constant 4 : index
    %get3A_768 = arith.constant 0 : index
    %get3A_769 = vector.load %arg0[%get3A_767, %get3A_768] : memref<5x128xf32, #tpu.memory_space<vmem>>, vector<1x128xf32>
    %get3A_770 = arith.constant 3 : index
    %get3A_771 = arith.constant 0 : index
    %get3A_772 = vector.load %arg1[%get3A_770, %get3A_771] : memref<6x128xf32, #tpu.memory_space<vmem>>, vector<1x128xf32>
    %add3A_773 = arith.addf %get3A_769, %get3A_772 : vector<1x128xf32>
    %get3A_774 = arith.constant 1 : index
    %get3A_775 = arith.constant 0 : index
    %get3A_776 = vector.load %arg2[%get3A_774, %get3A_775] : memref<2x128xf32, #tpu.memory_space<vmem>>, vector<1x128xf32>
    %add3A_777 = arith.addf %add3A_773, %get3A_776 : vector<1x128xf32>
    %swap3A_778 = arith.constant 55 : index
    %swap3A_779 = arith.constant 0 : index
    %swap3A_780 = vector.load %arg3[%swap3A_778, %swap3A_779] : memref<60x128xf32, #tpu.memory_space<vmem>>, vector<1x128xf32>
    tpu.vector_store %arg3[%swap3A_778, %swap3A_779], %add3A_777 {strides = array<i32>} : memref<60x128xf32, #tpu.memory_space<vmem>>, vector<1x128xf32>,
    %get3A_781 = arith.constant 4 : index
    %get3A_782 = arith.constant 0 : index
    %get3A_783 = vector.load %arg0[%get3A_781, %get3A_782] : memref<5x128xf32, #tpu.memory_space<vmem>>, vector<1x128xf32>
    %get3A_784 = arith.constant 4 : index
    %get3A_785 = arith.constant 0 : index
    %get3A_786 = vector.load %arg1[%get3A_784, %get3A_785] : memref<6x128xf32, #tpu.memory_space<vmem>>, vector<1x128xf32>
    %add3A_787 = arith.addf %get3A_783, %get3A_786 : vector<1x128xf32>
    %get3A_788 = arith.constant 0 : index
    %get3A_789 = arith.constant 0 : index
    %get3A_790 = vector.load %arg2[%get3A_788, %get3A_789] : memref<2x128xf32, #tpu.memory_space<vmem>>, vector<1x128xf32>
    %add3A_791 = arith.addf %add3A_787, %get3A_790 : vector<1x128xf32>
    %swap3A_792 = arith.constant 56 : index
    %swap3A_793 = arith.constant 0 : index
    %swap3A_794 = vector.load %arg3[%swap3A_792, %swap3A_793] : memref<60x128xf32, #tpu.memory_space<vmem>>, vector<1x128xf32>
    tpu.vector_store %arg3[%swap3A_792, %swap3A_793], %add3A_791 {strides = array<i32>} : memref<60x128xf32, #tpu.memory_space<vmem>>, vector<1x128xf32>,
    %get3A_795 = arith.constant 4 : index
    %get3A_796 = arith.constant 0 : index
    %get3A_797 = vector.load %arg0[%get3A_795, %get3A_796] : memref<5x128xf32, #tpu.memory_space<vmem>>, vector<1x128xf32>
    %get3A_798 = arith.constant 4 : index
    %get3A_799 = arith.constant 0 : index
    %get3A_800 = vector.load %arg1[%get3A_798, %get3A_799] : memref<6x128xf32, #tpu.memory_space<vmem>>, vector<1x128xf32>
    %add3A_801 = arith.addf %get3A_797, %get3A_800 : vector<1x128xf32>
    %get3A_802 = arith.constant 1 : index
    %get3A_803 = arith.constant 0 : index
    %get3A_804 = vector.load %arg2[%get3A_802, %get3A_803] : memref<2x128xf32, #tpu.memory_space<vmem>>, vector<1x128xf32>
    %add3A_805 = arith.addf %add3A_801, %get3A_804 : vector<1x128xf32>
    %swap3A_806 = arith.constant 57 : index
    %swap3A_807 = arith.constant 0 : index
    %swap3A_808 = vector.load %arg3[%swap3A_806, %swap3A_807] : memref<60x128xf32, #tpu.memory_space<vmem>>, vector<1x128xf32>
    tpu.vector_store %arg3[%swap3A_806, %swap3A_807], %add3A_805 {strides = array<i32>} : memref<60x128xf32, #tpu.memory_space<vmem>>, vector<1x128xf32>,
    %get3A_809 = arith.constant 4 : index
    %get3A_810 = arith.constant 0 : index
    %get3A_811 = vector.load %arg0[%get3A_809, %get3A_810] : memref<5x128xf32, #tpu.memory_space<vmem>>, vector<1x128xf32>
    %get3A_812 = arith.constant 5 : index
    %get3A_813 = arith.constant 0 : index
    %get3A_814 = vector.load %arg1[%get3A_812, %get3A_813] : memref<6x128xf32, #tpu.memory_space<vmem>>, vector<1x128xf32>
    %add3A_815 = arith.addf %get3A_811, %get3A_814 : vector<1x128xf32>
    %get3A_816 = arith.constant 0 : index
    %get3A_817 = arith.constant 0 : index
    %get3A_818 = vector.load %arg2[%get3A_816, %get3A_817] : memref<2x128xf32, #tpu.memory_space<vmem>>, vector<1x128xf32>
    %add3A_819 = arith.addf %add3A_815, %get3A_818 : vector<1x128xf32>
    %swap3A_820 = arith.constant 58 : index
    %swap3A_821 = arith.constant 0 : index
    %swap3A_822 = vector.load %arg3[%swap3A_820, %swap3A_821] : memref<60x128xf32, #tpu.memory_space<vmem>>, vector<1x128xf32>
    tpu.vector_store %arg3[%swap3A_820, %swap3A_821], %add3A_819 {strides = array<i32>} : memref<60x128xf32, #tpu.memory_space<vmem>>, vector<1x128xf32>,
    %get3A_823 = arith.constant 4 : index
    %get3A_824 = arith.constant 0 : index
    %get3A_825 = vector.load %arg0[%get3A_823, %get3A_824] : memref<5x128xf32, #tpu.memory_space<vmem>>, vector<1x128xf32>
    %get3A_826 = arith.constant 5 : index
    %get3A_827 = arith.constant 0 : index
    %get3A_828 = vector.load %arg1[%get3A_826, %get3A_827] : memref<6x128xf32, #tpu.memory_space<vmem>>, vector<1x128xf32>
    %add3A_829 = arith.addf %get3A_825, %get3A_828 : vector<1x128xf32>
    %get3A_830 = arith.constant 1 : index
    %get3A_831 = arith.constant 0 : index
    %get3A_832 = vector.load %arg2[%get3A_830, %get3A_831] : memref<2x128xf32, #tpu.memory_space<vmem>>, vector<1x128xf32>
    %add3A_833 = arith.addf %add3A_829, %get3A_832 : vector<1x128xf32>
    %swap3A_834 = arith.constant 59 : index
    %swap3A_835 = arith.constant 0 : index
    %swap3A_836 = vector.load %arg3[%swap3A_834, %swap3A_835] : memref<60x128xf32, #tpu.memory_space<vmem>>, vector<1x128xf32>
    tpu.vector_store %arg3[%swap3A_834, %swap3A_835], %add3A_833 {strides = array<i32>} : memref<60x128xf32, #tpu.memory_space<vmem>>, vector<1x128xf32>,
    return
  }
}

</mosaic_0001>

<sc_bundles>
// kernel: kernel.4.cloned.1.call-start
scs
__scs_entry_jumppad:
0x0: {  	(pc) =	sbr.rel $0x88, $3  }
0x1: {  	(tag) =	ssettag $0x0;
	lr =	simm.s32 $0x1  }
0x2: {  	[smem:$0x3F9D] =	sst lr;
	_ =	strace $0xD0000000  }
0x3: {  	_ = 	snop  }
0x4: {  	_ = 	snop  }
0x5: {  	_ = 	snop  }
0x6: {  	_ = 	snop  }
0x7: {  	_ = 	snop  }
__scs_overlays_trampoline_lowered:
0x8: {  	[smem:$0x3FAC] =	sst s0  }
0x9: {  	[smem:$0x3FAD] =	sst s1  }
0xa: {  	[smem:$0x3FAE] =	sst s2  }
0xb: {  	[smem:$0x3FAF] =	sst s3  }
0xc: {  	[smem:$0x3FB0] =	sst s4  }
0xd: {  	[smem:$0x3FB1] =	sst s5  }
0xe: {  	[smem:$0x3FB2] =	sst s6  }
0xf: {  	[smem:$0x3FB3] =	sst s7  }
0x10: {  	[smem:$0x3FB4] =	sst s8  }
0x11: {  	[smem:$0x3FB5] =	sst s9;
	s0 =	simm.s32 @!p0 $0x0  }
0x12: {  	s1 =	sld [smem:$0x3F9B];
	s0 =	simm.s32 @p0 $0x1  }
0x13: {  	[smem:$0x3FB6] =	sst s0;
	s0 =	simm.s32 @!p1 $0x0  }
0x14: {  	s2 =	sld [smem:$0x3F9A];
	s0 =	simm.s32 @p1 $0x1  }
0x15: {  	[smem:$0x3FB7] =	sst s0;
	s0 =	simm.s32 @!p2 $0x0  }
0x16: {  	s3 =	sld [smem:$0x3FDB];
	s0 =	simm.s32 @p2 $0x1  }
0x17: {  	s4 =	simm.s32 $0x1BF5;
	[smem:$0x3FB9] =	sst s0  }
0x18: {  	s0 =	sld [smem:$0x3F9C];
	_ =	swait.ge [sflag:s4], $0x0  }
0x19: {  	s7 =	sld [smem:$0x3F9D]  }
0x1a: {  	s8 =	sadd.s32 $0xFFFFE003, lr  }
0x1b: {  	s9 =	sadd.s32 $0xFFFFFEF7, lr;
	s5 =	simm.s32 $0xFFFFFFFF;
	p2 =	slt.u32 s8, $0xFFFFF086  }
0x1c: {  	p1 =	slt.u32 s9, $0xF7A;
	s5 =	simm.s32 @!p2 $0x0  }
0x1d: {  	s5 =	simm.s32 @p1 $0x1;
	p0 =	seq.s32 s7, s2  }
0x1e: {  	s7 =	smul.u32 @!p0 $0xF7A, s2;
	p2 =	seq.s32 @!p0 s5, $0x0  }
0x1f: {  	s9 =	smul.u32 $0xF7A, s1;
	s8 =	simm.s32 @!p0 $0x1BF5;
	p2 =	por !p2, p0  }
0x20: {  	[sflag:s8] =	ssyncset.s32 @!p0 $0xFFFFF086;
	s6 =	sadd.s32 @!p0 s3, s7;
	s7 =	simm.s32 @!p0 $0x108  }
0x21: {  	s3 =	sadd.s32 s3, s9;
	s6 =	sadd.s32 @!p0 $0x88, s6;
	s7 =	simm.s32 @p2 $0x1082  }
0x22: {  	[simem:s7], [sflag:s8] =	dma.local @!p0 [hbm:s6], $0xF7A  }
0x23: {  	s9 =	sor.u32 $0xD0000000, s2;
	s6 =	simm.s32 $0x108;
	_ =	swait.ge @!p0 [sflag:s8], $0x0  }
0x24: {  	s3 =	sadd.s32 $0x88, s3;
	s6 =	simm.s32 @!p1 $0x1082;
	[sflag:s4] =	ssyncset.s32 $0xFFFFF086  }
0x25: {  	[simem:s6], [sflag:s4] =	dma.local [hbm:s3], $0xF7A  }
0x26: {  	[smem:$0x3F9D] =	sst s1;
	(tag) =	ssettag s2;
	_ =	strace s9  }
0x27: {  	s1 =	sld [smem:$0x3FAD]  }
0x28: {  	s2 =	sld [smem:$0x3FAE]  }
0x29: {  	s4 =	sld [smem:$0x3FB0]  }
0x2a: {  	p0 =	seq.s32 s5, $0x0;
	s5 =	sld [smem:$0x3FB1]  }
0x2b: {  	s6 =	sld [smem:$0x3FB2]  }
0x2c: {  	s7 =	sld [smem:$0x3FB3]  }
0x2d: {  	s3 =	simm.s32 $0x108;
	s8 =	sld [smem:$0x3FB4]  }
0x2e: {  	s3 =	simm.s32 @!p0 $0x1082;
	s9 =	sld [smem:$0x3FB5]  }
0x2f: {  	lr =	sadd.s32 s0, s3;
	s0 =	sld [smem:$0x3FAC]  }
0x30: {  	s3 =	sld [smem:$0x3FAF]  }
0x31: {  	[smem:$0x3FB8] =	sst s10  }
0x32: {  	s10 =	sld [smem:$0x3FB6];
	_ =	sdelay $0x3  }
0x33: {  	p0 =	seq.s32 s10, $0x1;
	s10 =	sld [smem:$0x3FB8];
	_ =	sdelay $0x3  }
0x34: {  	[smem:$0x3FB8] =	sst s10  }
0x35: {  	s10 =	sld [smem:$0x3FB7];
	_ =	sdelay $0x3  }
0x36: {  	p1 =	seq.s32 s10, $0x1;
	s10 =	sld [smem:$0x3FB8];
	_ =	sdelay $0x3  }
0x37: {  	[smem:$0x3FB8] =	sst s10  }
0x38: {  	s10 =	sld [smem:$0x3FB9]  }
0x39: {  	_ = 	snop;
	(pc) =	sbr.ind lr, $3  }
0x3a: {  	_ = 	snop  }
0x3b: {  	_ = 	snop  }
0x3c: {  	p2 =	seq.s32 s10, $0x1;
	s10 =	sld [smem:$0x3FB8]  }
0x3d: {  	_ =	shalt  }
0x3e: {  	_ =	shalt  }
0x3f: {  	_ =	shalt  }
0x40: {  	_ =	shalt  }
0x41: {  	_ =	shalt  }
0x42: {  	_ =	shalt  }
0x43: {  	_ =	shalt  }
0x44: {  	_ =	shalt  }
0x45: {  	_ =	shalt  }
0x46: {  	_ =	shalt  }
0x47: {  	_ =	shalt  }
0x48: {  	_ =	shalt  }
0x49: {  	_ =	shalt  }
0x4a: {  	_ =	shalt  }
0x4b: {  	_ =	shalt  }
0x4c: {  	_ =	shalt  }
0x4d: {  	_ =	shalt  }
0x4e: {  	_ =	shalt  }
0x4f: {  	_ =	shalt  }
0x50: {  	_ =	shalt  }
0x51: {  	_ =	shalt  }
0x52: {  	_ =	shalt  }
0x53: {  	_ =	shalt  }
0x54: {  	_ =	shalt  }
0x55: {  	_ =	shalt  }
0x56: {  	_ =	shalt  }
0x57: {  	_ =	shalt  }
0x58: {  	_ =	shalt  }
0x59: {  	_ =	shalt  }
0x5a: {  	_ =	shalt  }
0x5b: {  	_ =	shalt  }
0x5c: {  	_ =	shalt  }
0x5d: {  	_ =	shalt  }
0x5e: {  	_ =	shalt  }
0x5f: {  	_ =	shalt  }
0x60: {  	_ =	shalt  }
0x61: {  	_ =	shalt  }
0x62: {  	_ =	shalt  }
0x63: {  	_ =	shalt  }
0x64: {  	_ =	shalt  }
0x65: {  	_ =	shalt  }
0x66: {  	_ =	shalt  }
0x67: {  	_ =	shalt  }
0x68: {  	_ =	shalt  }
0x69: {  	_ =	shalt  }
0x6a: {  	_ =	shalt  }
0x6b: {  	_ =	shalt  }
0x6c: {  	_ =	shalt  }
0x6d: {  	_ =	shalt  }
0x6e: {  	_ =	shalt  }
0x6f: {  	_ =	shalt  }
0x70: {  	_ =	shalt  }
0x71: {  	_ =	shalt  }
0x72: {  	_ =	shalt  }
0x73: {  	_ =	shalt  }
0x74: {  	_ =	shalt  }
0x75: {  	_ =	shalt  }
0x76: {  	_ =	shalt  }
0x77: {  	_ =	shalt  }
0x78: {  	_ =	shalt  }
0x79: {  	_ =	shalt  }
0x7a: {  	_ =	shalt  }
0x7b: {  	_ =	shalt  }
0x7c: {  	_ =	shalt  }
0x7d: {  	_ =	shalt  }
0x7e: {  	_ =	shalt  }
0x7f: {  	_ =	shalt  }
0x80: {  	_ =	shalt  }
0x81: {  	_ =	shalt  }
0x82: {  	_ =	shalt  }
0x83: {  	_ =	shalt  }
0x84: {  	_ =	shalt  }
0x85: {  	_ =	shalt  }
0x86: {  	_ =	shalt  }
0x87: {  	_ =	shalt  }
.Lfunc_end0:
.L_simem_size_0:
called_computation_lowered:
.L_overlay_start_0:
0x88: {  	s2 =	sld [smem:$0x3FD9]  }
0x89: {  	s3 =	sld [smem:$0x3FFE];
	_ =	sdelay $0x1  }
0x8a: {  	s1 =	srdreg.scid  }
0x8b: {  	s0 =	sand.u32 $0x1, s1  }
0x8c: {  	s17 =	sshll.u32 s0, $0xA;
	s2 =	sadd.s32 s3, s2  }
0x8d: {  	s2 =	sadd.s32 s2, s17  }
0x8e: {  	[smem:$0x3FC4] =	sst s2  }
0x8f: {  	_ = 	snop  }
0x90: {  	s2 =	sld [smem:$0x3FD0];
	(tm) =	ssettm $0x1  }
0x91: {  	s18 =	sld [smem:$0x3FFB];
	_ =	sdelay $0x3  }
0x92: {  	_ =	strace s18  }
0x93: {  	s3 =	sld [smem:$0x3FFC];
	_ =	sdelay $0x3  }
0x94: {  	_ =	strace s3  }
0x95: {  	s3 =	sld [smem:$0x3FFD];
	_ =	sdelay $0x3  }
0x96: {  	_ =	strace s3  }
0x97: {  	_ =	strace $0x8FFFFFFF  }
0x98: {  	s19 =	sld [smem:$0x3FDB];
	_ =	sdelay $0x1  }
0x99: {  	s4 =	simm.s32 $_scs_section_size  }
0x9a: {  	s5 =	simm.s32 $_size__tile_overlayer_lowered;
	s6 =	simm.s32 $_tile_overlayer_lowered  }
0x9b: {  	s22 =	simm.s32 $0x1BFF;
	s21 =	sshll.u32 s6, $0x1;
	s3 =	sadd.s32 s4, s19  }
0x9c: {  	s7 =	simm.s32 $0x0;
	s20 =	sshll.u32 s5, $0x1;
	s5 =	sadd.s32 s21, s3  }
0x9d: {  	[timem:s7], [sflag:s22] =	dma.local [hbm:s5], s20  }
0x9e: {  	_ =	swait.ge [sflag:s22], s20  }
0x9f: {  	s4 =	ssub.s32 $0x0, s20;
	[sflag:s22] =	ssyncset.done $0x0  }
0xa0: {  	[sflag:s22] =	ssyncadd.s32 s4;
	_ =	sdelay $0x1  }
0xa1: {  	s23 =	simm.s32 $0x1B8B  }
0xa2: {  	_ =	swait.ge [sflag:s23], $0x1  }
0xa3: {  	[sflag:s23] =	ssyncset.done $0x0  }
0xa4: {  	s25 =	simm.s32 $0x1B8E;
	s24 =	sld [smem:$0x3FFE];
	[sflag:s23] =	ssyncadd.s32 $0xFFFFFFFF  }
0xa5: {  	s26 =	simm.s32 $execute0_lowered;
	[smem:$0x3FD2] =	sst s25  }
0xa6: {  	s5 =	sshll.u32 s26, $0x1;
	_ =	strace $0x80000046;
	[dreg:$0x1] =	wrdreg $0xFFFFFFFF  }
0xa7: {  	s28 =	simm.s32 $_size_execute0_lowered;
	s3 =	sadd.s32 s3, s5;
	[dreg:$0x0] =	wrdreg $0x0  }
0xa8: {  	s5 =	sshll.u32 s28, $0x1;
	[dreg:$0x2] =	wrdreg s3  }
0xa9: {  	[dreg:$0x3] =	wrdreg s5  }
0xaa: {  	[dreg:$0x4] =	wrdreg $0xC0  }
0xab: {  	_ =	task [dreg:s7], $0x5FFFF  }
0xac: {  	[dreg:$0x1] =	wrdreg $0xFFFFFFFF  }
0xad: {  	[dreg:$0x0] =	wrdreg $0x60  }
0xae: {  	[dreg:$0x2] =	wrdreg s24  }
0xaf: {  	[dreg:$0x3] =	wrdreg s2  }
0xb0: {  	[dreg:$0x4] =	wrdreg $0x96800  }
0xb1: {  	[dreg:$0x5] =	wrdreg $0x9  }
0xb2: {  	_ =	task.clear_ibuf [dreg:s7], $0x6FFFF;
	_ =	strace $0x90000046  }
0xb3: {  	s29 =	simm.s32 $0x9;
	_ =	strace $0x80000048  }
0xb4: {  	_ =	swait.ge [sflag:s29], $0x1  }
0xb5: {  	[sflag:s29] =	ssyncadd.s32 $0xFFFFFFFF  }
0xb6: {  	_ =	strace $0x90000048  }
0xb7: {  	_ =	sfence  }
0xb8: {  	s30 =	sld [smem:$0x0];
	_ =	sdelay $0x2  }
0xb9: {  	s31 =	sshll.u32 s1, $0xD;
	s1 =	sshrl.u32 s1, $0x2  }
0xba: {  	s3 =	sand.u32 $0x4000, s31;
	s1 =	sadd.s32 s1, s30  }
0xbb: {  	s0 =	sor.u32 s3, s0;
	s1 =	sshll.u32 s1, $0x11  }
0xbc: {  	s0 =	sor.u32 s1, s0  }
0xbd: {  	s0 =	sadd.s32 $0x8F2B, s0  }
0xbe: {  	[sflag:s0] =	ssyncadd.remote.s32 $0x1  }
0xbf: {  	_ =	sfence.sel $0xFFFF  }
0xc0: {  	[dreg:$0x0] =	wrdreg $0xFFFFFFFF;
	(pc) =	sbr.abs _section_cstart, $3  }
0xc1: {  	[dreg:$0x1] =	wrdreg $0xFFFFFFFF  }
0xc2: {  	_ =	task.clear_ibuf [dreg:s7], $0x2FFFF;
	_ =	strace $0x9FFFFFFF  }
0xc3: {  	(tm) =	ssettm $0x7FFFFFFF  }
tec
execute0_lowered:
.L_overlay_start_1:
0x0: {  	(tag) =	ssettag $0x1  }
0x1: {  	s0 =	rddreg [dreg:$0x0]  }
0x2: {  	s3 =	rddreg [dreg:$0x1];
	s2 =	srdreg.scid  }
0x3: {  	s4 =	stileid.u32;
	s1 =	rddreg [dreg:$0x2];
	s28 =	simm.s32 $0xEC60  }
0x4: {  	s29 =	simm.s32 $0x2;
	s30 =	simm.s32 $0x99E0;
	s31 =	simm.s32 $0x11460  }
0x5: {  	s5 =	sand.u32 $0x1, s2;
	s6 =	sshll.u32 s4, $0x1;
	s2 =	simm.s32 $0x0  }
0x6: {  	s11 =	sadd.s32 $0x1DA00, s0;
	s6 =	sor.u32 s5, s6;
	s7 =	ssub.s32 $0x2, s5  }
0x7: {  	[smem:$0x7FF] =	sst s2;
	s8 =	smul.u32 $0x2710, s6;
	s9 =	sshrl.u32 s7, $0x1  }
0x8: {  	_ =	strace $0x80000047;
	[dreg:$0x5] =	wrdreg s11;
	s7 =	ssub.s32 s7, s9  }
0x9: {  	s13 =	smul.u32 $0x27100, s6;
	s8 =	sshrl.u32 s8, $0x3;
	s26 =	smax.u32 s7, $0x1  }
0xa: {  	s10 =	smul.u32 $0x138800, s6;
	s8 =	sadd.s32 s0, s8;
	[dreg:$0x13] =	wrdreg s26  }
0xb: {  	s12 =	simm.s32 $0x0;
	s0 =	sadd.s32 s3, s13;
	[dreg:$0x6] =	wrdreg s8  }
0xc: {  	s14 =	sshrl.u32 s10, $0x3;
	s15 =	sadd.s32 $0x13C00, s8;
	[dreg:$0x9] =	wrdreg s0  }
0xd: {  	s6 =	sadd.s32 s3, s14;
	s8 =	sadd.s32 $0x9E00, s8;
	[dreg:$0x7] =	wrdreg s15  }
0xe: {  	s20 =	smul.u32 $0x4E200, s4;
	s16 =	sadd.s32 $0x500, s6;
	[dreg:$0x8] =	wrdreg s8  }
0xf: {  	p0 =	sne.s32 s4, $0x0;
	s17 =	sadd.s32 $0xA00, s6;
	[dreg:$0xa] =	wrdreg s16  }
0x10: {  	s5 =	smul.u32 $0x27100, s5;
	s18 =	sadd.s32 $0xF00, s6;
	[dreg:$0xb] =	wrdreg s17  }
0x11: {  	s11 =	simm.s32 $0xB;
	s19 =	sadd.s32 $0x1400, s6;
	[dreg:$0xc] =	wrdreg s18  }
0x12: {  	s9 =	simm.s32 $0x9;
	s21 =	sadd.s32 $0x25800, s6;
	[dreg:$0xd] =	wrdreg s19  }
0x13: {  	s7 =	simm.s32 $0x8;
	s22 =	sadd.s32 $0x25D00, s6;
	[dreg:$0xe] =	wrdreg s21  }
0x14: {  	s10 =	simm.s32 $0xA;
	s23 =	sadd.s32 $0x26200, s6;
	[dreg:$0xf] =	wrdreg s22  }
0x15: {  	s26 =	simm.s32 $0x9960;
	s24 =	sadd.s32 $0x26700, s6;
	[dreg:$0x10] =	wrdreg s23  }
0x16: {  	s0 =	sadd.s32 s20, s3;
	s25 =	sadd.s32 $0x26C00, s6;
	[dreg:$0x11] =	wrdreg s24  }
0x17: {  	s3 =	simm.s32 $0x4;
	s6 =	simm.s32 $0x5;
	[dreg:$0x12] =	wrdreg s25  }
0x18: {  	s0 =	sadd.s32 s5, s0;
	s21 =	simm.s32 $0x50;
	s22 =	simm.s32 $0x9860  }
0x19: {  	s23 =	simm.s32 $0x9C60;
	s24 =	simm.s32 $0x98E0;
	s25 =	simm.s32 $0xC460  }
0x1a: {  	s18 =	simm.s32 $0x9A60;
	s19 =	simm.s32 $0x13C60;
	s5 =	simm.s32 $0x7  }
0x1b: {  	s8 =	simm.s32 $0x6;
	[dreg:$0x4] =	wrdreg s0;
	s0 =	simm.s32 $0x3  }
.LBB2_1:
0x1c: {  	[dreg:$0x14] =	wrdreg s12  }
0x1d: {  	s4 =	rddreg [dreg:$0x7]  }
0x1e: {  	[tilespmem:s2], [sflag:$0x1] =	stream.linear.gather [hbm4b:s4+s2], $0x2710, $0x38;
	[tilespmem:$0x16460] =	vst v63  }
0x1f: {  	s14 =	rddreg [dreg:$0x8];
	s15 =	simm.s32 $0x2780  }
0x20: {  	[tilespmem:s15], [sflag:$0x1] =	stream.linear.gather [hbm4b:s14+s2], $0x2710, $0x38;
	[tilespmem:$0x16460] =	vst v63  }
0x21: {  	s16 =	rddreg [dreg:$0x6];
	s17 =	simm.s32 $0x4F00  }
0x22: {  	[tilespmem:s17], [sflag:$0x1] =	stream.linear.gather [hbm4b:s16+s2], $0x2710, $0x38;
	[tilespmem:$0x16460] =	vst v63  }
0x23: {  	s13 =	simm.s32 @!p0 $0x7680;
	s12 =	rddreg [dreg:$0x5];
	s4 =	simm.s32 @!p0 $0x0  }
0x24: {  	[tilespmem:s13], [sflag:$0xC] =	stream.linear.gather @!p0 [hbm4b:s12+s4], $0x1E00, $0x38;
	[tilespmem:$0x16460] =	vst v63  }
0x25: {  	s4 =	simm.s32 @!p0 $0xC  }
0x26: {  	_ =	swait.ge @!p0 [sflag:s4], $0x1E00  }
0x27: {  	[sflag:s4] =	ssyncset.done @!p0 $0x0  }
0x28: {  	[sflag:s4] =	ssyncadd.s32 @!p0 $0xFFFFE200  }
0x29: {  	[spmem:s1] =	stream.linear.scatter @!p0 [tilespmem:s13], [sflag:$0xC], $0x1E00, $0x38;
	[tilespmem:$0x16460] =	vst v63  }
0x2a: {  	_ =	swait.ge @!p0 [sflag:s4], $0x1E00  }
0x2b: {  	[sflag:s4] =	ssyncset.done @!p0 $0x0  }
0x2c: {  	s20 =	simm.s32 $0x1;
	[sflag:s4] =	ssyncadd.s32 @!p0 $0xFFFFE200  }
0x2d: {  	_ =	swait.ge [sflag:s20], $0x2710  }
0x2e: {  	[sflag:s20] =	ssyncset.done $0x0  }
0x2f: {  	[sflag:s20] =	ssyncadd.s32 $0xFFFFD8F0  }
0x30: {  	_ =	swait.ge [sflag:s20], $0x2710  }
0x31: {  	[sflag:s20] =	ssyncset.done $0x0  }
0x32: {  	[sflag:s20] =	ssyncadd.s32 $0xFFFFD8F0  }
0x33: {  	_ =	swait.ge [sflag:s20], $0x2710  }
0x34: {  	[sflag:s20] =	ssyncset.done $0x0  }
0x35: {  	[sflag:s20] =	ssyncadd.s32 $0xFFFFD8F0  }
0x36: {  	v0 =	vld [tilespmem:$0x0]  }
0x37: {  	v1 =	vld [tilespmem:$0x2780]  }
0x38: {  	v2 =	vld [tilespmem:$0x4F00]  }
0x39: {  	v3 =	vld [tilespmem:$0x10]  }
0x3a: {  	v4 =	vld [tilespmem:$0x2790]  }
0x3b: {  	v5 =	vld [tilespmem:$0x4F10]  }
0x3c: {  	v6 =	vld [tilespmem:$0x20]  }
0x3d: {  	v7 =	vld [tilespmem:$0x27A0]  }
0x3e: {  	v8 =	vld [tilespmem:$0x4F20]  }
0x3f: {  	v9 =	vld [tilespmem:$0x30]  }
0x40: {  	v10 =	vld [tilespmem:$0x27B0]  }
0x41: {  	v11 =	vld [tilespmem:$0x4F30]  }
0x42: {  	v12 =	vld [tilespmem:$0x40]  }
0x43: {  	v13 =	vld [tilespmem:$0x27C0]  }
0x44: {  	v14 =	vld [tilespmem:$0x4F40]  }
0x45: {  	v15 =	vld [tilespmem:$0x50]  }
0x46: {  	v16 =	vld [tilespmem:$0x27D0]  }
0x47: {  	v17 =	vld [tilespmem:$0x4F50]  }
0x48: {  	v18 =	vld [tilespmem:$0x60]  }
0x49: {  	v19 =	vld [tilespmem:$0x27E0]  }
0x4a: {  	v20 =	vld [tilespmem:$0x4F60]  }
0x4b: {  	v21 =	vld [tilespmem:$0x70]  }
0x4c: {  	v22 =	vld [tilespmem:$0x27F0]  }
0x4d: {  	v23 =	vld [tilespmem:$0x4F70]  }
0x4e: {  	v24 =	vld [tilespmem:$0x80]  }
0x4f: {  	v25 =	vld [tilespmem:$0x2800]  }
0x50: {  	v26 =	vld [tilespmem:$0x4F80]  }
0x51: {  	v27 =	vld [tilespmem:$0x90]  }
0x52: {  	v28 =	vld [tilespmem:$0x2810]  }
0x53: {  	v29 =	vld [tilespmem:$0x4F90];
	v0 =	vmul.u32 $0xC, v0;
	v1 =	vshll.u32 v1, $0x1;
	v3 =	vmul.u32 $0xC, v3  }
0x54: {  	v55 =	vld [tilespmem:$0xA0];
	v53 =	vshll.u32 v4, $0x1;
	v54 =	vmul.u32 $0xC, v6;
	v56 =	vshll.u32 v7, $0x1  }
0x55: {  	v57 =	vld [tilespmem:$0x2820];
	v58 =	vmul.u32 $0xC, v9;
	v59 =	vshll.u32 v10, $0x1;
	v60 =	vmul.u32 $0xC, v12  }
0x56: {  	v61 =	vld [tilespmem:$0xB0];
	v62 =	vshll.u32 v13, $0x1;
	v63 =	vmul.u32 $0xC, v15;
	v31 =	vshll.u32 v16, $0x1  }
0x57: {  	v36 =	vld [tilespmem:$0xC0];
	v35 =	vmul.u32 $0xC, v18;
	v38 =	vshll.u32 v19, $0x1;
	v39 =	vmul.u32 $0xC, v21  }
0x58: {  	v47 =	vld [tilespmem:$0xD0];
	v42 =	vshll.u32 v22, $0x1;
	v43 =	vmul.u32 $0xC, v24;
	v0 =	vadd.s32 v0, v1  }
0x59: {  	v30 =	vld [tilespmem:$0x2830];
	v46 =	vshll.u32 v25, $0x1;
	v1 =	vadd.s32 v3, v53;
	v0 =	vadd.s32 v2, v0  }
0x5a: {  	v32 =	vld [tilespmem:$0x4FB0];
	v50 =	vmul.u32 $0xC, v27;
	v4 =	vadd.s32 v58, v59;
	v1 =	vadd.s32 v5, v1;
	[tilespmem:$0x9860] =	vst v0  }
0x5b: {  	v40 =	vld [tilespmem:$0x2840];
	v6 =	vmul.u32 $0xC, v55;
	v7 =	vadd.s32 v60, v62;
	v4 =	vadd.s32 v11, v4;
	[tilespmem:$0x9870] =	vst v1  }
0x5c: {  	v44 =	vld [tilespmem:$0x4FC0];
	v9 =	vmul.u32 $0xC, v36;
	v34 =	vadd.s32 v63, v31;
	v33 =	vadd.s32 v14, v7;
	[tilespmem:$0x9890] =	vst v4  }
0x5d: {  	v51 =	vld [tilespmem:$0x2850];
	v18 =	vmul.u32 $0xC, v47;
	v45 =	vadd.s32 v39, v42;
	v37 =	vadd.s32 v17, v34;
	[tilespmem:$0x98A0] =	vst v33  }
0x5e: {  	v49 =	vadd.s32 v43, v46;
	v3 =	vshll.u32 v57, $0x1;
	v57 =	vld [tilespmem:$0x2860];
	v48 =	vadd.s32 v23, v45;
	[tilespmem:$0x98E0] =	vst v37  }
0x5f: {  	v53 =	vshll.u32 v28, $0x1;
	v2 =	vadd.s32 v54, v56;
	v52 =	vadd.s32 v26, v49;
	v54 =	vld [tilespmem:$0xE0];
	[tilespmem:$0x9900] =	vst v48  }
0x60: {  	v41 =	vadd.s32 v35, v38;
	v5 =	vld [tilespmem:$0x4FA0];
	v55 =	vadd.s32 v50, v53;
	v2 =	vadd.s32 v8, v2;
	[tilespmem:$0x9910] =	vst v52  }
0x61: {  	v56 =	vmul.u32 $0xC, v61;
	v61 =	vld [tilespmem:$0x4FD0];
	v17 =	vshll.u32 v40, $0x1;
	v58 =	vadd.s32 v29, v55;
	[tilespmem:$0x9880] =	vst v2  }
0x62: {  	v10 =	vld [tilespmem:$0x4FE0];
	v60 =	vshll.u32 v30, $0x1;
	v19 =	vadd.s32 v9, v17;
	v2 =	vadd.s32 v20, v41;
	[tilespmem:$0x9920] =	vst v58  }
0x63: {  	v59 =	vadd.s32 v6, v3;
	v63 =	vadd.s32 v56, v60;
	v22 =	vadd.s32 v44, v19;
	[tilespmem:$0x98F0] =	vst v2  }
0x64: {  	v20 =	vshll.u32 v51, $0x1;
	v12 =	vadd.s32 v32, v63;
	[tilespmem:$0x9980] =	vst v22;
	v21 =	vmul.u32 $0xC, v54  }
0x65: {  	v23 =	vadd.s32 v18, v20;
	[tilespmem:$0x9970] =	vst v12;
	v24 =	vshll.u32 v57, $0x1;
	v62 =	vadd.s32 v5, v59  }
0x66: {  	v25 =	vadd.s32 v61, v23;
	[tilespmem:$0x9960] =	vst v62;
	v26 =	vadd.s32 v21, v24  }
0x67: {  	[tilespmem:$0x9990] =	vst v25;
	v27 =	vadd.s32 v10, v26  }
0x68: {  	[tilespmem:$0x99A0] =	vst v27  }
0x69: {  	[bflag:$0x0] =	sbarrier.arrive $0xFFFF  }
0x6a: {  	[tilespmem:s23], [sflag:$0x2] =	stream.indirect.gather [spmem:s1], $0x80, s22, s21, $0xb8;
	[tilespmem:$0x16460] =	vst v63  }
0x6b: {  	_ = 	snop  }
0x6c: {  	[tilespmem:s25], [sflag:$0x3] =	stream.indirect.gather [spmem:s1], $0x80, s24, s21, $0xb8;
	[tilespmem:$0x16460] =	vst v63  }
0x6d: {  	_ = 	snop  }
0x6e: {  	[tilespmem:s28], [sflag:$0x4] =	stream.indirect.gather [spmem:s1], $0x80, s26, s21, $0xb8;
	[tilespmem:$0x16460] =	vst v63  }
0x6f: {  	_ =	swait.ge [sflag:s29], $0x2800  }
0x70: {  	[sflag:s29] =	ssyncset.done $0x0  }
0x71: {  	s12 =	rddreg [dreg:$0x9];
	[sflag:s29] =	ssyncadd.s32 $0xFFFFD800  }
0x72: {  	[hbm4b:s12+s2] =	stream.linear.scatter [tilespmem:s23], [sflag:$0x7], $0x2800, $0x38;
	[tilespmem:$0x16460] =	vst v63  }
0x73: {  	v28 =	vld [tilespmem:$0xF0]  }
0x74: {  	v29 =	vld [tilespmem:$0x2870]  }
0x75: {  	v30 =	vld [tilespmem:$0x4FF0]  }
0x76: {  	v31 =	vld [tilespmem:$0x100]  }
0x77: {  	v32 =	vld [tilespmem:$0x2880]  }
0x78: {  	v33 =	vld [tilespmem:$0x5000]  }
0x79: {  	v34 =	vld [tilespmem:$0x110]  }
0x7a: {  	v35 =	vld [tilespmem:$0x2890]  }
0x7b: {  	v37 =	vld [tilespmem:$0x120]  }
0x7c: {  	v38 =	vld [tilespmem:$0x28A0]  }
0x7d: {  	v39 =	vld [tilespmem:$0x130]  }
0x7e: {  	v40 =	vld [tilespmem:$0x28B0]  }
0x7f: {  	v42 =	vld [tilespmem:$0x5020];
	v0 =	vmul.u32 $0xC, v28;
	v1 =	vshll.u32 v29, $0x1  }
0x80: {  	v44 =	vld [tilespmem:$0x5030];
	v3 =	vmul.u32 $0xC, v31;
	v41 =	vshll.u32 v32, $0x1;
	v43 =	vmul.u32 $0xC, v34  }
0x81: {  	v36 =	vld [tilespmem:$0x5010];
	v46 =	vmul.u32 $0xC, v37;
	v48 =	vshll.u32 v38, $0x1;
	v0 =	vadd.s32 v0, v1  }
0x82: {  	v49 =	vmul.u32 $0xC, v39;
	v1 =	vadd.s32 v3, v41;
	v0 =	vadd.s32 v30, v0  }
0x83: {  	v51 =	vshll.u32 v40, $0x1;
	v50 =	vadd.s32 v46, v48;
	v1 =	vadd.s32 v33, v1;
	[tilespmem:$0x99E0] =	vst v0  }
0x84: {  	v45 =	vshll.u32 v35, $0x1;
	v53 =	vadd.s32 v49, v51;
	v52 =	vadd.s32 v42, v50;
	[tilespmem:$0x99F0] =	vst v1  }
0x85: {  	v47 =	vadd.s32 v43, v45;
	v54 =	vadd.s32 v44, v53;
	[tilespmem:$0x9A10] =	vst v52  }
0x86: {  	v0 =	vadd.s32 v36, v47;
	[tilespmem:$0x9A20] =	vst v54  }
0x87: {  	[tilespmem:$0x9A00] =	vst v0  }
0x88: {  	[tilespmem:s31], [sflag:$0x5] =	stream.indirect.gather [spmem:s1], $0x80, s30, s21, $0xb8;
	[tilespmem:$0x16460] =	vst v63  }
0x89: {  	_ =	swait.ge [sflag:s0], $0x2800  }
0x8a: {  	[sflag:s0] =	ssyncset.done $0x0  }
0x8b: {  	s13 =	rddreg [dreg:$0xa];
	[sflag:s0] =	ssyncadd.s32 $0xFFFFD800  }
0x8c: {  	[hbm4b:s13+s2] =	stream.linear.scatter [tilespmem:s25], [sflag:$0x8], $0x2800, $0x38;
	[tilespmem:$0x16460] =	vst v63  }
0x8d: {  	v55 =	vld [tilespmem:$0x140]  }
0x8e: {  	v56 =	vld [tilespmem:$0x28C0]  }
0x8f: {  	v57 =	vld [tilespmem:$0x5040]  }
0x90: {  	v58 =	vld [tilespmem:$0x150]  }
0x91: {  	v59 =	vld [tilespmem:$0x28D0]  }
0x92: {  	v60 =	vld [tilespmem:$0x5050]  }
0x93: {  	v61 =	vld [tilespmem:$0x160]  }
0x94: {  	v62 =	vld [tilespmem:$0x28E0]  }
0x95: {  	v16 =	vld [tilespmem:$0x170]  }
0x96: {  	v17 =	vld [tilespmem:$0x28F0]  }
0x97: {  	v18 =	vld [tilespmem:$0x180]  }
0x98: {  	v19 =	vld [tilespmem:$0x2900]  }
0x99: {  	v21 =	vld [tilespmem:$0x5070];
	v0 =	vmul.u32 $0xC, v55;
	v1 =	vshll.u32 v56, $0x1  }
0x9a: {  	v23 =	vld [tilespmem:$0x5080];
	v3 =	vmul.u32 $0xC, v58;
	v20 =	vshll.u32 v59, $0x1;
	v22 =	vmul.u32 $0xC, v61  }
0x9b: {  	v63 =	vld [tilespmem:$0x5060];
	v25 =	vmul.u32 $0xC, v16;
	v27 =	vshll.u32 v17, $0x1;
	v0 =	vadd.s32 v0, v1  }
0x9c: {  	v28 =	vmul.u32 $0xC, v18;
	v1 =	vadd.s32 v3, v20;
	v0 =	vadd.s32 v57, v0  }
0x9d: {  	v30 =	vshll.u32 v19, $0x1;
	v29 =	vadd.s32 v25, v27;
	v1 =	vadd.s32 v60, v1;
	[tilespmem:$0x9A60] =	vst v0  }
0x9e: {  	v24 =	vshll.u32 v62, $0x1;
	v32 =	vadd.s32 v28, v30;
	v31 =	vadd.s32 v21, v29;
	[tilespmem:$0x9A70] =	vst v1  }
0x9f: {  	v26 =	vadd.s32 v22, v24;
	v33 =	vadd.s32 v23, v32;
	[tilespmem:$0x9A90] =	vst v31  }
0xa0: {  	v0 =	vadd.s32 v63, v26;
	[tilespmem:$0x9AA0] =	vst v33  }
0xa1: {  	[tilespmem:$0x9A80] =	vst v0  }
0xa2: {  	[tilespmem:s19], [sflag:$0x6] =	stream.indirect.gather [spmem:s1], $0x80, s18, s21, $0xb8;
	[tilespmem:$0x16460] =	vst v63  }
0xa3: {  	_ =	swait.ge [sflag:s3], $0x2800  }
0xa4: {  	[sflag:s3] =	ssyncset.done $0x0  }
0xa5: {  	s14 =	rddreg [dreg:$0xb];
	[sflag:s3] =	ssyncadd.s32 $0xFFFFD800  }
0xa6: {  	[hbm4b:s14+s2] =	stream.linear.scatter [tilespmem:s28], [sflag:$0x9], $0x2800, $0x38;
	[tilespmem:$0x16460] =	vst v63  }
0xa7: {  	v34 =	vld [tilespmem:$0x190]  }
0xa8: {  	v35 =	vld [tilespmem:$0x2910]  }
0xa9: {  	v36 =	vld [tilespmem:$0x5090]  }
0xaa: {  	v37 =	vld [tilespmem:$0x1A0]  }
0xab: {  	v38 =	vld [tilespmem:$0x2920]  }
0xac: {  	v39 =	vld [tilespmem:$0x50A0]  }
0xad: {  	v40 =	vld [tilespmem:$0x1B0]  }
0xae: {  	v41 =	vld [tilespmem:$0x2930]  }
0xaf: {  	v43 =	vld [tilespmem:$0x1C0]  }
0xb0: {  	v44 =	vld [tilespmem:$0x2940]  }
0xb1: {  	v45 =	vld [tilespmem:$0x1D0]  }
0xb2: {  	v46 =	vld [tilespmem:$0x2950]  }
0xb3: {  	v48 =	vld [tilespmem:$0x50C0];
	v0 =	vmul.u32 $0xC, v34;
	v1 =	vshll.u32 v35, $0x1  }
0xb4: {  	v50 =	vld [tilespmem:$0x50D0];
	v3 =	vmul.u32 $0xC, v37;
	v47 =	vshll.u32 v38, $0x1;
	v49 =	vmul.u32 $0xC, v40  }
0xb5: {  	v42 =	vld [tilespmem:$0x50B0];
	v52 =	vmul.u32 $0xC, v43;
	v54 =	vshll.u32 v44, $0x1;
	v0 =	vadd.s32 v0, v1  }
0xb6: {  	v55 =	vmul.u32 $0xC, v45;
	v1 =	vadd.s32 v3, v47;
	v0 =	vadd.s32 v36, v0  }
0xb7: {  	v57 =	vshll.u32 v46, $0x1;
	v56 =	vadd.s32 v52, v54;
	v1 =	vadd.s32 v39, v1;
	[tilespmem:$0x9860] =	vst v0  }
0xb8: {  	v51 =	vshll.u32 v41, $0x1;
	v59 =	vadd.s32 v55, v57;
	v58 =	vadd.s32 v48, v56;
	[tilespmem:$0x9870] =	vst v1  }
0xb9: {  	v53 =	vadd.s32 v49, v51;
	v60 =	vadd.s32 v50, v59;
	[tilespmem:$0x9890] =	vst v58  }
0xba: {  	v0 =	vadd.s32 v42, v53;
	[tilespmem:$0x98A0] =	vst v60  }
0xbb: {  	[tilespmem:$0x9880] =	vst v0  }
0xbc: {  	_ =	swait.ge [sflag:s5], $0x2800  }
0xbd: {  	[sflag:s5] =	ssyncset.done $0x0  }
0xbe: {  	[sflag:s5] =	ssyncadd.s32 $0xFFFFD800  }
0xbf: {  	[tilespmem:s23], [sflag:$0x2] =	stream.indirect.gather [spmem:s1], $0x80, s22, s21, $0xb8;
	[tilespmem:$0x16460] =	vst v63  }
0xc0: {  	_ =	swait.ge [sflag:s6], $0x2800  }
0xc1: {  	[sflag:s6] =	ssyncset.done $0x0  }
0xc2: {  	s15 =	rddreg [dreg:$0xc];
	[sflag:s6] =	ssyncadd.s32 $0xFFFFD800  }
0xc3: {  	[hbm4b:s15+s2] =	stream.linear.scatter [tilespmem:s31], [sflag:$0xA], $0x2800, $0x38;
	[tilespmem:$0x16460] =	vst v63  }
0xc4: {  	v61 =	vld [tilespmem:$0x1E0]  }
0xc5: {  	v62 =	vld [tilespmem:$0x2960]  }
0xc6: {  	v63 =	vld [tilespmem:$0x50E0]  }
0xc7: {  	v16 =	vld [tilespmem:$0x1F0]  }
0xc8: {  	v17 =	vld [tilespmem:$0x2970]  }
0xc9: {  	v18 =	vld [tilespmem:$0x50F0]  }
0xca: {  	v19 =	vld [tilespmem:$0x200]  }
0xcb: {  	v20 =	vld [tilespmem:$0x2980]  }
0xcc: {  	v22 =	vld [tilespmem:$0x210]  }
0xcd: {  	v23 =	vld [tilespmem:$0x2990]  }
0xce: {  	v24 =	vld [tilespmem:$0x220]  }
0xcf: {  	v25 =	vld [tilespmem:$0x29A0]  }
0xd0: {  	v27 =	vld [tilespmem:$0x5110];
	v0 =	vmul.u32 $0xC, v61;
	v1 =	vshll.u32 v62, $0x1  }
0xd1: {  	v29 =	vld [tilespmem:$0x5120];
	v3 =	vmul.u32 $0xC, v16;
	v26 =	vshll.u32 v17, $0x1;
	v28 =	vmul.u32 $0xC, v19  }
0xd2: {  	v21 =	vld [tilespmem:$0x5100];
	v31 =	vmul.u32 $0xC, v22;
	v33 =	vshll.u32 v23, $0x1;
	v0 =	vadd.s32 v0, v1  }
0xd3: {  	v34 =	vmul.u32 $0xC, v24;
	v1 =	vadd.s32 v3, v26;
	v0 =	vadd.s32 v63, v0  }
0xd4: {  	v36 =	vshll.u32 v25, $0x1;
	v35 =	vadd.s32 v31, v33;
	v1 =	vadd.s32 v18, v1;
	[tilespmem:$0x98E0] =	vst v0  }
0xd5: {  	v30 =	vshll.u32 v20, $0x1;
	v38 =	vadd.s32 v34, v36;
	v37 =	vadd.s32 v27, v35;
	[tilespmem:$0x98F0] =	vst v1  }
0xd6: {  	v32 =	vadd.s32 v28, v30;
	v39 =	vadd.s32 v29, v38;
	[tilespmem:$0x9910] =	vst v37  }
0xd7: {  	v0 =	vadd.s32 v21, v32;
	[tilespmem:$0x9920] =	vst v39  }
0xd8: {  	[tilespmem:$0x9900] =	vst v0  }
0xd9: {  	_ =	swait.ge [sflag:s7], $0x2800  }
0xda: {  	[sflag:s7] =	ssyncset.done $0x0  }
0xdb: {  	[sflag:s7] =	ssyncadd.s32 $0xFFFFD800  }
0xdc: {  	[tilespmem:s25], [sflag:$0x3] =	stream.indirect.gather [spmem:s1], $0x80, s24, s21, $0xb8;
	[tilespmem:$0x16460] =	vst v63  }
0xdd: {  	_ =	swait.ge [sflag:s8], $0x2800  }
0xde: {  	[sflag:s8] =	ssyncset.done $0x0  }
0xdf: {  	s16 =	rddreg [dreg:$0xd];
	[sflag:s8] =	ssyncadd.s32 $0xFFFFD800  }
0xe0: {  	[hbm4b:s16+s2] =	stream.linear.scatter [tilespmem:s19], [sflag:$0xB], $0x2800, $0x38;
	[tilespmem:$0x16460] =	vst v63  }
0xe1: {  	v40 =	vld [tilespmem:$0x230]  }
0xe2: {  	v41 =	vld [tilespmem:$0x29B0]  }
0xe3: {  	v42 =	vld [tilespmem:$0x5130]  }
0xe4: {  	v43 =	vld [tilespmem:$0x240]  }
0xe5: {  	v44 =	vld [tilespmem:$0x29C0]  }
0xe6: {  	v45 =	vld [tilespmem:$0x5140]  }
0xe7: {  	v46 =	vld [tilespmem:$0x250]  }
0xe8: {  	v47 =	vld [tilespmem:$0x29D0]  }
0xe9: {  	v49 =	vld [tilespmem:$0x260]  }
0xea: {  	v50 =	vld [tilespmem:$0x29E0]  }
0xeb: {  	v51 =	vld [tilespmem:$0x270]  }
0xec: {  	v52 =	vld [tilespmem:$0x29F0]  }
0xed: {  	v54 =	vld [tilespmem:$0x5160];
	v0 =	vmul.u32 $0xC, v40;
	v1 =	vshll.u32 v41, $0x1  }
0xee: {  	v56 =	vld [tilespmem:$0x5170];
	v3 =	vmul.u32 $0xC, v43;
	v53 =	vshll.u32 v44, $0x1;
	v55 =	vmul.u32 $0xC, v46  }
0xef: {  	v48 =	vld [tilespmem:$0x5150];
	v58 =	vmul.u32 $0xC, v49;
	v60 =	vshll.u32 v50, $0x1;
	v0 =	vadd.s32 v0, v1  }
0xf0: {  	v61 =	vmul.u32 $0xC, v51;
	v1 =	vadd.s32 v3, v53;
	v0 =	vadd.s32 v42, v0  }
0xf1: {  	v63 =	vshll.u32 v52, $0x1;
	v62 =	vadd.s32 v58, v60;
	v1 =	vadd.s32 v45, v1;
	[tilespmem:$0x9960] =	vst v0  }
0xf2: {  	v57 =	vshll.u32 v47, $0x1;
	v7 =	vadd.s32 v61, v63;
	v6 =	vadd.s32 v54, v62;
	[tilespmem:$0x9970] =	vst v1  }
0xf3: {  	v59 =	vadd.s32 v55, v57;
	v8 =	vadd.s32 v56, v7;
	[tilespmem:$0x9990] =	vst v6  }
0xf4: {  	v0 =	vadd.s32 v48, v59;
	[tilespmem:$0x99A0] =	vst v8  }
0xf5: {  	[tilespmem:$0x9980] =	vst v0  }
0xf6: {  	_ =	swait.ge [sflag:s9], $0x2800  }
0xf7: {  	[sflag:s9] =	ssyncset.done $0x0  }
0xf8: {  	[sflag:s9] =	ssyncadd.s32 $0xFFFFD800  }
0xf9: {  	[tilespmem:s28], [sflag:$0x4] =	stream.indirect.gather [spmem:s1], $0x80, s26, s21, $0xb8;
	[tilespmem:$0x16460] =	vst v63  }
0xfa: {  	_ =	swait.ge [sflag:s29], $0x2800  }
0xfb: {  	s17 =	rddreg [dreg:$0x4]  }
0xfc: {  	[sflag:s29] =	ssyncset.done $0x0;
	s15 =	sadd.s32 $0x0, s17  }
0xfd: {  	s4 =	simm.s32 $0x400;
	[sflag:s29] =	ssyncadd.s32 $0xFFFFD800;
	s20 =	sadd.s32 $0x1900, s15  }
0xfe: {  	[hbm4b:s20+s2] =	stream.linear.scatter [tilespmem:s23], [sflag:$0x7], $0x2800, $0x38;
	[tilespmem:$0x16460] =	vst v63  }
0xff: {  	s13 =	simm.s32 $0x2B80;
	v9 =	vld [tilespmem:s4+$0xFFFFFE80]  }
0x100: {  	v10 =	vld [tilespmem:s13+$0xFFFFFE80]  }
0x101: {  	s14 =	simm.s32 $0x5300  }
0x102: {  	v11 =	vld [tilespmem:s14+$0xFFFFFE80];
	_ =	sdelay $0x1  }
0x103: {  	v0 =	vmul.u32 $0xC, v9  }
0x104: {  	v1 =	vshll.u32 v10, $0x1  }
0x105: {  	v0 =	vadd.s32 v0, v1  }
0x106: {  	s16 =	simm.s32 $0x190;
	v0 =	vadd.s32 v11, v0  }
0x107: {  	s16 =	sand.u32 $0x3FF0, s16;
	[tilespmem:$0x99E0] =	vst v0  }
0x108: {  	v0 =	vld [tilespmem:s16+$0x100]  }
0x109: {  	v12 =	vld [tilespmem:s16+$0x2880];
	_ =	sdelay $0x1  }
0x10a: {  	v13 =	vld [tilespmem:s16+$0x5000];
	_ =	sdelay $0x1  }
0x10b: {  	v0 =	vmul.u32 $0xC, v0  }
0x10c: {  	v1 =	vshll.u32 v12, $0x1  }
0x10d: {  	v0 =	vadd.s32 v0, v1  }
0x10e: {  	v0 =	vadd.s32 v13, v0  }
0x10f: {  	[tilespmem:$0x99F0] =	vst v0  }
0x110: {  	v0 =	vld [tilespmem:s4+$0xFFFFFEA0]  }
0x111: {  	v14 =	vld [tilespmem:s13+$0xFFFFFEA0];
	_ =	sdelay $0x1  }
0x112: {  	v15 =	vld [tilespmem:s14+$0xFFFFFEA0];
	_ =	sdelay $0x1  }
0x113: {  	v0 =	vmul.u32 $0xC, v0  }
0x114: {  	v1 =	vshll.u32 v14, $0x1  }
0x115: {  	v0 =	vadd.s32 v0, v1  }
0x116: {  	v0 =	vadd.s32 v15, v0  }
0x117: {  	[tilespmem:$0x9A00] =	vst v0  }
0x118: {  	v0 =	vld [tilespmem:s4+$0xFFFFFEB0]  }
0x119: {  	v16 =	vld [tilespmem:s13+$0xFFFFFEB0];
	_ =	sdelay $0x1  }
0x11a: {  	v17 =	vld [tilespmem:s14+$0xFFFFFEB0];
	_ =	sdelay $0x1  }
0x11b: {  	v0 =	vmul.u32 $0xC, v0  }
0x11c: {  	v1 =	vshll.u32 v16, $0x1  }
0x11d: {  	v0 =	vadd.s32 v0, v1  }
0x11e: {  	v0 =	vadd.s32 v17, v0  }
0x11f: {  	[tilespmem:$0x9A10] =	vst v0  }
0x120: {  	v0 =	vld [tilespmem:s4+$0xFFFFFEC0]  }
0x121: {  	v18 =	vld [tilespmem:s13+$0xFFFFFEC0];
	_ =	sdelay $0x1  }
0x122: {  	v19 =	vld [tilespmem:s14+$0xFFFFFEC0];
	_ =	sdelay $0x1  }
0x123: {  	v0 =	vmul.u32 $0xC, v0  }
0x124: {  	v1 =	vshll.u32 v18, $0x1  }
0x125: {  	v0 =	vadd.s32 v0, v1  }
0x126: {  	v0 =	vadd.s32 v19, v0  }
0x127: {  	[tilespmem:$0x9A20] =	vst v0  }
0x128: {  	_ =	swait.ge [sflag:s10], $0x2800  }
0x129: {  	[sflag:s10] =	ssyncset.done $0x0  }
0x12a: {  	[sflag:s10] =	ssyncadd.s32 $0xFFFFD800  }
0x12b: {  	[tilespmem:s31], [sflag:$0x5] =	stream.indirect.gather [spmem:s1], $0x80, s30, s21, $0xb8;
	[tilespmem:$0x16460] =	vst v63  }
0x12c: {  	_ =	swait.ge [sflag:s0], $0x2800  }
0x12d: {  	[sflag:s0] =	ssyncset.done $0x0  }
0x12e: {  	s17 =	sadd.s32 $0x1E00, s15;
	[sflag:s0] =	ssyncadd.s32 $0xFFFFD800  }
0x12f: {  	[hbm4b:s17+s2] =	stream.linear.scatter [tilespmem:s25], [sflag:$0x8], $0x2800, $0x38;
	[tilespmem:$0x16460] =	vst v63  }
0x130: {  	v20 =	vld [tilespmem:s4+$0xFFFFFED0]  }
0x131: {  	v21 =	vld [tilespmem:s13+$0xFFFFFED0];
	_ =	sdelay $0x1  }
0x132: {  	v22 =	vld [tilespmem:s14+$0xFFFFFED0];
	_ =	sdelay $0x1  }
0x133: {  	v0 =	vmul.u32 $0xC, v20  }
0x134: {  	v1 =	vshll.u32 v21, $0x1  }
0x135: {  	v0 =	vadd.s32 v0, v1  }
0x136: {  	v0 =	vadd.s32 v22, v0  }
0x137: {  	[tilespmem:$0x9A60] =	vst v0  }
0x138: {  	v0 =	vld [tilespmem:s4+$0xFFFFFEE0]  }
0x139: {  	v23 =	vld [tilespmem:s13+$0xFFFFFEE0];
	_ =	sdelay $0x1  }
0x13a: {  	v24 =	vld [tilespmem:s14+$0xFFFFFEE0];
	_ =	sdelay $0x1  }
0x13b: {  	v0 =	vmul.u32 $0xC, v0  }
0x13c: {  	v1 =	vshll.u32 v23, $0x1  }
0x13d: {  	v0 =	vadd.s32 v0, v1  }
0x13e: {  	v0 =	vadd.s32 v24, v0  }
0x13f: {  	[tilespmem:$0x9A70] =	vst v0  }
0x140: {  	v0 =	vld [tilespmem:s4+$0xFFFFFEF0]  }
0x141: {  	v25 =	vld [tilespmem:s13+$0xFFFFFEF0];
	_ =	sdelay $0x1  }
0x142: {  	v26 =	vld [tilespmem:s14+$0xFFFFFEF0];
	_ =	sdelay $0x1  }
0x143: {  	v0 =	vmul.u32 $0xC, v0  }
0x144: {  	v1 =	vshll.u32 v25, $0x1  }
0x145: {  	v0 =	vadd.s32 v0, v1  }
0x146: {  	v0 =	vadd.s32 v26, v0  }
0x147: {  	[tilespmem:$0x9A80] =	vst v0  }
0x148: {  	v0 =	vld [tilespmem:s4+$0xFFFFFF00]  }
0x149: {  	v27 =	vld [tilespmem:s13+$0xFFFFFF00];
	_ =	sdelay $0x1  }
0x14a: {  	v28 =	vld [tilespmem:s14+$0xFFFFFF00];
	_ =	sdelay $0x1  }
0x14b: {  	v0 =	vmul.u32 $0xC, v0  }
0x14c: {  	v1 =	vshll.u32 v27, $0x1  }
0x14d: {  	v0 =	vadd.s32 v0, v1  }
0x14e: {  	v0 =	vadd.s32 v28, v0  }
0x14f: {  	[tilespmem:$0x9A90] =	vst v0  }
0x150: {  	v0 =	vld [tilespmem:s16+$0x180]  }
0x151: {  	v29 =	vld [tilespmem:s16+$0x2900];
	_ =	sdelay $0x1  }
0x152: {  	v30 =	vld [tilespmem:s16+$0x5080];
	_ =	sdelay $0x1  }
0x153: {  	v0 =	vmul.u32 $0xC, v0  }
0x154: {  	v1 =	vshll.u32 v29, $0x1  }
0x155: {  	v0 =	vadd.s32 v0, v1  }
0x156: {  	v0 =	vadd.s32 v30, v0  }
0x157: {  	[tilespmem:$0x9AA0] =	vst v0  }
0x158: {  	_ =	swait.ge [sflag:s11], $0x2800  }
0x159: {  	[sflag:s11] =	ssyncset.done $0x0  }
0x15a: {  	[sflag:s11] =	ssyncadd.s32 $0xFFFFD800  }
0x15b: {  	[tilespmem:s19], [sflag:$0x6] =	stream.indirect.gather [spmem:s1], $0x80, s18, s21, $0xb8;
	[tilespmem:$0x16460] =	vst v63  }
0x15c: {  	_ =	swait.ge [sflag:s3], $0x2800  }
0x15d: {  	[sflag:s3] =	ssyncset.done $0x0  }
0x15e: {  	s12 =	sadd.s32 $0x2300, s15;
	[sflag:s3] =	ssyncadd.s32 $0xFFFFD800  }
0x15f: {  	[hbm4b:s12+s2] =	stream.linear.scatter [tilespmem:s28], [sflag:$0x9], $0x2800, $0x38;
	[tilespmem:$0x16460] =	vst v63  }
0x160: {  	v31 =	vld [tilespmem:s4+$0xFFFFFF20]  }
0x161: {  	v32 =	vld [tilespmem:s13+$0xFFFFFF20];
	_ =	sdelay $0x1  }
0x162: {  	v33 =	vld [tilespmem:s14+$0xFFFFFF20];
	_ =	sdelay $0x1  }
0x163: {  	v0 =	vmul.u32 $0xC, v31  }
0x164: {  	v1 =	vshll.u32 v32, $0x1  }
0x165: {  	v0 =	vadd.s32 v0, v1  }
0x166: {  	v0 =	vadd.s32 v33, v0  }
0x167: {  	[tilespmem:$0x9860] =	vst v0  }
0x168: {  	v0 =	vld [tilespmem:s4+$0xFFFFFF30]  }
0x169: {  	v34 =	vld [tilespmem:s13+$0xFFFFFF30];
	_ =	sdelay $0x1  }
0x16a: {  	v35 =	vld [tilespmem:s14+$0xFFFFFF30];
	_ =	sdelay $0x1  }
0x16b: {  	v0 =	vmul.u32 $0xC, v0  }
0x16c: {  	v1 =	vshll.u32 v34, $0x1  }
0x16d: {  	v0 =	vadd.s32 v0, v1  }
0x16e: {  	v0 =	vadd.s32 v35, v0  }
0x16f: {  	[tilespmem:$0x9870] =	vst v0  }
0x170: {  	v0 =	vld [tilespmem:s4+$0xFFFFFF40]  }
0x171: {  	v36 =	vld [tilespmem:s13+$0xFFFFFF40];
	_ =	sdelay $0x1  }
0x172: {  	v37 =	vld [tilespmem:s14+$0xFFFFFF40];
	_ =	sdelay $0x1  }
0x173: {  	v0 =	vmul.u32 $0xC, v0  }
0x174: {  	v1 =	vshll.u32 v36, $0x1  }
0x175: {  	v0 =	vadd.s32 v0, v1  }
0x176: {  	v0 =	vadd.s32 v37, v0  }
0x177: {  	[tilespmem:$0x9880] =	vst v0  }
0x178: {  	v0 =	vld [tilespmem:s4+$0xFFFFFF50]  }
0x179: {  	v38 =	vld [tilespmem:s13+$0xFFFFFF50];
	_ =	sdelay $0x1  }
0x17a: {  	v39 =	vld [tilespmem:s14+$0xFFFFFF50];
	_ =	sdelay $0x1  }
0x17b: {  	v0 =	vmul.u32 $0xC, v0  }
0x17c: {  	v1 =	vshll.u32 v38, $0x1  }
0x17d: {  	v0 =	vadd.s32 v0, v1  }
0x17e: {  	v0 =	vadd.s32 v39, v0  }
0x17f: {  	[tilespmem:$0x9890] =	vst v0  }
0x180: {  	v0 =	vld [tilespmem:s4+$0xFFFFFF60]  }
0x181: {  	v40 =	vld [tilespmem:s13+$0xFFFFFF60];
	_ =	sdelay $0x1  }
0x182: {  	v41 =	vld [tilespmem:s14+$0xFFFFFF60];
	_ =	sdelay $0x1  }
0x183: {  	v0 =	vmul.u32 $0xC, v0  }
0x184: {  	v1 =	vshll.u32 v40, $0x1  }
0x185: {  	v0 =	vadd.s32 v0, v1  }
0x186: {  	v0 =	vadd.s32 v41, v0  }
0x187: {  	[tilespmem:$0x98A0] =	vst v0  }
0x188: {  	_ =	swait.ge [sflag:s5], $0x2800  }
0x189: {  	[sflag:s5] =	ssyncset.done $0x0  }
0x18a: {  	[sflag:s5] =	ssyncadd.s32 $0xFFFFD800  }
0x18b: {  	[tilespmem:s23], [sflag:$0x2] =	stream.indirect.gather [spmem:s1], $0x80, s22, s21, $0xb8;
	[tilespmem:$0x16460] =	vst v63  }
0x18c: {  	_ =	swait.ge [sflag:s6], $0x2800  }
0x18d: {  	[sflag:s6] =	ssyncset.done $0x0  }
0x18e: {  	s20 =	sadd.s32 $0x2800, s15;
	[sflag:s6] =	ssyncadd.s32 $0xFFFFD800  }
0x18f: {  	[hbm4b:s20+s2] =	stream.linear.scatter [tilespmem:s31], [sflag:$0xA], $0x2800, $0x38;
	[tilespmem:$0x16460] =	vst v63  }
0x190: {  	v42 =	vld [tilespmem:s4+$0xFFFFFF70]  }
0x191: {  	v43 =	vld [tilespmem:s13+$0xFFFFFF70];
	_ =	sdelay $0x1  }
0x192: {  	v44 =	vld [tilespmem:s14+$0xFFFFFF70];
	_ =	sdelay $0x1  }
0x193: {  	v0 =	vmul.u32 $0xC, v42  }
0x194: {  	v1 =	vshll.u32 v43, $0x1  }
0x195: {  	v0 =	vadd.s32 v0, v1  }
0x196: {  	v0 =	vadd.s32 v44, v0  }
0x197: {  	[tilespmem:$0x98E0] =	vst v0  }
0x198: {  	v0 =	vld [tilespmem:s4+$0xFFFFFF80]  }
0x199: {  	v45 =	vld [tilespmem:s13+$0xFFFFFF80];
	_ =	sdelay $0x1  }
0x19a: {  	v46 =	vld [tilespmem:s14+$0xFFFFFF80];
	_ =	sdelay $0x1  }
0x19b: {  	v0 =	vmul.u32 $0xC, v0  }
0x19c: {  	v1 =	vshll.u32 v45, $0x1  }
0x19d: {  	v0 =	vadd.s32 v0, v1  }
0x19e: {  	v0 =	vadd.s32 v46, v0  }
0x19f: {  	[tilespmem:$0x98F0] =	vst v0  }
0x1a0: {  	v0 =	vld [tilespmem:s16+$0x200]  }
0x1a1: {  	v47 =	vld [tilespmem:s16+$0x2980];
	_ =	sdelay $0x1  }
0x1a2: {  	v48 =	vld [tilespmem:s16+$0x5100];
	_ =	sdelay $0x1  }
0x1a3: {  	v0 =	vmul.u32 $0xC, v0  }
0x1a4: {  	v1 =	vshll.u32 v47, $0x1  }
0x1a5: {  	v0 =	vadd.s32 v0, v1  }
0x1a6: {  	v0 =	vadd.s32 v48, v0  }
0x1a7: {  	[tilespmem:$0x9900] =	vst v0  }
0x1a8: {  	v0 =	vld [tilespmem:s4+$0xFFFFFFA0]  }
0x1a9: {  	v49 =	vld [tilespmem:s13+$0xFFFFFFA0];
	_ =	sdelay $0x1  }
0x1aa: {  	v50 =	vld [tilespmem:s14+$0xFFFFFFA0];
	_ =	sdelay $0x1  }
0x1ab: {  	v0 =	vmul.u32 $0xC, v0  }
0x1ac: {  	v1 =	vshll.u32 v49, $0x1  }
0x1ad: {  	v0 =	vadd.s32 v0, v1  }
0x1ae: {  	v0 =	vadd.s32 v50, v0  }
0x1af: {  	[tilespmem:$0x9910] =	vst v0  }
0x1b0: {  	v0 =	vld [tilespmem:s4+$0xFFFFFFB0]  }
0x1b1: {  	v51 =	vld [tilespmem:s13+$0xFFFFFFB0];
	_ =	sdelay $0x1  }
0x1b2: {  	v52 =	vld [tilespmem:s14+$0xFFFFFFB0];
	_ =	sdelay $0x1  }
0x1b3: {  	v0 =	vmul.u32 $0xC, v0  }
0x1b4: {  	v1 =	vshll.u32 v51, $0x1  }
0x1b5: {  	v0 =	vadd.s32 v0, v1  }
0x1b6: {  	v0 =	vadd.s32 v52, v0  }
0x1b7: {  	[tilespmem:$0x9920] =	vst v0  }
0x1b8: {  	_ =	swait.ge [sflag:s7], $0x2800  }
0x1b9: {  	[sflag:s7] =	ssyncset.done $0x0  }
0x1ba: {  	[sflag:s7] =	ssyncadd.s32 $0xFFFFD800  }
0x1bb: {  	[tilespmem:s25], [sflag:$0x3] =	stream.indirect.gather [spmem:s1], $0x80, s24, s21, $0xb8;
	[tilespmem:$0x16460] =	vst v63  }
0x1bc: {  	_ =	swait.ge [sflag:s8], $0x2800  }
0x1bd: {  	[sflag:s8] =	ssyncset.done $0x0  }
0x1be: {  	s15 =	sadd.s32 $0x2D00, s15;
	[sflag:s8] =	ssyncadd.s32 $0xFFFFD800  }
0x1bf: {  	[hbm4b:s15+s2] =	stream.linear.scatter [tilespmem:s19], [sflag:$0xB], $0x2800, $0x38;
	[tilespmem:$0x16460] =	vst v63  }
0x1c0: {  	v53 =	vld [tilespmem:s4+$0xFFFFFFC0]  }
0x1c1: {  	v54 =	vld [tilespmem:s13+$0xFFFFFFC0];
	_ =	sdelay $0x1  }
0x1c2: {  	v55 =	vld [tilespmem:s14+$0xFFFFFFC0];
	_ =	sdelay $0x1  }
0x1c3: {  	v0 =	vmul.u32 $0xC, v53  }
0x1c4: {  	v1 =	vshll.u32 v54, $0x1  }
0x1c5: {  	v0 =	vadd.s32 v0, v1  }
0x1c6: {  	v0 =	vadd.s32 v55, v0  }
0x1c7: {  	[tilespmem:$0x9960] =	vst v0  }
0x1c8: {  	v0 =	vld [tilespmem:s4+$0xFFFFFFD0]  }
0x1c9: {  	v56 =	vld [tilespmem:s13+$0xFFFFFFD0];
	_ =	sdelay $0x1  }
0x1ca: {  	v57 =	vld [tilespmem:s14+$0xFFFFFFD0];
	_ =	sdelay $0x1  }
0x1cb: {  	v0 =	vmul.u32 $0xC, v0  }
0x1cc: {  	v1 =	vshll.u32 v56, $0x1  }
0x1cd: {  	v0 =	vadd.s32 v0, v1  }
0x1ce: {  	v0 =	vadd.s32 v57, v0  }
0x1cf: {  	[tilespmem:$0x9970] =	vst v0  }
0x1d0: {  	v0 =	vld [tilespmem:s4+$0xFFFFFFE0]  }
0x1d1: {  	v58 =	vld [tilespmem:s13+$0xFFFFFFE0];
	_ =	sdelay $0x1  }
0x1d2: {  	v59 =	vld [tilespmem:s14+$0xFFFFFFE0];
	_ =	sdelay $0x1  }
0x1d3: {  	v0 =	vmul.u32 $0xC, v0  }
0x1d4: {  	v1 =	vshll.u32 v58, $0x1  }
0x1d5: {  	v0 =	vadd.s32 v0, v1  }
0x1d6: {  	v0 =	vadd.s32 v59, v0  }
0x1d7: {  	[tilespmem:$0x9980] =	vst v0  }
0x1d8: {  	v0 =	vld [tilespmem:s4+$0xFFFFFFF0]  }
0x1d9: {  	v60 =	vld [tilespmem:s13+$0xFFFFFFF0];
	_ =	sdelay $0x1  }
0x1da: {  	v61 =	vld [tilespmem:s14+$0xFFFFFFF0];
	_ =	sdelay $0x1  }
0x1db: {  	v0 =	vmul.u32 $0xC, v0  }
0x1dc: {  	v1 =	vshll.u32 v60, $0x1  }
0x1dd: {  	v0 =	vadd.s32 v0, v1  }
0x1de: {  	v0 =	vadd.s32 v61, v0  }
0x1df: {  	[tilespmem:$0x9990] =	vst v0  }
0x1e0: {  	v0 =	vld [tilespmem:s4+$0x0]  }
0x1e1: {  	v62 =	vld [tilespmem:s13+$0x0];
	_ =	sdelay $0x1  }
0x1e2: {  	v63 =	vld [tilespmem:s14+$0x0];
	_ =	sdelay $0x1  }
0x1e3: {  	v0 =	vmul.u32 $0xC, v0  }
0x1e4: {  	v1 =	vshll.u32 v62, $0x1  }
0x1e5: {  	v0 =	vadd.s32 v0, v1  }
0x1e6: {  	v0 =	vadd.s32 v63, v0  }
0x1e7: {  	[tilespmem:$0x99A0] =	vst v0  }
0x1e8: {  	s17 =	simm.s32 $0x5490;
	_ =	swait.ge [sflag:s9], $0x2800  }
0x1e9: {  	s16 =	simm.s32 $0x320;
	s15 =	simm.s32 $0x590;
	[sflag:s9] =	ssyncset.done $0x0  }
0x1ea: {  	s13 =	simm.s32 $0x1900;
	s14 =	simm.s32 $0x2D10;
	[sflag:s9] =	ssyncadd.s32 $0xFFFFD800  }
.LBB2_2:
0x1eb: {  	[tilespmem:s28], [sflag:$0x4] =	stream.indirect.gather [spmem:s1], $0x80, s26, s21, $0xb8;
	[tilespmem:$0x16460] =	vst v63  }
0x1ec: {  	_ =	swait.ge [sflag:s29], $0x2800  }
0x1ed: {  	s4 =	smov.u32 s13;
	s20 =	rddreg [dreg:$0x4]  }
0x1ee: {  	[sflag:s29] =	ssyncset.done $0x0;
	s4 =	sadd.s32 s4, s20  }
0x1ef: {  	[sflag:s29] =	ssyncadd.s32 $0xFFFFD800;
	s20 =	sadd.s32 $0x1900, s4  }
0x1f0: {  	[hbm4b:s20+s2] =	stream.linear.scatter [tilespmem:s23], [sflag:$0x7], $0x2800, $0x38;
	[tilespmem:$0x16460] =	vst v63  }
0x1f1: {  	v0 =	vld [tilespmem:s15+$0xFFFFFE80]  }
0x1f2: {  	v1 =	vld [tilespmem:s14+$0xFFFFFE80];
	_ =	sdelay $0x1  }
0x1f3: {  	v2 =	vld [tilespmem:s17+$0xFFFFFE80];
	_ =	sdelay $0x1  }
0x1f4: {  	v0 =	vmul.u32 $0xC, v0  }
0x1f5: {  	v1 =	vshll.u32 v1, $0x1  }
0x1f6: {  	v0 =	vadd.s32 v0, v1  }
0x1f7: {  	v0 =	vadd.s32 v2, v0  }
0x1f8: {  	s20 =	sand.u32 $0x3FF0, s16;
	[tilespmem:$0x99E0] =	vst v0  }
0x1f9: {  	v0 =	vld [tilespmem:s20+$0x100]  }
0x1fa: {  	v12 =	vld [tilespmem:s20+$0x2880];
	_ =	sdelay $0x1  }
0x1fb: {  	v13 =	vld [tilespmem:s20+$0x5000];
	_ =	sdelay $0x1  }
0x1fc: {  	v0 =	vmul.u32 $0xC, v0  }
0x1fd: {  	v1 =	vshll.u32 v12, $0x1  }
0x1fe: {  	v0 =	vadd.s32 v0, v1  }
0x1ff: {  	v0 =	vadd.s32 v13, v0  }
0x200: {  	[tilespmem:$0x99F0] =	vst v0  }
0x201: {  	v0 =	vld [tilespmem:s15+$0xFFFFFEA0]  }
0x202: {  	v14 =	vld [tilespmem:s14+$0xFFFFFEA0];
	_ =	sdelay $0x1  }
0x203: {  	v15 =	vld [tilespmem:s17+$0xFFFFFEA0];
	_ =	sdelay $0x1  }
0x204: {  	v0 =	vmul.u32 $0xC, v0  }
0x205: {  	v1 =	vshll.u32 v14, $0x1  }
0x206: {  	v0 =	vadd.s32 v0, v1  }
0x207: {  	v0 =	vadd.s32 v15, v0  }
0x208: {  	[tilespmem:$0x9A00] =	vst v0  }
0x209: {  	v0 =	vld [tilespmem:s15+$0xFFFFFEB0]  }
0x20a: {  	v16 =	vld [tilespmem:s14+$0xFFFFFEB0];
	_ =	sdelay $0x1  }
0x20b: {  	v17 =	vld [tilespmem:s17+$0xFFFFFEB0];
	_ =	sdelay $0x1  }
0x20c: {  	v0 =	vmul.u32 $0xC, v0  }
0x20d: {  	v1 =	vshll.u32 v16, $0x1  }
0x20e: {  	v0 =	vadd.s32 v0, v1  }
0x20f: {  	v0 =	vadd.s32 v17, v0  }
0x210: {  	[tilespmem:$0x9A10] =	vst v0  }
0x211: {  	v0 =	vld [tilespmem:s15+$0xFFFFFEC0]  }
0x212: {  	v18 =	vld [tilespmem:s14+$0xFFFFFEC0];
	_ =	sdelay $0x1  }
0x213: {  	v19 =	vld [tilespmem:s17+$0xFFFFFEC0];
	_ =	sdelay $0x1  }
0x214: {  	v0 =	vmul.u32 $0xC, v0  }
0x215: {  	v1 =	vshll.u32 v18, $0x1  }
0x216: {  	v0 =	vadd.s32 v0, v1  }
0x217: {  	v0 =	vadd.s32 v19, v0  }
0x218: {  	[tilespmem:$0x9A20] =	vst v0  }
0x219: {  	_ =	swait.ge [sflag:s10], $0x2800  }
0x21a: {  	[sflag:s10] =	ssyncset.done $0x0  }
0x21b: {  	[sflag:s10] =	ssyncadd.s32 $0xFFFFD800  }
0x21c: {  	[tilespmem:s31], [sflag:$0x5] =	stream.indirect.gather [spmem:s1], $0x80, s30, s21, $0xb8;
	[tilespmem:$0x16460] =	vst v63  }
0x21d: {  	_ =	swait.ge [sflag:s0], $0x2800  }
0x21e: {  	[sflag:s0] =	ssyncset.done $0x0  }
0x21f: {  	s12 =	sadd.s32 $0x1E00, s4;
	[sflag:s0] =	ssyncadd.s32 $0xFFFFD800  }
0x220: {  	[hbm4b:s12+s2] =	stream.linear.scatter [tilespmem:s25], [sflag:$0x8], $0x2800, $0x38;
	[tilespmem:$0x16460] =	vst v63  }
0x221: {  	v20 =	vld [tilespmem:s15+$0xFFFFFED0]  }
0x222: {  	v21 =	vld [tilespmem:s14+$0xFFFFFED0];
	_ =	sdelay $0x1  }
0x223: {  	v22 =	vld [tilespmem:s17+$0xFFFFFED0];
	_ =	sdelay $0x1  }
0x224: {  	v0 =	vmul.u32 $0xC, v20  }
0x225: {  	v1 =	vshll.u32 v21, $0x1  }
0x226: {  	v0 =	vadd.s32 v0, v1  }
0x227: {  	v0 =	vadd.s32 v22, v0  }
0x228: {  	[tilespmem:$0x9A60] =	vst v0  }
0x229: {  	v0 =	vld [tilespmem:s15+$0xFFFFFEE0]  }
0x22a: {  	v23 =	vld [tilespmem:s14+$0xFFFFFEE0];
	_ =	sdelay $0x1  }
0x22b: {  	v24 =	vld [tilespmem:s17+$0xFFFFFEE0];
	_ =	sdelay $0x1  }
0x22c: {  	v0 =	vmul.u32 $0xC, v0  }
0x22d: {  	v1 =	vshll.u32 v23, $0x1  }
0x22e: {  	v0 =	vadd.s32 v0, v1  }
0x22f: {  	v0 =	vadd.s32 v24, v0  }
0x230: {  	[tilespmem:$0x9A70] =	vst v0  }
0x231: {  	v0 =	vld [tilespmem:s15+$0xFFFFFEF0]  }
0x232: {  	v25 =	vld [tilespmem:s14+$0xFFFFFEF0];
	_ =	sdelay $0x1  }
0x233: {  	v26 =	vld [tilespmem:s17+$0xFFFFFEF0];
	_ =	sdelay $0x1  }
0x234: {  	v0 =	vmul.u32 $0xC, v0  }
0x235: {  	v1 =	vshll.u32 v25, $0x1  }
0x236: {  	v0 =	vadd.s32 v0, v1  }
0x237: {  	v0 =	vadd.s32 v26, v0  }
0x238: {  	[tilespmem:$0x9A80] =	vst v0  }
0x239: {  	v0 =	vld [tilespmem:s15+$0xFFFFFF00]  }
0x23a: {  	v27 =	vld [tilespmem:s14+$0xFFFFFF00];
	_ =	sdelay $0x1  }
0x23b: {  	v28 =	vld [tilespmem:s17+$0xFFFFFF00];
	_ =	sdelay $0x1  }
0x23c: {  	v0 =	vmul.u32 $0xC, v0  }
0x23d: {  	v1 =	vshll.u32 v27, $0x1  }
0x23e: {  	v0 =	vadd.s32 v0, v1  }
0x23f: {  	v0 =	vadd.s32 v28, v0  }
0x240: {  	[tilespmem:$0x9A90] =	vst v0  }
0x241: {  	v0 =	vld [tilespmem:s20+$0x180]  }
0x242: {  	v29 =	vld [tilespmem:s20+$0x2900];
	_ =	sdelay $0x1  }
0x243: {  	v30 =	vld [tilespmem:s20+$0x5080];
	_ =	sdelay $0x1  }
0x244: {  	v0 =	vmul.u32 $0xC, v0  }
0x245: {  	v1 =	vshll.u32 v29, $0x1  }
0x246: {  	v0 =	vadd.s32 v0, v1  }
0x247: {  	v0 =	vadd.s32 v30, v0  }
0x248: {  	[tilespmem:$0x9AA0] =	vst v0  }
0x249: {  	_ =	swait.ge [sflag:s11], $0x2800  }
0x24a: {  	[sflag:s11] =	ssyncset.done $0x0  }
0x24b: {  	[sflag:s11] =	ssyncadd.s32 $0xFFFFD800  }
0x24c: {  	[tilespmem:s19], [sflag:$0x6] =	stream.indirect.gather [spmem:s1], $0x80, s18, s21, $0xb8;
	[tilespmem:$0x16460] =	vst v63  }
0x24d: {  	_ =	swait.ge [sflag:s3], $0x2800  }
0x24e: {  	[sflag:s3] =	ssyncset.done $0x0  }
0x24f: {  	s12 =	sadd.s32 $0x2300, s4;
	[sflag:s3] =	ssyncadd.s32 $0xFFFFD800  }
0x250: {  	[hbm4b:s12+s2] =	stream.linear.scatter [tilespmem:s28], [sflag:$0x9], $0x2800, $0x38;
	[tilespmem:$0x16460] =	vst v63  }
0x251: {  	v31 =	vld [tilespmem:s15+$0xFFFFFF20]  }
0x252: {  	v32 =	vld [tilespmem:s14+$0xFFFFFF20];
	_ =	sdelay $0x1  }
0x253: {  	v33 =	vld [tilespmem:s17+$0xFFFFFF20];
	_ =	sdelay $0x1  }
0x254: {  	v0 =	vmul.u32 $0xC, v31  }
0x255: {  	v1 =	vshll.u32 v32, $0x1  }
0x256: {  	v0 =	vadd.s32 v0, v1  }
0x257: {  	v0 =	vadd.s32 v33, v0  }
0x258: {  	[tilespmem:$0x9860] =	vst v0  }
0x259: {  	v0 =	vld [tilespmem:s15+$0xFFFFFF30]  }
0x25a: {  	v34 =	vld [tilespmem:s14+$0xFFFFFF30];
	_ =	sdelay $0x1  }
0x25b: {  	v35 =	vld [tilespmem:s17+$0xFFFFFF30];
	_ =	sdelay $0x1  }
0x25c: {  	v0 =	vmul.u32 $0xC, v0  }
0x25d: {  	v1 =	vshll.u32 v34, $0x1  }
0x25e: {  	v0 =	vadd.s32 v0, v1  }
0x25f: {  	v0 =	vadd.s32 v35, v0  }
0x260: {  	[tilespmem:$0x9870] =	vst v0  }
0x261: {  	v0 =	vld [tilespmem:s15+$0xFFFFFF40]  }
0x262: {  	v36 =	vld [tilespmem:s14+$0xFFFFFF40];
	_ =	sdelay $0x1  }
0x263: {  	v37 =	vld [tilespmem:s17+$0xFFFFFF40];
	_ =	sdelay $0x1  }
0x264: {  	v0 =	vmul.u32 $0xC, v0  }
0x265: {  	v1 =	vshll.u32 v36, $0x1  }
0x266: {  	v0 =	vadd.s32 v0, v1  }
0x267: {  	v0 =	vadd.s32 v37, v0  }
0x268: {  	[tilespmem:$0x9880] =	vst v0  }
0x269: {  	v0 =	vld [tilespmem:s15+$0xFFFFFF50]  }
0x26a: {  	v38 =	vld [tilespmem:s14+$0xFFFFFF50];
	_ =	sdelay $0x1  }
0x26b: {  	v39 =	vld [tilespmem:s17+$0xFFFFFF50];
	_ =	sdelay $0x1  }
0x26c: {  	v0 =	vmul.u32 $0xC, v0  }
0x26d: {  	v1 =	vshll.u32 v38, $0x1  }
0x26e: {  	v0 =	vadd.s32 v0, v1  }
0x26f: {  	v0 =	vadd.s32 v39, v0  }
0x270: {  	[tilespmem:$0x9890] =	vst v0  }
0x271: {  	v0 =	vld [tilespmem:s15+$0xFFFFFF60]  }
0x272: {  	v40 =	vld [tilespmem:s14+$0xFFFFFF60];
	_ =	sdelay $0x1  }
0x273: {  	v41 =	vld [tilespmem:s17+$0xFFFFFF60];
	_ =	sdelay $0x1  }
0x274: {  	v0 =	vmul.u32 $0xC, v0  }
0x275: {  	v1 =	vshll.u32 v40, $0x1  }
0x276: {  	v0 =	vadd.s32 v0, v1  }
0x277: {  	v0 =	vadd.s32 v41, v0  }
0x278: {  	[tilespmem:$0x98A0] =	vst v0  }
0x279: {  	_ =	swait.ge [sflag:s5], $0x2800  }
0x27a: {  	[sflag:s5] =	ssyncset.done $0x0  }
0x27b: {  	[sflag:s5] =	ssyncadd.s32 $0xFFFFD800  }
0x27c: {  	[tilespmem:s23], [sflag:$0x2] =	stream.indirect.gather [spmem:s1], $0x80, s22, s21, $0xb8;
	[tilespmem:$0x16460] =	vst v63  }
0x27d: {  	_ =	swait.ge [sflag:s6], $0x2800  }
0x27e: {  	[sflag:s6] =	ssyncset.done $0x0  }
0x27f: {  	s12 =	sadd.s32 $0x2800, s4;
	[sflag:s6] =	ssyncadd.s32 $0xFFFFD800  }
0x280: {  	[hbm4b:s12+s2] =	stream.linear.scatter [tilespmem:s31], [sflag:$0xA], $0x2800, $0x38;
	[tilespmem:$0x16460] =	vst v63  }
0x281: {  	v42 =	vld [tilespmem:s15+$0xFFFFFF70]  }
0x282: {  	v43 =	vld [tilespmem:s14+$0xFFFFFF70];
	_ =	sdelay $0x1  }
0x283: {  	v44 =	vld [tilespmem:s17+$0xFFFFFF70];
	_ =	sdelay $0x1  }
0x284: {  	v0 =	vmul.u32 $0xC, v42  }
0x285: {  	v1 =	vshll.u32 v43, $0x1  }
0x286: {  	v0 =	vadd.s32 v0, v1  }
0x287: {  	v0 =	vadd.s32 v44, v0  }
0x288: {  	[tilespmem:$0x98E0] =	vst v0  }
0x289: {  	v0 =	vld [tilespmem:s15+$0xFFFFFF80]  }
0x28a: {  	v45 =	vld [tilespmem:s14+$0xFFFFFF80];
	_ =	sdelay $0x1  }
0x28b: {  	v46 =	vld [tilespmem:s17+$0xFFFFFF80];
	_ =	sdelay $0x1  }
0x28c: {  	v0 =	vmul.u32 $0xC, v0  }
0x28d: {  	v1 =	vshll.u32 v45, $0x1  }
0x28e: {  	v0 =	vadd.s32 v0, v1  }
0x28f: {  	v0 =	vadd.s32 v46, v0  }
0x290: {  	[tilespmem:$0x98F0] =	vst v0  }
0x291: {  	v0 =	vld [tilespmem:s20+$0x200]  }
0x292: {  	v47 =	vld [tilespmem:s20+$0x2980];
	_ =	sdelay $0x1  }
0x293: {  	v48 =	vld [tilespmem:s20+$0x5100];
	_ =	sdelay $0x1  }
0x294: {  	v0 =	vmul.u32 $0xC, v0  }
0x295: {  	v1 =	vshll.u32 v47, $0x1  }
0x296: {  	v0 =	vadd.s32 v0, v1  }
0x297: {  	v0 =	vadd.s32 v48, v0  }
0x298: {  	[tilespmem:$0x9900] =	vst v0  }
0x299: {  	v0 =	vld [tilespmem:s15+$0xFFFFFFA0]  }
0x29a: {  	v49 =	vld [tilespmem:s14+$0xFFFFFFA0];
	_ =	sdelay $0x1  }
0x29b: {  	v50 =	vld [tilespmem:s17+$0xFFFFFFA0];
	_ =	sdelay $0x1  }
0x29c: {  	v0 =	vmul.u32 $0xC, v0  }
0x29d: {  	v1 =	vshll.u32 v49, $0x1  }
0x29e: {  	v0 =	vadd.s32 v0, v1  }
0x29f: {  	v0 =	vadd.s32 v50, v0  }
0x2a0: {  	[tilespmem:$0x9910] =	vst v0  }
0x2a1: {  	v0 =	vld [tilespmem:s15+$0xFFFFFFB0]  }
0x2a2: {  	v51 =	vld [tilespmem:s14+$0xFFFFFFB0];
	_ =	sdelay $0x1  }
0x2a3: {  	v52 =	vld [tilespmem:s17+$0xFFFFFFB0];
	_ =	sdelay $0x1  }
0x2a4: {  	v0 =	vmul.u32 $0xC, v0  }
0x2a5: {  	v1 =	vshll.u32 v51, $0x1  }
0x2a6: {  	v0 =	vadd.s32 v0, v1  }
0x2a7: {  	v0 =	vadd.s32 v52, v0  }
0x2a8: {  	[tilespmem:$0x9920] =	vst v0  }
0x2a9: {  	_ =	swait.ge [sflag:s7], $0x2800  }
0x2aa: {  	[sflag:s7] =	ssyncset.done $0x0  }
0x2ab: {  	[sflag:s7] =	ssyncadd.s32 $0xFFFFD800  }
0x2ac: {  	[tilespmem:s25], [sflag:$0x3] =	stream.indirect.gather [spmem:s1], $0x80, s24, s21, $0xb8;
	[tilespmem:$0x16460] =	vst v63  }
0x2ad: {  	_ =	swait.ge [sflag:s8], $0x2800  }
0x2ae: {  	[sflag:s8] =	ssyncset.done $0x0  }
0x2af: {  	s4 =	sadd.s32 $0x2D00, s4;
	[sflag:s8] =	ssyncadd.s32 $0xFFFFD800  }
0x2b0: {  	[hbm4b:s4+s2] =	stream.linear.scatter [tilespmem:s19], [sflag:$0xB], $0x2800, $0x38;
	[tilespmem:$0x16460] =	vst v63  }
0x2b1: {  	v53 =	vld [tilespmem:s15+$0xFFFFFFC0]  }
0x2b2: {  	v54 =	vld [tilespmem:s14+$0xFFFFFFC0];
	_ =	sdelay $0x1  }
0x2b3: {  	v55 =	vld [tilespmem:s17+$0xFFFFFFC0];
	_ =	sdelay $0x1  }
0x2b4: {  	v0 =	vmul.u32 $0xC, v53  }
0x2b5: {  	v1 =	vshll.u32 v54, $0x1  }
0x2b6: {  	v0 =	vadd.s32 v0, v1  }
0x2b7: {  	v0 =	vadd.s32 v55, v0  }
0x2b8: {  	[tilespmem:$0x9960] =	vst v0  }
0x2b9: {  	v0 =	vld [tilespmem:s15+$0xFFFFFFD0]  }
0x2ba: {  	v56 =	vld [tilespmem:s14+$0xFFFFFFD0];
	_ =	sdelay $0x1  }
0x2bb: {  	v57 =	vld [tilespmem:s17+$0xFFFFFFD0];
	_ =	sdelay $0x1  }
0x2bc: {  	v0 =	vmul.u32 $0xC, v0  }
0x2bd: {  	v1 =	vshll.u32 v56, $0x1  }
0x2be: {  	v0 =	vadd.s32 v0, v1  }
0x2bf: {  	v0 =	vadd.s32 v57, v0  }
0x2c0: {  	[tilespmem:$0x9970] =	vst v0  }
0x2c1: {  	v0 =	vld [tilespmem:s15+$0xFFFFFFE0]  }
0x2c2: {  	v58 =	vld [tilespmem:s14+$0xFFFFFFE0];
	_ =	sdelay $0x1  }
0x2c3: {  	v59 =	vld [tilespmem:s17+$0xFFFFFFE0];
	_ =	sdelay $0x1  }
0x2c4: {  	v0 =	vmul.u32 $0xC, v0  }
0x2c5: {  	v1 =	vshll.u32 v58, $0x1  }
0x2c6: {  	v0 =	vadd.s32 v0, v1  }
0x2c7: {  	v0 =	vadd.s32 v59, v0  }
0x2c8: {  	[tilespmem:$0x9980] =	vst v0  }
0x2c9: {  	v0 =	vld [tilespmem:s15+$0xFFFFFFF0]  }
0x2ca: {  	v60 =	vld [tilespmem:s14+$0xFFFFFFF0];
	_ =	sdelay $0x1  }
0x2cb: {  	v61 =	vld [tilespmem:s17+$0xFFFFFFF0];
	_ =	sdelay $0x1  }
0x2cc: {  	v0 =	vmul.u32 $0xC, v0  }
0x2cd: {  	v1 =	vshll.u32 v60, $0x1  }
0x2ce: {  	v0 =	vadd.s32 v0, v1  }
0x2cf: {  	v0 =	vadd.s32 v61, v0  }
0x2d0: {  	[tilespmem:$0x9990] =	vst v0  }
0x2d1: {  	v0 =	vld [tilespmem:s15+$0x0]  }
0x2d2: {  	v62 =	vld [tilespmem:s14+$0x0];
	_ =	sdelay $0x1  }
0x2d3: {  	v63 =	vld [tilespmem:s17+$0x0];
	_ =	sdelay $0x1  }
0x2d4: {  	v0 =	vmul.u32 $0xC, v0  }
0x2d5: {  	v1 =	vshll.u32 v62, $0x1  }
0x2d6: {  	p1 =	sne.s32 s13, $0x22600;
	v0 =	vadd.s32 v0, v1  }
.Ltmp0:
0x2d7: {  	v0 =	vadd.s32 v63, v0;
	(pc) =	sbr.rel @p1 .LBB2_2-.Ltmp0, $4  }
0x2d8: {  	[tilespmem:$0x99A0] =	vst v0  }
0x2d9: {  	s13 =	sadd.s32 $0x1900, s13;
	_ =	swait.ge [sflag:s9], $0x2800  }
0x2da: {  	s16 =	sadd.s32 $0x190, s16;
	s14 =	sadd.s32 $0x190, s14;
	[sflag:s9] =	ssyncset.done $0x0  }
0x2db: {  	s15 =	sadd.s32 $0x190, s15;
	s17 =	sadd.s32 $0x190, s17;
	[sflag:s9] =	ssyncadd.s32 $0xFFFFD800  }
0x2dc: {  	[tilespmem:s28], [sflag:$0x4] =	stream.indirect.gather [spmem:s1], $0x80, s26, s21, $0xb8;
	[tilespmem:$0x16460] =	vst v63  }
0x2dd: {  	_ =	swait.ge [sflag:s29], $0x2800  }
0x2de: {  	[sflag:s29] =	ssyncset.done $0x0  }
0x2df: {  	s4 =	rddreg [dreg:$0xe];
	[sflag:s29] =	ssyncadd.s32 $0xFFFFD800  }
0x2e0: {  	[hbm4b:s4+s2] =	stream.linear.scatter [tilespmem:s23], [sflag:$0x7], $0x2800, $0x38;
	[tilespmem:$0x16460] =	vst v63  }
0x2e1: {  	v0 =	vld [tilespmem:$0x2670]  }
0x2e2: {  	v1 =	vld [tilespmem:$0x4DF0]  }
0x2e3: {  	v2 =	vld [tilespmem:$0x7570]  }
0x2e4: {  	v3 =	vld [tilespmem:$0x2680]  }
0x2e5: {  	v4 =	vld [tilespmem:$0x4E00]  }
0x2e6: {  	v5 =	vld [tilespmem:$0x7580]  }
0x2e7: {  	v6 =	vld [tilespmem:$0x2690]  }
0x2e8: {  	v7 =	vld [tilespmem:$0x4E10]  }
0x2e9: {  	v9 =	vld [tilespmem:$0x26A0]  }
0x2ea: {  	v10 =	vld [tilespmem:$0x4E20]  }
0x2eb: {  	v11 =	vld [tilespmem:$0x26B0]  }
0x2ec: {  	v12 =	vld [tilespmem:$0x4E30]  }
0x2ed: {  	v24 =	vld [tilespmem:$0x75A0];
	v0 =	vmul.u32 $0xC, v0;
	v1 =	vshll.u32 v1, $0x1  }
0x2ee: {  	v26 =	vld [tilespmem:$0x75B0];
	v3 =	vmul.u32 $0xC, v3;
	v23 =	vshll.u32 v4, $0x1;
	v25 =	vmul.u32 $0xC, v6  }
0x2ef: {  	v8 =	vld [tilespmem:$0x7590];
	v28 =	vmul.u32 $0xC, v9;
	v30 =	vshll.u32 v10, $0x1;
	v0 =	vadd.s32 v0, v1  }
0x2f0: {  	v31 =	vmul.u32 $0xC, v11;
	v1 =	vadd.s32 v3, v23;
	v0 =	vadd.s32 v2, v0  }
0x2f1: {  	v33 =	vshll.u32 v12, $0x1;
	v32 =	vadd.s32 v28, v30;
	v1 =	vadd.s32 v5, v1;
	[tilespmem:$0x99E0] =	vst v0  }
0x2f2: {  	v27 =	vshll.u32 v7, $0x1;
	v35 =	vadd.s32 v31, v33;
	v34 =	vadd.s32 v24, v32;
	[tilespmem:$0x99F0] =	vst v1  }
0x2f3: {  	v29 =	vadd.s32 v25, v27;
	v36 =	vadd.s32 v26, v35;
	[tilespmem:$0x9A10] =	vst v34  }
0x2f4: {  	v0 =	vadd.s32 v8, v29;
	[tilespmem:$0x9A20] =	vst v36  }
0x2f5: {  	[tilespmem:$0x9A00] =	vst v0  }
0x2f6: {  	_ =	swait.ge [sflag:s10], $0x2800  }
0x2f7: {  	[sflag:s10] =	ssyncset.done $0x0  }
0x2f8: {  	[sflag:s10] =	ssyncadd.s32 $0xFFFFD800  }
0x2f9: {  	[tilespmem:s31], [sflag:$0x5] =	stream.indirect.gather [spmem:s1], $0x80, s30, s21, $0xb8;
	[tilespmem:$0x16460] =	vst v63  }
0x2fa: {  	_ =	swait.ge [sflag:s0], $0x2800  }
0x2fb: {  	[sflag:s0] =	ssyncset.done $0x0  }
0x2fc: {  	s14 =	rddreg [dreg:$0xf];
	[sflag:s0] =	ssyncadd.s32 $0xFFFFD800  }
0x2fd: {  	[hbm4b:s14+s2] =	stream.linear.scatter [tilespmem:s25], [sflag:$0x8], $0x2800, $0x38;
	[tilespmem:$0x16460] =	vst v63  }
0x2fe: {  	v37 =	vld [tilespmem:$0x26C0]  }
0x2ff: {  	v38 =	vld [tilespmem:$0x4E40]  }
0x300: {  	v39 =	vld [tilespmem:$0x75C0]  }
0x301: {  	v40 =	vld [tilespmem:$0x26D0]  }
0x302: {  	v41 =	vld [tilespmem:$0x4E50]  }
0x303: {  	v42 =	vld [tilespmem:$0x75D0]  }
0x304: {  	v43 =	vld [tilespmem:$0x26E0]  }
0x305: {  	v44 =	vld [tilespmem:$0x4E60]  }
0x306: {  	v46 =	vld [tilespmem:$0x26F0]  }
0x307: {  	v47 =	vld [tilespmem:$0x4E70]  }
0x308: {  	v48 =	vld [tilespmem:$0x2700]  }
0x309: {  	v49 =	vld [tilespmem:$0x4E80]  }
0x30a: {  	v51 =	vld [tilespmem:$0x75F0];
	v0 =	vmul.u32 $0xC, v37;
	v1 =	vshll.u32 v38, $0x1  }
0x30b: {  	v53 =	vld [tilespmem:$0x7600];
	v3 =	vmul.u32 $0xC, v40;
	v50 =	vshll.u32 v41, $0x1;
	v52 =	vmul.u32 $0xC, v43  }
0x30c: {  	v45 =	vld [tilespmem:$0x75E0];
	v55 =	vmul.u32 $0xC, v46;
	v57 =	vshll.u32 v47, $0x1;
	v0 =	vadd.s32 v0, v1  }
0x30d: {  	v58 =	vmul.u32 $0xC, v48;
	v1 =	vadd.s32 v3, v50;
	v0 =	vadd.s32 v39, v0  }
0x30e: {  	v60 =	vshll.u32 v49, $0x1;
	v59 =	vadd.s32 v55, v57;
	v1 =	vadd.s32 v42, v1;
	[tilespmem:$0x9A60] =	vst v0  }
0x30f: {  	v54 =	vshll.u32 v44, $0x1;
	v62 =	vadd.s32 v58, v60;
	v61 =	vadd.s32 v51, v59;
	[tilespmem:$0x9A70] =	vst v1  }
0x310: {  	v56 =	vadd.s32 v52, v54;
	v63 =	vadd.s32 v53, v62;
	[tilespmem:$0x9A90] =	vst v61  }
0x311: {  	v0 =	vadd.s32 v45, v56;
	[tilespmem:$0x9AA0] =	vst v63  }
0x312: {  	[tilespmem:$0x9A80] =	vst v0  }
0x313: {  	_ =	swait.ge [sflag:s11], $0x2800  }
0x314: {  	[sflag:s11] =	ssyncset.done $0x0  }
0x315: {  	[sflag:s11] =	ssyncadd.s32 $0xFFFFD800  }
0x316: {  	[tilespmem:s19], [sflag:$0x6] =	stream.indirect.gather [spmem:s1], $0x80, s18, s21, $0xb8;
	[tilespmem:$0x16460] =	vst v63  }
0x317: {  	_ =	swait.ge [sflag:s3], $0x2800  }
0x318: {  	[sflag:s3] =	ssyncset.done $0x0  }
0x319: {  	s15 =	rddreg [dreg:$0x10];
	[sflag:s3] =	ssyncadd.s32 $0xFFFFD800  }
0x31a: {  	[hbm4b:s15+s2] =	stream.linear.scatter [tilespmem:s28], [sflag:$0x9], $0x2800, $0x38;
	[tilespmem:$0x16460] =	vst v63  }
0x31b: {  	_ =	swait.ge [sflag:s5], $0x2800  }
0x31c: {  	[sflag:s5] =	ssyncset.done $0x0  }
0x31d: {  	[sflag:s5] =	ssyncadd.s32 $0xFFFFD800  }
0x31e: {  	_ =	swait.ge [sflag:s6], $0x2800  }
0x31f: {  	[sflag:s6] =	ssyncset.done $0x0  }
0x320: {  	s16 =	rddreg [dreg:$0x11];
	[sflag:s6] =	ssyncadd.s32 $0xFFFFD800  }
0x321: {  	[hbm4b:s16+s2] =	stream.linear.scatter [tilespmem:s31], [sflag:$0xA], $0x2800, $0x38;
	[tilespmem:$0x16460] =	vst v63  }
0x322: {  	_ =	swait.ge [sflag:s7], $0x2800  }
0x323: {  	[sflag:s7] =	ssyncset.done $0x0  }
0x324: {  	[sflag:s7] =	ssyncadd.s32 $0xFFFFD800  }
0x325: {  	_ =	swait.ge [sflag:s8], $0x2800  }
0x326: {  	[sflag:s8] =	ssyncset.done $0x0  }
0x327: {  	s17 =	rddreg [dreg:$0x12];
	[sflag:s8] =	ssyncadd.s32 $0xFFFFD800  }
0x328: {  	[hbm4b:s17+s2] =	stream.linear.scatter [tilespmem:s19], [sflag:$0xB], $0x2800, $0x38;
	[tilespmem:$0x16460] =	vst v63  }
0x329: {  	_ =	swait.ge [sflag:s9], $0x2800  }
0x32a: {  	[sflag:s9] =	ssyncset.done $0x0  }
0x32b: {  	[sflag:s9] =	ssyncadd.s32 $0xFFFFD800  }
0x32c: {  	_ =	swait.ge [sflag:s10], $0x2800  }
0x32d: {  	[sflag:s10] =	ssyncset.done $0x0  }
0x32e: {  	[sflag:s10] =	ssyncadd.s32 $0xFFFFD800  }
0x32f: {  	_ =	swait.ge [sflag:s11], $0x2800  }
0x330: {  	s12 =	rddreg [dreg:$0x14]  }
0x331: {  	s20 =	rddreg [dreg:$0x13];
	s12 =	sadd.s32 $0x1, s12  }
0x332: {  	p1 =	sne.s32 s12, s20  }
.Ltmp1:
0x333: {  	_ = 	snop;
	(pc) =	sbr.rel @p1 .LBB2_1-.Ltmp1, $3  }
0x334: {  	_ =	sdelay $0x1  }
0x335: {  	[sflag:s11] =	ssyncset.done $0x0  }
0x336: {  	[sflag:s11] =	ssyncadd.s32 $0xFFFFD800  }
0x337: {  	_ =	sfence.sel $0x180000  }
0x338: {  	[bflag:$0x0] =	sbarrier.arrive $0xFFFF  }
0x339: {  	_ =	strace $0x90000047  }
0x33a: {  	[bflag:$0x2] =	sbarrier.arrive $0xFFFF  }
0x33b: {  	s0 =	rddreg [dreg:$0x3]  }
0x33c: {  	s0 =	sadd.s32 @!p0 $0x100000, s0  }
0x33d: {  	[sflag:s0] =	ssyncadd.tile.s32 @!p0 $0x1;
	_ =	shalt  }
.Lfunc_end2:
_tile_overlayer_lowered:
.L_overlay_start_2:
0x33e: {  	(tag) =	ssettag $0x2  }
0x33f: {  	s0 =	rddreg [dreg:$0x0];
	s2 =	stileid.u32  }
0x340: {  	s1 =	rddreg [dreg:$0x1];
	p0 =	sne.s32 s2, $0x0  }
0x341: {  	s3 =	rddreg [dreg:$0x2];
	[bflag:$0x3] =	sbarrier.arrive $0xFFFF;
	s2 =	simm.s32 @!p0 $0x1C0C  }
0x342: {  	[timem:s3], [sflag:s2] =	dma.local @!p0 [hbm:s0], s1  }
0x343: {  	s0 =	simm.s32 @!p0 $0xC  }
0x344: {  	_ =	swait.ge @!p0 [sflag:s0], s1  }
0x345: {  	s1 =	ssub.s32 @!p0 $0x0, s1;
	[sflag:s0] =	ssyncset.done @!p0 $0x0  }
0x346: {  	[sflag:s0] =	ssyncadd.s32 @!p0 s1  }
0x347: {  	[bflag:$0x3] =	sbarrier.arrive $0xFFFF  }
0x348: {  	_ =	shalt  }

</sc_bundles>
